<compile_context>
chip_gen: v7x
topology: tpu7x:2x2x1
jax: 0.10.2.dev20260603
libtpu: 0.0.44.dev20260713+nightly
codegen_flags: <defaults>
</compile_context>

<pallas_src>
import functools
import jax
import jax.numpy as jnp
from jax import lax
from jax.experimental import pallas as pl
from jax.experimental.pallas import tpu as pltpu
from jax.experimental.pallas import tpu_sc as plsc

_NC = 2
_NS = 16
_NW = _NC * _NS
_NPAD = 10240


_DCHUNK = 400


def _deg_body(n, epw, src_hbm, dst_hbm, z_hbm, outs_hbm, outd_hbm,
              ia0, ia1, ib0, ib1, sa0, sa1, sb0, sb1,
              hist_s, hist_d):
    c = lax.axis_index("c")
    s = lax.axis_index("s")
    wid = s * _NC + c

    pltpu.sync_copy(z_hbm, hist_s)
    pltpu.sync_copy(z_hbm, hist_d)

    base = wid * epw
    nchunks = epw // _DCHUNK
    ia = (ia0, ia1)
    ib = (ib0, ib1)
    sa = (sa0, sa1)
    sb = (sb0, sb1)
    ones = jnp.full((16,), 1.0, jnp.float32)

    def load(p, ci):
        off = pl.multiple_of(base + ci * _DCHUNK, 8)
        pltpu.async_copy(src_hbm.at[pl.ds(off, _DCHUNK)], ia[p], sa[p])
        pltpu.async_copy(dst_hbm.at[pl.ds(off, _DCHUNK)], ib[p], sb[p])

    def wait_load(p):
        pltpu.make_async_copy(src_hbm.at[pl.ds(0, _DCHUNK)], ia[p], sa[p]).wait()
        pltpu.make_async_copy(dst_hbm.at[pl.ds(0, _DCHUNK)], ib[p], sb[p]).wait()

    def process(p):
        for j in range(_DCHUNK // 16):
            plsc.addupdate_scatter(hist_s, [ia[p][pl.ds(j * 16, 16)]], ones)
            plsc.addupdate_scatter(hist_d, [ib[p][pl.ds(j * 16, 16)]], ones)

    load(0, 0)

    @pl.loop(0, (nchunks - 1) // 2)
    def _(gi):
        for k in range(2):
            ci = gi * 2 + k
            wait_load(k)
            load(1 - k, ci + 1)
            process(k)

    wait_load(0)
    process(0)

    pltpu.sync_copy(hist_s, outs_hbm.at[pl.ds(wid * n, n)])
    pltpu.sync_copy(hist_d, outd_hbm.at[pl.ds(wid * n, n)])


def _degrees(src, dst, n):
    e = src.shape[0]
    epw = e // _NW
    assert epw % _DCHUNK == 0 and (epw // _DCHUNK) % 2 == 1
    z = jnp.zeros((n,), jnp.float32)
    mesh = plsc.VectorSubcoreMesh(core_axis_name="c", subcore_axis_name="s")
    f = pl.kernel(
        functools.partial(_deg_body, n, epw),
        out_type=[
            jax.ShapeDtypeStruct((_NW * n,), jnp.float32),
            jax.ShapeDtypeStruct((_NW * n,), jnp.float32),
        ],
        mesh=mesh,
        scratch_types=[
            pltpu.VMEM((_DCHUNK,), jnp.int32),
            pltpu.VMEM((_DCHUNK,), jnp.int32),
            pltpu.VMEM((_DCHUNK,), jnp.int32),
            pltpu.VMEM((_DCHUNK,), jnp.int32),
            pltpu.SemaphoreType.DMA,
            pltpu.SemaphoreType.DMA,
            pltpu.SemaphoreType.DMA,
            pltpu.SemaphoreType.DMA,
            pltpu.VMEM((n,), jnp.float32),
            pltpu.VMEM((n,), jnp.float32),
        ],
        compiler_params=pltpu.CompilerParams(needs_layout_passes=False),
    )
    outs, outd = f(src, dst, z)
    return outs.reshape(_NW, n), outd.reshape(_NW, n)


_ACHUNK = 128
_ATAIL = 16


def _agg_body(epw, x_hbm, src_hbm, dst_hbm, z_hbm, out_hbm,
              idx_s0, idx_s1, idx_s2, idx_s3, idx_d0, idx_d1, idx_d2, idx_d3,
              rows0, rows1, idx_ts, idx_td, rows_t,
              sem_g0, sem_g1, sem_s0, sem_s1,
              sem_i0, sem_i1, sem_i2, sem_i3, sem_t, acc):
    c = lax.axis_index("c")
    s = lax.axis_index("s")
    wid = s * _NC + c
    nps = _NPAD // _NS

    pltpu.sync_copy(z_hbm, acc.at[pl.ds(s * nps, nps)])
    plsc.subcore_barrier()

    base = wid * epw
    nchunks = epw // _ACHUNK
    idx_s = (idx_s0, idx_s1, idx_s2, idx_s3)
    idx_d = (idx_d0, idx_d1, idx_d2, idx_d3)
    rows = (rows0, rows1)
    sem_g = (sem_g0, sem_g1)
    sem_s = (sem_s0, sem_s1)
    sem_i = (sem_i0, sem_i1, sem_i2, sem_i3)

    def load_idx(q, ci):
        off = pl.multiple_of(base + ci * _ACHUNK, 8)
        pltpu.async_copy(src_hbm.at[pl.ds(off, _ACHUNK)], idx_s[q], sem_i[q])
        pltpu.async_copy(dst_hbm.at[pl.ds(off, _ACHUNK)], idx_d[q], sem_i[q])

    def wait_idx(q):
        pltpu.make_async_copy(src_hbm.at[pl.ds(0, _ACHUNK)], idx_s[q],
                              sem_i[q]).wait()
        pltpu.make_async_copy(dst_hbm.at[pl.ds(0, _ACHUNK)], idx_d[q],
                              sem_i[q]).wait()

    def gather(p, q):
        pltpu.async_copy(x_hbm.at[idx_s[q]], rows[p], sem_g[p])

    def wait_gather(p, q):
        pltpu.make_async_copy(x_hbm.at[idx_s[q]], rows[p], sem_g[p]).wait()

    def scatter(p, q):
        pltpu.async_copy(rows[p], acc.at[idx_d[q]], sem_s[p], add=True)

    def wait_scatter(p, q):
        pltpu.make_async_copy(rows[p], acc.at[idx_d[q]], sem_s[p]).wait()

    toff = pl.multiple_of(base + nchunks * _ACHUNK, 8)
    pltpu.sync_copy(src_hbm.at[pl.ds(toff, _ATAIL)], idx_ts)
    pltpu.sync_copy(dst_hbm.at[pl.ds(toff, _ATAIL)], idx_td)
    pltpu.async_copy(x_hbm.at[idx_ts], rows_t, sem_t).wait()
    pltpu.sync_copy(rows_t, acc.at[idx_td], add=True)

    def step(ci, k, do_load):
        p = k % 2
        q = (2 + k) % 4
        q_w = k % 4
        q_prev = (1 + k) % 4
        wait_scatter(p, q_w)
        if do_load:
            load_idx(q_w, ci + 2)
        wait_idx(q)
        gather(p, q)
        wait_gather(1 - p, q_prev)
        scatter(1 - p, q_prev)

    load_idx(0, 0)
    load_idx(1, 1)
    wait_idx(0)
    gather(0, 0)
    load_idx(2, 2)
    wait_idx(1)
    gather(1, 1)
    load_idx(3, 3)
    wait_gather(0, 0)
    scatter(0, 0)

    @pl.loop(0, (nchunks - 6) // 4)
    def _(gi):
        for k in range(4):
            step(gi * 4 + 2 + k, k, True)

    step(nchunks - 4, 0, True)
    step(nchunks - 3, 1, True)
    step(nchunks - 2, 2, False)
    step(nchunks - 1, 3, False)

    wait_gather(1, 1)
    scatter(1, 1)
    wait_scatter(0, 0)
    wait_scatter(1, 1)

    plsc.subcore_barrier()
    row0 = s * nps
    pltpu.sync_copy(acc.at[pl.ds(row0, nps)], out_hbm.at[c, pl.ds(row0, nps)])


def _aggregate(x, src, dst):
    n, d = x.shape
    e = src.shape[0]
    epw = e // _NW
    assert epw % _ACHUNK == _ATAIL and (epw // _ACHUNK) % 2 == 0
    z = jnp.zeros((_NPAD // _NS, d), jnp.float32)
    mesh = plsc.VectorSubcoreMesh(core_axis_name="c", subcore_axis_name="s")
    f = pl.kernel(
        functools.partial(_agg_body, epw),
        out_type=jax.ShapeDtypeStruct((_NC, _NPAD, d), jnp.float32),
        mesh=mesh,
        scratch_types=(
            [pltpu.VMEM((_ACHUNK,), jnp.int32)] * 8
            + [pltpu.VMEM((_ACHUNK, d), jnp.float32)] * 2
            + [pltpu.VMEM((_ATAIL,), jnp.int32)] * 2
            + [pltpu.VMEM((_ATAIL, d), jnp.float32)]
            + [pltpu.SemaphoreType.DMA] * 9
            + [pltpu.VMEM_SHARED((_NPAD, d), jnp.float32)]
        ),
    )
    return f(x, src, dst, z)


def _tc_a_body(h_ref, degs_ref, degd_ref, x1_ref, norms_ref):
    n = h_ref.shape[0]
    deg_out = jnp.sum(degs_ref[...], axis=0)[:, None]
    deg_in = jnp.sum(degd_ref[...], axis=0)[:, None]
    norm_src = jnp.where(deg_out > 0, deg_out, 1.0) ** -0.5
    norm_dst = jnp.where(deg_in > 0, deg_in, 1.0) ** -0.5
    x1_ref[...] = h_ref[...] * norm_src
    norms_ref[...] = jnp.concatenate(
        [norm_src, norm_dst, jnp.zeros((n, 6), jnp.float32)], axis=1)


def _tc_a(h, degs, degd):
    return pl.pallas_call(
        _tc_a_body,
        out_shape=[
            jax.ShapeDtypeStruct(h.shape, jnp.float32),
            jax.ShapeDtypeStruct((h.shape[0], 8), jnp.float32),
        ],
    )(h, degs, degd)


def _mm(a, b):
    return lax.dot(a, b, preferred_element_type=jnp.float32)


def _mm_t(a, b):
    return lax.dot_general(a, b, (((0,), (0,)), ((), ())),
                           preferred_element_type=jnp.float32)


def _graph_norm_relu(t, onehot, inv_cnt, gamma, beta, alpha):
    seg = _mm_t(onehot, t)
    mean = seg * inv_cnt
    sub = t - alpha * _mm(onehot, mean)
    var = _mm_t(onehot, sub * sub) * inv_cnt
    std = jnp.sqrt(_mm(onehot, var) + 1e-5)
    return jnp.maximum(gamma * sub / std + beta, 0.0)


def _onehot_and_cnt(gid, g):
    iota = lax.broadcasted_iota(jnp.int32, (1, g), 1)
    onehot = (gid == iota).astype(jnp.float32)
    cnt = jnp.sum(onehot, axis=0)
    inv_cnt = (1.0 / jnp.maximum(cnt, 1.0))[:, None]
    return onehot, inv_cnt


def _tc_b_body(g, aggp_ref, norms_ref, gid_ref, w_ref, b_ref, gamma_ref,
               beta_ref, alpha_ref, h1_ref, x2_ref):
    n = h1_ref.shape[0]
    norm_src = norms_ref[:, 0:1]
    norm_dst = norms_ref[:, 1:2]
    agg = aggp_ref[0, :n] + aggp_ref[1, :n]
    t = _mm(agg * norm_dst, w_ref[...]) + b_ref[...]
    onehot, inv_cnt = _onehot_and_cnt(gid_ref[...], g)
    h1 = _graph_norm_relu(t, onehot, inv_cnt, gamma_ref[...], beta_ref[...],
                          alpha_ref[...])
    h1_ref[...] = h1
    x2_ref[...] = h1 * norm_src


def _tc_b(aggp, norms, gid, w, b, gamma, beta, alpha, g):
    n, d = gid.shape[0], aggp.shape[2]
    return pl.pallas_call(
        functools.partial(_tc_b_body, g),
        out_shape=[
            jax.ShapeDtypeStruct((n, d), jnp.float32),
            jax.ShapeDtypeStruct((n, d), jnp.float32),
        ],
        compiler_params=pltpu.CompilerParams(
            vmem_limit_bytes=100 * 1024 * 1024),
    )(aggp, norms, gid, w, b[None, :], gamma[None, :], beta[None, :],
      alpha[None, :])


def _tc_c_body(g, aggp_ref, norms_ref, gid_ref, h1_ref, w_ref, b_ref,
               gamma_ref, beta_ref, alpha_ref, wp_ref, bp_ref, out_ref):
    n = h1_ref.shape[0]
    norm_dst = norms_ref[:, 1:2]
    agg = aggp_ref[0, :n] + aggp_ref[1, :n]
    t = _mm(agg * norm_dst, w_ref[...]) + b_ref[...]
    onehot, inv_cnt = _onehot_and_cnt(gid_ref[...], g)
    h2 = _graph_norm_relu(t, onehot, inv_cnt, gamma_ref[...], beta_ref[...],
                          alpha_ref[...]) + h1_ref[...]
    pooled = _mm_t(onehot, h2)
    out_ref[...] = _mm(pooled, wp_ref[...]) + bp_ref[...]


def _tc_c(aggp, norms, gid, h1, w, b, gamma, beta, alpha, wp, bp, g):
    d = aggp.shape[2]
    return pl.pallas_call(
        functools.partial(_tc_c_body, g),
        out_shape=jax.ShapeDtypeStruct((g, d), jnp.float32),
        compiler_params=pltpu.CompilerParams(
            vmem_limit_bytes=100 * 1024 * 1024),
    )(aggp, norms, gid, h1, w, b[None, :], gamma[None, :], beta[None, :],
      alpha[None, :], wp, bp[None, :])


def kernel(h, edge_index, graph_ids, W1, b1, gamma1, beta1, alpha1,
           W2, b2, gamma2, beta2, alpha2, Wp, bp):
    n, d = h.shape
    g = 64
    src = edge_index[0]
    dst = edge_index[1]
    gid = graph_ids[:, None]

    degs, degd = _degrees(src, dst, n)
    x1, norms = _tc_a(h, degs, degd)
    aggp1 = _aggregate(x1, src, dst)
    h1, x2 = _tc_b(aggp1, norms, gid, W1, b1, gamma1, beta1, alpha1, g)
    aggp2 = _aggregate(x2, src, dst)
    return _tc_c(aggp2, norms, gid, h1, W2, b2, gamma2, beta2, alpha2, Wp,
                 bp, g)

# --- scband reference (transcript-rebuilt; emitter-appended) ---
"""Pipeline reference for scband-gcn-28716151341434 (READ-ONLY COPY).

The authoritative reference and input builder live on the scoring server;
editing this copy changes nothing except your own understanding.
"""

import jax, jax.numpy as jnp
import numpy as np

N = 10000
E = 320000
D = 128
G = 64


def setup_inputs(seed: int = 0):
    key = jax.random.key(seed)
    ks = jax.random.split(key, 8)
    inp = {}
    inp['h'] = jax.random.normal(ks[0], (N, D), dtype=jnp.float32)
    inp['edge_index'] = jax.random.randint(ks[1], (2, E), 0, N, dtype=jnp.int32)
    inp['graph_ids'] = jnp.sort(jax.random.randint(ks[2], (N,), 0, G, dtype=jnp.int32))
    def w(k, shape):
        return jax.random.normal(k, shape, dtype=jnp.float32) * 0.05
    inp['W1'] = w(ks[3], (D, D)); inp['b1'] = jnp.zeros((D,), jnp.float32)
    inp['gamma1'] = jnp.ones((D,), jnp.float32); inp['beta1'] = jnp.zeros((D,), jnp.float32); inp['alpha1'] = jnp.ones((D,), jnp.float32)
    inp['W2'] = w(ks[4], (D, D)); inp['b2'] = jnp.zeros((D,), jnp.float32)
    inp['gamma2'] = jnp.ones((D,), jnp.float32); inp['beta2'] = jnp.zeros((D,), jnp.float32); inp['alpha2'] = jnp.ones((D,), jnp.float32)
    inp['Wp'] = w(ks[5], (D, D)); inp['bp'] = jnp.zeros((D,), jnp.float32)
    return inp


def _graph_conv(h, W, b, src, dst):
    # DGL GraphConv with norm='both': D_out^{-1/2} on src side, D_in^{-1/2} on dst side
    ones_e = jnp.ones((E,), jnp.float32)
    deg_out = jax.ops.segment_sum(ones_e, src, num_segments=N)
    deg_in = jax.ops.segment_sum(ones_e, dst, num_segments=N)
    norm_src = jnp.where(deg_out > 0, deg_out, 1.0) ** -0.5
    norm_dst = jnp.where(deg_in > 0, deg_in, 1.0) ** -0.5
    x = h * norm_src[:, None]
    m = x @ W
    agg = jax.ops.segment_sum(m[src], dst, num_segments=N)
    return agg * norm_dst[:, None] + b


def _graph_norm(h, gamma, beta, alpha, gid):
    # GraphNorm (Cai et al.): per-graph mean shift (learned alpha) + per-graph std normalization
    cnt = jax.ops.segment_sum(jnp.ones((N,), jnp.float32), gid, num_segments=G)
    cnt = jnp.maximum(cnt, 1.0)
    mean = jax.ops.segment_sum(h, gid, num_segments=G) / cnt[:, None]
    sub = h - alpha * mean[gid]
    var = jax.ops.segment_sum(sub * sub, gid, num_segments=G) / cnt[:, None]
    std = jnp.sqrt(var[gid] + 1e-5)
    return gamma * sub / std + beta


def reference(h, edge_index, graph_ids, W1, b1, gamma1, beta1, alpha1, W2, b2, gamma2, beta2, alpha2, Wp, bp):
    src = edge_index[0]
    dst = edge_index[1]
    # layer 0
    h1 = _graph_conv(h, W1, b1, src, dst)
    h1 = _graph_norm(h1, gamma1, beta1, alpha1, graph_ids)
    h1 = jax.nn.relu(h1)
    # layer 1 (residual)
    h2 = _graph_conv(h1, W2, b2, src, dst)
    h2 = _graph_norm(h2, gamma2, beta2, alpha2, graph_ids)
    h2 = jax.nn.relu(h2) + h1
    # sum pooling per graph, then prediction linear (dropout = identity in eval)
    pooled = jax.ops.segment_sum(h2, graph_ids, num_segments=G)
    return pooled @ Wp + bp

if __name__ == "__main__":
    import jax
    _d = setup_inputs()
    print(jax.jit(kernel)(*tuple(_d.values())))

</pallas_src>

<mosaic_0001>
#map = affine_map<(d0, d1) -> (0, 0)>
#map1 = affine_map<(d0, d1) -> (0)>
#map2 = affine_map<(d0, d1) -> (0, 0, 0)>
module attributes {stable_mosaic.version = 14 : i64} {
  func.func @_agg_body(%arg0: i32, %arg1: i32, %arg2: memref<10000x128xf32, #tpu.memory_space<hbm>>, %arg3: memref<320000xi32, #tpu.memory_space<hbm>>, %arg4: memref<320000xi32, #tpu.memory_space<hbm>>, %arg5: memref<640x128xf32, #tpu.memory_space<hbm>>, %arg6: memref<2x10240x128xf32, #tpu.memory_space<hbm>>, %arg7: memref<128xi32, #tpu.memory_space<vmem>>, %arg8: memref<128xi32, #tpu.memory_space<vmem>>, %arg9: memref<128xi32, #tpu.memory_space<vmem>>, %arg10: memref<128xi32, #tpu.memory_space<vmem>>, %arg11: memref<128xi32, #tpu.memory_space<vmem>>, %arg12: memref<128xi32, #tpu.memory_space<vmem>>, %arg13: memref<128xi32, #tpu.memory_space<vmem>>, %arg14: memref<128xi32, #tpu.memory_space<vmem>>, %arg15: memref<128x128xf32, #tpu.memory_space<vmem>>, %arg16: memref<128x128xf32, #tpu.memory_space<vmem>>, %arg17: memref<16xi32, #tpu.memory_space<vmem>>, %arg18: memref<16xi32, #tpu.memory_space<vmem>>, %arg19: memref<16x128xf32, #tpu.memory_space<vmem>>, %arg20: memref<!tpu.dma_semaphore, #tpu.memory_space<semaphore_mem>>, %arg21: memref<!tpu.dma_semaphore, #tpu.memory_space<semaphore_mem>>, %arg22: memref<!tpu.dma_semaphore, #tpu.memory_space<semaphore_mem>>, %arg23: memref<!tpu.dma_semaphore, #tpu.memory_space<semaphore_mem>>, %arg24: memref<!tpu.dma_semaphore, #tpu.memory_space<semaphore_mem>>, %arg25: memref<!tpu.dma_semaphore, #tpu.memory_space<semaphore_mem>>, %arg26: memref<!tpu.dma_semaphore, #tpu.memory_space<semaphore_mem>>, %arg27: memref<!tpu.dma_semaphore, #tpu.memory_space<semaphore_mem>>, %arg28: memref<!tpu.dma_semaphore, #tpu.memory_space<semaphore_mem>>, %arg29: memref<10240x128xf32, #tpu.memory_space<vmem_shared>>) attributes {dimension_semantics = [#tpu.dimension_semantics<core_parallel>, #tpu.dimension_semantics<subcore_parallel>], iteration_bounds = array<i64: 2, 16>, scalar_prefetch = 0 : i64, scratch_operands = 23 : i64, tpu.core_type = #tpu.core_type<sc_vector_subcore>, window_params = [{transform_indices = #map}, {transform_indices = #map1}, {transform_indices = #map1}, {transform_indices = #map}, {transform_indices = #map2}]} {
    %mul3A = arith.constant 2 : i32
    %mul3A_0 = arith.muli %arg1, %mul3A : i32
    %add3A = arith.addi %mul3A_0, %arg0 : i32
    %mul3A_1 = arith.constant 640 : i32
    %mul3A_2 = arith.muli %arg1, %mul3A_1 : i32
    "tpu.region"() ({
      %run_scoped3A = tpu.sem_alloc : memref<!tpu.dma_semaphore, #tpu.memory_space<semaphore_mem>>
      %dma_start3A_180 = arith.constant 0 : i32
      %dma_start3A_181 = tpu.memref_slice %arg29[%mul3A_2, %dma_start3A_180] : memref<10240x128xf32, #tpu.memory_space<vmem_shared>> -> memref<640x128xf32, #tpu.memory_space<vmem_shared>>
      tpu.enqueue_dma source(%arg5 : memref<640x128xf32, #tpu.memory_space<hbm>>) target(%dma_start3A_181 : memref<640x128xf32, #tpu.memory_space<vmem_shared>>) target_semaphore(%run_scoped3A : memref<!tpu.dma_semaphore, #tpu.memory_space<semaphore_mem>>)
      %dma_wait3A_182 = arith.constant 0 : i32
      %dma_wait3A_183 = tpu.memref_slice %arg29[%mul3A_2, %dma_wait3A_182] : memref<10240x128xf32, #tpu.memory_space<vmem_shared>> -> memref<640x128xf32, #tpu.memory_space<vmem_shared>>
      tpu.wait_dma2 semaphore(%run_scoped3A : memref<!tpu.dma_semaphore, #tpu.memory_space<semaphore_mem>>) src(%arg5 : memref<640x128xf32, #tpu.memory_space<hbm>>) dst(%dma_wait3A_183 : memref<640x128xf32, #tpu.memory_space<vmem_shared>>)
      tpu.yield
    }) : () -> ()
    %barrier3A = arith.constant 0 : index
    tpu.barrier barrier_id(%barrier3A)
    %mul3A_3 = arith.constant 10000 : i32
    %mul3A_4 = arith.muli %add3A, %mul3A_3 : i32
    %add3A_5 = arith.constant 9984 : i32
    %add3A_6 = arith.addi %mul3A_4, %add3A_5 : i32
    %multiple_of3A = tpu.assume_multiple %add3A_6, 8 : i32
    "tpu.region"() ({
      %run_scoped3A = tpu.sem_alloc : memref<!tpu.dma_semaphore, #tpu.memory_space<semaphore_mem>>
      %dma_start3A_180 = tpu.memref_slice %arg3[%multiple_of3A] : memref<320000xi32, #tpu.memory_space<hbm>> -> memref<16xi32, #tpu.memory_space<hbm>>
      %dma_start3A_181 = tpu.memref_slice %arg3[%multiple_of3A] : memref<320000xi32, #tpu.memory_space<hbm>> -> memref<16xi32, #tpu.memory_space<hbm>>
      tpu.enqueue_dma source(%dma_start3A_181 : memref<16xi32, #tpu.memory_space<hbm>>) target(%arg17 : memref<16xi32, #tpu.memory_space<vmem>>) target_semaphore(%run_scoped3A : memref<!tpu.dma_semaphore, #tpu.memory_space<semaphore_mem>>)
      %dma_wait3A_182 = tpu.memref_slice %arg3[%multiple_of3A] : memref<320000xi32, #tpu.memory_space<hbm>> -> memref<16xi32, #tpu.memory_space<hbm>>
      %dma_wait3A_183 = tpu.memref_slice %arg3[%multiple_of3A] : memref<320000xi32, #tpu.memory_space<hbm>> -> memref<16xi32, #tpu.memory_space<hbm>>
      tpu.wait_dma2 semaphore(%run_scoped3A : memref<!tpu.dma_semaphore, #tpu.memory_space<semaphore_mem>>) src(%dma_wait3A_183 : memref<16xi32, #tpu.memory_space<hbm>>) dst(%arg17 : memref<16xi32, #tpu.memory_space<vmem>>)
      tpu.yield
    }) : () -> ()
    "tpu.region"() ({
      %run_scoped3A = tpu.sem_alloc : memref<!tpu.dma_semaphore, #tpu.memory_space<semaphore_mem>>
      %dma_start3A_180 = tpu.memref_slice %arg4[%multiple_of3A] : memref<320000xi32, #tpu.memory_space<hbm>> -> memref<16xi32, #tpu.memory_space<hbm>>
      %dma_start3A_181 = tpu.memref_slice %arg4[%multiple_of3A] : memref<320000xi32, #tpu.memory_space<hbm>> -> memref<16xi32, #tpu.memory_space<hbm>>
      tpu.enqueue_dma source(%dma_start3A_181 : memref<16xi32, #tpu.memory_space<hbm>>) target(%arg18 : memref<16xi32, #tpu.memory_space<vmem>>) target_semaphore(%run_scoped3A : memref<!tpu.dma_semaphore, #tpu.memory_space<semaphore_mem>>)
      %dma_wait3A_182 = tpu.memref_slice %arg4[%multiple_of3A] : memref<320000xi32, #tpu.memory_space<hbm>> -> memref<16xi32, #tpu.memory_space<hbm>>
      %dma_wait3A_183 = tpu.memref_slice %arg4[%multiple_of3A] : memref<320000xi32, #tpu.memory_space<hbm>> -> memref<16xi32, #tpu.memory_space<hbm>>
      tpu.wait_dma2 semaphore(%run_scoped3A : memref<!tpu.dma_semaphore, #tpu.memory_space<semaphore_mem>>) src(%dma_wait3A_183 : memref<16xi32, #tpu.memory_space<hbm>>) dst(%arg18 : memref<16xi32, #tpu.memory_space<vmem>>)
      tpu.yield
    }) : () -> ()
    %dma_start3A = arith.constant 0 : i32
    %dma_start3A_7 = arith.constant 0 : i32
    %dma_start3A_8 = tpu.memref_slice %arg2[%dma_start3A, %dma_start3A_7] : memref<10000x128xf32, #tpu.memory_space<hbm>> -> memref<10000x128xf32, #tpu.memory_space<hbm>>
    tpu.enqueue_indirect_dma source(%dma_start3A_8 : memref<10000x128xf32, #tpu.memory_space<hbm>>) target(%arg19 : memref<16x128xf32, #tpu.memory_space<vmem>>) offsets(%arg17 : memref<16xi32, #tpu.memory_space<vmem>>) semaphore(%arg28 : memref<!tpu.dma_semaphore, #tpu.memory_space<semaphore_mem>>)
    %dma_wait3A = arith.constant 0 : i32
    %dma_wait3A_9 = arith.constant 0 : i32
    %dma_wait3A_10 = tpu.memref_slice %arg2[%dma_wait3A, %dma_wait3A_9] : memref<10000x128xf32, #tpu.memory_space<hbm>> -> memref<10000x128xf32, #tpu.memory_space<hbm>>
    tpu.wait_indirect_dma semaphore(%arg28 : memref<!tpu.dma_semaphore, #tpu.memory_space<semaphore_mem>>) src(%dma_wait3A_10 : memref<10000x128xf32, #tpu.memory_space<hbm>>) dst(%arg19 : memref<16x128xf32, #tpu.memory_space<vmem>>)
    "tpu.region"() ({
      %run_scoped3A = tpu.sem_alloc : memref<!tpu.dma_semaphore, #tpu.memory_space<semaphore_mem>>
      %dma_start3A_180 = arith.constant 0 : i32
      %dma_start3A_181 = arith.constant 0 : i32
      %dma_start3A_182 = tpu.memref_slice %arg29[%dma_start3A_180, %dma_start3A_181] : memref<10240x128xf32, #tpu.memory_space<vmem_shared>> -> memref<10240x128xf32, #tpu.memory_space<vmem_shared>>
      tpu.enqueue_indirect_dma source(%arg19 : memref<16x128xf32, #tpu.memory_space<vmem>>) target(%dma_start3A_182 : memref<10240x128xf32, #tpu.memory_space<vmem_shared>>) offsets(%arg18 : memref<16xi32, #tpu.memory_space<vmem>>) semaphore(%run_scoped3A : memref<!tpu.dma_semaphore, #tpu.memory_space<semaphore_mem>>) {add = true}
      %dma_wait3A_183 = arith.constant 0 : i32
      %dma_wait3A_184 = arith.constant 0 : i32
      %dma_wait3A_185 = tpu.memref_slice %arg29[%dma_wait3A_183, %dma_wait3A_184] : memref<10240x128xf32, #tpu.memory_space<vmem_shared>> -> memref<10240x128xf32, #tpu.memory_space<vmem_shared>>
      tpu.wait_indirect_dma semaphore(%run_scoped3A : memref<!tpu.dma_semaphore, #tpu.memory_space<semaphore_mem>>) src(%arg19 : memref<16x128xf32, #tpu.memory_space<vmem>>) dst(%dma_wait3A_185 : memref<10240x128xf32, #tpu.memory_space<vmem_shared>>)
      tpu.yield
    }) : () -> ()
    %add3A_11 = arith.constant 0 : i32
    %add3A_12 = arith.addi %mul3A_4, %add3A_11 : i32
    %multiple_of3A_13 = tpu.assume_multiple %add3A_12, 8 : i32
    %dma_start3A_14 = tpu.memref_slice %arg3[%multiple_of3A_13] : memref<320000xi32, #tpu.memory_space<hbm>> -> memref<128xi32, #tpu.memory_space<hbm>>
    %dma_start3A_15 = tpu.memref_slice %arg3[%multiple_of3A_13] : memref<320000xi32, #tpu.memory_space<hbm>> -> memref<128xi32, #tpu.memory_space<hbm>>
    tpu.enqueue_dma source(%dma_start3A_15 : memref<128xi32, #tpu.memory_space<hbm>>) target(%arg7 : memref<128xi32, #tpu.memory_space<vmem>>) target_semaphore(%arg24 : memref<!tpu.dma_semaphore, #tpu.memory_space<semaphore_mem>>)
    %dma_start3A_16 = tpu.memref_slice %arg4[%multiple_of3A_13] : memref<320000xi32, #tpu.memory_space<hbm>> -> memref<128xi32, #tpu.memory_space<hbm>>
    %dma_start3A_17 = tpu.memref_slice %arg4[%multiple_of3A_13] : memref<320000xi32, #tpu.memory_space<hbm>> -> memref<128xi32, #tpu.memory_space<hbm>>
    tpu.enqueue_dma source(%dma_start3A_17 : memref<128xi32, #tpu.memory_space<hbm>>) target(%arg11 : memref<128xi32, #tpu.memory_space<vmem>>) target_semaphore(%arg24 : memref<!tpu.dma_semaphore, #tpu.memory_space<semaphore_mem>>)
    %add3A_18 = arith.constant 128 : i32
    %add3A_19 = arith.addi %mul3A_4, %add3A_18 : i32
    %multiple_of3A_20 = tpu.assume_multiple %add3A_19, 8 : i32
    %dma_start3A_21 = tpu.memref_slice %arg3[%multiple_of3A_20] : memref<320000xi32, #tpu.memory_space<hbm>> -> memref<128xi32, #tpu.memory_space<hbm>>
    %dma_start3A_22 = tpu.memref_slice %arg3[%multiple_of3A_20] : memref<320000xi32, #tpu.memory_space<hbm>> -> memref<128xi32, #tpu.memory_space<hbm>>
    tpu.enqueue_dma source(%dma_start3A_22 : memref<128xi32, #tpu.memory_space<hbm>>) target(%arg8 : memref<128xi32, #tpu.memory_space<vmem>>) target_semaphore(%arg25 : memref<!tpu.dma_semaphore, #tpu.memory_space<semaphore_mem>>)
    %dma_start3A_23 = tpu.memref_slice %arg4[%multiple_of3A_20] : memref<320000xi32, #tpu.memory_space<hbm>> -> memref<128xi32, #tpu.memory_space<hbm>>
    %dma_start3A_24 = tpu.memref_slice %arg4[%multiple_of3A_20] : memref<320000xi32, #tpu.memory_space<hbm>> -> memref<128xi32, #tpu.memory_space<hbm>>
    tpu.enqueue_dma source(%dma_start3A_24 : memref<128xi32, #tpu.memory_space<hbm>>) target(%arg12 : memref<128xi32, #tpu.memory_space<vmem>>) target_semaphore(%arg25 : memref<!tpu.dma_semaphore, #tpu.memory_space<semaphore_mem>>)
    %dma_wait3A_25 = arith.constant 0 : i32
    %dma_wait3A_26 = tpu.memref_slice %arg3[%dma_wait3A_25] : memref<320000xi32, #tpu.memory_space<hbm>> -> memref<128xi32, #tpu.memory_space<hbm>>
    %dma_wait3A_27 = arith.constant 0 : i32
    %dma_wait3A_28 = tpu.memref_slice %arg3[%dma_wait3A_27] : memref<320000xi32, #tpu.memory_space<hbm>> -> memref<128xi32, #tpu.memory_space<hbm>>
    tpu.wait_dma2 semaphore(%arg24 : memref<!tpu.dma_semaphore, #tpu.memory_space<semaphore_mem>>) src(%dma_wait3A_28 : memref<128xi32, #tpu.memory_space<hbm>>) dst(%arg7 : memref<128xi32, #tpu.memory_space<vmem>>)
    %dma_wait3A_29 = arith.constant 0 : i32
    %dma_wait3A_30 = tpu.memref_slice %arg4[%dma_wait3A_29] : memref<320000xi32, #tpu.memory_space<hbm>> -> memref<128xi32, #tpu.memory_space<hbm>>
    %dma_wait3A_31 = arith.constant 0 : i32
    %dma_wait3A_32 = tpu.memref_slice %arg4[%dma_wait3A_31] : memref<320000xi32, #tpu.memory_space<hbm>> -> memref<128xi32, #tpu.memory_space<hbm>>
    tpu.wait_dma2 semaphore(%arg24 : memref<!tpu.dma_semaphore, #tpu.memory_space<semaphore_mem>>) src(%dma_wait3A_32 : memref<128xi32, #tpu.memory_space<hbm>>) dst(%arg11 : memref<128xi32, #tpu.memory_space<vmem>>)
    %dma_start3A_33 = arith.constant 0 : i32
    %dma_start3A_34 = arith.constant 0 : i32
    %dma_start3A_35 = tpu.memref_slice %arg2[%dma_start3A_33, %dma_start3A_34] : memref<10000x128xf32, #tpu.memory_space<hbm>> -> memref<10000x128xf32, #tpu.memory_space<hbm>>
    tpu.enqueue_indirect_dma source(%dma_start3A_35 : memref<10000x128xf32, #tpu.memory_space<hbm>>) target(%arg15 : memref<128x128xf32, #tpu.memory_space<vmem>>) offsets(%arg7 : memref<128xi32, #tpu.memory_space<vmem>>) semaphore(%arg20 : memref<!tpu.dma_semaphore, #tpu.memory_space<semaphore_mem>>)
    %add3A_36 = arith.constant 256 : i32
    %add3A_37 = arith.addi %mul3A_4, %add3A_36 : i32
    %multiple_of3A_38 = tpu.assume_multiple %add3A_37, 8 : i32
    %dma_start3A_39 = tpu.memref_slice %arg3[%multiple_of3A_38] : memref<320000xi32, #tpu.memory_space<hbm>> -> memref<128xi32, #tpu.memory_space<hbm>>
    %dma_start3A_40 = tpu.memref_slice %arg3[%multiple_of3A_38] : memref<320000xi32, #tpu.memory_space<hbm>> -> memref<128xi32, #tpu.memory_space<hbm>>
    tpu.enqueue_dma source(%dma_start3A_40 : memref<128xi32, #tpu.memory_space<hbm>>) target(%arg9 : memref<128xi32, #tpu.memory_space<vmem>>) target_semaphore(%arg26 : memref<!tpu.dma_semaphore, #tpu.memory_space<semaphore_mem>>)
    %dma_start3A_41 = tpu.memref_slice %arg4[%multiple_of3A_38] : memref<320000xi32, #tpu.memory_space<hbm>> -> memref<128xi32, #tpu.memory_space<hbm>>
    %dma_start3A_42 = tpu.memref_slice %arg4[%multiple_of3A_38] : memref<320000xi32, #tpu.memory_space<hbm>> -> memref<128xi32, #tpu.memory_space<hbm>>
    tpu.enqueue_dma source(%dma_start3A_42 : memref<128xi32, #tpu.memory_space<hbm>>) target(%arg13 : memref<128xi32, #tpu.memory_space<vmem>>) target_semaphore(%arg26 : memref<!tpu.dma_semaphore, #tpu.memory_space<semaphore_mem>>)
    %dma_wait3A_43 = arith.constant 0 : i32
    %dma_wait3A_44 = tpu.memref_slice %arg3[%dma_wait3A_43] : memref<320000xi32, #tpu.memory_space<hbm>> -> memref<128xi32, #tpu.memory_space<hbm>>
    %dma_wait3A_45 = arith.constant 0 : i32
    %dma_wait3A_46 = tpu.memref_slice %arg3[%dma_wait3A_45] : memref<320000xi32, #tpu.memory_space<hbm>> -> memref<128xi32, #tpu.memory_space<hbm>>
    tpu.wait_dma2 semaphore(%arg25 : memref<!tpu.dma_semaphore, #tpu.memory_space<semaphore_mem>>) src(%dma_wait3A_46 : memref<128xi32, #tpu.memory_space<hbm>>) dst(%arg8 : memref<128xi32, #tpu.memory_space<vmem>>)
    %dma_wait3A_47 = arith.constant 0 : i32
    %dma_wait3A_48 = tpu.memref_slice %arg4[%dma_wait3A_47] : memref<320000xi32, #tpu.memory_space<hbm>> -> memref<128xi32, #tpu.memory_space<hbm>>
    %dma_wait3A_49 = arith.constant 0 : i32
    %dma_wait3A_50 = tpu.memref_slice %arg4[%dma_wait3A_49] : memref<320000xi32, #tpu.memory_space<hbm>> -> memref<128xi32, #tpu.memory_space<hbm>>
    tpu.wait_dma2 semaphore(%arg25 : memref<!tpu.dma_semaphore, #tpu.memory_space<semaphore_mem>>) src(%dma_wait3A_50 : memref<128xi32, #tpu.memory_space<hbm>>) dst(%arg12 : memref<128xi32, #tpu.memory_space<vmem>>)
    %dma_start3A_51 = arith.constant 0 : i32
    %dma_start3A_52 = arith.constant 0 : i32
    %dma_start3A_53 = tpu.memref_slice %arg2[%dma_start3A_51, %dma_start3A_52] : memref<10000x128xf32, #tpu.memory_space<hbm>> -> memref<10000x128xf32, #tpu.memory_space<hbm>>
    tpu.enqueue_indirect_dma source(%dma_start3A_53 : memref<10000x128xf32, #tpu.memory_space<hbm>>) target(%arg16 : memref<128x128xf32, #tpu.memory_space<vmem>>) offsets(%arg8 : memref<128xi32, #tpu.memory_space<vmem>>) semaphore(%arg21 : memref<!tpu.dma_semaphore, #tpu.memory_space<semaphore_mem>>)
    %add3A_54 = arith.constant 384 : i32
    %add3A_55 = arith.addi %mul3A_4, %add3A_54 : i32
    %multiple_of3A_56 = tpu.assume_multiple %add3A_55, 8 : i32
    %dma_start3A_57 = tpu.memref_slice %arg3[%multiple_of3A_56] : memref<320000xi32, #tpu.memory_space<hbm>> -> memref<128xi32, #tpu.memory_space<hbm>>
    %dma_start3A_58 = tpu.memref_slice %arg3[%multiple_of3A_56] : memref<320000xi32, #tpu.memory_space<hbm>> -> memref<128xi32, #tpu.memory_space<hbm>>
    tpu.enqueue_dma source(%dma_start3A_58 : memref<128xi32, #tpu.memory_space<hbm>>) target(%arg10 : memref<128xi32, #tpu.memory_space<vmem>>) target_semaphore(%arg27 : memref<!tpu.dma_semaphore, #tpu.memory_space<semaphore_mem>>)
    %dma_start3A_59 = tpu.memref_slice %arg4[%multiple_of3A_56] : memref<320000xi32, #tpu.memory_space<hbm>> -> memref<128xi32, #tpu.memory_space<hbm>>
    %dma_start3A_60 = tpu.memref_slice %arg4[%multiple_of3A_56] : memref<320000xi32, #tpu.memory_space<hbm>> -> memref<128xi32, #tpu.memory_space<hbm>>
    tpu.enqueue_dma source(%dma_start3A_60 : memref<128xi32, #tpu.memory_space<hbm>>) target(%arg14 : memref<128xi32, #tpu.memory_space<vmem>>) target_semaphore(%arg27 : memref<!tpu.dma_semaphore, #tpu.memory_space<semaphore_mem>>)
    %dma_wait3A_61 = arith.constant 0 : i32
    %dma_wait3A_62 = arith.constant 0 : i32
    %dma_wait3A_63 = tpu.memref_slice %arg2[%dma_wait3A_61, %dma_wait3A_62] : memref<10000x128xf32, #tpu.memory_space<hbm>> -> memref<10000x128xf32, #tpu.memory_space<hbm>>
    tpu.wait_indirect_dma semaphore(%arg20 : memref<!tpu.dma_semaphore, #tpu.memory_space<semaphore_mem>>) src(%dma_wait3A_63 : memref<10000x128xf32, #tpu.memory_space<hbm>>) dst(%arg15 : memref<128x128xf32, #tpu.memory_space<vmem>>)
    %dma_start3A_64 = arith.constant 0 : i32
    %dma_start3A_65 = arith.constant 0 : i32
    %dma_start3A_66 = tpu.memref_slice %arg29[%dma_start3A_64, %dma_start3A_65] : memref<10240x128xf32, #tpu.memory_space<vmem_shared>> -> memref<10240x128xf32, #tpu.memory_space<vmem_shared>>
    tpu.enqueue_indirect_dma source(%arg15 : memref<128x128xf32, #tpu.memory_space<vmem>>) target(%dma_start3A_66 : memref<10240x128xf32, #tpu.memory_space<vmem_shared>>) offsets(%arg11 : memref<128xi32, #tpu.memory_space<vmem>>) semaphore(%arg22 : memref<!tpu.dma_semaphore, #tpu.memory_space<semaphore_mem>>) {add = true}
    %scan3A = arith.constant 0 : i32
    %scan3A_67 = arith.constant 18 : i32
    %scan3A_68 = arith.addi %scan3A, %scan3A_67 : i32
    %scan3A_69 = arith.constant 1 : i32
    scf.for %scan3A_180 = %scan3A to %scan3A_68 step %scan3A_69  : i32 {
      %mul3A_181 = arith.constant 1 : i32
      %mul3A_182 = arith.muli %scan3A_180, %mul3A_181 : i32
      %add3A_183 = arith.constant 0 : i32
      %add3A_184 = arith.addi %add3A_183, %mul3A_182 : i32
      %mul3A_185 = arith.constant 4 : i32
      %mul3A_186 = arith.muli %add3A_184, %mul3A_185 : i32
      %add3A_187 = arith.constant 2 : i32
      %add3A_188 = arith.addi %mul3A_186, %add3A_187 : i32
      %add3A_189 = arith.constant 0 : i32
      %add3A_190 = arith.addi %add3A_188, %add3A_189 : i32
      %dma_wait3A_191 = arith.constant 0 : i32
      %dma_wait3A_192 = arith.constant 0 : i32
      %dma_wait3A_193 = tpu.memref_slice %arg29[%dma_wait3A_191, %dma_wait3A_192] : memref<10240x128xf32, #tpu.memory_space<vmem_shared>> -> memref<10240x128xf32, #tpu.memory_space<vmem_shared>>
      tpu.wait_indirect_dma semaphore(%arg22 : memref<!tpu.dma_semaphore, #tpu.memory_space<semaphore_mem>>) src(%arg15 : memref<128x128xf32, #tpu.memory_space<vmem>>) dst(%dma_wait3A_193 : memref<10240x128xf32, #tpu.memory_space<vmem_shared>>)
      %add3A_194 = arith.constant 2 : i32
      %add3A_195 = arith.addi %add3A_190, %add3A_194 : i32
      %mul3A_196 = arith.constant 128 : i32
      %mul3A_197 = arith.muli %add3A_195, %mul3A_196 : i32
      %add3A_198 = arith.addi %mul3A_4, %mul3A_197 : i32
      %multiple_of3A_199 = tpu.assume_multiple %add3A_198, 8 : i32
      %dma_start3A_200 = tpu.memref_slice %arg3[%multiple_of3A_199] : memref<320000xi32, #tpu.memory_space<hbm>> -> memref<128xi32, #tpu.memory_space<hbm>>
      %dma_start3A_201 = tpu.memref_slice %arg3[%multiple_of3A_199] : memref<320000xi32, #tpu.memory_space<hbm>> -> memref<128xi32, #tpu.memory_space<hbm>>
      tpu.enqueue_dma source(%dma_start3A_201 : memref<128xi32, #tpu.memory_space<hbm>>) target(%arg7 : memref<128xi32, #tpu.memory_space<vmem>>) target_semaphore(%arg24 : memref<!tpu.dma_semaphore, #tpu.memory_space<semaphore_mem>>)
      %dma_start3A_202 = tpu.memref_slice %arg4[%multiple_of3A_199] : memref<320000xi32, #tpu.memory_space<hbm>> -> memref<128xi32, #tpu.memory_space<hbm>>
      %dma_start3A_203 = tpu.memref_slice %arg4[%multiple_of3A_199] : memref<320000xi32, #tpu.memory_space<hbm>> -> memref<128xi32, #tpu.memory_space<hbm>>
      tpu.enqueue_dma source(%dma_start3A_203 : memref<128xi32, #tpu.memory_space<hbm>>) target(%arg11 : memref<128xi32, #tpu.memory_space<vmem>>) target_semaphore(%arg24 : memref<!tpu.dma_semaphore, #tpu.memory_space<semaphore_mem>>)
      %dma_wait3A_204 = arith.constant 0 : i32
      %dma_wait3A_205 = tpu.memref_slice %arg3[%dma_wait3A_204] : memref<320000xi32, #tpu.memory_space<hbm>> -> memref<128xi32, #tpu.memory_space<hbm>>
      %dma_wait3A_206 = arith.constant 0 : i32
      %dma_wait3A_207 = tpu.memref_slice %arg3[%dma_wait3A_206] : memref<320000xi32, #tpu.memory_space<hbm>> -> memref<128xi32, #tpu.memory_space<hbm>>
      tpu.wait_dma2 semaphore(%arg26 : memref<!tpu.dma_semaphore, #tpu.memory_space<semaphore_mem>>) src(%dma_wait3A_207 : memref<128xi32, #tpu.memory_space<hbm>>) dst(%arg9 : memref<128xi32, #tpu.memory_space<vmem>>)
      %dma_wait3A_208 = arith.constant 0 : i32
      %dma_wait3A_209 = tpu.memref_slice %arg4[%dma_wait3A_208] : memref<320000xi32, #tpu.memory_space<hbm>> -> memref<128xi32, #tpu.memory_space<hbm>>
      %dma_wait3A_210 = arith.constant 0 : i32
      %dma_wait3A_211 = tpu.memref_slice %arg4[%dma_wait3A_210] : memref<320000xi32, #tpu.memory_space<hbm>> -> memref<128xi32, #tpu.memory_space<hbm>>
      tpu.wait_dma2 semaphore(%arg26 : memref<!tpu.dma_semaphore, #tpu.memory_space<semaphore_mem>>) src(%dma_wait3A_211 : memref<128xi32, #tpu.memory_space<hbm>>) dst(%arg13 : memref<128xi32, #tpu.memory_space<vmem>>)
      %dma_start3A_212 = arith.constant 0 : i32
      %dma_start3A_213 = arith.constant 0 : i32
      %dma_start3A_214 = tpu.memref_slice %arg2[%dma_start3A_212, %dma_start3A_213] : memref<10000x128xf32, #tpu.memory_space<hbm>> -> memref<10000x128xf32, #tpu.memory_space<hbm>>
      tpu.enqueue_indirect_dma source(%dma_start3A_214 : memref<10000x128xf32, #tpu.memory_space<hbm>>) target(%arg15 : memref<128x128xf32, #tpu.memory_space<vmem>>) offsets(%arg9 : memref<128xi32, #tpu.memory_space<vmem>>) semaphore(%arg20 : memref<!tpu.dma_semaphore, #tpu.memory_space<semaphore_mem>>)
      %dma_wait3A_215 = arith.constant 0 : i32
      %dma_wait3A_216 = arith.constant 0 : i32
      %dma_wait3A_217 = tpu.memref_slice %arg2[%dma_wait3A_215, %dma_wait3A_216] : memref<10000x128xf32, #tpu.memory_space<hbm>> -> memref<10000x128xf32, #tpu.memory_space<hbm>>
      tpu.wait_indirect_dma semaphore(%arg21 : memref<!tpu.dma_semaphore, #tpu.memory_space<semaphore_mem>>) src(%dma_wait3A_217 : memref<10000x128xf32, #tpu.memory_space<hbm>>) dst(%arg16 : memref<128x128xf32, #tpu.memory_space<vmem>>)
      %dma_start3A_218 = arith.constant 0 : i32
      %dma_start3A_219 = arith.constant 0 : i32
      %dma_start3A_220 = tpu.memref_slice %arg29[%dma_start3A_218, %dma_start3A_219] : memref<10240x128xf32, #tpu.memory_space<vmem_shared>> -> memref<10240x128xf32, #tpu.memory_space<vmem_shared>>
      tpu.enqueue_indirect_dma source(%arg16 : memref<128x128xf32, #tpu.memory_space<vmem>>) target(%dma_start3A_220 : memref<10240x128xf32, #tpu.memory_space<vmem_shared>>) offsets(%arg12 : memref<128xi32, #tpu.memory_space<vmem>>) semaphore(%arg23 : memref<!tpu.dma_semaphore, #tpu.memory_space<semaphore_mem>>) {add = true}
      %mul3A_221 = arith.constant 4 : i32
      %mul3A_222 = arith.muli %add3A_184, %mul3A_221 : i32
      %add3A_223 = arith.constant 2 : i32
      %add3A_224 = arith.addi %mul3A_222, %add3A_223 : i32
      %add3A_225 = arith.constant 1 : i32
      %add3A_226 = arith.addi %add3A_224, %add3A_225 : i32
      %dma_wait3A_227 = arith.constant 0 : i32
      %dma_wait3A_228 = arith.constant 0 : i32
      %dma_wait3A_229 = tpu.memref_slice %arg29[%dma_wait3A_227, %dma_wait3A_228] : memref<10240x128xf32, #tpu.memory_space<vmem_shared>> -> memref<10240x128xf32, #tpu.memory_space<vmem_shared>>
      tpu.wait_indirect_dma semaphore(%arg23 : memref<!tpu.dma_semaphore, #tpu.memory_space<semaphore_mem>>) src(%arg16 : memref<128x128xf32, #tpu.memory_space<vmem>>) dst(%dma_wait3A_229 : memref<10240x128xf32, #tpu.memory_space<vmem_shared>>)
      %add3A_230 = arith.constant 2 : i32
      %add3A_231 = arith.addi %add3A_226, %add3A_230 : i32
      %mul3A_232 = arith.constant 128 : i32
      %mul3A_233 = arith.muli %add3A_231, %mul3A_232 : i32
      %add3A_234 = arith.addi %mul3A_4, %mul3A_233 : i32
      %multiple_of3A_235 = tpu.assume_multiple %add3A_234, 8 : i32
      %dma_start3A_236 = tpu.memref_slice %arg3[%multiple_of3A_235] : memref<320000xi32, #tpu.memory_space<hbm>> -> memref<128xi32, #tpu.memory_space<hbm>>
      %dma_start3A_237 = tpu.memref_slice %arg3[%multiple_of3A_235] : memref<320000xi32, #tpu.memory_space<hbm>> -> memref<128xi32, #tpu.memory_space<hbm>>
      tpu.enqueue_dma source(%dma_start3A_237 : memref<128xi32, #tpu.memory_space<hbm>>) target(%arg8 : memref<128xi32, #tpu.memory_space<vmem>>) target_semaphore(%arg25 : memref<!tpu.dma_semaphore, #tpu.memory_space<semaphore_mem>>)
      %dma_start3A_238 = tpu.memref_slice %arg4[%multiple_of3A_235] : memref<320000xi32, #tpu.memory_space<hbm>> -> memref<128xi32, #tpu.memory_space<hbm>>
      %dma_start3A_239 = tpu.memref_slice %arg4[%multiple_of3A_235] : memref<320000xi32, #tpu.memory_space<hbm>> -> memref<128xi32, #tpu.memory_space<hbm>>
      tpu.enqueue_dma source(%dma_start3A_239 : memref<128xi32, #tpu.memory_space<hbm>>) target(%arg12 : memref<128xi32, #tpu.memory_space<vmem>>) target_semaphore(%arg25 : memref<!tpu.dma_semaphore, #tpu.memory_space<semaphore_mem>>)
      %dma_wait3A_240 = arith.constant 0 : i32
      %dma_wait3A_241 = tpu.memref_slice %arg3[%dma_wait3A_240] : memref<320000xi32, #tpu.memory_space<hbm>> -> memref<128xi32, #tpu.memory_space<hbm>>
      %dma_wait3A_242 = arith.constant 0 : i32
      %dma_wait3A_243 = tpu.memref_slice %arg3[%dma_wait3A_242] : memref<320000xi32, #tpu.memory_space<hbm>> -> memref<128xi32, #tpu.memory_space<hbm>>
      tpu.wait_dma2 semaphore(%arg27 : memref<!tpu.dma_semaphore, #tpu.memory_space<semaphore_mem>>) src(%dma_wait3A_243 : memref<128xi32, #tpu.memory_space<hbm>>) dst(%arg10 : memref<128xi32, #tpu.memory_space<vmem>>)
      %dma_wait3A_244 = arith.constant 0 : i32
      %dma_wait3A_245 = tpu.memref_slice %arg4[%dma_wait3A_244] : memref<320000xi32, #tpu.memory_space<hbm>> -> memref<128xi32, #tpu.memory_space<hbm>>
      %dma_wait3A_246 = arith.constant 0 : i32
      %dma_wait3A_247 = tpu.memref_slice %arg4[%dma_wait3A_246] : memref<320000xi32, #tpu.memory_space<hbm>> -> memref<128xi32, #tpu.memory_space<hbm>>
      tpu.wait_dma2 semaphore(%arg27 : memref<!tpu.dma_semaphore, #tpu.memory_space<semaphore_mem>>) src(%dma_wait3A_247 : memref<128xi32, #tpu.memory_space<hbm>>) dst(%arg14 : memref<128xi32, #tpu.memory_space<vmem>>)
      %dma_start3A_248 = arith.constant 0 : i32
      %dma_start3A_249 = arith.constant 0 : i32
      %dma_start3A_250 = tpu.memref_slice %arg2[%dma_start3A_248, %dma_start3A_249] : memref<10000x128xf32, #tpu.memory_space<hbm>> -> memref<10000x128xf32, #tpu.memory_space<hbm>>
      tpu.enqueue_indirect_dma source(%dma_start3A_250 : memref<10000x128xf32, #tpu.memory_space<hbm>>) target(%arg16 : memref<128x128xf32, #tpu.memory_space<vmem>>) offsets(%arg10 : memref<128xi32, #tpu.memory_space<vmem>>) semaphore(%arg21 : memref<!tpu.dma_semaphore, #tpu.memory_space<semaphore_mem>>)
      %dma_wait3A_251 = arith.constant 0 : i32
      %dma_wait3A_252 = arith.constant 0 : i32
      %dma_wait3A_253 = tpu.memref_slice %arg2[%dma_wait3A_251, %dma_wait3A_252] : memref<10000x128xf32, #tpu.memory_space<hbm>> -> memref<10000x128xf32, #tpu.memory_space<hbm>>
      tpu.wait_indirect_dma semaphore(%arg20 : memref<!tpu.dma_semaphore, #tpu.memory_space<semaphore_mem>>) src(%dma_wait3A_253 : memref<10000x128xf32, #tpu.memory_space<hbm>>) dst(%arg15 : memref<128x128xf32, #tpu.memory_space<vmem>>)
      %dma_start3A_254 = arith.constant 0 : i32
      %dma_start3A_255 = arith.constant 0 : i32
      %dma_start3A_256 = tpu.memref_slice %arg29[%dma_start3A_254, %dma_start3A_255] : memref<10240x128xf32, #tpu.memory_space<vmem_shared>> -> memref<10240x128xf32, #tpu.memory_space<vmem_shared>>
      tpu.enqueue_indirect_dma source(%arg15 : memref<128x128xf32, #tpu.memory_space<vmem>>) target(%dma_start3A_256 : memref<10240x128xf32, #tpu.memory_space<vmem_shared>>) offsets(%arg13 : memref<128xi32, #tpu.memory_space<vmem>>) semaphore(%arg22 : memref<!tpu.dma_semaphore, #tpu.memory_space<semaphore_mem>>) {add = true}
      %mul3A_257 = arith.constant 4 : i32
      %mul3A_258 = arith.muli %add3A_184, %mul3A_257 : i32
      %add3A_259 = arith.constant 2 : i32
      %add3A_260 = arith.addi %mul3A_258, %add3A_259 : i32
      %add3A_261 = arith.constant 2 : i32
      %add3A_262 = arith.addi %add3A_260, %add3A_261 : i32
      %dma_wait3A_263 = arith.constant 0 : i32
      %dma_wait3A_264 = arith.constant 0 : i32
      %dma_wait3A_265 = tpu.memref_slice %arg29[%dma_wait3A_263, %dma_wait3A_264] : memref<10240x128xf32, #tpu.memory_space<vmem_shared>> -> memref<10240x128xf32, #tpu.memory_space<vmem_shared>>
      tpu.wait_indirect_dma semaphore(%arg22 : memref<!tpu.dma_semaphore, #tpu.memory_space<semaphore_mem>>) src(%arg15 : memref<128x128xf32, #tpu.memory_space<vmem>>) dst(%dma_wait3A_265 : memref<10240x128xf32, #tpu.memory_space<vmem_shared>>)
      %add3A_266 = arith.constant 2 : i32
      %add3A_267 = arith.addi %add3A_262, %add3A_266 : i32
      %mul3A_268 = arith.constant 128 : i32
      %mul3A_269 = arith.muli %add3A_267, %mul3A_268 : i32
      %add3A_270 = arith.addi %mul3A_4, %mul3A_269 : i32
      %multiple_of3A_271 = tpu.assume_multiple %add3A_270, 8 : i32
      %dma_start3A_272 = tpu.memref_slice %arg3[%multiple_of3A_271] : memref<320000xi32, #tpu.memory_space<hbm>> -> memref<128xi32, #tpu.memory_space<hbm>>
      %dma_start3A_273 = tpu.memref_slice %arg3[%multiple_of3A_271] : memref<320000xi32, #tpu.memory_space<hbm>> -> memref<128xi32, #tpu.memory_space<hbm>>
      tpu.enqueue_dma source(%dma_start3A_273 : memref<128xi32, #tpu.memory_space<hbm>>) target(%arg9 : memref<128xi32, #tpu.memory_space<vmem>>) target_semaphore(%arg26 : memref<!tpu.dma_semaphore, #tpu.memory_space<semaphore_mem>>)
      %dma_start3A_274 = tpu.memref_slice %arg4[%multiple_of3A_271] : memref<320000xi32, #tpu.memory_space<hbm>> -> memref<128xi32, #tpu.memory_space<hbm>>
      %dma_start3A_275 = tpu.memref_slice %arg4[%multiple_of3A_271] : memref<320000xi32, #tpu.memory_space<hbm>> -> memref<128xi32, #tpu.memory_space<hbm>>
      tpu.enqueue_dma source(%dma_start3A_275 : memref<128xi32, #tpu.memory_space<hbm>>) target(%arg13 : memref<128xi32, #tpu.memory_space<vmem>>) target_semaphore(%arg26 : memref<!tpu.dma_semaphore, #tpu.memory_space<semaphore_mem>>)
      %dma_wait3A_276 = arith.constant 0 : i32
      %dma_wait3A_277 = tpu.memref_slice %arg3[%dma_wait3A_276] : memref<320000xi32, #tpu.memory_space<hbm>> -> memref<128xi32, #tpu.memory_space<hbm>>
      %dma_wait3A_278 = arith.constant 0 : i32
      %dma_wait3A_279 = tpu.memref_slice %arg3[%dma_wait3A_278] : memref<320000xi32, #tpu.memory_space<hbm>> -> memref<128xi32, #tpu.memory_space<hbm>>
      tpu.wait_dma2 semaphore(%arg24 : memref<!tpu.dma_semaphore, #tpu.memory_space<semaphore_mem>>) src(%dma_wait3A_279 : memref<128xi32, #tpu.memory_space<hbm>>) dst(%arg7 : memref<128xi32, #tpu.memory_space<vmem>>)
      %dma_wait3A_280 = arith.constant 0 : i32
      %dma_wait3A_281 = tpu.memref_slice %arg4[%dma_wait3A_280] : memref<320000xi32, #tpu.memory_space<hbm>> -> memref<128xi32, #tpu.memory_space<hbm>>
      %dma_wait3A_282 = arith.constant 0 : i32
      %dma_wait3A_283 = tpu.memref_slice %arg4[%dma_wait3A_282] : memref<320000xi32, #tpu.memory_space<hbm>> -> memref<128xi32, #tpu.memory_space<hbm>>
      tpu.wait_dma2 semaphore(%arg24 : memref<!tpu.dma_semaphore, #tpu.memory_space<semaphore_mem>>) src(%dma_wait3A_283 : memref<128xi32, #tpu.memory_space<hbm>>) dst(%arg11 : memref<128xi32, #tpu.memory_space<vmem>>)
      %dma_start3A_284 = arith.constant 0 : i32
      %dma_start3A_285 = arith.constant 0 : i32
      %dma_start3A_286 = tpu.memref_slice %arg2[%dma_start3A_284, %dma_start3A_285] : memref<10000x128xf32, #tpu.memory_space<hbm>> -> memref<10000x128xf32, #tpu.memory_space<hbm>>
      tpu.enqueue_indirect_dma source(%dma_start3A_286 : memref<10000x128xf32, #tpu.memory_space<hbm>>) target(%arg15 : memref<128x128xf32, #tpu.memory_space<vmem>>) offsets(%arg7 : memref<128xi32, #tpu.memory_space<vmem>>) semaphore(%arg20 : memref<!tpu.dma_semaphore, #tpu.memory_space<semaphore_mem>>)
      %dma_wait3A_287 = arith.constant 0 : i32
      %dma_wait3A_288 = arith.constant 0 : i32
      %dma_wait3A_289 = tpu.memref_slice %arg2[%dma_wait3A_287, %dma_wait3A_288] : memref<10000x128xf32, #tpu.memory_space<hbm>> -> memref<10000x128xf32, #tpu.memory_space<hbm>>
      tpu.wait_indirect_dma semaphore(%arg21 : memref<!tpu.dma_semaphore, #tpu.memory_space<semaphore_mem>>) src(%dma_wait3A_289 : memref<10000x128xf32, #tpu.memory_space<hbm>>) dst(%arg16 : memref<128x128xf32, #tpu.memory_space<vmem>>)
      %dma_start3A_290 = arith.constant 0 : i32
      %dma_start3A_291 = arith.constant 0 : i32
      %dma_start3A_292 = tpu.memref_slice %arg29[%dma_start3A_290, %dma_start3A_291] : memref<10240x128xf32, #tpu.memory_space<vmem_shared>> -> memref<10240x128xf32, #tpu.memory_space<vmem_shared>>
      tpu.enqueue_indirect_dma source(%arg16 : memref<128x128xf32, #tpu.memory_space<vmem>>) target(%dma_start3A_292 : memref<10240x128xf32, #tpu.memory_space<vmem_shared>>) offsets(%arg14 : memref<128xi32, #tpu.memory_space<vmem>>) semaphore(%arg23 : memref<!tpu.dma_semaphore, #tpu.memory_space<semaphore_mem>>) {add = true}
      %mul3A_293 = arith.constant 4 : i32
      %mul3A_294 = arith.muli %add3A_184, %mul3A_293 : i32
      %add3A_295 = arith.constant 2 : i32
      %add3A_296 = arith.addi %mul3A_294, %add3A_295 : i32
      %add3A_297 = arith.constant 3 : i32
      %add3A_298 = arith.addi %add3A_296, %add3A_297 : i32
      %dma_wait3A_299 = arith.constant 0 : i32
      %dma_wait3A_300 = arith.constant 0 : i32
      %dma_wait3A_301 = tpu.memref_slice %arg29[%dma_wait3A_299, %dma_wait3A_300] : memref<10240x128xf32, #tpu.memory_space<vmem_shared>> -> memref<10240x128xf32, #tpu.memory_space<vmem_shared>>
      tpu.wait_indirect_dma semaphore(%arg23 : memref<!tpu.dma_semaphore, #tpu.memory_space<semaphore_mem>>) src(%arg16 : memref<128x128xf32, #tpu.memory_space<vmem>>) dst(%dma_wait3A_301 : memref<10240x128xf32, #tpu.memory_space<vmem_shared>>)
      %add3A_302 = arith.constant 2 : i32
      %add3A_303 = arith.addi %add3A_298, %add3A_302 : i32
      %mul3A_304 = arith.constant 128 : i32
      %mul3A_305 = arith.muli %add3A_303, %mul3A_304 : i32
      %add3A_306 = arith.addi %mul3A_4, %mul3A_305 : i32
      %multiple_of3A_307 = tpu.assume_multiple %add3A_306, 8 : i32
      %dma_start3A_308 = tpu.memref_slice %arg3[%multiple_of3A_307] : memref<320000xi32, #tpu.memory_space<hbm>> -> memref<128xi32, #tpu.memory_space<hbm>>
      %dma_start3A_309 = tpu.memref_slice %arg3[%multiple_of3A_307] : memref<320000xi32, #tpu.memory_space<hbm>> -> memref<128xi32, #tpu.memory_space<hbm>>
      tpu.enqueue_dma source(%dma_start3A_309 : memref<128xi32, #tpu.memory_space<hbm>>) target(%arg10 : memref<128xi32, #tpu.memory_space<vmem>>) target_semaphore(%arg27 : memref<!tpu.dma_semaphore, #tpu.memory_space<semaphore_mem>>)
      %dma_start3A_310 = tpu.memref_slice %arg4[%multiple_of3A_307] : memref<320000xi32, #tpu.memory_space<hbm>> -> memref<128xi32, #tpu.memory_space<hbm>>
      %dma_start3A_311 = tpu.memref_slice %arg4[%multiple_of3A_307] : memref<320000xi32, #tpu.memory_space<hbm>> -> memref<128xi32, #tpu.memory_space<hbm>>
      tpu.enqueue_dma source(%dma_start3A_311 : memref<128xi32, #tpu.memory_space<hbm>>) target(%arg14 : memref<128xi32, #tpu.memory_space<vmem>>) target_semaphore(%arg27 : memref<!tpu.dma_semaphore, #tpu.memory_space<semaphore_mem>>)
      %dma_wait3A_312 = arith.constant 0 : i32
      %dma_wait3A_313 = tpu.memref_slice %arg3[%dma_wait3A_312] : memref<320000xi32, #tpu.memory_space<hbm>> -> memref<128xi32, #tpu.memory_space<hbm>>
      %dma_wait3A_314 = arith.constant 0 : i32
      %dma_wait3A_315 = tpu.memref_slice %arg3[%dma_wait3A_314] : memref<320000xi32, #tpu.memory_space<hbm>> -> memref<128xi32, #tpu.memory_space<hbm>>
      tpu.wait_dma2 semaphore(%arg25 : memref<!tpu.dma_semaphore, #tpu.memory_space<semaphore_mem>>) src(%dma_wait3A_315 : memref<128xi32, #tpu.memory_space<hbm>>) dst(%arg8 : memref<128xi32, #tpu.memory_space<vmem>>)
      %dma_wait3A_316 = arith.constant 0 : i32
      %dma_wait3A_317 = tpu.memref_slice %arg4[%dma_wait3A_316] : memref<320000xi32, #tpu.memory_space<hbm>> -> memref<128xi32, #tpu.memory_space<hbm>>
      %dma_wait3A_318 = arith.constant 0 : i32
      %dma_wait3A_319 = tpu.memref_slice %arg4[%dma_wait3A_318] : memref<320000xi32, #tpu.memory_space<hbm>> -> memref<128xi32, #tpu.memory_space<hbm>>
      tpu.wait_dma2 semaphore(%arg25 : memref<!tpu.dma_semaphore, #tpu.memory_space<semaphore_mem>>) src(%dma_wait3A_319 : memref<128xi32, #tpu.memory_space<hbm>>) dst(%arg12 : memref<128xi32, #tpu.memory_space<vmem>>)
      %dma_start3A_320 = arith.constant 0 : i32
      %dma_start3A_321 = arith.constant 0 : i32
      %dma_start3A_322 = tpu.memref_slice %arg2[%dma_start3A_320, %dma_start3A_321] : memref<10000x128xf32, #tpu.memory_space<hbm>> -> memref<10000x128xf32, #tpu.memory_space<hbm>>
      tpu.enqueue_indirect_dma source(%dma_start3A_322 : memref<10000x128xf32, #tpu.memory_space<hbm>>) target(%arg16 : memref<128x128xf32, #tpu.memory_space<vmem>>) offsets(%arg8 : memref<128xi32, #tpu.memory_space<vmem>>) semaphore(%arg21 : memref<!tpu.dma_semaphore, #tpu.memory_space<semaphore_mem>>)
      %dma_wait3A_323 = arith.constant 0 : i32
      %dma_wait3A_324 = arith.constant 0 : i32
      %dma_wait3A_325 = tpu.memref_slice %arg2[%dma_wait3A_323, %dma_wait3A_324] : memref<10000x128xf32, #tpu.memory_space<hbm>> -> memref<10000x128xf32, #tpu.memory_space<hbm>>
      tpu.wait_indirect_dma semaphore(%arg20 : memref<!tpu.dma_semaphore, #tpu.memory_space<semaphore_mem>>) src(%dma_wait3A_325 : memref<10000x128xf32, #tpu.memory_space<hbm>>) dst(%arg15 : memref<128x128xf32, #tpu.memory_space<vmem>>)
      %dma_start3A_326 = arith.constant 0 : i32
      %dma_start3A_327 = arith.constant 0 : i32
      %dma_start3A_328 = tpu.memref_slice %arg29[%dma_start3A_326, %dma_start3A_327] : memref<10240x128xf32, #tpu.memory_space<vmem_shared>> -> memref<10240x128xf32, #tpu.memory_space<vmem_shared>>
      tpu.enqueue_indirect_dma source(%arg15 : memref<128x128xf32, #tpu.memory_space<vmem>>) target(%dma_start3A_328 : memref<10240x128xf32, #tpu.memory_space<vmem_shared>>) offsets(%arg11 : memref<128xi32, #tpu.memory_space<vmem>>) semaphore(%arg22 : memref<!tpu.dma_semaphore, #tpu.memory_space<semaphore_mem>>) {add = true}
    }
    %scan3A_70 = arith.constant 18 : i32
    %dma_wait3A_71 = arith.constant 0 : i32
    %dma_wait3A_72 = arith.constant 0 : i32
    %dma_wait3A_73 = tpu.memref_slice %arg29[%dma_wait3A_71, %dma_wait3A_72] : memref<10240x128xf32, #tpu.memory_space<vmem_shared>> -> memref<10240x128xf32, #tpu.memory_space<vmem_shared>>
    tpu.wait_indirect_dma semaphore(%arg22 : memref<!tpu.dma_semaphore, #tpu.memory_space<semaphore_mem>>) src(%arg15 : memref<128x128xf32, #tpu.memory_space<vmem>>) dst(%dma_wait3A_73 : memref<10240x128xf32, #tpu.memory_space<vmem_shared>>)
    %add3A_74 = arith.constant 9728 : i32
    %add3A_75 = arith.addi %mul3A_4, %add3A_74 : i32
    %multiple_of3A_76 = tpu.assume_multiple %add3A_75, 8 : i32
    %dma_start3A_77 = tpu.memref_slice %arg3[%multiple_of3A_76] : memref<320000xi32, #tpu.memory_space<hbm>> -> memref<128xi32, #tpu.memory_space<hbm>>
    %dma_start3A_78 = tpu.memref_slice %arg3[%multiple_of3A_76] : memref<320000xi32, #tpu.memory_space<hbm>> -> memref<128xi32, #tpu.memory_space<hbm>>
    tpu.enqueue_dma source(%dma_start3A_78 : memref<128xi32, #tpu.memory_space<hbm>>) target(%arg7 : memref<128xi32, #tpu.memory_space<vmem>>) target_semaphore(%arg24 : memref<!tpu.dma_semaphore, #tpu.memory_space<semaphore_mem>>)
    %dma_start3A_79 = tpu.memref_slice %arg4[%multiple_of3A_76] : memref<320000xi32, #tpu.memory_space<hbm>> -> memref<128xi32, #tpu.memory_space<hbm>>
    %dma_start3A_80 = tpu.memref_slice %arg4[%multiple_of3A_76] : memref<320000xi32, #tpu.memory_space<hbm>> -> memref<128xi32, #tpu.memory_space<hbm>>
    tpu.enqueue_dma source(%dma_start3A_80 : memref<128xi32, #tpu.memory_space<hbm>>) target(%arg11 : memref<128xi32, #tpu.memory_space<vmem>>) target_semaphore(%arg24 : memref<!tpu.dma_semaphore, #tpu.memory_space<semaphore_mem>>)
    %dma_wait3A_81 = arith.constant 0 : i32
    %dma_wait3A_82 = tpu.memref_slice %arg3[%dma_wait3A_81] : memref<320000xi32, #tpu.memory_space<hbm>> -> memref<128xi32, #tpu.memory_space<hbm>>
    %dma_wait3A_83 = arith.constant 0 : i32
    %dma_wait3A_84 = tpu.memref_slice %arg3[%dma_wait3A_83] : memref<320000xi32, #tpu.memory_space<hbm>> -> memref<128xi32, #tpu.memory_space<hbm>>
    tpu.wait_dma2 semaphore(%arg26 : memref<!tpu.dma_semaphore, #tpu.memory_space<semaphore_mem>>) src(%dma_wait3A_84 : memref<128xi32, #tpu.memory_space<hbm>>) dst(%arg9 : memref<128xi32, #tpu.memory_space<vmem>>)
    %dma_wait3A_85 = arith.constant 0 : i32
    %dma_wait3A_86 = tpu.memref_slice %arg4[%dma_wait3A_85] : memref<320000xi32, #tpu.memory_space<hbm>> -> memref<128xi32, #tpu.memory_space<hbm>>
    %dma_wait3A_87 = arith.constant 0 : i32
    %dma_wait3A_88 = tpu.memref_slice %arg4[%dma_wait3A_87] : memref<320000xi32, #tpu.memory_space<hbm>> -> memref<128xi32, #tpu.memory_space<hbm>>
    tpu.wait_dma2 semaphore(%arg26 : memref<!tpu.dma_semaphore, #tpu.memory_space<semaphore_mem>>) src(%dma_wait3A_88 : memref<128xi32, #tpu.memory_space<hbm>>) dst(%arg13 : memref<128xi32, #tpu.memory_space<vmem>>)
    %dma_start3A_89 = arith.constant 0 : i32
    %dma_start3A_90 = arith.constant 0 : i32
    %dma_start3A_91 = tpu.memref_slice %arg2[%dma_start3A_89, %dma_start3A_90] : memref<10000x128xf32, #tpu.memory_space<hbm>> -> memref<10000x128xf32, #tpu.memory_space<hbm>>
    tpu.enqueue_indirect_dma source(%dma_start3A_91 : memref<10000x128xf32, #tpu.memory_space<hbm>>) target(%arg15 : memref<128x128xf32, #tpu.memory_space<vmem>>) offsets(%arg9 : memref<128xi32, #tpu.memory_space<vmem>>) semaphore(%arg20 : memref<!tpu.dma_semaphore, #tpu.memory_space<semaphore_mem>>)
    %dma_wait3A_92 = arith.constant 0 : i32
    %dma_wait3A_93 = arith.constant 0 : i32
    %dma_wait3A_94 = tpu.memref_slice %arg2[%dma_wait3A_92, %dma_wait3A_93] : memref<10000x128xf32, #tpu.memory_space<hbm>> -> memref<10000x128xf32, #tpu.memory_space<hbm>>
    tpu.wait_indirect_dma semaphore(%arg21 : memref<!tpu.dma_semaphore, #tpu.memory_space<semaphore_mem>>) src(%dma_wait3A_94 : memref<10000x128xf32, #tpu.memory_space<hbm>>) dst(%arg16 : memref<128x128xf32, #tpu.memory_space<vmem>>)
    %dma_start3A_95 = arith.constant 0 : i32
    %dma_start3A_96 = arith.constant 0 : i32
    %dma_start3A_97 = tpu.memref_slice %arg29[%dma_start3A_95, %dma_start3A_96] : memref<10240x128xf32, #tpu.memory_space<vmem_shared>> -> memref<10240x128xf32, #tpu.memory_space<vmem_shared>>
    tpu.enqueue_indirect_dma source(%arg16 : memref<128x128xf32, #tpu.memory_space<vmem>>) target(%dma_start3A_97 : memref<10240x128xf32, #tpu.memory_space<vmem_shared>>) offsets(%arg12 : memref<128xi32, #tpu.memory_space<vmem>>) semaphore(%arg23 : memref<!tpu.dma_semaphore, #tpu.memory_space<semaphore_mem>>) {add = true}
    %dma_wait3A_98 = arith.constant 0 : i32
    %dma_wait3A_99 = arith.constant 0 : i32
    %dma_wait3A_100 = tpu.memref_slice %arg29[%dma_wait3A_98, %dma_wait3A_99] : memref<10240x128xf32, #tpu.memory_space<vmem_shared>> -> memref<10240x128xf32, #tpu.memory_space<vmem_shared>>
    tpu.wait_indirect_dma semaphore(%arg23 : memref<!tpu.dma_semaphore, #tpu.memory_space<semaphore_mem>>) src(%arg16 : memref<128x128xf32, #tpu.memory_space<vmem>>) dst(%dma_wait3A_100 : memref<10240x128xf32, #tpu.memory_space<vmem_shared>>)
    %add3A_101 = arith.constant 9856 : i32
    %add3A_102 = arith.addi %mul3A_4, %add3A_101 : i32
    %multiple_of3A_103 = tpu.assume_multiple %add3A_102, 8 : i32
    %dma_start3A_104 = tpu.memref_slice %arg3[%multiple_of3A_103] : memref<320000xi32, #tpu.memory_space<hbm>> -> memref<128xi32, #tpu.memory_space<hbm>>
    %dma_start3A_105 = tpu.memref_slice %arg3[%multiple_of3A_103] : memref<320000xi32, #tpu.memory_space<hbm>> -> memref<128xi32, #tpu.memory_space<hbm>>
    tpu.enqueue_dma source(%dma_start3A_105 : memref<128xi32, #tpu.memory_space<hbm>>) target(%arg8 : memref<128xi32, #tpu.memory_space<vmem>>) target_semaphore(%arg25 : memref<!tpu.dma_semaphore, #tpu.memory_space<semaphore_mem>>)
    %dma_start3A_106 = tpu.memref_slice %arg4[%multiple_of3A_103] : memref<320000xi32, #tpu.memory_space<hbm>> -> memref<128xi32, #tpu.memory_space<hbm>>
    %dma_start3A_107 = tpu.memref_slice %arg4[%multiple_of3A_103] : memref<320000xi32, #tpu.memory_space<hbm>> -> memref<128xi32, #tpu.memory_space<hbm>>
    tpu.enqueue_dma source(%dma_start3A_107 : memref<128xi32, #tpu.memory_space<hbm>>) target(%arg12 : memref<128xi32, #tpu.memory_space<vmem>>) target_semaphore(%arg25 : memref<!tpu.dma_semaphore, #tpu.memory_space<semaphore_mem>>)
    %dma_wait3A_108 = arith.constant 0 : i32
    %dma_wait3A_109 = tpu.memref_slice %arg3[%dma_wait3A_108] : memref<320000xi32, #tpu.memory_space<hbm>> -> memref<128xi32, #tpu.memory_space<hbm>>
    %dma_wait3A_110 = arith.constant 0 : i32
    %dma_wait3A_111 = tpu.memref_slice %arg3[%dma_wait3A_110] : memref<320000xi32, #tpu.memory_space<hbm>> -> memref<128xi32, #tpu.memory_space<hbm>>
    tpu.wait_dma2 semaphore(%arg27 : memref<!tpu.dma_semaphore, #tpu.memory_space<semaphore_mem>>) src(%dma_wait3A_111 : memref<128xi32, #tpu.memory_space<hbm>>) dst(%arg10 : memref<128xi32, #tpu.memory_space<vmem>>)
    %dma_wait3A_112 = arith.constant 0 : i32
    %dma_wait3A_113 = tpu.memref_slice %arg4[%dma_wait3A_112] : memref<320000xi32, #tpu.memory_space<hbm>> -> memref<128xi32, #tpu.memory_space<hbm>>
    %dma_wait3A_114 = arith.constant 0 : i32
    %dma_wait3A_115 = tpu.memref_slice %arg4[%dma_wait3A_114] : memref<320000xi32, #tpu.memory_space<hbm>> -> memref<128xi32, #tpu.memory_space<hbm>>
    tpu.wait_dma2 semaphore(%arg27 : memref<!tpu.dma_semaphore, #tpu.memory_space<semaphore_mem>>) src(%dma_wait3A_115 : memref<128xi32, #tpu.memory_space<hbm>>) dst(%arg14 : memref<128xi32, #tpu.memory_space<vmem>>)
    %dma_start3A_116 = arith.constant 0 : i32
    %dma_start3A_117 = arith.constant 0 : i32
    %dma_start3A_118 = tpu.memref_slice %arg2[%dma_start3A_116, %dma_start3A_117] : memref<10000x128xf32, #tpu.memory_space<hbm>> -> memref<10000x128xf32, #tpu.memory_space<hbm>>
    tpu.enqueue_indirect_dma source(%dma_start3A_118 : memref<10000x128xf32, #tpu.memory_space<hbm>>) target(%arg16 : memref<128x128xf32, #tpu.memory_space<vmem>>) offsets(%arg10 : memref<128xi32, #tpu.memory_space<vmem>>) semaphore(%arg21 : memref<!tpu.dma_semaphore, #tpu.memory_space<semaphore_mem>>)
    %dma_wait3A_119 = arith.constant 0 : i32
    %dma_wait3A_120 = arith.constant 0 : i32
    %dma_wait3A_121 = tpu.memref_slice %arg2[%dma_wait3A_119, %dma_wait3A_120] : memref<10000x128xf32, #tpu.memory_space<hbm>> -> memref<10000x128xf32, #tpu.memory_space<hbm>>
    tpu.wait_indirect_dma semaphore(%arg20 : memref<!tpu.dma_semaphore, #tpu.memory_space<semaphore_mem>>) src(%dma_wait3A_121 : memref<10000x128xf32, #tpu.memory_space<hbm>>) dst(%arg15 : memref<128x128xf32, #tpu.memory_space<vmem>>)
    %dma_start3A_122 = arith.constant 0 : i32
    %dma_start3A_123 = arith.constant 0 : i32
    %dma_start3A_124 = tpu.memref_slice %arg29[%dma_start3A_122, %dma_start3A_123] : memref<10240x128xf32, #tpu.memory_space<vmem_shared>> -> memref<10240x128xf32, #tpu.memory_space<vmem_shared>>
    tpu.enqueue_indirect_dma source(%arg15 : memref<128x128xf32, #tpu.memory_space<vmem>>) target(%dma_start3A_124 : memref<10240x128xf32, #tpu.memory_space<vmem_shared>>) offsets(%arg13 : memref<128xi32, #tpu.memory_space<vmem>>) semaphore(%arg22 : memref<!tpu.dma_semaphore, #tpu.memory_space<semaphore_mem>>) {add = true}
    %dma_wait3A_125 = arith.constant 0 : i32
    %dma_wait3A_126 = arith.constant 0 : i32
    %dma_wait3A_127 = tpu.memref_slice %arg29[%dma_wait3A_125, %dma_wait3A_126] : memref<10240x128xf32, #tpu.memory_space<vmem_shared>> -> memref<10240x128xf32, #tpu.memory_space<vmem_shared>>
    tpu.wait_indirect_dma semaphore(%arg22 : memref<!tpu.dma_semaphore, #tpu.memory_space<semaphore_mem>>) src(%arg15 : memref<128x128xf32, #tpu.memory_space<vmem>>) dst(%dma_wait3A_127 : memref<10240x128xf32, #tpu.memory_space<vmem_shared>>)
    %dma_wait3A_128 = arith.constant 0 : i32
    %dma_wait3A_129 = tpu.memref_slice %arg3[%dma_wait3A_128] : memref<320000xi32, #tpu.memory_space<hbm>> -> memref<128xi32, #tpu.memory_space<hbm>>
    %dma_wait3A_130 = arith.constant 0 : i32
    %dma_wait3A_131 = tpu.memref_slice %arg3[%dma_wait3A_130] : memref<320000xi32, #tpu.memory_space<hbm>> -> memref<128xi32, #tpu.memory_space<hbm>>
    tpu.wait_dma2 semaphore(%arg24 : memref<!tpu.dma_semaphore, #tpu.memory_space<semaphore_mem>>) src(%dma_wait3A_131 : memref<128xi32, #tpu.memory_space<hbm>>) dst(%arg7 : memref<128xi32, #tpu.memory_space<vmem>>)
    %dma_wait3A_132 = arith.constant 0 : i32
    %dma_wait3A_133 = tpu.memref_slice %arg4[%dma_wait3A_132] : memref<320000xi32, #tpu.memory_space<hbm>> -> memref<128xi32, #tpu.memory_space<hbm>>
    %dma_wait3A_134 = arith.constant 0 : i32
    %dma_wait3A_135 = tpu.memref_slice %arg4[%dma_wait3A_134] : memref<320000xi32, #tpu.memory_space<hbm>> -> memref<128xi32, #tpu.memory_space<hbm>>
    tpu.wait_dma2 semaphore(%arg24 : memref<!tpu.dma_semaphore, #tpu.memory_space<semaphore_mem>>) src(%dma_wait3A_135 : memref<128xi32, #tpu.memory_space<hbm>>) dst(%arg11 : memref<128xi32, #tpu.memory_space<vmem>>)
    %dma_start3A_136 = arith.constant 0 : i32
    %dma_start3A_137 = arith.constant 0 : i32
    %dma_start3A_138 = tpu.memref_slice %arg2[%dma_start3A_136, %dma_start3A_137] : memref<10000x128xf32, #tpu.memory_space<hbm>> -> memref<10000x128xf32, #tpu.memory_space<hbm>>
    tpu.enqueue_indirect_dma source(%dma_start3A_138 : memref<10000x128xf32, #tpu.memory_space<hbm>>) target(%arg15 : memref<128x128xf32, #tpu.memory_space<vmem>>) offsets(%arg7 : memref<128xi32, #tpu.memory_space<vmem>>) semaphore(%arg20 : memref<!tpu.dma_semaphore, #tpu.memory_space<semaphore_mem>>)
    %dma_wait3A_139 = arith.constant 0 : i32
    %dma_wait3A_140 = arith.constant 0 : i32
    %dma_wait3A_141 = tpu.memref_slice %arg2[%dma_wait3A_139, %dma_wait3A_140] : memref<10000x128xf32, #tpu.memory_space<hbm>> -> memref<10000x128xf32, #tpu.memory_space<hbm>>
    tpu.wait_indirect_dma semaphore(%arg21 : memref<!tpu.dma_semaphore, #tpu.memory_space<semaphore_mem>>) src(%dma_wait3A_141 : memref<10000x128xf32, #tpu.memory_space<hbm>>) dst(%arg16 : memref<128x128xf32, #tpu.memory_space<vmem>>)
    %dma_start3A_142 = arith.constant 0 : i32
    %dma_start3A_143 = arith.constant 0 : i32
    %dma_start3A_144 = tpu.memref_slice %arg29[%dma_start3A_142, %dma_start3A_143] : memref<10240x128xf32, #tpu.memory_space<vmem_shared>> -> memref<10240x128xf32, #tpu.memory_space<vmem_shared>>
    tpu.enqueue_indirect_dma source(%arg16 : memref<128x128xf32, #tpu.memory_space<vmem>>) target(%dma_start3A_144 : memref<10240x128xf32, #tpu.memory_space<vmem_shared>>) offsets(%arg14 : memref<128xi32, #tpu.memory_space<vmem>>) semaphore(%arg23 : memref<!tpu.dma_semaphore, #tpu.memory_space<semaphore_mem>>) {add = true}
    %dma_wait3A_145 = arith.constant 0 : i32
    %dma_wait3A_146 = arith.constant 0 : i32
    %dma_wait3A_147 = tpu.memref_slice %arg29[%dma_wait3A_145, %dma_wait3A_146] : memref<10240x128xf32, #tpu.memory_space<vmem_shared>> -> memref<10240x128xf32, #tpu.memory_space<vmem_shared>>
    tpu.wait_indirect_dma semaphore(%arg23 : memref<!tpu.dma_semaphore, #tpu.memory_space<semaphore_mem>>) src(%arg16 : memref<128x128xf32, #tpu.memory_space<vmem>>) dst(%dma_wait3A_147 : memref<10240x128xf32, #tpu.memory_space<vmem_shared>>)
    %dma_wait3A_148 = arith.constant 0 : i32
    %dma_wait3A_149 = tpu.memref_slice %arg3[%dma_wait3A_148] : memref<320000xi32, #tpu.memory_space<hbm>> -> memref<128xi32, #tpu.memory_space<hbm>>
    %dma_wait3A_150 = arith.constant 0 : i32
    %dma_wait3A_151 = tpu.memref_slice %arg3[%dma_wait3A_150] : memref<320000xi32, #tpu.memory_space<hbm>> -> memref<128xi32, #tpu.memory_space<hbm>>
    tpu.wait_dma2 semaphore(%arg25 : memref<!tpu.dma_semaphore, #tpu.memory_space<semaphore_mem>>) src(%dma_wait3A_151 : memref<128xi32, #tpu.memory_space<hbm>>) dst(%arg8 : memref<128xi32, #tpu.memory_space<vmem>>)
    %dma_wait3A_152 = arith.constant 0 : i32
    %dma_wait3A_153 = tpu.memref_slice %arg4[%dma_wait3A_152] : memref<320000xi32, #tpu.memory_space<hbm>> -> memref<128xi32, #tpu.memory_space<hbm>>
    %dma_wait3A_154 = arith.constant 0 : i32
    %dma_wait3A_155 = tpu.memref_slice %arg4[%dma_wait3A_154] : memref<320000xi32, #tpu.memory_space<hbm>> -> memref<128xi32, #tpu.memory_space<hbm>>
    tpu.wait_dma2 semaphore(%arg25 : memref<!tpu.dma_semaphore, #tpu.memory_space<semaphore_mem>>) src(%dma_wait3A_155 : memref<128xi32, #tpu.memory_space<hbm>>) dst(%arg12 : memref<128xi32, #tpu.memory_space<vmem>>)
    %dma_start3A_156 = arith.constant 0 : i32
    %dma_start3A_157 = arith.constant 0 : i32
    %dma_start3A_158 = tpu.memref_slice %arg2[%dma_start3A_156, %dma_start3A_157] : memref<10000x128xf32, #tpu.memory_space<hbm>> -> memref<10000x128xf32, #tpu.memory_space<hbm>>
    tpu.enqueue_indirect_dma source(%dma_start3A_158 : memref<10000x128xf32, #tpu.memory_space<hbm>>) target(%arg16 : memref<128x128xf32, #tpu.memory_space<vmem>>) offsets(%arg8 : memref<128xi32, #tpu.memory_space<vmem>>) semaphore(%arg21 : memref<!tpu.dma_semaphore, #tpu.memory_space<semaphore_mem>>)
    %dma_wait3A_159 = arith.constant 0 : i32
    %dma_wait3A_160 = arith.constant 0 : i32
    %dma_wait3A_161 = tpu.memref_slice %arg2[%dma_wait3A_159, %dma_wait3A_160] : memref<10000x128xf32, #tpu.memory_space<hbm>> -> memref<10000x128xf32, #tpu.memory_space<hbm>>
    tpu.wait_indirect_dma semaphore(%arg20 : memref<!tpu.dma_semaphore, #tpu.memory_space<semaphore_mem>>) src(%dma_wait3A_161 : memref<10000x128xf32, #tpu.memory_space<hbm>>) dst(%arg15 : memref<128x128xf32, #tpu.memory_space<vmem>>)
    %dma_start3A_162 = arith.constant 0 : i32
    %dma_start3A_163 = arith.constant 0 : i32
    %dma_start3A_164 = tpu.memref_slice %arg29[%dma_start3A_162, %dma_start3A_163] : memref<10240x128xf32, #tpu.memory_space<vmem_shared>> -> memref<10240x128xf32, #tpu.memory_space<vmem_shared>>
    tpu.enqueue_indirect_dma source(%arg15 : memref<128x128xf32, #tpu.memory_space<vmem>>) target(%dma_start3A_164 : memref<10240x128xf32, #tpu.memory_space<vmem_shared>>) offsets(%arg11 : memref<128xi32, #tpu.memory_space<vmem>>) semaphore(%arg22 : memref<!tpu.dma_semaphore, #tpu.memory_space<semaphore_mem>>) {add = true}
    %dma_wait3A_165 = arith.constant 0 : i32
    %dma_wait3A_166 = arith.constant 0 : i32
    %dma_wait3A_167 = tpu.memref_slice %arg2[%dma_wait3A_165, %dma_wait3A_166] : memref<10000x128xf32, #tpu.memory_space<hbm>> -> memref<10000x128xf32, #tpu.memory_space<hbm>>
    tpu.wait_indirect_dma semaphore(%arg21 : memref<!tpu.dma_semaphore, #tpu.memory_space<semaphore_mem>>) src(%dma_wait3A_167 : memref<10000x128xf32, #tpu.memory_space<hbm>>) dst(%arg16 : memref<128x128xf32, #tpu.memory_space<vmem>>)
    %dma_start3A_168 = arith.constant 0 : i32
    %dma_start3A_169 = arith.constant 0 : i32
    %dma_start3A_170 = tpu.memref_slice %arg29[%dma_start3A_168, %dma_start3A_169] : memref<10240x128xf32, #tpu.memory_space<vmem_shared>> -> memref<10240x128xf32, #tpu.memory_space<vmem_shared>>
    tpu.enqueue_indirect_dma source(%arg16 : memref<128x128xf32, #tpu.memory_space<vmem>>) target(%dma_start3A_170 : memref<10240x128xf32, #tpu.memory_space<vmem_shared>>) offsets(%arg12 : memref<128xi32, #tpu.memory_space<vmem>>) semaphore(%arg23 : memref<!tpu.dma_semaphore, #tpu.memory_space<semaphore_mem>>) {add = true}
    %dma_wait3A_171 = arith.constant 0 : i32
    %dma_wait3A_172 = arith.constant 0 : i32
    %dma_wait3A_173 = tpu.memref_slice %arg29[%dma_wait3A_171, %dma_wait3A_172] : memref<10240x128xf32, #tpu.memory_space<vmem_shared>> -> memref<10240x128xf32, #tpu.memory_space<vmem_shared>>
    tpu.wait_indirect_dma semaphore(%arg22 : memref<!tpu.dma_semaphore, #tpu.memory_space<semaphore_mem>>) src(%arg15 : memref<128x128xf32, #tpu.memory_space<vmem>>) dst(%dma_wait3A_173 : memref<10240x128xf32, #tpu.memory_space<vmem_shared>>)
    %dma_wait3A_174 = arith.constant 0 : i32
    %dma_wait3A_175 = arith.constant 0 : i32
    %dma_wait3A_176 = tpu.memref_slice %arg29[%dma_wait3A_174, %dma_wait3A_175] : memref<10240x128xf32, #tpu.memory_space<vmem_shared>> -> memref<10240x128xf32, #tpu.memory_space<vmem_shared>>
    tpu.wait_indirect_dma semaphore(%arg23 : memref<!tpu.dma_semaphore, #tpu.memory_space<semaphore_mem>>) src(%arg16 : memref<128x128xf32, #tpu.memory_space<vmem>>) dst(%dma_wait3A_176 : memref<10240x128xf32, #tpu.memory_space<vmem_shared>>)
    %barrier3A_177 = arith.constant 0 : index
    tpu.barrier barrier_id(%barrier3A_177)
    %mul3A_178 = arith.constant 640 : i32
    %mul3A_179 = arith.muli %arg1, %mul3A_178 : i32
    "tpu.region"() ({
      %run_scoped3A = tpu.sem_alloc : memref<!tpu.dma_semaphore, #tpu.memory_space<semaphore_mem>>
      %dma_start3A_180 = arith.constant 0 : i32
      %dma_start3A_181 = tpu.memref_slice %arg6[%arg0, %mul3A_179, %dma_start3A_180] : memref<2x10240x128xf32, #tpu.memory_space<hbm>> -> memref<1x640x128xf32, #tpu.memory_space<hbm>>
      %dma_start3A_182 = tpu.memref_squeeze %dma_start3A_181 : memref<1x640x128xf32, #tpu.memory_space<hbm>> -> memref<640x128xf32, #tpu.memory_space<hbm>>
      %dma_start3A_183 = arith.constant 0 : i32
      %dma_start3A_184 = tpu.memref_slice %arg29[%mul3A_179, %dma_start3A_183] : memref<10240x128xf32, #tpu.memory_space<vmem_shared>> -> memref<640x128xf32, #tpu.memory_space<vmem_shared>>
      tpu.enqueue_dma source(%dma_start3A_184 : memref<640x128xf32, #tpu.memory_space<vmem_shared>>) target(%dma_start3A_182 : memref<640x128xf32, #tpu.memory_space<hbm>>) target_semaphore(%run_scoped3A : memref<!tpu.dma_semaphore, #tpu.memory_space<semaphore_mem>>)
      %dma_wait3A_185 = arith.constant 0 : i32
      %dma_wait3A_186 = tpu.memref_slice %arg6[%arg0, %mul3A_179, %dma_wait3A_185] : memref<2x10240x128xf32, #tpu.memory_space<hbm>> -> memref<1x640x128xf32, #tpu.memory_space<hbm>>
      %dma_wait3A_187 = tpu.memref_squeeze %dma_wait3A_186 : memref<1x640x128xf32, #tpu.memory_space<hbm>> -> memref<640x128xf32, #tpu.memory_space<hbm>>
      %dma_wait3A_188 = arith.constant 0 : i32
      %dma_wait3A_189 = tpu.memref_slice %arg29[%mul3A_179, %dma_wait3A_188] : memref<10240x128xf32, #tpu.memory_space<vmem_shared>> -> memref<640x128xf32, #tpu.memory_space<vmem_shared>>
      tpu.wait_dma2 semaphore(%run_scoped3A : memref<!tpu.dma_semaphore, #tpu.memory_space<semaphore_mem>>) src(%dma_wait3A_189 : memref<640x128xf32, #tpu.memory_space<vmem_shared>>) dst(%dma_wait3A_187 : memref<640x128xf32, #tpu.memory_space<hbm>>)
      tpu.yield
    }) : () -> ()
    return
  }
}

#map = affine_map<(d0, d1) -> (0)>
module attributes {stable_mosaic.version = 14 : i64} {
  func.func @_deg_body(%arg0: i32, %arg1: i32, %arg2: memref<320000xi32, #tpu.memory_space<hbm>>, %arg3: memref<320000xi32, #tpu.memory_space<hbm>>, %arg4: memref<10000xf32, #tpu.memory_space<hbm>>, %arg5: memref<320000xf32, #tpu.memory_space<hbm>>, %arg6: memref<320000xf32, #tpu.memory_space<hbm>>, %arg7: memref<400xi32, #tpu.memory_space<vmem>>, %arg8: memref<400xi32, #tpu.memory_space<vmem>>, %arg9: memref<400xi32, #tpu.memory_space<vmem>>, %arg10: memref<400xi32, #tpu.memory_space<vmem>>, %arg11: memref<!tpu.dma_semaphore, #tpu.memory_space<semaphore_mem>>, %arg12: memref<!tpu.dma_semaphore, #tpu.memory_space<semaphore_mem>>, %arg13: memref<!tpu.dma_semaphore, #tpu.memory_space<semaphore_mem>>, %arg14: memref<!tpu.dma_semaphore, #tpu.memory_space<semaphore_mem>>, %arg15: memref<10000xf32, #tpu.memory_space<vmem>>, %arg16: memref<10000xf32, #tpu.memory_space<vmem>>) attributes {dimension_semantics = [#tpu.dimension_semantics<core_parallel>, #tpu.dimension_semantics<subcore_parallel>], iteration_bounds = array<i64: 2, 16>, scalar_prefetch = 0 : i64, scratch_operands = 10 : i64, tpu.core_type = #tpu.core_type<sc_vector_subcore>, window_params = [{transform_indices = #map}, {transform_indices = #map}, {transform_indices = #map}, {transform_indices = #map}, {transform_indices = #map}]} {
    %mul3A = arith.constant 2 : i32
    %mul3A_0 = arith.muli %arg1, %mul3A : i32
    %add3A = arith.addi %mul3A_0, %arg0 : i32
    "tpu.region"() ({
      %run_scoped3A = tpu.sem_alloc : memref<!tpu.dma_semaphore, #tpu.memory_space<semaphore_mem>>
      tpu.enqueue_dma source(%arg4 : memref<10000xf32, #tpu.memory_space<hbm>>) target(%arg15 : memref<10000xf32, #tpu.memory_space<vmem>>) target_semaphore(%run_scoped3A : memref<!tpu.dma_semaphore, #tpu.memory_space<semaphore_mem>>)
      tpu.wait_dma2 semaphore(%run_scoped3A : memref<!tpu.dma_semaphore, #tpu.memory_space<semaphore_mem>>) src(%arg4 : memref<10000xf32, #tpu.memory_space<hbm>>) dst(%arg15 : memref<10000xf32, #tpu.memory_space<vmem>>)
      tpu.yield
    }) : () -> ()
    "tpu.region"() ({
      %run_scoped3A = tpu.sem_alloc : memref<!tpu.dma_semaphore, #tpu.memory_space<semaphore_mem>>
      tpu.enqueue_dma source(%arg4 : memref<10000xf32, #tpu.memory_space<hbm>>) target(%arg16 : memref<10000xf32, #tpu.memory_space<vmem>>) target_semaphore(%run_scoped3A : memref<!tpu.dma_semaphore, #tpu.memory_space<semaphore_mem>>)
      tpu.wait_dma2 semaphore(%run_scoped3A : memref<!tpu.dma_semaphore, #tpu.memory_space<semaphore_mem>>) src(%arg4 : memref<10000xf32, #tpu.memory_space<hbm>>) dst(%arg16 : memref<10000xf32, #tpu.memory_space<vmem>>)
      tpu.yield
    }) : () -> ()
    %mul3A_1 = arith.constant 10000 : i32
    %mul3A_2 = arith.muli %add3A, %mul3A_1 : i32
    %broadcast_in_dim3A = arith.constant 1.000000e+00 : f32
    %broadcast_in_dim3A_3 = vector.broadcast %broadcast_in_dim3A : f32 to vector<16xf32>
    %add3A_4 = arith.constant 0 : i32
    %add3A_5 = arith.addi %mul3A_2, %add3A_4 : i32
    %multiple_of3A = tpu.assume_multiple %add3A_5, 8 : i32
    %dma_start3A = tpu.memref_slice %arg2[%multiple_of3A] : memref<320000xi32, #tpu.memory_space<hbm>> -> memref<400xi32, #tpu.memory_space<hbm>>
    %dma_start3A_6 = tpu.memref_slice %arg2[%multiple_of3A] : memref<320000xi32, #tpu.memory_space<hbm>> -> memref<400xi32, #tpu.memory_space<hbm>>
    tpu.enqueue_dma source(%dma_start3A_6 : memref<400xi32, #tpu.memory_space<hbm>>) target(%arg7 : memref<400xi32, #tpu.memory_space<vmem>>) target_semaphore(%arg11 : memref<!tpu.dma_semaphore, #tpu.memory_space<semaphore_mem>>)
    %dma_start3A_7 = tpu.memref_slice %arg3[%multiple_of3A] : memref<320000xi32, #tpu.memory_space<hbm>> -> memref<400xi32, #tpu.memory_space<hbm>>
    %dma_start3A_8 = tpu.memref_slice %arg3[%multiple_of3A] : memref<320000xi32, #tpu.memory_space<hbm>> -> memref<400xi32, #tpu.memory_space<hbm>>
    tpu.enqueue_dma source(%dma_start3A_8 : memref<400xi32, #tpu.memory_space<hbm>>) target(%arg9 : memref<400xi32, #tpu.memory_space<vmem>>) target_semaphore(%arg13 : memref<!tpu.dma_semaphore, #tpu.memory_space<semaphore_mem>>)
    %scan3A = arith.constant 0 : i32
    %scan3A_9 = arith.constant 12 : i32
    %scan3A_10 = arith.addi %scan3A, %scan3A_9 : i32
    %scan3A_11 = arith.constant 1 : i32
    scf.for %scan3A_123 = %scan3A to %scan3A_10 step %scan3A_11  : i32 {
      %mul3A_124 = arith.constant 1 : i32
      %mul3A_125 = arith.muli %scan3A_123, %mul3A_124 : i32
      %add3A_126 = arith.constant 0 : i32
      %add3A_127 = arith.addi %add3A_126, %mul3A_125 : i32
      %mul3A_128 = arith.constant 2 : i32
      %mul3A_129 = arith.muli %add3A_127, %mul3A_128 : i32
      %add3A_130 = arith.constant 0 : i32
      %add3A_131 = arith.addi %mul3A_129, %add3A_130 : i32
      %dma_wait3A_132 = arith.constant 0 : i32
      %dma_wait3A_133 = tpu.memref_slice %arg2[%dma_wait3A_132] : memref<320000xi32, #tpu.memory_space<hbm>> -> memref<400xi32, #tpu.memory_space<hbm>>
      %dma_wait3A_134 = arith.constant 0 : i32
      %dma_wait3A_135 = tpu.memref_slice %arg2[%dma_wait3A_134] : memref<320000xi32, #tpu.memory_space<hbm>> -> memref<400xi32, #tpu.memory_space<hbm>>
      tpu.wait_dma2 semaphore(%arg11 : memref<!tpu.dma_semaphore, #tpu.memory_space<semaphore_mem>>) src(%dma_wait3A_135 : memref<400xi32, #tpu.memory_space<hbm>>) dst(%arg7 : memref<400xi32, #tpu.memory_space<vmem>>)
      %dma_wait3A_136 = arith.constant 0 : i32
      %dma_wait3A_137 = tpu.memref_slice %arg3[%dma_wait3A_136] : memref<320000xi32, #tpu.memory_space<hbm>> -> memref<400xi32, #tpu.memory_space<hbm>>
      %dma_wait3A_138 = arith.constant 0 : i32
      %dma_wait3A_139 = tpu.memref_slice %arg3[%dma_wait3A_138] : memref<320000xi32, #tpu.memory_space<hbm>> -> memref<400xi32, #tpu.memory_space<hbm>>
      tpu.wait_dma2 semaphore(%arg13 : memref<!tpu.dma_semaphore, #tpu.memory_space<semaphore_mem>>) src(%dma_wait3A_139 : memref<400xi32, #tpu.memory_space<hbm>>) dst(%arg9 : memref<400xi32, #tpu.memory_space<vmem>>)
      %add3A_140 = arith.constant 1 : i32
      %add3A_141 = arith.addi %add3A_131, %add3A_140 : i32
      %mul3A_142 = arith.constant 400 : i32
      %mul3A_143 = arith.muli %add3A_141, %mul3A_142 : i32
      %add3A_144 = arith.addi %mul3A_2, %mul3A_143 : i32
      %multiple_of3A_145 = tpu.assume_multiple %add3A_144, 8 : i32
      %dma_start3A_146 = tpu.memref_slice %arg2[%multiple_of3A_145] : memref<320000xi32, #tpu.memory_space<hbm>> -> memref<400xi32, #tpu.memory_space<hbm>>
      %dma_start3A_147 = tpu.memref_slice %arg2[%multiple_of3A_145] : memref<320000xi32, #tpu.memory_space<hbm>> -> memref<400xi32, #tpu.memory_space<hbm>>
      tpu.enqueue_dma source(%dma_start3A_147 : memref<400xi32, #tpu.memory_space<hbm>>) target(%arg8 : memref<400xi32, #tpu.memory_space<vmem>>) target_semaphore(%arg12 : memref<!tpu.dma_semaphore, #tpu.memory_space<semaphore_mem>>)
      %dma_start3A_148 = tpu.memref_slice %arg3[%multiple_of3A_145] : memref<320000xi32, #tpu.memory_space<hbm>> -> memref<400xi32, #tpu.memory_space<hbm>>
      %dma_start3A_149 = tpu.memref_slice %arg3[%multiple_of3A_145] : memref<320000xi32, #tpu.memory_space<hbm>> -> memref<400xi32, #tpu.memory_space<hbm>>
      tpu.enqueue_dma source(%dma_start3A_149 : memref<400xi32, #tpu.memory_space<hbm>>) target(%arg10 : memref<400xi32, #tpu.memory_space<vmem>>) target_semaphore(%arg14 : memref<!tpu.dma_semaphore, #tpu.memory_space<semaphore_mem>>)
      %get3A_150 = arith.constant 0 : index
      %get3A_151 = tpu.vector_load %arg7[%get3A_150] {strides = array<i32>} : memref<400xi32, #tpu.memory_space<vmem>>, vector<16xi32>,
      tpu.vector_store_idx %arg15[%get3A_151], %broadcast_in_dim3A_3 {add = true} : memref<10000xf32, #tpu.memory_space<vmem>>[vector<16xi32>], vector<16xf32>,
      %get3A_152 = arith.constant 0 : index
      %get3A_153 = tpu.vector_load %arg9[%get3A_152] {strides = array<i32>} : memref<400xi32, #tpu.memory_space<vmem>>, vector<16xi32>,
      tpu.vector_store_idx %arg16[%get3A_153], %broadcast_in_dim3A_3 {add = true} : memref<10000xf32, #tpu.memory_space<vmem>>[vector<16xi32>], vector<16xf32>,
      %get3A_154 = arith.constant 16 : index
      %get3A_155 = tpu.vector_load %arg7[%get3A_154] {strides = array<i32>} : memref<400xi32, #tpu.memory_space<vmem>>, vector<16xi32>,
      tpu.vector_store_idx %arg15[%get3A_155], %broadcast_in_dim3A_3 {add = true} : memref<10000xf32, #tpu.memory_space<vmem>>[vector<16xi32>], vector<16xf32>,
      %get3A_156 = arith.constant 16 : index
      %get3A_157 = tpu.vector_load %arg9[%get3A_156] {strides = array<i32>} : memref<400xi32, #tpu.memory_space<vmem>>, vector<16xi32>,
      tpu.vector_store_idx %arg16[%get3A_157], %broadcast_in_dim3A_3 {add = true} : memref<10000xf32, #tpu.memory_space<vmem>>[vector<16xi32>], vector<16xf32>,
      %get3A_158 = arith.constant 32 : index
      %get3A_159 = tpu.vector_load %arg7[%get3A_158] {strides = array<i32>} : memref<400xi32, #tpu.memory_space<vmem>>, vector<16xi32>,
      tpu.vector_store_idx %arg15[%get3A_159], %broadcast_in_dim3A_3 {add = true} : memref<10000xf32, #tpu.memory_space<vmem>>[vector<16xi32>], vector<16xf32>,
      %get3A_160 = arith.constant 32 : index
      %get3A_161 = tpu.vector_load %arg9[%get3A_160] {strides = array<i32>} : memref<400xi32, #tpu.memory_space<vmem>>, vector<16xi32>,
      tpu.vector_store_idx %arg16[%get3A_161], %broadcast_in_dim3A_3 {add = true} : memref<10000xf32, #tpu.memory_space<vmem>>[vector<16xi32>], vector<16xf32>,
      %get3A_162 = arith.constant 48 : index
      %get3A_163 = tpu.vector_load %arg7[%get3A_162] {strides = array<i32>} : memref<400xi32, #tpu.memory_space<vmem>>, vector<16xi32>,
      tpu.vector_store_idx %arg15[%get3A_163], %broadcast_in_dim3A_3 {add = true} : memref<10000xf32, #tpu.memory_space<vmem>>[vector<16xi32>], vector<16xf32>,
      %get3A_164 = arith.constant 48 : index
      %get3A_165 = tpu.vector_load %arg9[%get3A_164] {strides = array<i32>} : memref<400xi32, #tpu.memory_space<vmem>>, vector<16xi32>,
      tpu.vector_store_idx %arg16[%get3A_165], %broadcast_in_dim3A_3 {add = true} : memref<10000xf32, #tpu.memory_space<vmem>>[vector<16xi32>], vector<16xf32>,
      %get3A_166 = arith.constant 64 : index
      %get3A_167 = tpu.vector_load %arg7[%get3A_166] {strides = array<i32>} : memref<400xi32, #tpu.memory_space<vmem>>, vector<16xi32>,
      tpu.vector_store_idx %arg15[%get3A_167], %broadcast_in_dim3A_3 {add = true} : memref<10000xf32, #tpu.memory_space<vmem>>[vector<16xi32>], vector<16xf32>,
      %get3A_168 = arith.constant 64 : index
      %get3A_169 = tpu.vector_load %arg9[%get3A_168] {strides = array<i32>} : memref<400xi32, #tpu.memory_space<vmem>>, vector<16xi32>,
      tpu.vector_store_idx %arg16[%get3A_169], %broadcast_in_dim3A_3 {add = true} : memref<10000xf32, #tpu.memory_space<vmem>>[vector<16xi32>], vector<16xf32>,
      %get3A_170 = arith.constant 80 : index
      %get3A_171 = tpu.vector_load %arg7[%get3A_170] {strides = array<i32>} : memref<400xi32, #tpu.memory_space<vmem>>, vector<16xi32>,
      tpu.vector_store_idx %arg15[%get3A_171], %broadcast_in_dim3A_3 {add = true} : memref<10000xf32, #tpu.memory_space<vmem>>[vector<16xi32>], vector<16xf32>,
      %get3A_172 = arith.constant 80 : index
      %get3A_173 = tpu.vector_load %arg9[%get3A_172] {strides = array<i32>} : memref<400xi32, #tpu.memory_space<vmem>>, vector<16xi32>,
      tpu.vector_store_idx %arg16[%get3A_173], %broadcast_in_dim3A_3 {add = true} : memref<10000xf32, #tpu.memory_space<vmem>>[vector<16xi32>], vector<16xf32>,
      %get3A_174 = arith.constant 96 : index
      %get3A_175 = tpu.vector_load %arg7[%get3A_174] {strides = array<i32>} : memref<400xi32, #tpu.memory_space<vmem>>, vector<16xi32>,
      tpu.vector_store_idx %arg15[%get3A_175], %broadcast_in_dim3A_3 {add = true} : memref<10000xf32, #tpu.memory_space<vmem>>[vector<16xi32>], vector<16xf32>,
      %get3A_176 = arith.constant 96 : index
      %get3A_177 = tpu.vector_load %arg9[%get3A_176] {strides = array<i32>} : memref<400xi32, #tpu.memory_space<vmem>>, vector<16xi32>,
      tpu.vector_store_idx %arg16[%get3A_177], %broadcast_in_dim3A_3 {add = true} : memref<10000xf32, #tpu.memory_space<vmem>>[vector<16xi32>], vector<16xf32>,
      %get3A_178 = arith.constant 112 : index
      %get3A_179 = tpu.vector_load %arg7[%get3A_178] {strides = array<i32>} : memref<400xi32, #tpu.memory_space<vmem>>, vector<16xi32>,
      tpu.vector_store_idx %arg15[%get3A_179], %broadcast_in_dim3A_3 {add = true} : memref<10000xf32, #tpu.memory_space<vmem>>[vector<16xi32>], vector<16xf32>,
      %get3A_180 = arith.constant 112 : index
      %get3A_181 = tpu.vector_load %arg9[%get3A_180] {strides = array<i32>} : memref<400xi32, #tpu.memory_space<vmem>>, vector<16xi32>,
      tpu.vector_store_idx %arg16[%get3A_181], %broadcast_in_dim3A_3 {add = true} : memref<10000xf32, #tpu.memory_space<vmem>>[vector<16xi32>], vector<16xf32>,
      %get3A_182 = arith.constant 128 : index
      %get3A_183 = tpu.vector_load %arg7[%get3A_182] {strides = array<i32>} : memref<400xi32, #tpu.memory_space<vmem>>, vector<16xi32>,
      tpu.vector_store_idx %arg15[%get3A_183], %broadcast_in_dim3A_3 {add = true} : memref<10000xf32, #tpu.memory_space<vmem>>[vector<16xi32>], vector<16xf32>,
      %get3A_184 = arith.constant 128 : index
      %get3A_185 = tpu.vector_load %arg9[%get3A_184] {strides = array<i32>} : memref<400xi32, #tpu.memory_space<vmem>>, vector<16xi32>,
      tpu.vector_store_idx %arg16[%get3A_185], %broadcast_in_dim3A_3 {add = true} : memref<10000xf32, #tpu.memory_space<vmem>>[vector<16xi32>], vector<16xf32>,
      %get3A_186 = arith.constant 144 : index
      %get3A_187 = tpu.vector_load %arg7[%get3A_186] {strides = array<i32>} : memref<400xi32, #tpu.memory_space<vmem>>, vector<16xi32>,
      tpu.vector_store_idx %arg15[%get3A_187], %broadcast_in_dim3A_3 {add = true} : memref<10000xf32, #tpu.memory_space<vmem>>[vector<16xi32>], vector<16xf32>,
      %get3A_188 = arith.constant 144 : index
      %get3A_189 = tpu.vector_load %arg9[%get3A_188] {strides = array<i32>} : memref<400xi32, #tpu.memory_space<vmem>>, vector<16xi32>,
      tpu.vector_store_idx %arg16[%get3A_189], %broadcast_in_dim3A_3 {add = true} : memref<10000xf32, #tpu.memory_space<vmem>>[vector<16xi32>], vector<16xf32>,
      %get3A_190 = arith.constant 160 : index
      %get3A_191 = tpu.vector_load %arg7[%get3A_190] {strides = array<i32>} : memref<400xi32, #tpu.memory_space<vmem>>, vector<16xi32>,
      tpu.vector_store_idx %arg15[%get3A_191], %broadcast_in_dim3A_3 {add = true} : memref<10000xf32, #tpu.memory_space<vmem>>[vector<16xi32>], vector<16xf32>,
      %get3A_192 = arith.constant 160 : index
      %get3A_193 = tpu.vector_load %arg9[%get3A_192] {strides = array<i32>} : memref<400xi32, #tpu.memory_space<vmem>>, vector<16xi32>,
      tpu.vector_store_idx %arg16[%get3A_193], %broadcast_in_dim3A_3 {add = true} : memref<10000xf32, #tpu.memory_space<vmem>>[vector<16xi32>], vector<16xf32>,
      %get3A_194 = arith.constant 176 : index
      %get3A_195 = tpu.vector_load %arg7[%get3A_194] {strides = array<i32>} : memref<400xi32, #tpu.memory_space<vmem>>, vector<16xi32>,
      tpu.vector_store_idx %arg15[%get3A_195], %broadcast_in_dim3A_3 {add = true} : memref<10000xf32, #tpu.memory_space<vmem>>[vector<16xi32>], vector<16xf32>,
      %get3A_196 = arith.constant 176 : index
      %get3A_197 = tpu.vector_load %arg9[%get3A_196] {strides = array<i32>} : memref<400xi32, #tpu.memory_space<vmem>>, vector<16xi32>,
      tpu.vector_store_idx %arg16[%get3A_197], %broadcast_in_dim3A_3 {add = true} : memref<10000xf32, #tpu.memory_space<vmem>>[vector<16xi32>], vector<16xf32>,
      %get3A_198 = arith.constant 192 : index
      %get3A_199 = tpu.vector_load %arg7[%get3A_198] {strides = array<i32>} : memref<400xi32, #tpu.memory_space<vmem>>, vector<16xi32>,
      tpu.vector_store_idx %arg15[%get3A_199], %broadcast_in_dim3A_3 {add = true} : memref<10000xf32, #tpu.memory_space<vmem>>[vector<16xi32>], vector<16xf32>,
      %get3A_200 = arith.constant 192 : index
      %get3A_201 = tpu.vector_load %arg9[%get3A_200] {strides = array<i32>} : memref<400xi32, #tpu.memory_space<vmem>>, vector<16xi32>,
      tpu.vector_store_idx %arg16[%get3A_201], %broadcast_in_dim3A_3 {add = true} : memref<10000xf32, #tpu.memory_space<vmem>>[vector<16xi32>], vector<16xf32>,
      %get3A_202 = arith.constant 208 : index
      %get3A_203 = tpu.vector_load %arg7[%get3A_202] {strides = array<i32>} : memref<400xi32, #tpu.memory_space<vmem>>, vector<16xi32>,
      tpu.vector_store_idx %arg15[%get3A_203], %broadcast_in_dim3A_3 {add = true} : memref<10000xf32, #tpu.memory_space<vmem>>[vector<16xi32>], vector<16xf32>,
      %get3A_204 = arith.constant 208 : index
      %get3A_205 = tpu.vector_load %arg9[%get3A_204] {strides = array<i32>} : memref<400xi32, #tpu.memory_space<vmem>>, vector<16xi32>,
      tpu.vector_store_idx %arg16[%get3A_205], %broadcast_in_dim3A_3 {add = true} : memref<10000xf32, #tpu.memory_space<vmem>>[vector<16xi32>], vector<16xf32>,
      %get3A_206 = arith.constant 224 : index
      %get3A_207 = tpu.vector_load %arg7[%get3A_206] {strides = array<i32>} : memref<400xi32, #tpu.memory_space<vmem>>, vector<16xi32>,
      tpu.vector_store_idx %arg15[%get3A_207], %broadcast_in_dim3A_3 {add = true} : memref<10000xf32, #tpu.memory_space<vmem>>[vector<16xi32>], vector<16xf32>,
      %get3A_208 = arith.constant 224 : index
      %get3A_209 = tpu.vector_load %arg9[%get3A_208] {strides = array<i32>} : memref<400xi32, #tpu.memory_space<vmem>>, vector<16xi32>,
      tpu.vector_store_idx %arg16[%get3A_209], %broadcast_in_dim3A_3 {add = true} : memref<10000xf32, #tpu.memory_space<vmem>>[vector<16xi32>], vector<16xf32>,
      %get3A_210 = arith.constant 240 : index
      %get3A_211 = tpu.vector_load %arg7[%get3A_210] {strides = array<i32>} : memref<400xi32, #tpu.memory_space<vmem>>, vector<16xi32>,
      tpu.vector_store_idx %arg15[%get3A_211], %broadcast_in_dim3A_3 {add = true} : memref<10000xf32, #tpu.memory_space<vmem>>[vector<16xi32>], vector<16xf32>,
      %get3A_212 = arith.constant 240 : index
      %get3A_213 = tpu.vector_load %arg9[%get3A_212] {strides = array<i32>} : memref<400xi32, #tpu.memory_space<vmem>>, vector<16xi32>,
      tpu.vector_store_idx %arg16[%get3A_213], %broadcast_in_dim3A_3 {add = true} : memref<10000xf32, #tpu.memory_space<vmem>>[vector<16xi32>], vector<16xf32>,
      %get3A_214 = arith.constant 256 : index
      %get3A_215 = tpu.vector_load %arg7[%get3A_214] {strides = array<i32>} : memref<400xi32, #tpu.memory_space<vmem>>, vector<16xi32>,
      tpu.vector_store_idx %arg15[%get3A_215], %broadcast_in_dim3A_3 {add = true} : memref<10000xf32, #tpu.memory_space<vmem>>[vector<16xi32>], vector<16xf32>,
      %get3A_216 = arith.constant 256 : index
      %get3A_217 = tpu.vector_load %arg9[%get3A_216] {strides = array<i32>} : memref<400xi32, #tpu.memory_space<vmem>>, vector<16xi32>,
      tpu.vector_store_idx %arg16[%get3A_217], %broadcast_in_dim3A_3 {add = true} : memref<10000xf32, #tpu.memory_space<vmem>>[vector<16xi32>], vector<16xf32>,
      %get3A_218 = arith.constant 272 : index
      %get3A_219 = tpu.vector_load %arg7[%get3A_218] {strides = array<i32>} : memref<400xi32, #tpu.memory_space<vmem>>, vector<16xi32>,
      tpu.vector_store_idx %arg15[%get3A_219], %broadcast_in_dim3A_3 {add = true} : memref<10000xf32, #tpu.memory_space<vmem>>[vector<16xi32>], vector<16xf32>,
      %get3A_220 = arith.constant 272 : index
      %get3A_221 = tpu.vector_load %arg9[%get3A_220] {strides = array<i32>} : memref<400xi32, #tpu.memory_space<vmem>>, vector<16xi32>,
      tpu.vector_store_idx %arg16[%get3A_221], %broadcast_in_dim3A_3 {add = true} : memref<10000xf32, #tpu.memory_space<vmem>>[vector<16xi32>], vector<16xf32>,
      %get3A_222 = arith.constant 288 : index
      %get3A_223 = tpu.vector_load %arg7[%get3A_222] {strides = array<i32>} : memref<400xi32, #tpu.memory_space<vmem>>, vector<16xi32>,
      tpu.vector_store_idx %arg15[%get3A_223], %broadcast_in_dim3A_3 {add = true} : memref<10000xf32, #tpu.memory_space<vmem>>[vector<16xi32>], vector<16xf32>,
      %get3A_224 = arith.constant 288 : index
      %get3A_225 = tpu.vector_load %arg9[%get3A_224] {strides = array<i32>} : memref<400xi32, #tpu.memory_space<vmem>>, vector<16xi32>,
      tpu.vector_store_idx %arg16[%get3A_225], %broadcast_in_dim3A_3 {add = true} : memref<10000xf32, #tpu.memory_space<vmem>>[vector<16xi32>], vector<16xf32>,
      %get3A_226 = arith.constant 304 : index
      %get3A_227 = tpu.vector_load %arg7[%get3A_226] {strides = array<i32>} : memref<400xi32, #tpu.memory_space<vmem>>, vector<16xi32>,
      tpu.vector_store_idx %arg15[%get3A_227], %broadcast_in_dim3A_3 {add = true} : memref<10000xf32, #tpu.memory_space<vmem>>[vector<16xi32>], vector<16xf32>,
      %get3A_228 = arith.constant 304 : index
      %get3A_229 = tpu.vector_load %arg9[%get3A_228] {strides = array<i32>} : memref<400xi32, #tpu.memory_space<vmem>>, vector<16xi32>,
      tpu.vector_store_idx %arg16[%get3A_229], %broadcast_in_dim3A_3 {add = true} : memref<10000xf32, #tpu.memory_space<vmem>>[vector<16xi32>], vector<16xf32>,
      %get3A_230 = arith.constant 320 : index
      %get3A_231 = tpu.vector_load %arg7[%get3A_230] {strides = array<i32>} : memref<400xi32, #tpu.memory_space<vmem>>, vector<16xi32>,
      tpu.vector_store_idx %arg15[%get3A_231], %broadcast_in_dim3A_3 {add = true} : memref<10000xf32, #tpu.memory_space<vmem>>[vector<16xi32>], vector<16xf32>,
      %get3A_232 = arith.constant 320 : index
      %get3A_233 = tpu.vector_load %arg9[%get3A_232] {strides = array<i32>} : memref<400xi32, #tpu.memory_space<vmem>>, vector<16xi32>,
      tpu.vector_store_idx %arg16[%get3A_233], %broadcast_in_dim3A_3 {add = true} : memref<10000xf32, #tpu.memory_space<vmem>>[vector<16xi32>], vector<16xf32>,
      %get3A_234 = arith.constant 336 : index
      %get3A_235 = tpu.vector_load %arg7[%get3A_234] {strides = array<i32>} : memref<400xi32, #tpu.memory_space<vmem>>, vector<16xi32>,
      tpu.vector_store_idx %arg15[%get3A_235], %broadcast_in_dim3A_3 {add = true} : memref<10000xf32, #tpu.memory_space<vmem>>[vector<16xi32>], vector<16xf32>,
      %get3A_236 = arith.constant 336 : index
      %get3A_237 = tpu.vector_load %arg9[%get3A_236] {strides = array<i32>} : memref<400xi32, #tpu.memory_space<vmem>>, vector<16xi32>,
      tpu.vector_store_idx %arg16[%get3A_237], %broadcast_in_dim3A_3 {add = true} : memref<10000xf32, #tpu.memory_space<vmem>>[vector<16xi32>], vector<16xf32>,
      %get3A_238 = arith.constant 352 : index
      %get3A_239 = tpu.vector_load %arg7[%get3A_238] {strides = array<i32>} : memref<400xi32, #tpu.memory_space<vmem>>, vector<16xi32>,
      tpu.vector_store_idx %arg15[%get3A_239], %broadcast_in_dim3A_3 {add = true} : memref<10000xf32, #tpu.memory_space<vmem>>[vector<16xi32>], vector<16xf32>,
      %get3A_240 = arith.constant 352 : index
      %get3A_241 = tpu.vector_load %arg9[%get3A_240] {strides = array<i32>} : memref<400xi32, #tpu.memory_space<vmem>>, vector<16xi32>,
      tpu.vector_store_idx %arg16[%get3A_241], %broadcast_in_dim3A_3 {add = true} : memref<10000xf32, #tpu.memory_space<vmem>>[vector<16xi32>], vector<16xf32>,
      %get3A_242 = arith.constant 368 : index
      %get3A_243 = tpu.vector_load %arg7[%get3A_242] {strides = array<i32>} : memref<400xi32, #tpu.memory_space<vmem>>, vector<16xi32>,
      tpu.vector_store_idx %arg15[%get3A_243], %broadcast_in_dim3A_3 {add = true} : memref<10000xf32, #tpu.memory_space<vmem>>[vector<16xi32>], vector<16xf32>,
      %get3A_244 = arith.constant 368 : index
      %get3A_245 = tpu.vector_load %arg9[%get3A_244] {strides = array<i32>} : memref<400xi32, #tpu.memory_space<vmem>>, vector<16xi32>,
      tpu.vector_store_idx %arg16[%get3A_245], %broadcast_in_dim3A_3 {add = true} : memref<10000xf32, #tpu.memory_space<vmem>>[vector<16xi32>], vector<16xf32>,
      %get3A_246 = arith.constant 384 : index
      %get3A_247 = tpu.vector_load %arg7[%get3A_246] {strides = array<i32>} : memref<400xi32, #tpu.memory_space<vmem>>, vector<16xi32>,
      tpu.vector_store_idx %arg15[%get3A_247], %broadcast_in_dim3A_3 {add = true} : memref<10000xf32, #tpu.memory_space<vmem>>[vector<16xi32>], vector<16xf32>,
      %get3A_248 = arith.constant 384 : index
      %get3A_249 = tpu.vector_load %arg9[%get3A_248] {strides = array<i32>} : memref<400xi32, #tpu.memory_space<vmem>>, vector<16xi32>,
      tpu.vector_store_idx %arg16[%get3A_249], %broadcast_in_dim3A_3 {add = true} : memref<10000xf32, #tpu.memory_space<vmem>>[vector<16xi32>], vector<16xf32>,
      %mul3A_250 = arith.constant 2 : i32
      %mul3A_251 = arith.muli %add3A_127, %mul3A_250 : i32
      %add3A_252 = arith.constant 1 : i32
      %add3A_253 = arith.addi %mul3A_251, %add3A_252 : i32
      %dma_wait3A_254 = arith.constant 0 : i32
      %dma_wait3A_255 = tpu.memref_slice %arg2[%dma_wait3A_254] : memref<320000xi32, #tpu.memory_space<hbm>> -> memref<400xi32, #tpu.memory_space<hbm>>
      %dma_wait3A_256 = arith.constant 0 : i32
      %dma_wait3A_257 = tpu.memref_slice %arg2[%dma_wait3A_256] : memref<320000xi32, #tpu.memory_space<hbm>> -> memref<400xi32, #tpu.memory_space<hbm>>
      tpu.wait_dma2 semaphore(%arg12 : memref<!tpu.dma_semaphore, #tpu.memory_space<semaphore_mem>>) src(%dma_wait3A_257 : memref<400xi32, #tpu.memory_space<hbm>>) dst(%arg8 : memref<400xi32, #tpu.memory_space<vmem>>)
      %dma_wait3A_258 = arith.constant 0 : i32
      %dma_wait3A_259 = tpu.memref_slice %arg3[%dma_wait3A_258] : memref<320000xi32, #tpu.memory_space<hbm>> -> memref<400xi32, #tpu.memory_space<hbm>>
      %dma_wait3A_260 = arith.constant 0 : i32
      %dma_wait3A_261 = tpu.memref_slice %arg3[%dma_wait3A_260] : memref<320000xi32, #tpu.memory_space<hbm>> -> memref<400xi32, #tpu.memory_space<hbm>>
      tpu.wait_dma2 semaphore(%arg14 : memref<!tpu.dma_semaphore, #tpu.memory_space<semaphore_mem>>) src(%dma_wait3A_261 : memref<400xi32, #tpu.memory_space<hbm>>) dst(%arg10 : memref<400xi32, #tpu.memory_space<vmem>>)
      %add3A_262 = arith.constant 1 : i32
      %add3A_263 = arith.addi %add3A_253, %add3A_262 : i32
      %mul3A_264 = arith.constant 400 : i32
      %mul3A_265 = arith.muli %add3A_263, %mul3A_264 : i32
      %add3A_266 = arith.addi %mul3A_2, %mul3A_265 : i32
      %multiple_of3A_267 = tpu.assume_multiple %add3A_266, 8 : i32
      %dma_start3A_268 = tpu.memref_slice %arg2[%multiple_of3A_267] : memref<320000xi32, #tpu.memory_space<hbm>> -> memref<400xi32, #tpu.memory_space<hbm>>
      %dma_start3A_269 = tpu.memref_slice %arg2[%multiple_of3A_267] : memref<320000xi32, #tpu.memory_space<hbm>> -> memref<400xi32, #tpu.memory_space<hbm>>
      tpu.enqueue_dma source(%dma_start3A_269 : memref<400xi32, #tpu.memory_space<hbm>>) target(%arg7 : memref<400xi32, #tpu.memory_space<vmem>>) target_semaphore(%arg11 : memref<!tpu.dma_semaphore, #tpu.memory_space<semaphore_mem>>)
      %dma_start3A_270 = tpu.memref_slice %arg3[%multiple_of3A_267] : memref<320000xi32, #tpu.memory_space<hbm>> -> memref<400xi32, #tpu.memory_space<hbm>>
      %dma_start3A_271 = tpu.memref_slice %arg3[%multiple_of3A_267] : memref<320000xi32, #tpu.memory_space<hbm>> -> memref<400xi32, #tpu.memory_space<hbm>>
      tpu.enqueue_dma source(%dma_start3A_271 : memref<400xi32, #tpu.memory_space<hbm>>) target(%arg9 : memref<400xi32, #tpu.memory_space<vmem>>) target_semaphore(%arg13 : memref<!tpu.dma_semaphore, #tpu.memory_space<semaphore_mem>>)
      %get3A_272 = arith.constant 0 : index
      %get3A_273 = tpu.vector_load %arg8[%get3A_272] {strides = array<i32>} : memref<400xi32, #tpu.memory_space<vmem>>, vector<16xi32>,
      tpu.vector_store_idx %arg15[%get3A_273], %broadcast_in_dim3A_3 {add = true} : memref<10000xf32, #tpu.memory_space<vmem>>[vector<16xi32>], vector<16xf32>,
      %get3A_274 = arith.constant 0 : index
      %get3A_275 = tpu.vector_load %arg10[%get3A_274] {strides = array<i32>} : memref<400xi32, #tpu.memory_space<vmem>>, vector<16xi32>,
      tpu.vector_store_idx %arg16[%get3A_275], %broadcast_in_dim3A_3 {add = true} : memref<10000xf32, #tpu.memory_space<vmem>>[vector<16xi32>], vector<16xf32>,
      %get3A_276 = arith.constant 16 : index
      %get3A_277 = tpu.vector_load %arg8[%get3A_276] {strides = array<i32>} : memref<400xi32, #tpu.memory_space<vmem>>, vector<16xi32>,
      tpu.vector_store_idx %arg15[%get3A_277], %broadcast_in_dim3A_3 {add = true} : memref<10000xf32, #tpu.memory_space<vmem>>[vector<16xi32>], vector<16xf32>,
      %get3A_278 = arith.constant 16 : index
      %get3A_279 = tpu.vector_load %arg10[%get3A_278] {strides = array<i32>} : memref<400xi32, #tpu.memory_space<vmem>>, vector<16xi32>,
      tpu.vector_store_idx %arg16[%get3A_279], %broadcast_in_dim3A_3 {add = true} : memref<10000xf32, #tpu.memory_space<vmem>>[vector<16xi32>], vector<16xf32>,
      %get3A_280 = arith.constant 32 : index
      %get3A_281 = tpu.vector_load %arg8[%get3A_280] {strides = array<i32>} : memref<400xi32, #tpu.memory_space<vmem>>, vector<16xi32>,
      tpu.vector_store_idx %arg15[%get3A_281], %broadcast_in_dim3A_3 {add = true} : memref<10000xf32, #tpu.memory_space<vmem>>[vector<16xi32>], vector<16xf32>,
      %get3A_282 = arith.constant 32 : index
      %get3A_283 = tpu.vector_load %arg10[%get3A_282] {strides = array<i32>} : memref<400xi32, #tpu.memory_space<vmem>>, vector<16xi32>,
      tpu.vector_store_idx %arg16[%get3A_283], %broadcast_in_dim3A_3 {add = true} : memref<10000xf32, #tpu.memory_space<vmem>>[vector<16xi32>], vector<16xf32>,
      %get3A_284 = arith.constant 48 : index
      %get3A_285 = tpu.vector_load %arg8[%get3A_284] {strides = array<i32>} : memref<400xi32, #tpu.memory_space<vmem>>, vector<16xi32>,
      tpu.vector_store_idx %arg15[%get3A_285], %broadcast_in_dim3A_3 {add = true} : memref<10000xf32, #tpu.memory_space<vmem>>[vector<16xi32>], vector<16xf32>,
      %get3A_286 = arith.constant 48 : index
      %get3A_287 = tpu.vector_load %arg10[%get3A_286] {strides = array<i32>} : memref<400xi32, #tpu.memory_space<vmem>>, vector<16xi32>,
      tpu.vector_store_idx %arg16[%get3A_287], %broadcast_in_dim3A_3 {add = true} : memref<10000xf32, #tpu.memory_space<vmem>>[vector<16xi32>], vector<16xf32>,
      %get3A_288 = arith.constant 64 : index
      %get3A_289 = tpu.vector_load %arg8[%get3A_288] {strides = array<i32>} : memref<400xi32, #tpu.memory_space<vmem>>, vector<16xi32>,
      tpu.vector_store_idx %arg15[%get3A_289], %broadcast_in_dim3A_3 {add = true} : memref<10000xf32, #tpu.memory_space<vmem>>[vector<16xi32>], vector<16xf32>,
      %get3A_290 = arith.constant 64 : index
      %get3A_291 = tpu.vector_load %arg10[%get3A_290] {strides = array<i32>} : memref<400xi32, #tpu.memory_space<vmem>>, vector<16xi32>,
      tpu.vector_store_idx %arg16[%get3A_291], %broadcast_in_dim3A_3 {add = true} : memref<10000xf32, #tpu.memory_space<vmem>>[vector<16xi32>], vector<16xf32>,
      %get3A_292 = arith.constant 80 : index
      %get3A_293 = tpu.vector_load %arg8[%get3A_292] {strides = array<i32>} : memref<400xi32, #tpu.memory_space<vmem>>, vector<16xi32>,
      tpu.vector_store_idx %arg15[%get3A_293], %broadcast_in_dim3A_3 {add = true} : memref<10000xf32, #tpu.memory_space<vmem>>[vector<16xi32>], vector<16xf32>,
      %get3A_294 = arith.constant 80 : index
      %get3A_295 = tpu.vector_load %arg10[%get3A_294] {strides = array<i32>} : memref<400xi32, #tpu.memory_space<vmem>>, vector<16xi32>,
      tpu.vector_store_idx %arg16[%get3A_295], %broadcast_in_dim3A_3 {add = true} : memref<10000xf32, #tpu.memory_space<vmem>>[vector<16xi32>], vector<16xf32>,
      %get3A_296 = arith.constant 96 : index
      %get3A_297 = tpu.vector_load %arg8[%get3A_296] {strides = array<i32>} : memref<400xi32, #tpu.memory_space<vmem>>, vector<16xi32>,
      tpu.vector_store_idx %arg15[%get3A_297], %broadcast_in_dim3A_3 {add = true} : memref<10000xf32, #tpu.memory_space<vmem>>[vector<16xi32>], vector<16xf32>,
      %get3A_298 = arith.constant 96 : index
      %get3A_299 = tpu.vector_load %arg10[%get3A_298] {strides = array<i32>} : memref<400xi32, #tpu.memory_space<vmem>>, vector<16xi32>,
      tpu.vector_store_idx %arg16[%get3A_299], %broadcast_in_dim3A_3 {add = true} : memref<10000xf32, #tpu.memory_space<vmem>>[vector<16xi32>], vector<16xf32>,
      %get3A_300 = arith.constant 112 : index
      %get3A_301 = tpu.vector_load %arg8[%get3A_300] {strides = array<i32>} : memref<400xi32, #tpu.memory_space<vmem>>, vector<16xi32>,
      tpu.vector_store_idx %arg15[%get3A_301], %broadcast_in_dim3A_3 {add = true} : memref<10000xf32, #tpu.memory_space<vmem>>[vector<16xi32>], vector<16xf32>,
      %get3A_302 = arith.constant 112 : index
      %get3A_303 = tpu.vector_load %arg10[%get3A_302] {strides = array<i32>} : memref<400xi32, #tpu.memory_space<vmem>>, vector<16xi32>,
      tpu.vector_store_idx %arg16[%get3A_303], %broadcast_in_dim3A_3 {add = true} : memref<10000xf32, #tpu.memory_space<vmem>>[vector<16xi32>], vector<16xf32>,
      %get3A_304 = arith.constant 128 : index
      %get3A_305 = tpu.vector_load %arg8[%get3A_304] {strides = array<i32>} : memref<400xi32, #tpu.memory_space<vmem>>, vector<16xi32>,
      tpu.vector_store_idx %arg15[%get3A_305], %broadcast_in_dim3A_3 {add = true} : memref<10000xf32, #tpu.memory_space<vmem>>[vector<16xi32>], vector<16xf32>,
      %get3A_306 = arith.constant 128 : index
      %get3A_307 = tpu.vector_load %arg10[%get3A_306] {strides = array<i32>} : memref<400xi32, #tpu.memory_space<vmem>>, vector<16xi32>,
      tpu.vector_store_idx %arg16[%get3A_307], %broadcast_in_dim3A_3 {add = true} : memref<10000xf32, #tpu.memory_space<vmem>>[vector<16xi32>], vector<16xf32>,
      %get3A_308 = arith.constant 144 : index
      %get3A_309 = tpu.vector_load %arg8[%get3A_308] {strides = array<i32>} : memref<400xi32, #tpu.memory_space<vmem>>, vector<16xi32>,
      tpu.vector_store_idx %arg15[%get3A_309], %broadcast_in_dim3A_3 {add = true} : memref<10000xf32, #tpu.memory_space<vmem>>[vector<16xi32>], vector<16xf32>,
      %get3A_310 = arith.constant 144 : index
      %get3A_311 = tpu.vector_load %arg10[%get3A_310] {strides = array<i32>} : memref<400xi32, #tpu.memory_space<vmem>>, vector<16xi32>,
      tpu.vector_store_idx %arg16[%get3A_311], %broadcast_in_dim3A_3 {add = true} : memref<10000xf32, #tpu.memory_space<vmem>>[vector<16xi32>], vector<16xf32>,
      %get3A_312 = arith.constant 160 : index
      %get3A_313 = tpu.vector_load %arg8[%get3A_312] {strides = array<i32>} : memref<400xi32, #tpu.memory_space<vmem>>, vector<16xi32>,
      tpu.vector_store_idx %arg15[%get3A_313], %broadcast_in_dim3A_3 {add = true} : memref<10000xf32, #tpu.memory_space<vmem>>[vector<16xi32>], vector<16xf32>,
      %get3A_314 = arith.constant 160 : index
      %get3A_315 = tpu.vector_load %arg10[%get3A_314] {strides = array<i32>} : memref<400xi32, #tpu.memory_space<vmem>>, vector<16xi32>,
      tpu.vector_store_idx %arg16[%get3A_315], %broadcast_in_dim3A_3 {add = true} : memref<10000xf32, #tpu.memory_space<vmem>>[vector<16xi32>], vector<16xf32>,
      %get3A_316 = arith.constant 176 : index
      %get3A_317 = tpu.vector_load %arg8[%get3A_316] {strides = array<i32>} : memref<400xi32, #tpu.memory_space<vmem>>, vector<16xi32>,
      tpu.vector_store_idx %arg15[%get3A_317], %broadcast_in_dim3A_3 {add = true} : memref<10000xf32, #tpu.memory_space<vmem>>[vector<16xi32>], vector<16xf32>,
      %get3A_318 = arith.constant 176 : index
      %get3A_319 = tpu.vector_load %arg10[%get3A_318] {strides = array<i32>} : memref<400xi32, #tpu.memory_space<vmem>>, vector<16xi32>,
      tpu.vector_store_idx %arg16[%get3A_319], %broadcast_in_dim3A_3 {add = true} : memref<10000xf32, #tpu.memory_space<vmem>>[vector<16xi32>], vector<16xf32>,
      %get3A_320 = arith.constant 192 : index
      %get3A_321 = tpu.vector_load %arg8[%get3A_320] {strides = array<i32>} : memref<400xi32, #tpu.memory_space<vmem>>, vector<16xi32>,
      tpu.vector_store_idx %arg15[%get3A_321], %broadcast_in_dim3A_3 {add = true} : memref<10000xf32, #tpu.memory_space<vmem>>[vector<16xi32>], vector<16xf32>,
      %get3A_322 = arith.constant 192 : index
      %get3A_323 = tpu.vector_load %arg10[%get3A_322] {strides = array<i32>} : memref<400xi32, #tpu.memory_space<vmem>>, vector<16xi32>,
      tpu.vector_store_idx %arg16[%get3A_323], %broadcast_in_dim3A_3 {add = true} : memref<10000xf32, #tpu.memory_space<vmem>>[vector<16xi32>], vector<16xf32>,
      %get3A_324 = arith.constant 208 : index
      %get3A_325 = tpu.vector_load %arg8[%get3A_324] {strides = array<i32>} : memref<400xi32, #tpu.memory_space<vmem>>, vector<16xi32>,
      tpu.vector_store_idx %arg15[%get3A_325], %broadcast_in_dim3A_3 {add = true} : memref<10000xf32, #tpu.memory_space<vmem>>[vector<16xi32>], vector<16xf32>,
      %get3A_326 = arith.constant 208 : index
      %get3A_327 = tpu.vector_load %arg10[%get3A_326] {strides = array<i32>} : memref<400xi32, #tpu.memory_space<vmem>>, vector<16xi32>,
      tpu.vector_store_idx %arg16[%get3A_327], %broadcast_in_dim3A_3 {add = true} : memref<10000xf32, #tpu.memory_space<vmem>>[vector<16xi32>], vector<16xf32>,
      %get3A_328 = arith.constant 224 : index
      %get3A_329 = tpu.vector_load %arg8[%get3A_328] {strides = array<i32>} : memref<400xi32, #tpu.memory_space<vmem>>, vector<16xi32>,
      tpu.vector_store_idx %arg15[%get3A_329], %broadcast_in_dim3A_3 {add = true} : memref<10000xf32, #tpu.memory_space<vmem>>[vector<16xi32>], vector<16xf32>,
      %get3A_330 = arith.constant 224 : index
      %get3A_331 = tpu.vector_load %arg10[%get3A_330] {strides = array<i32>} : memref<400xi32, #tpu.memory_space<vmem>>, vector<16xi32>,
      tpu.vector_store_idx %arg16[%get3A_331], %broadcast_in_dim3A_3 {add = true} : memref<10000xf32, #tpu.memory_space<vmem>>[vector<16xi32>], vector<16xf32>,
      %get3A_332 = arith.constant 240 : index
      %get3A_333 = tpu.vector_load %arg8[%get3A_332] {strides = array<i32>} : memref<400xi32, #tpu.memory_space<vmem>>, vector<16xi32>,
      tpu.vector_store_idx %arg15[%get3A_333], %broadcast_in_dim3A_3 {add = true} : memref<10000xf32, #tpu.memory_space<vmem>>[vector<16xi32>], vector<16xf32>,
      %get3A_334 = arith.constant 240 : index
      %get3A_335 = tpu.vector_load %arg10[%get3A_334] {strides = array<i32>} : memref<400xi32, #tpu.memory_space<vmem>>, vector<16xi32>,
      tpu.vector_store_idx %arg16[%get3A_335], %broadcast_in_dim3A_3 {add = true} : memref<10000xf32, #tpu.memory_space<vmem>>[vector<16xi32>], vector<16xf32>,
      %get3A_336 = arith.constant 256 : index
      %get3A_337 = tpu.vector_load %arg8[%get3A_336] {strides = array<i32>} : memref<400xi32, #tpu.memory_space<vmem>>, vector<16xi32>,
      tpu.vector_store_idx %arg15[%get3A_337], %broadcast_in_dim3A_3 {add = true} : memref<10000xf32, #tpu.memory_space<vmem>>[vector<16xi32>], vector<16xf32>,
      %get3A_338 = arith.constant 256 : index
      %get3A_339 = tpu.vector_load %arg10[%get3A_338] {strides = array<i32>} : memref<400xi32, #tpu.memory_space<vmem>>, vector<16xi32>,
      tpu.vector_store_idx %arg16[%get3A_339], %broadcast_in_dim3A_3 {add = true} : memref<10000xf32, #tpu.memory_space<vmem>>[vector<16xi32>], vector<16xf32>,
      %get3A_340 = arith.constant 272 : index
      %get3A_341 = tpu.vector_load %arg8[%get3A_340] {strides = array<i32>} : memref<400xi32, #tpu.memory_space<vmem>>, vector<16xi32>,
      tpu.vector_store_idx %arg15[%get3A_341], %broadcast_in_dim3A_3 {add = true} : memref<10000xf32, #tpu.memory_space<vmem>>[vector<16xi32>], vector<16xf32>,
      %get3A_342 = arith.constant 272 : index
      %get3A_343 = tpu.vector_load %arg10[%get3A_342] {strides = array<i32>} : memref<400xi32, #tpu.memory_space<vmem>>, vector<16xi32>,
      tpu.vector_store_idx %arg16[%get3A_343], %broadcast_in_dim3A_3 {add = true} : memref<10000xf32, #tpu.memory_space<vmem>>[vector<16xi32>], vector<16xf32>,
      %get3A_344 = arith.constant 288 : index
      %get3A_345 = tpu.vector_load %arg8[%get3A_344] {strides = array<i32>} : memref<400xi32, #tpu.memory_space<vmem>>, vector<16xi32>,
      tpu.vector_store_idx %arg15[%get3A_345], %broadcast_in_dim3A_3 {add = true} : memref<10000xf32, #tpu.memory_space<vmem>>[vector<16xi32>], vector<16xf32>,
      %get3A_346 = arith.constant 288 : index
      %get3A_347 = tpu.vector_load %arg10[%get3A_346] {strides = array<i32>} : memref<400xi32, #tpu.memory_space<vmem>>, vector<16xi32>,
      tpu.vector_store_idx %arg16[%get3A_347], %broadcast_in_dim3A_3 {add = true} : memref<10000xf32, #tpu.memory_space<vmem>>[vector<16xi32>], vector<16xf32>,
      %get3A_348 = arith.constant 304 : index
      %get3A_349 = tpu.vector_load %arg8[%get3A_348] {strides = array<i32>} : memref<400xi32, #tpu.memory_space<vmem>>, vector<16xi32>,
      tpu.vector_store_idx %arg15[%get3A_349], %broadcast_in_dim3A_3 {add = true} : memref<10000xf32, #tpu.memory_space<vmem>>[vector<16xi32>], vector<16xf32>,
      %get3A_350 = arith.constant 304 : index
      %get3A_351 = tpu.vector_load %arg10[%get3A_350] {strides = array<i32>} : memref<400xi32, #tpu.memory_space<vmem>>, vector<16xi32>,
      tpu.vector_store_idx %arg16[%get3A_351], %broadcast_in_dim3A_3 {add = true} : memref<10000xf32, #tpu.memory_space<vmem>>[vector<16xi32>], vector<16xf32>,
      %get3A_352 = arith.constant 320 : index
      %get3A_353 = tpu.vector_load %arg8[%get3A_352] {strides = array<i32>} : memref<400xi32, #tpu.memory_space<vmem>>, vector<16xi32>,
      tpu.vector_store_idx %arg15[%get3A_353], %broadcast_in_dim3A_3 {add = true} : memref<10000xf32, #tpu.memory_space<vmem>>[vector<16xi32>], vector<16xf32>,
      %get3A_354 = arith.constant 320 : index
      %get3A_355 = tpu.vector_load %arg10[%get3A_354] {strides = array<i32>} : memref<400xi32, #tpu.memory_space<vmem>>, vector<16xi32>,
      tpu.vector_store_idx %arg16[%get3A_355], %broadcast_in_dim3A_3 {add = true} : memref<10000xf32, #tpu.memory_space<vmem>>[vector<16xi32>], vector<16xf32>,
      %get3A_356 = arith.constant 336 : index
      %get3A_357 = tpu.vector_load %arg8[%get3A_356] {strides = array<i32>} : memref<400xi32, #tpu.memory_space<vmem>>, vector<16xi32>,
      tpu.vector_store_idx %arg15[%get3A_357], %broadcast_in_dim3A_3 {add = true} : memref<10000xf32, #tpu.memory_space<vmem>>[vector<16xi32>], vector<16xf32>,
      %get3A_358 = arith.constant 336 : index
      %get3A_359 = tpu.vector_load %arg10[%get3A_358] {strides = array<i32>} : memref<400xi32, #tpu.memory_space<vmem>>, vector<16xi32>,
      tpu.vector_store_idx %arg16[%get3A_359], %broadcast_in_dim3A_3 {add = true} : memref<10000xf32, #tpu.memory_space<vmem>>[vector<16xi32>], vector<16xf32>,
      %get3A_360 = arith.constant 352 : index
      %get3A_361 = tpu.vector_load %arg8[%get3A_360] {strides = array<i32>} : memref<400xi32, #tpu.memory_space<vmem>>, vector<16xi32>,
      tpu.vector_store_idx %arg15[%get3A_361], %broadcast_in_dim3A_3 {add = true} : memref<10000xf32, #tpu.memory_space<vmem>>[vector<16xi32>], vector<16xf32>,
      %get3A_362 = arith.constant 352 : index
      %get3A_363 = tpu.vector_load %arg10[%get3A_362] {strides = array<i32>} : memref<400xi32, #tpu.memory_space<vmem>>, vector<16xi32>,
      tpu.vector_store_idx %arg16[%get3A_363], %broadcast_in_dim3A_3 {add = true} : memref<10000xf32, #tpu.memory_space<vmem>>[vector<16xi32>], vector<16xf32>,
      %get3A_364 = arith.constant 368 : index
      %get3A_365 = tpu.vector_load %arg8[%get3A_364] {strides = array<i32>} : memref<400xi32, #tpu.memory_space<vmem>>, vector<16xi32>,
      tpu.vector_store_idx %arg15[%get3A_365], %broadcast_in_dim3A_3 {add = true} : memref<10000xf32, #tpu.memory_space<vmem>>[vector<16xi32>], vector<16xf32>,
      %get3A_366 = arith.constant 368 : index
      %get3A_367 = tpu.vector_load %arg10[%get3A_366] {strides = array<i32>} : memref<400xi32, #tpu.memory_space<vmem>>, vector<16xi32>,
      tpu.vector_store_idx %arg16[%get3A_367], %broadcast_in_dim3A_3 {add = true} : memref<10000xf32, #tpu.memory_space<vmem>>[vector<16xi32>], vector<16xf32>,
      %get3A_368 = arith.constant 384 : index
      %get3A_369 = tpu.vector_load %arg8[%get3A_368] {strides = array<i32>} : memref<400xi32, #tpu.memory_space<vmem>>, vector<16xi32>,
      tpu.vector_store_idx %arg15[%get3A_369], %broadcast_in_dim3A_3 {add = true} : memref<10000xf32, #tpu.memory_space<vmem>>[vector<16xi32>], vector<16xf32>,
      %get3A_370 = arith.constant 384 : index
      %get3A_371 = tpu.vector_load %arg10[%get3A_370] {strides = array<i32>} : memref<400xi32, #tpu.memory_space<vmem>>, vector<16xi32>,
      tpu.vector_store_idx %arg16[%get3A_371], %broadcast_in_dim3A_3 {add = true} : memref<10000xf32, #tpu.memory_space<vmem>>[vector<16xi32>], vector<16xf32>,
    }
    %scan3A_12 = arith.constant 12 : i32
    %dma_wait3A = arith.constant 0 : i32
    %dma_wait3A_13 = tpu.memref_slice %arg2[%dma_wait3A] : memref<320000xi32, #tpu.memory_space<hbm>> -> memref<400xi32, #tpu.memory_space<hbm>>
    %dma_wait3A_14 = arith.constant 0 : i32
    %dma_wait3A_15 = tpu.memref_slice %arg2[%dma_wait3A_14] : memref<320000xi32, #tpu.memory_space<hbm>> -> memref<400xi32, #tpu.memory_space<hbm>>
    tpu.wait_dma2 semaphore(%arg11 : memref<!tpu.dma_semaphore, #tpu.memory_space<semaphore_mem>>) src(%dma_wait3A_15 : memref<400xi32, #tpu.memory_space<hbm>>) dst(%arg7 : memref<400xi32, #tpu.memory_space<vmem>>)
    %dma_wait3A_16 = arith.constant 0 : i32
    %dma_wait3A_17 = tpu.memref_slice %arg3[%dma_wait3A_16] : memref<320000xi32, #tpu.memory_space<hbm>> -> memref<400xi32, #tpu.memory_space<hbm>>
    %dma_wait3A_18 = arith.constant 0 : i32
    %dma_wait3A_19 = tpu.memref_slice %arg3[%dma_wait3A_18] : memref<320000xi32, #tpu.memory_space<hbm>> -> memref<400xi32, #tpu.memory_space<hbm>>
    tpu.wait_dma2 semaphore(%arg13 : memref<!tpu.dma_semaphore, #tpu.memory_space<semaphore_mem>>) src(%dma_wait3A_19 : memref<400xi32, #tpu.memory_space<hbm>>) dst(%arg9 : memref<400xi32, #tpu.memory_space<vmem>>)
    %get3A = arith.constant 0 : index
    %get3A_20 = tpu.vector_load %arg7[%get3A] {strides = array<i32>} : memref<400xi32, #tpu.memory_space<vmem>>, vector<16xi32>,
    tpu.vector_store_idx %arg15[%get3A_20], %broadcast_in_dim3A_3 {add = true} : memref<10000xf32, #tpu.memory_space<vmem>>[vector<16xi32>], vector<16xf32>,
    %get3A_21 = arith.constant 0 : index
    %get3A_22 = tpu.vector_load %arg9[%get3A_21] {strides = array<i32>} : memref<400xi32, #tpu.memory_space<vmem>>, vector<16xi32>,
    tpu.vector_store_idx %arg16[%get3A_22], %broadcast_in_dim3A_3 {add = true} : memref<10000xf32, #tpu.memory_space<vmem>>[vector<16xi32>], vector<16xf32>,
    %get3A_23 = arith.constant 16 : index
    %get3A_24 = tpu.vector_load %arg7[%get3A_23] {strides = array<i32>} : memref<400xi32, #tpu.memory_space<vmem>>, vector<16xi32>,
    tpu.vector_store_idx %arg15[%get3A_24], %broadcast_in_dim3A_3 {add = true} : memref<10000xf32, #tpu.memory_space<vmem>>[vector<16xi32>], vector<16xf32>,
    %get3A_25 = arith.constant 16 : index
    %get3A_26 = tpu.vector_load %arg9[%get3A_25] {strides = array<i32>} : memref<400xi32, #tpu.memory_space<vmem>>, vector<16xi32>,
    tpu.vector_store_idx %arg16[%get3A_26], %broadcast_in_dim3A_3 {add = true} : memref<10000xf32, #tpu.memory_space<vmem>>[vector<16xi32>], vector<16xf32>,
    %get3A_27 = arith.constant 32 : index
    %get3A_28 = tpu.vector_load %arg7[%get3A_27] {strides = array<i32>} : memref<400xi32, #tpu.memory_space<vmem>>, vector<16xi32>,
    tpu.vector_store_idx %arg15[%get3A_28], %broadcast_in_dim3A_3 {add = true} : memref<10000xf32, #tpu.memory_space<vmem>>[vector<16xi32>], vector<16xf32>,
    %get3A_29 = arith.constant 32 : index
    %get3A_30 = tpu.vector_load %arg9[%get3A_29] {strides = array<i32>} : memref<400xi32, #tpu.memory_space<vmem>>, vector<16xi32>,
    tpu.vector_store_idx %arg16[%get3A_30], %broadcast_in_dim3A_3 {add = true} : memref<10000xf32, #tpu.memory_space<vmem>>[vector<16xi32>], vector<16xf32>,
    %get3A_31 = arith.constant 48 : index
    %get3A_32 = tpu.vector_load %arg7[%get3A_31] {strides = array<i32>} : memref<400xi32, #tpu.memory_space<vmem>>, vector<16xi32>,
    tpu.vector_store_idx %arg15[%get3A_32], %broadcast_in_dim3A_3 {add = true} : memref<10000xf32, #tpu.memory_space<vmem>>[vector<16xi32>], vector<16xf32>,
    %get3A_33 = arith.constant 48 : index
    %get3A_34 = tpu.vector_load %arg9[%get3A_33] {strides = array<i32>} : memref<400xi32, #tpu.memory_space<vmem>>, vector<16xi32>,
    tpu.vector_store_idx %arg16[%get3A_34], %broadcast_in_dim3A_3 {add = true} : memref<10000xf32, #tpu.memory_space<vmem>>[vector<16xi32>], vector<16xf32>,
    %get3A_35 = arith.constant 64 : index
    %get3A_36 = tpu.vector_load %arg7[%get3A_35] {strides = array<i32>} : memref<400xi32, #tpu.memory_space<vmem>>, vector<16xi32>,
    tpu.vector_store_idx %arg15[%get3A_36], %broadcast_in_dim3A_3 {add = true} : memref<10000xf32, #tpu.memory_space<vmem>>[vector<16xi32>], vector<16xf32>,
    %get3A_37 = arith.constant 64 : index
    %get3A_38 = tpu.vector_load %arg9[%get3A_37] {strides = array<i32>} : memref<400xi32, #tpu.memory_space<vmem>>, vector<16xi32>,
    tpu.vector_store_idx %arg16[%get3A_38], %broadcast_in_dim3A_3 {add = true} : memref<10000xf32, #tpu.memory_space<vmem>>[vector<16xi32>], vector<16xf32>,
    %get3A_39 = arith.constant 80 : index
    %get3A_40 = tpu.vector_load %arg7[%get3A_39] {strides = array<i32>} : memref<400xi32, #tpu.memory_space<vmem>>, vector<16xi32>,
    tpu.vector_store_idx %arg15[%get3A_40], %broadcast_in_dim3A_3 {add = true} : memref<10000xf32, #tpu.memory_space<vmem>>[vector<16xi32>], vector<16xf32>,
    %get3A_41 = arith.constant 80 : index
    %get3A_42 = tpu.vector_load %arg9[%get3A_41] {strides = array<i32>} : memref<400xi32, #tpu.memory_space<vmem>>, vector<16xi32>,
    tpu.vector_store_idx %arg16[%get3A_42], %broadcast_in_dim3A_3 {add = true} : memref<10000xf32, #tpu.memory_space<vmem>>[vector<16xi32>], vector<16xf32>,
    %get3A_43 = arith.constant 96 : index
    %get3A_44 = tpu.vector_load %arg7[%get3A_43] {strides = array<i32>} : memref<400xi32, #tpu.memory_space<vmem>>, vector<16xi32>,
    tpu.vector_store_idx %arg15[%get3A_44], %broadcast_in_dim3A_3 {add = true} : memref<10000xf32, #tpu.memory_space<vmem>>[vector<16xi32>], vector<16xf32>,
    %get3A_45 = arith.constant 96 : index
    %get3A_46 = tpu.vector_load %arg9[%get3A_45] {strides = array<i32>} : memref<400xi32, #tpu.memory_space<vmem>>, vector<16xi32>,
    tpu.vector_store_idx %arg16[%get3A_46], %broadcast_in_dim3A_3 {add = true} : memref<10000xf32, #tpu.memory_space<vmem>>[vector<16xi32>], vector<16xf32>,
    %get3A_47 = arith.constant 112 : index
    %get3A_48 = tpu.vector_load %arg7[%get3A_47] {strides = array<i32>} : memref<400xi32, #tpu.memory_space<vmem>>, vector<16xi32>,
    tpu.vector_store_idx %arg15[%get3A_48], %broadcast_in_dim3A_3 {add = true} : memref<10000xf32, #tpu.memory_space<vmem>>[vector<16xi32>], vector<16xf32>,
    %get3A_49 = arith.constant 112 : index
    %get3A_50 = tpu.vector_load %arg9[%get3A_49] {strides = array<i32>} : memref<400xi32, #tpu.memory_space<vmem>>, vector<16xi32>,
    tpu.vector_store_idx %arg16[%get3A_50], %broadcast_in_dim3A_3 {add = true} : memref<10000xf32, #tpu.memory_space<vmem>>[vector<16xi32>], vector<16xf32>,
    %get3A_51 = arith.constant 128 : index
    %get3A_52 = tpu.vector_load %arg7[%get3A_51] {strides = array<i32>} : memref<400xi32, #tpu.memory_space<vmem>>, vector<16xi32>,
    tpu.vector_store_idx %arg15[%get3A_52], %broadcast_in_dim3A_3 {add = true} : memref<10000xf32, #tpu.memory_space<vmem>>[vector<16xi32>], vector<16xf32>,
    %get3A_53 = arith.constant 128 : index
    %get3A_54 = tpu.vector_load %arg9[%get3A_53] {strides = array<i32>} : memref<400xi32, #tpu.memory_space<vmem>>, vector<16xi32>,
    tpu.vector_store_idx %arg16[%get3A_54], %broadcast_in_dim3A_3 {add = true} : memref<10000xf32, #tpu.memory_space<vmem>>[vector<16xi32>], vector<16xf32>,
    %get3A_55 = arith.constant 144 : index
    %get3A_56 = tpu.vector_load %arg7[%get3A_55] {strides = array<i32>} : memref<400xi32, #tpu.memory_space<vmem>>, vector<16xi32>,
    tpu.vector_store_idx %arg15[%get3A_56], %broadcast_in_dim3A_3 {add = true} : memref<10000xf32, #tpu.memory_space<vmem>>[vector<16xi32>], vector<16xf32>,
    %get3A_57 = arith.constant 144 : index
    %get3A_58 = tpu.vector_load %arg9[%get3A_57] {strides = array<i32>} : memref<400xi32, #tpu.memory_space<vmem>>, vector<16xi32>,
    tpu.vector_store_idx %arg16[%get3A_58], %broadcast_in_dim3A_3 {add = true} : memref<10000xf32, #tpu.memory_space<vmem>>[vector<16xi32>], vector<16xf32>,
    %get3A_59 = arith.constant 160 : index
    %get3A_60 = tpu.vector_load %arg7[%get3A_59] {strides = array<i32>} : memref<400xi32, #tpu.memory_space<vmem>>, vector<16xi32>,
    tpu.vector_store_idx %arg15[%get3A_60], %broadcast_in_dim3A_3 {add = true} : memref<10000xf32, #tpu.memory_space<vmem>>[vector<16xi32>], vector<16xf32>,
    %get3A_61 = arith.constant 160 : index
    %get3A_62 = tpu.vector_load %arg9[%get3A_61] {strides = array<i32>} : memref<400xi32, #tpu.memory_space<vmem>>, vector<16xi32>,
    tpu.vector_store_idx %arg16[%get3A_62], %broadcast_in_dim3A_3 {add = true} : memref<10000xf32, #tpu.memory_space<vmem>>[vector<16xi32>], vector<16xf32>,
    %get3A_63 = arith.constant 176 : index
    %get3A_64 = tpu.vector_load %arg7[%get3A_63] {strides = array<i32>} : memref<400xi32, #tpu.memory_space<vmem>>, vector<16xi32>,
    tpu.vector_store_idx %arg15[%get3A_64], %broadcast_in_dim3A_3 {add = true} : memref<10000xf32, #tpu.memory_space<vmem>>[vector<16xi32>], vector<16xf32>,
    %get3A_65 = arith.constant 176 : index
    %get3A_66 = tpu.vector_load %arg9[%get3A_65] {strides = array<i32>} : memref<400xi32, #tpu.memory_space<vmem>>, vector<16xi32>,
    tpu.vector_store_idx %arg16[%get3A_66], %broadcast_in_dim3A_3 {add = true} : memref<10000xf32, #tpu.memory_space<vmem>>[vector<16xi32>], vector<16xf32>,
    %get3A_67 = arith.constant 192 : index
    %get3A_68 = tpu.vector_load %arg7[%get3A_67] {strides = array<i32>} : memref<400xi32, #tpu.memory_space<vmem>>, vector<16xi32>,
    tpu.vector_store_idx %arg15[%get3A_68], %broadcast_in_dim3A_3 {add = true} : memref<10000xf32, #tpu.memory_space<vmem>>[vector<16xi32>], vector<16xf32>,
    %get3A_69 = arith.constant 192 : index
    %get3A_70 = tpu.vector_load %arg9[%get3A_69] {strides = array<i32>} : memref<400xi32, #tpu.memory_space<vmem>>, vector<16xi32>,
    tpu.vector_store_idx %arg16[%get3A_70], %broadcast_in_dim3A_3 {add = true} : memref<10000xf32, #tpu.memory_space<vmem>>[vector<16xi32>], vector<16xf32>,
    %get3A_71 = arith.constant 208 : index
    %get3A_72 = tpu.vector_load %arg7[%get3A_71] {strides = array<i32>} : memref<400xi32, #tpu.memory_space<vmem>>, vector<16xi32>,
    tpu.vector_store_idx %arg15[%get3A_72], %broadcast_in_dim3A_3 {add = true} : memref<10000xf32, #tpu.memory_space<vmem>>[vector<16xi32>], vector<16xf32>,
    %get3A_73 = arith.constant 208 : index
    %get3A_74 = tpu.vector_load %arg9[%get3A_73] {strides = array<i32>} : memref<400xi32, #tpu.memory_space<vmem>>, vector<16xi32>,
    tpu.vector_store_idx %arg16[%get3A_74], %broadcast_in_dim3A_3 {add = true} : memref<10000xf32, #tpu.memory_space<vmem>>[vector<16xi32>], vector<16xf32>,
    %get3A_75 = arith.constant 224 : index
    %get3A_76 = tpu.vector_load %arg7[%get3A_75] {strides = array<i32>} : memref<400xi32, #tpu.memory_space<vmem>>, vector<16xi32>,
    tpu.vector_store_idx %arg15[%get3A_76], %broadcast_in_dim3A_3 {add = true} : memref<10000xf32, #tpu.memory_space<vmem>>[vector<16xi32>], vector<16xf32>,
    %get3A_77 = arith.constant 224 : index
    %get3A_78 = tpu.vector_load %arg9[%get3A_77] {strides = array<i32>} : memref<400xi32, #tpu.memory_space<vmem>>, vector<16xi32>,
    tpu.vector_store_idx %arg16[%get3A_78], %broadcast_in_dim3A_3 {add = true} : memref<10000xf32, #tpu.memory_space<vmem>>[vector<16xi32>], vector<16xf32>,
    %get3A_79 = arith.constant 240 : index
    %get3A_80 = tpu.vector_load %arg7[%get3A_79] {strides = array<i32>} : memref<400xi32, #tpu.memory_space<vmem>>, vector<16xi32>,
    tpu.vector_store_idx %arg15[%get3A_80], %broadcast_in_dim3A_3 {add = true} : memref<10000xf32, #tpu.memory_space<vmem>>[vector<16xi32>], vector<16xf32>,
    %get3A_81 = arith.constant 240 : index
    %get3A_82 = tpu.vector_load %arg9[%get3A_81] {strides = array<i32>} : memref<400xi32, #tpu.memory_space<vmem>>, vector<16xi32>,
    tpu.vector_store_idx %arg16[%get3A_82], %broadcast_in_dim3A_3 {add = true} : memref<10000xf32, #tpu.memory_space<vmem>>[vector<16xi32>], vector<16xf32>,
    %get3A_83 = arith.constant 256 : index
    %get3A_84 = tpu.vector_load %arg7[%get3A_83] {strides = array<i32>} : memref<400xi32, #tpu.memory_space<vmem>>, vector<16xi32>,
    tpu.vector_store_idx %arg15[%get3A_84], %broadcast_in_dim3A_3 {add = true} : memref<10000xf32, #tpu.memory_space<vmem>>[vector<16xi32>], vector<16xf32>,
    %get3A_85 = arith.constant 256 : index
    %get3A_86 = tpu.vector_load %arg9[%get3A_85] {strides = array<i32>} : memref<400xi32, #tpu.memory_space<vmem>>, vector<16xi32>,
    tpu.vector_store_idx %arg16[%get3A_86], %broadcast_in_dim3A_3 {add = true} : memref<10000xf32, #tpu.memory_space<vmem>>[vector<16xi32>], vector<16xf32>,
    %get3A_87 = arith.constant 272 : index
    %get3A_88 = tpu.vector_load %arg7[%get3A_87] {strides = array<i32>} : memref<400xi32, #tpu.memory_space<vmem>>, vector<16xi32>,
    tpu.vector_store_idx %arg15[%get3A_88], %broadcast_in_dim3A_3 {add = true} : memref<10000xf32, #tpu.memory_space<vmem>>[vector<16xi32>], vector<16xf32>,
    %get3A_89 = arith.constant 272 : index
    %get3A_90 = tpu.vector_load %arg9[%get3A_89] {strides = array<i32>} : memref<400xi32, #tpu.memory_space<vmem>>, vector<16xi32>,
    tpu.vector_store_idx %arg16[%get3A_90], %broadcast_in_dim3A_3 {add = true} : memref<10000xf32, #tpu.memory_space<vmem>>[vector<16xi32>], vector<16xf32>,
    %get3A_91 = arith.constant 288 : index
    %get3A_92 = tpu.vector_load %arg7[%get3A_91] {strides = array<i32>} : memref<400xi32, #tpu.memory_space<vmem>>, vector<16xi32>,
    tpu.vector_store_idx %arg15[%get3A_92], %broadcast_in_dim3A_3 {add = true} : memref<10000xf32, #tpu.memory_space<vmem>>[vector<16xi32>], vector<16xf32>,
    %get3A_93 = arith.constant 288 : index
    %get3A_94 = tpu.vector_load %arg9[%get3A_93] {strides = array<i32>} : memref<400xi32, #tpu.memory_space<vmem>>, vector<16xi32>,
    tpu.vector_store_idx %arg16[%get3A_94], %broadcast_in_dim3A_3 {add = true} : memref<10000xf32, #tpu.memory_space<vmem>>[vector<16xi32>], vector<16xf32>,
    %get3A_95 = arith.constant 304 : index
    %get3A_96 = tpu.vector_load %arg7[%get3A_95] {strides = array<i32>} : memref<400xi32, #tpu.memory_space<vmem>>, vector<16xi32>,
    tpu.vector_store_idx %arg15[%get3A_96], %broadcast_in_dim3A_3 {add = true} : memref<10000xf32, #tpu.memory_space<vmem>>[vector<16xi32>], vector<16xf32>,
    %get3A_97 = arith.constant 304 : index
    %get3A_98 = tpu.vector_load %arg9[%get3A_97] {strides = array<i32>} : memref<400xi32, #tpu.memory_space<vmem>>, vector<16xi32>,
    tpu.vector_store_idx %arg16[%get3A_98], %broadcast_in_dim3A_3 {add = true} : memref<10000xf32, #tpu.memory_space<vmem>>[vector<16xi32>], vector<16xf32>,
    %get3A_99 = arith.constant 320 : index
    %get3A_100 = tpu.vector_load %arg7[%get3A_99] {strides = array<i32>} : memref<400xi32, #tpu.memory_space<vmem>>, vector<16xi32>,
    tpu.vector_store_idx %arg15[%get3A_100], %broadcast_in_dim3A_3 {add = true} : memref<10000xf32, #tpu.memory_space<vmem>>[vector<16xi32>], vector<16xf32>,
    %get3A_101 = arith.constant 320 : index
    %get3A_102 = tpu.vector_load %arg9[%get3A_101] {strides = array<i32>} : memref<400xi32, #tpu.memory_space<vmem>>, vector<16xi32>,
    tpu.vector_store_idx %arg16[%get3A_102], %broadcast_in_dim3A_3 {add = true} : memref<10000xf32, #tpu.memory_space<vmem>>[vector<16xi32>], vector<16xf32>,
    %get3A_103 = arith.constant 336 : index
    %get3A_104 = tpu.vector_load %arg7[%get3A_103] {strides = array<i32>} : memref<400xi32, #tpu.memory_space<vmem>>, vector<16xi32>,
    tpu.vector_store_idx %arg15[%get3A_104], %broadcast_in_dim3A_3 {add = true} : memref<10000xf32, #tpu.memory_space<vmem>>[vector<16xi32>], vector<16xf32>,
    %get3A_105 = arith.constant 336 : index
    %get3A_106 = tpu.vector_load %arg9[%get3A_105] {strides = array<i32>} : memref<400xi32, #tpu.memory_space<vmem>>, vector<16xi32>,
    tpu.vector_store_idx %arg16[%get3A_106], %broadcast_in_dim3A_3 {add = true} : memref<10000xf32, #tpu.memory_space<vmem>>[vector<16xi32>], vector<16xf32>,
    %get3A_107 = arith.constant 352 : index
    %get3A_108 = tpu.vector_load %arg7[%get3A_107] {strides = array<i32>} : memref<400xi32, #tpu.memory_space<vmem>>, vector<16xi32>,
    tpu.vector_store_idx %arg15[%get3A_108], %broadcast_in_dim3A_3 {add = true} : memref<10000xf32, #tpu.memory_space<vmem>>[vector<16xi32>], vector<16xf32>,
    %get3A_109 = arith.constant 352 : index
    %get3A_110 = tpu.vector_load %arg9[%get3A_109] {strides = array<i32>} : memref<400xi32, #tpu.memory_space<vmem>>, vector<16xi32>,
    tpu.vector_store_idx %arg16[%get3A_110], %broadcast_in_dim3A_3 {add = true} : memref<10000xf32, #tpu.memory_space<vmem>>[vector<16xi32>], vector<16xf32>,
    %get3A_111 = arith.constant 368 : index
    %get3A_112 = tpu.vector_load %arg7[%get3A_111] {strides = array<i32>} : memref<400xi32, #tpu.memory_space<vmem>>, vector<16xi32>,
    tpu.vector_store_idx %arg15[%get3A_112], %broadcast_in_dim3A_3 {add = true} : memref<10000xf32, #tpu.memory_space<vmem>>[vector<16xi32>], vector<16xf32>,
    %get3A_113 = arith.constant 368 : index
    %get3A_114 = tpu.vector_load %arg9[%get3A_113] {strides = array<i32>} : memref<400xi32, #tpu.memory_space<vmem>>, vector<16xi32>,
    tpu.vector_store_idx %arg16[%get3A_114], %broadcast_in_dim3A_3 {add = true} : memref<10000xf32, #tpu.memory_space<vmem>>[vector<16xi32>], vector<16xf32>,
    %get3A_115 = arith.constant 384 : index
    %get3A_116 = tpu.vector_load %arg7[%get3A_115] {strides = array<i32>} : memref<400xi32, #tpu.memory_space<vmem>>, vector<16xi32>,
    tpu.vector_store_idx %arg15[%get3A_116], %broadcast_in_dim3A_3 {add = true} : memref<10000xf32, #tpu.memory_space<vmem>>[vector<16xi32>], vector<16xf32>,
    %get3A_117 = arith.constant 384 : index
    %get3A_118 = tpu.vector_load %arg9[%get3A_117] {strides = array<i32>} : memref<400xi32, #tpu.memory_space<vmem>>, vector<16xi32>,
    tpu.vector_store_idx %arg16[%get3A_118], %broadcast_in_dim3A_3 {add = true} : memref<10000xf32, #tpu.memory_space<vmem>>[vector<16xi32>], vector<16xf32>,
    %mul3A_119 = arith.constant 10000 : i32
    %mul3A_120 = arith.muli %add3A, %mul3A_119 : i32
    "tpu.region"() ({
      %run_scoped3A = tpu.sem_alloc : memref<!tpu.dma_semaphore, #tpu.memory_space<semaphore_mem>>
      %dma_start3A_123 = tpu.memref_slice %arg5[%mul3A_120] : memref<320000xf32, #tpu.memory_space<hbm>> -> memref<10000xf32, #tpu.memory_space<hbm>>
      %dma_start3A_124 = tpu.memref_slice %arg5[%mul3A_120] : memref<320000xf32, #tpu.memory_space<hbm>> -> memref<10000xf32, #tpu.memory_space<hbm>>
      tpu.enqueue_dma source(%arg15 : memref<10000xf32, #tpu.memory_space<vmem>>) target(%dma_start3A_124 : memref<10000xf32, #tpu.memory_space<hbm>>) target_semaphore(%run_scoped3A : memref<!tpu.dma_semaphore, #tpu.memory_space<semaphore_mem>>)
      %dma_wait3A_125 = tpu.memref_slice %arg5[%mul3A_120] : memref<320000xf32, #tpu.memory_space<hbm>> -> memref<10000xf32, #tpu.memory_space<hbm>>
      %dma_wait3A_126 = tpu.memref_slice %arg5[%mul3A_120] : memref<320000xf32, #tpu.memory_space<hbm>> -> memref<10000xf32, #tpu.memory_space<hbm>>
      tpu.wait_dma2 semaphore(%run_scoped3A : memref<!tpu.dma_semaphore, #tpu.memory_space<semaphore_mem>>) src(%arg15 : memref<10000xf32, #tpu.memory_space<vmem>>) dst(%dma_wait3A_126 : memref<10000xf32, #tpu.memory_space<hbm>>)
      tpu.yield
    }) : () -> ()
    %mul3A_121 = arith.constant 10000 : i32
    %mul3A_122 = arith.muli %add3A, %mul3A_121 : i32
    "tpu.region"() ({
      %run_scoped3A = tpu.sem_alloc : memref<!tpu.dma_semaphore, #tpu.memory_space<semaphore_mem>>
      %dma_start3A_123 = tpu.memref_slice %arg6[%mul3A_122] : memref<320000xf32, #tpu.memory_space<hbm>> -> memref<10000xf32, #tpu.memory_space<hbm>>
      %dma_start3A_124 = tpu.memref_slice %arg6[%mul3A_122] : memref<320000xf32, #tpu.memory_space<hbm>> -> memref<10000xf32, #tpu.memory_space<hbm>>
      tpu.enqueue_dma source(%arg16 : memref<10000xf32, #tpu.memory_space<vmem>>) target(%dma_start3A_124 : memref<10000xf32, #tpu.memory_space<hbm>>) target_semaphore(%run_scoped3A : memref<!tpu.dma_semaphore, #tpu.memory_space<semaphore_mem>>)
      %dma_wait3A_125 = tpu.memref_slice %arg6[%mul3A_122] : memref<320000xf32, #tpu.memory_space<hbm>> -> memref<10000xf32, #tpu.memory_space<hbm>>
      %dma_wait3A_126 = tpu.memref_slice %arg6[%mul3A_122] : memref<320000xf32, #tpu.memory_space<hbm>> -> memref<10000xf32, #tpu.memory_space<hbm>>
      tpu.wait_dma2 semaphore(%run_scoped3A : memref<!tpu.dma_semaphore, #tpu.memory_space<semaphore_mem>>) src(%arg16 : memref<10000xf32, #tpu.memory_space<vmem>>) dst(%dma_wait3A_126 : memref<10000xf32, #tpu.memory_space<hbm>>)
      tpu.yield
    }) : () -> ()
    return
  }
}

#map = affine_map<(d0, d1) -> (0, 0)>
#map1 = affine_map<(d0, d1) -> (0)>
#map2 = affine_map<(d0, d1) -> (0, 0, 0)>
module attributes {stable_mosaic.version = 14 : i64} {
  func.func @_agg_body(%arg0: i32, %arg1: i32, %arg2: memref<10000x128xf32, #tpu.memory_space<hbm>>, %arg3: memref<320000xi32, #tpu.memory_space<hbm>>, %arg4: memref<320000xi32, #tpu.memory_space<hbm>>, %arg5: memref<640x128xf32, #tpu.memory_space<hbm>>, %arg6: memref<2x10240x128xf32, #tpu.memory_space<hbm>>, %arg7: memref<128xi32, #tpu.memory_space<vmem>>, %arg8: memref<128xi32, #tpu.memory_space<vmem>>, %arg9: memref<128xi32, #tpu.memory_space<vmem>>, %arg10: memref<128xi32, #tpu.memory_space<vmem>>, %arg11: memref<128xi32, #tpu.memory_space<vmem>>, %arg12: memref<128xi32, #tpu.memory_space<vmem>>, %arg13: memref<128xi32, #tpu.memory_space<vmem>>, %arg14: memref<128xi32, #tpu.memory_space<vmem>>, %arg15: memref<128x128xf32, #tpu.memory_space<vmem>>, %arg16: memref<128x128xf32, #tpu.memory_space<vmem>>, %arg17: memref<16xi32, #tpu.memory_space<vmem>>, %arg18: memref<16xi32, #tpu.memory_space<vmem>>, %arg19: memref<16x128xf32, #tpu.memory_space<vmem>>, %arg20: memref<!tpu.dma_semaphore, #tpu.memory_space<semaphore_mem>>, %arg21: memref<!tpu.dma_semaphore, #tpu.memory_space<semaphore_mem>>, %arg22: memref<!tpu.dma_semaphore, #tpu.memory_space<semaphore_mem>>, %arg23: memref<!tpu.dma_semaphore, #tpu.memory_space<semaphore_mem>>, %arg24: memref<!tpu.dma_semaphore, #tpu.memory_space<semaphore_mem>>, %arg25: memref<!tpu.dma_semaphore, #tpu.memory_space<semaphore_mem>>, %arg26: memref<!tpu.dma_semaphore, #tpu.memory_space<semaphore_mem>>, %arg27: memref<!tpu.dma_semaphore, #tpu.memory_space<semaphore_mem>>, %arg28: memref<!tpu.dma_semaphore, #tpu.memory_space<semaphore_mem>>, %arg29: memref<10240x128xf32, #tpu.memory_space<vmem_shared>>) attributes {dimension_semantics = [#tpu.dimension_semantics<core_parallel>, #tpu.dimension_semantics<subcore_parallel>], iteration_bounds = array<i64: 2, 16>, scalar_prefetch = 0 : i64, scratch_operands = 23 : i64, tpu.core_type = #tpu.core_type<sc_vector_subcore>, window_params = [{transform_indices = #map}, {transform_indices = #map1}, {transform_indices = #map1}, {transform_indices = #map}, {transform_indices = #map2}]} {
    %mul3A = arith.constant 2 : i32
    %mul3A_0 = arith.muli %arg1, %mul3A : i32
    %add3A = arith.addi %mul3A_0, %arg0 : i32
    %mul3A_1 = arith.constant 640 : i32
    %mul3A_2 = arith.muli %arg1, %mul3A_1 : i32
    "tpu.region"() ({
      %run_scoped3A = tpu.sem_alloc : memref<!tpu.dma_semaphore, #tpu.memory_space<semaphore_mem>>
      %dma_start3A_180 = arith.constant 0 : i32
      %dma_start3A_181 = tpu.memref_slice %arg29[%mul3A_2, %dma_start3A_180] : memref<10240x128xf32, #tpu.memory_space<vmem_shared>> -> memref<640x128xf32, #tpu.memory_space<vmem_shared>>
      tpu.enqueue_dma source(%arg5 : memref<640x128xf32, #tpu.memory_space<hbm>>) target(%dma_start3A_181 : memref<640x128xf32, #tpu.memory_space<vmem_shared>>) target_semaphore(%run_scoped3A : memref<!tpu.dma_semaphore, #tpu.memory_space<semaphore_mem>>)
      %dma_wait3A_182 = arith.constant 0 : i32
      %dma_wait3A_183 = tpu.memref_slice %arg29[%mul3A_2, %dma_wait3A_182] : memref<10240x128xf32, #tpu.memory_space<vmem_shared>> -> memref<640x128xf32, #tpu.memory_space<vmem_shared>>
      tpu.wait_dma2 semaphore(%run_scoped3A : memref<!tpu.dma_semaphore, #tpu.memory_space<semaphore_mem>>) src(%arg5 : memref<640x128xf32, #tpu.memory_space<hbm>>) dst(%dma_wait3A_183 : memref<640x128xf32, #tpu.memory_space<vmem_shared>>)
      tpu.yield
    }) : () -> ()
    %barrier3A = arith.constant 0 : index
    tpu.barrier barrier_id(%barrier3A)
    %mul3A_3 = arith.constant 10000 : i32
    %mul3A_4 = arith.muli %add3A, %mul3A_3 : i32
    %add3A_5 = arith.constant 9984 : i32
    %add3A_6 = arith.addi %mul3A_4, %add3A_5 : i32
    %multiple_of3A = tpu.assume_multiple %add3A_6, 8 : i32
    "tpu.region"() ({
      %run_scoped3A = tpu.sem_alloc : memref<!tpu.dma_semaphore, #tpu.memory_space<semaphore_mem>>
      %dma_start3A_180 = tpu.memref_slice %arg3[%multiple_of3A] : memref<320000xi32, #tpu.memory_space<hbm>> -> memref<16xi32, #tpu.memory_space<hbm>>
      %dma_start3A_181 = tpu.memref_slice %arg3[%multiple_of3A] : memref<320000xi32, #tpu.memory_space<hbm>> -> memref<16xi32, #tpu.memory_space<hbm>>
      tpu.enqueue_dma source(%dma_start3A_181 : memref<16xi32, #tpu.memory_space<hbm>>) target(%arg17 : memref<16xi32, #tpu.memory_space<vmem>>) target_semaphore(%run_scoped3A : memref<!tpu.dma_semaphore, #tpu.memory_space<semaphore_mem>>)
      %dma_wait3A_182 = tpu.memref_slice %arg3[%multiple_of3A] : memref<320000xi32, #tpu.memory_space<hbm>> -> memref<16xi32, #tpu.memory_space<hbm>>
      %dma_wait3A_183 = tpu.memref_slice %arg3[%multiple_of3A] : memref<320000xi32, #tpu.memory_space<hbm>> -> memref<16xi32, #tpu.memory_space<hbm>>
      tpu.wait_dma2 semaphore(%run_scoped3A : memref<!tpu.dma_semaphore, #tpu.memory_space<semaphore_mem>>) src(%dma_wait3A_183 : memref<16xi32, #tpu.memory_space<hbm>>) dst(%arg17 : memref<16xi32, #tpu.memory_space<vmem>>)
      tpu.yield
    }) : () -> ()
    "tpu.region"() ({
      %run_scoped3A = tpu.sem_alloc : memref<!tpu.dma_semaphore, #tpu.memory_space<semaphore_mem>>
      %dma_start3A_180 = tpu.memref_slice %arg4[%multiple_of3A] : memref<320000xi32, #tpu.memory_space<hbm>> -> memref<16xi32, #tpu.memory_space<hbm>>
      %dma_start3A_181 = tpu.memref_slice %arg4[%multiple_of3A] : memref<320000xi32, #tpu.memory_space<hbm>> -> memref<16xi32, #tpu.memory_space<hbm>>
      tpu.enqueue_dma source(%dma_start3A_181 : memref<16xi32, #tpu.memory_space<hbm>>) target(%arg18 : memref<16xi32, #tpu.memory_space<vmem>>) target_semaphore(%run_scoped3A : memref<!tpu.dma_semaphore, #tpu.memory_space<semaphore_mem>>)
      %dma_wait3A_182 = tpu.memref_slice %arg4[%multiple_of3A] : memref<320000xi32, #tpu.memory_space<hbm>> -> memref<16xi32, #tpu.memory_space<hbm>>
      %dma_wait3A_183 = tpu.memref_slice %arg4[%multiple_of3A] : memref<320000xi32, #tpu.memory_space<hbm>> -> memref<16xi32, #tpu.memory_space<hbm>>
      tpu.wait_dma2 semaphore(%run_scoped3A : memref<!tpu.dma_semaphore, #tpu.memory_space<semaphore_mem>>) src(%dma_wait3A_183 : memref<16xi32, #tpu.memory_space<hbm>>) dst(%arg18 : memref<16xi32, #tpu.memory_space<vmem>>)
      tpu.yield
    }) : () -> ()
    %dma_start3A = arith.constant 0 : i32
    %dma_start3A_7 = arith.constant 0 : i32
    %dma_start3A_8 = tpu.memref_slice %arg2[%dma_start3A, %dma_start3A_7] : memref<10000x128xf32, #tpu.memory_space<hbm>> -> memref<10000x128xf32, #tpu.memory_space<hbm>>
    tpu.enqueue_indirect_dma source(%dma_start3A_8 : memref<10000x128xf32, #tpu.memory_space<hbm>>) target(%arg19 : memref<16x128xf32, #tpu.memory_space<vmem>>) offsets(%arg17 : memref<16xi32, #tpu.memory_space<vmem>>) semaphore(%arg28 : memref<!tpu.dma_semaphore, #tpu.memory_space<semaphore_mem>>)
    %dma_wait3A = arith.constant 0 : i32
    %dma_wait3A_9 = arith.constant 0 : i32
    %dma_wait3A_10 = tpu.memref_slice %arg2[%dma_wait3A, %dma_wait3A_9] : memref<10000x128xf32, #tpu.memory_space<hbm>> -> memref<10000x128xf32, #tpu.memory_space<hbm>>
    tpu.wait_indirect_dma semaphore(%arg28 : memref<!tpu.dma_semaphore, #tpu.memory_space<semaphore_mem>>) src(%dma_wait3A_10 : memref<10000x128xf32, #tpu.memory_space<hbm>>) dst(%arg19 : memref<16x128xf32, #tpu.memory_space<vmem>>)
    "tpu.region"() ({
      %run_scoped3A = tpu.sem_alloc : memref<!tpu.dma_semaphore, #tpu.memory_space<semaphore_mem>>
      %dma_start3A_180 = arith.constant 0 : i32
      %dma_start3A_181 = arith.constant 0 : i32
      %dma_start3A_182 = tpu.memref_slice %arg29[%dma_start3A_180, %dma_start3A_181] : memref<10240x128xf32, #tpu.memory_space<vmem_shared>> -> memref<10240x128xf32, #tpu.memory_space<vmem_shared>>
      tpu.enqueue_indirect_dma source(%arg19 : memref<16x128xf32, #tpu.memory_space<vmem>>) target(%dma_start3A_182 : memref<10240x128xf32, #tpu.memory_space<vmem_shared>>) offsets(%arg18 : memref<16xi32, #tpu.memory_space<vmem>>) semaphore(%run_scoped3A : memref<!tpu.dma_semaphore, #tpu.memory_space<semaphore_mem>>) {add = true}
      %dma_wait3A_183 = arith.constant 0 : i32
      %dma_wait3A_184 = arith.constant 0 : i32
      %dma_wait3A_185 = tpu.memref_slice %arg29[%dma_wait3A_183, %dma_wait3A_184] : memref<10240x128xf32, #tpu.memory_space<vmem_shared>> -> memref<10240x128xf32, #tpu.memory_space<vmem_shared>>
      tpu.wait_indirect_dma semaphore(%run_scoped3A : memref<!tpu.dma_semaphore, #tpu.memory_space<semaphore_mem>>) src(%arg19 : memref<16x128xf32, #tpu.memory_space<vmem>>) dst(%dma_wait3A_185 : memref<10240x128xf32, #tpu.memory_space<vmem_shared>>)
      tpu.yield
    }) : () -> ()
    %add3A_11 = arith.constant 0 : i32
    %add3A_12 = arith.addi %mul3A_4, %add3A_11 : i32
    %multiple_of3A_13 = tpu.assume_multiple %add3A_12, 8 : i32
    %dma_start3A_14 = tpu.memref_slice %arg3[%multiple_of3A_13] : memref<320000xi32, #tpu.memory_space<hbm>> -> memref<128xi32, #tpu.memory_space<hbm>>
    %dma_start3A_15 = tpu.memref_slice %arg3[%multiple_of3A_13] : memref<320000xi32, #tpu.memory_space<hbm>> -> memref<128xi32, #tpu.memory_space<hbm>>
    tpu.enqueue_dma source(%dma_start3A_15 : memref<128xi32, #tpu.memory_space<hbm>>) target(%arg7 : memref<128xi32, #tpu.memory_space<vmem>>) target_semaphore(%arg24 : memref<!tpu.dma_semaphore, #tpu.memory_space<semaphore_mem>>)
    %dma_start3A_16 = tpu.memref_slice %arg4[%multiple_of3A_13] : memref<320000xi32, #tpu.memory_space<hbm>> -> memref<128xi32, #tpu.memory_space<hbm>>
    %dma_start3A_17 = tpu.memref_slice %arg4[%multiple_of3A_13] : memref<320000xi32, #tpu.memory_space<hbm>> -> memref<128xi32, #tpu.memory_space<hbm>>
    tpu.enqueue_dma source(%dma_start3A_17 : memref<128xi32, #tpu.memory_space<hbm>>) target(%arg11 : memref<128xi32, #tpu.memory_space<vmem>>) target_semaphore(%arg24 : memref<!tpu.dma_semaphore, #tpu.memory_space<semaphore_mem>>)
    %add3A_18 = arith.constant 128 : i32
    %add3A_19 = arith.addi %mul3A_4, %add3A_18 : i32
    %multiple_of3A_20 = tpu.assume_multiple %add3A_19, 8 : i32
    %dma_start3A_21 = tpu.memref_slice %arg3[%multiple_of3A_20] : memref<320000xi32, #tpu.memory_space<hbm>> -> memref<128xi32, #tpu.memory_space<hbm>>
    %dma_start3A_22 = tpu.memref_slice %arg3[%multiple_of3A_20] : memref<320000xi32, #tpu.memory_space<hbm>> -> memref<128xi32, #tpu.memory_space<hbm>>
    tpu.enqueue_dma source(%dma_start3A_22 : memref<128xi32, #tpu.memory_space<hbm>>) target(%arg8 : memref<128xi32, #tpu.memory_space<vmem>>) target_semaphore(%arg25 : memref<!tpu.dma_semaphore, #tpu.memory_space<semaphore_mem>>)
    %dma_start3A_23 = tpu.memref_slice %arg4[%multiple_of3A_20] : memref<320000xi32, #tpu.memory_space<hbm>> -> memref<128xi32, #tpu.memory_space<hbm>>
    %dma_start3A_24 = tpu.memref_slice %arg4[%multiple_of3A_20] : memref<320000xi32, #tpu.memory_space<hbm>> -> memref<128xi32, #tpu.memory_space<hbm>>
    tpu.enqueue_dma source(%dma_start3A_24 : memref<128xi32, #tpu.memory_space<hbm>>) target(%arg12 : memref<128xi32, #tpu.memory_space<vmem>>) target_semaphore(%arg25 : memref<!tpu.dma_semaphore, #tpu.memory_space<semaphore_mem>>)
    %dma_wait3A_25 = arith.constant 0 : i32
    %dma_wait3A_26 = tpu.memref_slice %arg3[%dma_wait3A_25] : memref<320000xi32, #tpu.memory_space<hbm>> -> memref<128xi32, #tpu.memory_space<hbm>>
    %dma_wait3A_27 = arith.constant 0 : i32
    %dma_wait3A_28 = tpu.memref_slice %arg3[%dma_wait3A_27] : memref<320000xi32, #tpu.memory_space<hbm>> -> memref<128xi32, #tpu.memory_space<hbm>>
    tpu.wait_dma2 semaphore(%arg24 : memref<!tpu.dma_semaphore, #tpu.memory_space<semaphore_mem>>) src(%dma_wait3A_28 : memref<128xi32, #tpu.memory_space<hbm>>) dst(%arg7 : memref<128xi32, #tpu.memory_space<vmem>>)
    %dma_wait3A_29 = arith.constant 0 : i32
    %dma_wait3A_30 = tpu.memref_slice %arg4[%dma_wait3A_29] : memref<320000xi32, #tpu.memory_space<hbm>> -> memref<128xi32, #tpu.memory_space<hbm>>
    %dma_wait3A_31 = arith.constant 0 : i32
    %dma_wait3A_32 = tpu.memref_slice %arg4[%dma_wait3A_31] : memref<320000xi32, #tpu.memory_space<hbm>> -> memref<128xi32, #tpu.memory_space<hbm>>
    tpu.wait_dma2 semaphore(%arg24 : memref<!tpu.dma_semaphore, #tpu.memory_space<semaphore_mem>>) src(%dma_wait3A_32 : memref<128xi32, #tpu.memory_space<hbm>>) dst(%arg11 : memref<128xi32, #tpu.memory_space<vmem>>)
    %dma_start3A_33 = arith.constant 0 : i32
    %dma_start3A_34 = arith.constant 0 : i32
    %dma_start3A_35 = tpu.memref_slice %arg2[%dma_start3A_33, %dma_start3A_34] : memref<10000x128xf32, #tpu.memory_space<hbm>> -> memref<10000x128xf32, #tpu.memory_space<hbm>>
    tpu.enqueue_indirect_dma source(%dma_start3A_35 : memref<10000x128xf32, #tpu.memory_space<hbm>>) target(%arg15 : memref<128x128xf32, #tpu.memory_space<vmem>>) offsets(%arg7 : memref<128xi32, #tpu.memory_space<vmem>>) semaphore(%arg20 : memref<!tpu.dma_semaphore, #tpu.memory_space<semaphore_mem>>)
    %add3A_36 = arith.constant 256 : i32
    %add3A_37 = arith.addi %mul3A_4, %add3A_36 : i32
    %multiple_of3A_38 = tpu.assume_multiple %add3A_37, 8 : i32
    %dma_start3A_39 = tpu.memref_slice %arg3[%multiple_of3A_38] : memref<320000xi32, #tpu.memory_space<hbm>> -> memref<128xi32, #tpu.memory_space<hbm>>
    %dma_start3A_40 = tpu.memref_slice %arg3[%multiple_of3A_38] : memref<320000xi32, #tpu.memory_space<hbm>> -> memref<128xi32, #tpu.memory_space<hbm>>
    tpu.enqueue_dma source(%dma_start3A_40 : memref<128xi32, #tpu.memory_space<hbm>>) target(%arg9 : memref<128xi32, #tpu.memory_space<vmem>>) target_semaphore(%arg26 : memref<!tpu.dma_semaphore, #tpu.memory_space<semaphore_mem>>)
    %dma_start3A_41 = tpu.memref_slice %arg4[%multiple_of3A_38] : memref<320000xi32, #tpu.memory_space<hbm>> -> memref<128xi32, #tpu.memory_space<hbm>>
    %dma_start3A_42 = tpu.memref_slice %arg4[%multiple_of3A_38] : memref<320000xi32, #tpu.memory_space<hbm>> -> memref<128xi32, #tpu.memory_space<hbm>>
    tpu.enqueue_dma source(%dma_start3A_42 : memref<128xi32, #tpu.memory_space<hbm>>) target(%arg13 : memref<128xi32, #tpu.memory_space<vmem>>) target_semaphore(%arg26 : memref<!tpu.dma_semaphore, #tpu.memory_space<semaphore_mem>>)
    %dma_wait3A_43 = arith.constant 0 : i32
    %dma_wait3A_44 = tpu.memref_slice %arg3[%dma_wait3A_43] : memref<320000xi32, #tpu.memory_space<hbm>> -> memref<128xi32, #tpu.memory_space<hbm>>
    %dma_wait3A_45 = arith.constant 0 : i32
    %dma_wait3A_46 = tpu.memref_slice %arg3[%dma_wait3A_45] : memref<320000xi32, #tpu.memory_space<hbm>> -> memref<128xi32, #tpu.memory_space<hbm>>
    tpu.wait_dma2 semaphore(%arg25 : memref<!tpu.dma_semaphore, #tpu.memory_space<semaphore_mem>>) src(%dma_wait3A_46 : memref<128xi32, #tpu.memory_space<hbm>>) dst(%arg8 : memref<128xi32, #tpu.memory_space<vmem>>)
    %dma_wait3A_47 = arith.constant 0 : i32
    %dma_wait3A_48 = tpu.memref_slice %arg4[%dma_wait3A_47] : memref<320000xi32, #tpu.memory_space<hbm>> -> memref<128xi32, #tpu.memory_space<hbm>>
    %dma_wait3A_49 = arith.constant 0 : i32
    %dma_wait3A_50 = tpu.memref_slice %arg4[%dma_wait3A_49] : memref<320000xi32, #tpu.memory_space<hbm>> -> memref<128xi32, #tpu.memory_space<hbm>>
    tpu.wait_dma2 semaphore(%arg25 : memref<!tpu.dma_semaphore, #tpu.memory_space<semaphore_mem>>) src(%dma_wait3A_50 : memref<128xi32, #tpu.memory_space<hbm>>) dst(%arg12 : memref<128xi32, #tpu.memory_space<vmem>>)
    %dma_start3A_51 = arith.constant 0 : i32
    %dma_start3A_52 = arith.constant 0 : i32
    %dma_start3A_53 = tpu.memref_slice %arg2[%dma_start3A_51, %dma_start3A_52] : memref<10000x128xf32, #tpu.memory_space<hbm>> -> memref<10000x128xf32, #tpu.memory_space<hbm>>
    tpu.enqueue_indirect_dma source(%dma_start3A_53 : memref<10000x128xf32, #tpu.memory_space<hbm>>) target(%arg16 : memref<128x128xf32, #tpu.memory_space<vmem>>) offsets(%arg8 : memref<128xi32, #tpu.memory_space<vmem>>) semaphore(%arg21 : memref<!tpu.dma_semaphore, #tpu.memory_space<semaphore_mem>>)
    %add3A_54 = arith.constant 384 : i32
    %add3A_55 = arith.addi %mul3A_4, %add3A_54 : i32
    %multiple_of3A_56 = tpu.assume_multiple %add3A_55, 8 : i32
    %dma_start3A_57 = tpu.memref_slice %arg3[%multiple_of3A_56] : memref<320000xi32, #tpu.memory_space<hbm>> -> memref<128xi32, #tpu.memory_space<hbm>>
    %dma_start3A_58 = tpu.memref_slice %arg3[%multiple_of3A_56] : memref<320000xi32, #tpu.memory_space<hbm>> -> memref<128xi32, #tpu.memory_space<hbm>>
    tpu.enqueue_dma source(%dma_start3A_58 : memref<128xi32, #tpu.memory_space<hbm>>) target(%arg10 : memref<128xi32, #tpu.memory_space<vmem>>) target_semaphore(%arg27 : memref<!tpu.dma_semaphore, #tpu.memory_space<semaphore_mem>>)
    %dma_start3A_59 = tpu.memref_slice %arg4[%multiple_of3A_56] : memref<320000xi32, #tpu.memory_space<hbm>> -> memref<128xi32, #tpu.memory_space<hbm>>
    %dma_start3A_60 = tpu.memref_slice %arg4[%multiple_of3A_56] : memref<320000xi32, #tpu.memory_space<hbm>> -> memref<128xi32, #tpu.memory_space<hbm>>
    tpu.enqueue_dma source(%dma_start3A_60 : memref<128xi32, #tpu.memory_space<hbm>>) target(%arg14 : memref<128xi32, #tpu.memory_space<vmem>>) target_semaphore(%arg27 : memref<!tpu.dma_semaphore, #tpu.memory_space<semaphore_mem>>)
    %dma_wait3A_61 = arith.constant 0 : i32
    %dma_wait3A_62 = arith.constant 0 : i32
    %dma_wait3A_63 = tpu.memref_slice %arg2[%dma_wait3A_61, %dma_wait3A_62] : memref<10000x128xf32, #tpu.memory_space<hbm>> -> memref<10000x128xf32, #tpu.memory_space<hbm>>
    tpu.wait_indirect_dma semaphore(%arg20 : memref<!tpu.dma_semaphore, #tpu.memory_space<semaphore_mem>>) src(%dma_wait3A_63 : memref<10000x128xf32, #tpu.memory_space<hbm>>) dst(%arg15 : memref<128x128xf32, #tpu.memory_space<vmem>>)
    %dma_start3A_64 = arith.constant 0 : i32
    %dma_start3A_65 = arith.constant 0 : i32
    %dma_start3A_66 = tpu.memref_slice %arg29[%dma_start3A_64, %dma_start3A_65] : memref<10240x128xf32, #tpu.memory_space<vmem_shared>> -> memref<10240x128xf32, #tpu.memory_space<vmem_shared>>
    tpu.enqueue_indirect_dma source(%arg15 : memref<128x128xf32, #tpu.memory_space<vmem>>) target(%dma_start3A_66 : memref<10240x128xf32, #tpu.memory_space<vmem_shared>>) offsets(%arg11 : memref<128xi32, #tpu.memory_space<vmem>>) semaphore(%arg22 : memref<!tpu.dma_semaphore, #tpu.memory_space<semaphore_mem>>) {add = true}
    %scan3A = arith.constant 0 : i32
    %scan3A_67 = arith.constant 18 : i32
    %scan3A_68 = arith.addi %scan3A, %scan3A_67 : i32
    %scan3A_69 = arith.constant 1 : i32
    scf.for %scan3A_180 = %scan3A to %scan3A_68 step %scan3A_69  : i32 {
      %mul3A_181 = arith.constant 1 : i32
      %mul3A_182 = arith.muli %scan3A_180, %mul3A_181 : i32
      %add3A_183 = arith.constant 0 : i32
      %add3A_184 = arith.addi %add3A_183, %mul3A_182 : i32
      %mul3A_185 = arith.constant 4 : i32
      %mul3A_186 = arith.muli %add3A_184, %mul3A_185 : i32
      %add3A_187 = arith.constant 2 : i32
      %add3A_188 = arith.addi %mul3A_186, %add3A_187 : i32
      %add3A_189 = arith.constant 0 : i32
      %add3A_190 = arith.addi %add3A_188, %add3A_189 : i32
      %dma_wait3A_191 = arith.constant 0 : i32
      %dma_wait3A_192 = arith.constant 0 : i32
      %dma_wait3A_193 = tpu.memref_slice %arg29[%dma_wait3A_191, %dma_wait3A_192] : memref<10240x128xf32, #tpu.memory_space<vmem_shared>> -> memref<10240x128xf32, #tpu.memory_space<vmem_shared>>
      tpu.wait_indirect_dma semaphore(%arg22 : memref<!tpu.dma_semaphore, #tpu.memory_space<semaphore_mem>>) src(%arg15 : memref<128x128xf32, #tpu.memory_space<vmem>>) dst(%dma_wait3A_193 : memref<10240x128xf32, #tpu.memory_space<vmem_shared>>)
      %add3A_194 = arith.constant 2 : i32
      %add3A_195 = arith.addi %add3A_190, %add3A_194 : i32
      %mul3A_196 = arith.constant 128 : i32
      %mul3A_197 = arith.muli %add3A_195, %mul3A_196 : i32
      %add3A_198 = arith.addi %mul3A_4, %mul3A_197 : i32
      %multiple_of3A_199 = tpu.assume_multiple %add3A_198, 8 : i32
      %dma_start3A_200 = tpu.memref_slice %arg3[%multiple_of3A_199] : memref<320000xi32, #tpu.memory_space<hbm>> -> memref<128xi32, #tpu.memory_space<hbm>>
      %dma_start3A_201 = tpu.memref_slice %arg3[%multiple_of3A_199] : memref<320000xi32, #tpu.memory_space<hbm>> -> memref<128xi32, #tpu.memory_space<hbm>>
      tpu.enqueue_dma source(%dma_start3A_201 : memref<128xi32, #tpu.memory_space<hbm>>) target(%arg7 : memref<128xi32, #tpu.memory_space<vmem>>) target_semaphore(%arg24 : memref<!tpu.dma_semaphore, #tpu.memory_space<semaphore_mem>>)
      %dma_start3A_202 = tpu.memref_slice %arg4[%multiple_of3A_199] : memref<320000xi32, #tpu.memory_space<hbm>> -> memref<128xi32, #tpu.memory_space<hbm>>
      %dma_start3A_203 = tpu.memref_slice %arg4[%multiple_of3A_199] : memref<320000xi32, #tpu.memory_space<hbm>> -> memref<128xi32, #tpu.memory_space<hbm>>
      tpu.enqueue_dma source(%dma_start3A_203 : memref<128xi32, #tpu.memory_space<hbm>>) target(%arg11 : memref<128xi32, #tpu.memory_space<vmem>>) target_semaphore(%arg24 : memref<!tpu.dma_semaphore, #tpu.memory_space<semaphore_mem>>)
      %dma_wait3A_204 = arith.constant 0 : i32
      %dma_wait3A_205 = tpu.memref_slice %arg3[%dma_wait3A_204] : memref<320000xi32, #tpu.memory_space<hbm>> -> memref<128xi32, #tpu.memory_space<hbm>>
      %dma_wait3A_206 = arith.constant 0 : i32
      %dma_wait3A_207 = tpu.memref_slice %arg3[%dma_wait3A_206] : memref<320000xi32, #tpu.memory_space<hbm>> -> memref<128xi32, #tpu.memory_space<hbm>>
      tpu.wait_dma2 semaphore(%arg26 : memref<!tpu.dma_semaphore, #tpu.memory_space<semaphore_mem>>) src(%dma_wait3A_207 : memref<128xi32, #tpu.memory_space<hbm>>) dst(%arg9 : memref<128xi32, #tpu.memory_space<vmem>>)
      %dma_wait3A_208 = arith.constant 0 : i32
      %dma_wait3A_209 = tpu.memref_slice %arg4[%dma_wait3A_208] : memref<320000xi32, #tpu.memory_space<hbm>> -> memref<128xi32, #tpu.memory_space<hbm>>
      %dma_wait3A_210 = arith.constant 0 : i32
      %dma_wait3A_211 = tpu.memref_slice %arg4[%dma_wait3A_210] : memref<320000xi32, #tpu.memory_space<hbm>> -> memref<128xi32, #tpu.memory_space<hbm>>
      tpu.wait_dma2 semaphore(%arg26 : memref<!tpu.dma_semaphore, #tpu.memory_space<semaphore_mem>>) src(%dma_wait3A_211 : memref<128xi32, #tpu.memory_space<hbm>>) dst(%arg13 : memref<128xi32, #tpu.memory_space<vmem>>)
      %dma_start3A_212 = arith.constant 0 : i32
      %dma_start3A_213 = arith.constant 0 : i32
      %dma_start3A_214 = tpu.memref_slice %arg2[%dma_start3A_212, %dma_start3A_213] : memref<10000x128xf32, #tpu.memory_space<hbm>> -> memref<10000x128xf32, #tpu.memory_space<hbm>>
      tpu.enqueue_indirect_dma source(%dma_start3A_214 : memref<10000x128xf32, #tpu.memory_space<hbm>>) target(%arg15 : memref<128x128xf32, #tpu.memory_space<vmem>>) offsets(%arg9 : memref<128xi32, #tpu.memory_space<vmem>>) semaphore(%arg20 : memref<!tpu.dma_semaphore, #tpu.memory_space<semaphore_mem>>)
      %dma_wait3A_215 = arith.constant 0 : i32
      %dma_wait3A_216 = arith.constant 0 : i32
      %dma_wait3A_217 = tpu.memref_slice %arg2[%dma_wait3A_215, %dma_wait3A_216] : memref<10000x128xf32, #tpu.memory_space<hbm>> -> memref<10000x128xf32, #tpu.memory_space<hbm>>
      tpu.wait_indirect_dma semaphore(%arg21 : memref<!tpu.dma_semaphore, #tpu.memory_space<semaphore_mem>>) src(%dma_wait3A_217 : memref<10000x128xf32, #tpu.memory_space<hbm>>) dst(%arg16 : memref<128x128xf32, #tpu.memory_space<vmem>>)
      %dma_start3A_218 = arith.constant 0 : i32
      %dma_start3A_219 = arith.constant 0 : i32
      %dma_start3A_220 = tpu.memref_slice %arg29[%dma_start3A_218, %dma_start3A_219] : memref<10240x128xf32, #tpu.memory_space<vmem_shared>> -> memref<10240x128xf32, #tpu.memory_space<vmem_shared>>
      tpu.enqueue_indirect_dma source(%arg16 : memref<128x128xf32, #tpu.memory_space<vmem>>) target(%dma_start3A_220 : memref<10240x128xf32, #tpu.memory_space<vmem_shared>>) offsets(%arg12 : memref<128xi32, #tpu.memory_space<vmem>>) semaphore(%arg23 : memref<!tpu.dma_semaphore, #tpu.memory_space<semaphore_mem>>) {add = true}
      %mul3A_221 = arith.constant 4 : i32
      %mul3A_222 = arith.muli %add3A_184, %mul3A_221 : i32
      %add3A_223 = arith.constant 2 : i32
      %add3A_224 = arith.addi %mul3A_222, %add3A_223 : i32
      %add3A_225 = arith.constant 1 : i32
      %add3A_226 = arith.addi %add3A_224, %add3A_225 : i32
      %dma_wait3A_227 = arith.constant 0 : i32
      %dma_wait3A_228 = arith.constant 0 : i32
      %dma_wait3A_229 = tpu.memref_slice %arg29[%dma_wait3A_227, %dma_wait3A_228] : memref<10240x128xf32, #tpu.memory_space<vmem_shared>> -> memref<10240x128xf32, #tpu.memory_space<vmem_shared>>
      tpu.wait_indirect_dma semaphore(%arg23 : memref<!tpu.dma_semaphore, #tpu.memory_space<semaphore_mem>>) src(%arg16 : memref<128x128xf32, #tpu.memory_space<vmem>>) dst(%dma_wait3A_229 : memref<10240x128xf32, #tpu.memory_space<vmem_shared>>)
      %add3A_230 = arith.constant 2 : i32
      %add3A_231 = arith.addi %add3A_226, %add3A_230 : i32
      %mul3A_232 = arith.constant 128 : i32
      %mul3A_233 = arith.muli %add3A_231, %mul3A_232 : i32
      %add3A_234 = arith.addi %mul3A_4, %mul3A_233 : i32
      %multiple_of3A_235 = tpu.assume_multiple %add3A_234, 8 : i32
      %dma_start3A_236 = tpu.memref_slice %arg3[%multiple_of3A_235] : memref<320000xi32, #tpu.memory_space<hbm>> -> memref<128xi32, #tpu.memory_space<hbm>>
      %dma_start3A_237 = tpu.memref_slice %arg3[%multiple_of3A_235] : memref<320000xi32, #tpu.memory_space<hbm>> -> memref<128xi32, #tpu.memory_space<hbm>>
      tpu.enqueue_dma source(%dma_start3A_237 : memref<128xi32, #tpu.memory_space<hbm>>) target(%arg8 : memref<128xi32, #tpu.memory_space<vmem>>) target_semaphore(%arg25 : memref<!tpu.dma_semaphore, #tpu.memory_space<semaphore_mem>>)
      %dma_start3A_238 = tpu.memref_slice %arg4[%multiple_of3A_235] : memref<320000xi32, #tpu.memory_space<hbm>> -> memref<128xi32, #tpu.memory_space<hbm>>
      %dma_start3A_239 = tpu.memref_slice %arg4[%multiple_of3A_235] : memref<320000xi32, #tpu.memory_space<hbm>> -> memref<128xi32, #tpu.memory_space<hbm>>
      tpu.enqueue_dma source(%dma_start3A_239 : memref<128xi32, #tpu.memory_space<hbm>>) target(%arg12 : memref<128xi32, #tpu.memory_space<vmem>>) target_semaphore(%arg25 : memref<!tpu.dma_semaphore, #tpu.memory_space<semaphore_mem>>)
      %dma_wait3A_240 = arith.constant 0 : i32
      %dma_wait3A_241 = tpu.memref_slice %arg3[%dma_wait3A_240] : memref<320000xi32, #tpu.memory_space<hbm>> -> memref<128xi32, #tpu.memory_space<hbm>>
      %dma_wait3A_242 = arith.constant 0 : i32
      %dma_wait3A_243 = tpu.memref_slice %arg3[%dma_wait3A_242] : memref<320000xi32, #tpu.memory_space<hbm>> -> memref<128xi32, #tpu.memory_space<hbm>>
      tpu.wait_dma2 semaphore(%arg27 : memref<!tpu.dma_semaphore, #tpu.memory_space<semaphore_mem>>) src(%dma_wait3A_243 : memref<128xi32, #tpu.memory_space<hbm>>) dst(%arg10 : memref<128xi32, #tpu.memory_space<vmem>>)
      %dma_wait3A_244 = arith.constant 0 : i32
      %dma_wait3A_245 = tpu.memref_slice %arg4[%dma_wait3A_244] : memref<320000xi32, #tpu.memory_space<hbm>> -> memref<128xi32, #tpu.memory_space<hbm>>
      %dma_wait3A_246 = arith.constant 0 : i32
      %dma_wait3A_247 = tpu.memref_slice %arg4[%dma_wait3A_246] : memref<320000xi32, #tpu.memory_space<hbm>> -> memref<128xi32, #tpu.memory_space<hbm>>
      tpu.wait_dma2 semaphore(%arg27 : memref<!tpu.dma_semaphore, #tpu.memory_space<semaphore_mem>>) src(%dma_wait3A_247 : memref<128xi32, #tpu.memory_space<hbm>>) dst(%arg14 : memref<128xi32, #tpu.memory_space<vmem>>)
      %dma_start3A_248 = arith.constant 0 : i32
      %dma_start3A_249 = arith.constant 0 : i32
      %dma_start3A_250 = tpu.memref_slice %arg2[%dma_start3A_248, %dma_start3A_249] : memref<10000x128xf32, #tpu.memory_space<hbm>> -> memref<10000x128xf32, #tpu.memory_space<hbm>>
      tpu.enqueue_indirect_dma source(%dma_start3A_250 : memref<10000x128xf32, #tpu.memory_space<hbm>>) target(%arg16 : memref<128x128xf32, #tpu.memory_space<vmem>>) offsets(%arg10 : memref<128xi32, #tpu.memory_space<vmem>>) semaphore(%arg21 : memref<!tpu.dma_semaphore, #tpu.memory_space<semaphore_mem>>)
      %dma_wait3A_251 = arith.constant 0 : i32
      %dma_wait3A_252 = arith.constant 0 : i32
      %dma_wait3A_253 = tpu.memref_slice %arg2[%dma_wait3A_251, %dma_wait3A_252] : memref<10000x128xf32, #tpu.memory_space<hbm>> -> memref<10000x128xf32, #tpu.memory_space<hbm>>
      tpu.wait_indirect_dma semaphore(%arg20 : memref<!tpu.dma_semaphore, #tpu.memory_space<semaphore_mem>>) src(%dma_wait3A_253 : memref<10000x128xf32, #tpu.memory_space<hbm>>) dst(%arg15 : memref<128x128xf32, #tpu.memory_space<vmem>>)
      %dma_start3A_254 = arith.constant 0 : i32
      %dma_start3A_255 = arith.constant 0 : i32
      %dma_start3A_256 = tpu.memref_slice %arg29[%dma_start3A_254, %dma_start3A_255] : memref<10240x128xf32, #tpu.memory_space<vmem_shared>> -> memref<10240x128xf32, #tpu.memory_space<vmem_shared>>
      tpu.enqueue_indirect_dma source(%arg15 : memref<128x128xf32, #tpu.memory_space<vmem>>) target(%dma_start3A_256 : memref<10240x128xf32, #tpu.memory_space<vmem_shared>>) offsets(%arg13 : memref<128xi32, #tpu.memory_space<vmem>>) semaphore(%arg22 : memref<!tpu.dma_semaphore, #tpu.memory_space<semaphore_mem>>) {add = true}
      %mul3A_257 = arith.constant 4 : i32
      %mul3A_258 = arith.muli %add3A_184, %mul3A_257 : i32
      %add3A_259 = arith.constant 2 : i32
      %add3A_260 = arith.addi %mul3A_258, %add3A_259 : i32
      %add3A_261 = arith.constant 2 : i32
      %add3A_262 = arith.addi %add3A_260, %add3A_261 : i32
      %dma_wait3A_263 = arith.constant 0 : i32
      %dma_wait3A_264 = arith.constant 0 : i32
      %dma_wait3A_265 = tpu.memref_slice %arg29[%dma_wait3A_263, %dma_wait3A_264] : memref<10240x128xf32, #tpu.memory_space<vmem_shared>> -> memref<10240x128xf32, #tpu.memory_space<vmem_shared>>
      tpu.wait_indirect_dma semaphore(%arg22 : memref<!tpu.dma_semaphore, #tpu.memory_space<semaphore_mem>>) src(%arg15 : memref<128x128xf32, #tpu.memory_space<vmem>>) dst(%dma_wait3A_265 : memref<10240x128xf32, #tpu.memory_space<vmem_shared>>)
      %add3A_266 = arith.constant 2 : i32
      %add3A_267 = arith.addi %add3A_262, %add3A_266 : i32
      %mul3A_268 = arith.constant 128 : i32
      %mul3A_269 = arith.muli %add3A_267, %mul3A_268 : i32
      %add3A_270 = arith.addi %mul3A_4, %mul3A_269 : i32
      %multiple_of3A_271 = tpu.assume_multiple %add3A_270, 8 : i32
      %dma_start3A_272 = tpu.memref_slice %arg3[%multiple_of3A_271] : memref<320000xi32, #tpu.memory_space<hbm>> -> memref<128xi32, #tpu.memory_space<hbm>>
      %dma_start3A_273 = tpu.memref_slice %arg3[%multiple_of3A_271] : memref<320000xi32, #tpu.memory_space<hbm>> -> memref<128xi32, #tpu.memory_space<hbm>>
      tpu.enqueue_dma source(%dma_start3A_273 : memref<128xi32, #tpu.memory_space<hbm>>) target(%arg9 : memref<128xi32, #tpu.memory_space<vmem>>) target_semaphore(%arg26 : memref<!tpu.dma_semaphore, #tpu.memory_space<semaphore_mem>>)
      %dma_start3A_274 = tpu.memref_slice %arg4[%multiple_of3A_271] : memref<320000xi32, #tpu.memory_space<hbm>> -> memref<128xi32, #tpu.memory_space<hbm>>
      %dma_start3A_275 = tpu.memref_slice %arg4[%multiple_of3A_271] : memref<320000xi32, #tpu.memory_space<hbm>> -> memref<128xi32, #tpu.memory_space<hbm>>
      tpu.enqueue_dma source(%dma_start3A_275 : memref<128xi32, #tpu.memory_space<hbm>>) target(%arg13 : memref<128xi32, #tpu.memory_space<vmem>>) target_semaphore(%arg26 : memref<!tpu.dma_semaphore, #tpu.memory_space<semaphore_mem>>)
      %dma_wait3A_276 = arith.constant 0 : i32
      %dma_wait3A_277 = tpu.memref_slice %arg3[%dma_wait3A_276] : memref<320000xi32, #tpu.memory_space<hbm>> -> memref<128xi32, #tpu.memory_space<hbm>>
      %dma_wait3A_278 = arith.constant 0 : i32
      %dma_wait3A_279 = tpu.memref_slice %arg3[%dma_wait3A_278] : memref<320000xi32, #tpu.memory_space<hbm>> -> memref<128xi32, #tpu.memory_space<hbm>>
      tpu.wait_dma2 semaphore(%arg24 : memref<!tpu.dma_semaphore, #tpu.memory_space<semaphore_mem>>) src(%dma_wait3A_279 : memref<128xi32, #tpu.memory_space<hbm>>) dst(%arg7 : memref<128xi32, #tpu.memory_space<vmem>>)
      %dma_wait3A_280 = arith.constant 0 : i32
      %dma_wait3A_281 = tpu.memref_slice %arg4[%dma_wait3A_280] : memref<320000xi32, #tpu.memory_space<hbm>> -> memref<128xi32, #tpu.memory_space<hbm>>
      %dma_wait3A_282 = arith.constant 0 : i32
      %dma_wait3A_283 = tpu.memref_slice %arg4[%dma_wait3A_282] : memref<320000xi32, #tpu.memory_space<hbm>> -> memref<128xi32, #tpu.memory_space<hbm>>
      tpu.wait_dma2 semaphore(%arg24 : memref<!tpu.dma_semaphore, #tpu.memory_space<semaphore_mem>>) src(%dma_wait3A_283 : memref<128xi32, #tpu.memory_space<hbm>>) dst(%arg11 : memref<128xi32, #tpu.memory_space<vmem>>)
      %dma_start3A_284 = arith.constant 0 : i32
      %dma_start3A_285 = arith.constant 0 : i32
      %dma_start3A_286 = tpu.memref_slice %arg2[%dma_start3A_284, %dma_start3A_285] : memref<10000x128xf32, #tpu.memory_space<hbm>> -> memref<10000x128xf32, #tpu.memory_space<hbm>>
      tpu.enqueue_indirect_dma source(%dma_start3A_286 : memref<10000x128xf32, #tpu.memory_space<hbm>>) target(%arg15 : memref<128x128xf32, #tpu.memory_space<vmem>>) offsets(%arg7 : memref<128xi32, #tpu.memory_space<vmem>>) semaphore(%arg20 : memref<!tpu.dma_semaphore, #tpu.memory_space<semaphore_mem>>)
      %dma_wait3A_287 = arith.constant 0 : i32
      %dma_wait3A_288 = arith.constant 0 : i32
      %dma_wait3A_289 = tpu.memref_slice %arg2[%dma_wait3A_287, %dma_wait3A_288] : memref<10000x128xf32, #tpu.memory_space<hbm>> -> memref<10000x128xf32, #tpu.memory_space<hbm>>
      tpu.wait_indirect_dma semaphore(%arg21 : memref<!tpu.dma_semaphore, #tpu.memory_space<semaphore_mem>>) src(%dma_wait3A_289 : memref<10000x128xf32, #tpu.memory_space<hbm>>) dst(%arg16 : memref<128x128xf32, #tpu.memory_space<vmem>>)
      %dma_start3A_290 = arith.constant 0 : i32
      %dma_start3A_291 = arith.constant 0 : i32
      %dma_start3A_292 = tpu.memref_slice %arg29[%dma_start3A_290, %dma_start3A_291] : memref<10240x128xf32, #tpu.memory_space<vmem_shared>> -> memref<10240x128xf32, #tpu.memory_space<vmem_shared>>
      tpu.enqueue_indirect_dma source(%arg16 : memref<128x128xf32, #tpu.memory_space<vmem>>) target(%dma_start3A_292 : memref<10240x128xf32, #tpu.memory_space<vmem_shared>>) offsets(%arg14 : memref<128xi32, #tpu.memory_space<vmem>>) semaphore(%arg23 : memref<!tpu.dma_semaphore, #tpu.memory_space<semaphore_mem>>) {add = true}
      %mul3A_293 = arith.constant 4 : i32
      %mul3A_294 = arith.muli %add3A_184, %mul3A_293 : i32
      %add3A_295 = arith.constant 2 : i32
      %add3A_296 = arith.addi %mul3A_294, %add3A_295 : i32
      %add3A_297 = arith.constant 3 : i32
      %add3A_298 = arith.addi %add3A_296, %add3A_297 : i32
      %dma_wait3A_299 = arith.constant 0 : i32
      %dma_wait3A_300 = arith.constant 0 : i32
      %dma_wait3A_301 = tpu.memref_slice %arg29[%dma_wait3A_299, %dma_wait3A_300] : memref<10240x128xf32, #tpu.memory_space<vmem_shared>> -> memref<10240x128xf32, #tpu.memory_space<vmem_shared>>
      tpu.wait_indirect_dma semaphore(%arg23 : memref<!tpu.dma_semaphore, #tpu.memory_space<semaphore_mem>>) src(%arg16 : memref<128x128xf32, #tpu.memory_space<vmem>>) dst(%dma_wait3A_301 : memref<10240x128xf32, #tpu.memory_space<vmem_shared>>)
      %add3A_302 = arith.constant 2 : i32
      %add3A_303 = arith.addi %add3A_298, %add3A_302 : i32
      %mul3A_304 = arith.constant 128 : i32
      %mul3A_305 = arith.muli %add3A_303, %mul3A_304 : i32
      %add3A_306 = arith.addi %mul3A_4, %mul3A_305 : i32
      %multiple_of3A_307 = tpu.assume_multiple %add3A_306, 8 : i32
      %dma_start3A_308 = tpu.memref_slice %arg3[%multiple_of3A_307] : memref<320000xi32, #tpu.memory_space<hbm>> -> memref<128xi32, #tpu.memory_space<hbm>>
      %dma_start3A_309 = tpu.memref_slice %arg3[%multiple_of3A_307] : memref<320000xi32, #tpu.memory_space<hbm>> -> memref<128xi32, #tpu.memory_space<hbm>>
      tpu.enqueue_dma source(%dma_start3A_309 : memref<128xi32, #tpu.memory_space<hbm>>) target(%arg10 : memref<128xi32, #tpu.memory_space<vmem>>) target_semaphore(%arg27 : memref<!tpu.dma_semaphore, #tpu.memory_space<semaphore_mem>>)
      %dma_start3A_310 = tpu.memref_slice %arg4[%multiple_of3A_307] : memref<320000xi32, #tpu.memory_space<hbm>> -> memref<128xi32, #tpu.memory_space<hbm>>
      %dma_start3A_311 = tpu.memref_slice %arg4[%multiple_of3A_307] : memref<320000xi32, #tpu.memory_space<hbm>> -> memref<128xi32, #tpu.memory_space<hbm>>
      tpu.enqueue_dma source(%dma_start3A_311 : memref<128xi32, #tpu.memory_space<hbm>>) target(%arg14 : memref<128xi32, #tpu.memory_space<vmem>>) target_semaphore(%arg27 : memref<!tpu.dma_semaphore, #tpu.memory_space<semaphore_mem>>)
      %dma_wait3A_312 = arith.constant 0 : i32
      %dma_wait3A_313 = tpu.memref_slice %arg3[%dma_wait3A_312] : memref<320000xi32, #tpu.memory_space<hbm>> -> memref<128xi32, #tpu.memory_space<hbm>>
      %dma_wait3A_314 = arith.constant 0 : i32
      %dma_wait3A_315 = tpu.memref_slice %arg3[%dma_wait3A_314] : memref<320000xi32, #tpu.memory_space<hbm>> -> memref<128xi32, #tpu.memory_space<hbm>>
      tpu.wait_dma2 semaphore(%arg25 : memref<!tpu.dma_semaphore, #tpu.memory_space<semaphore_mem>>) src(%dma_wait3A_315 : memref<128xi32, #tpu.memory_space<hbm>>) dst(%arg8 : memref<128xi32, #tpu.memory_space<vmem>>)
      %dma_wait3A_316 = arith.constant 0 : i32
      %dma_wait3A_317 = tpu.memref_slice %arg4[%dma_wait3A_316] : memref<320000xi32, #tpu.memory_space<hbm>> -> memref<128xi32, #tpu.memory_space<hbm>>
      %dma_wait3A_318 = arith.constant 0 : i32
      %dma_wait3A_319 = tpu.memref_slice %arg4[%dma_wait3A_318] : memref<320000xi32, #tpu.memory_space<hbm>> -> memref<128xi32, #tpu.memory_space<hbm>>
      tpu.wait_dma2 semaphore(%arg25 : memref<!tpu.dma_semaphore, #tpu.memory_space<semaphore_mem>>) src(%dma_wait3A_319 : memref<128xi32, #tpu.memory_space<hbm>>) dst(%arg12 : memref<128xi32, #tpu.memory_space<vmem>>)
      %dma_start3A_320 = arith.constant 0 : i32
      %dma_start3A_321 = arith.constant 0 : i32
      %dma_start3A_322 = tpu.memref_slice %arg2[%dma_start3A_320, %dma_start3A_321] : memref<10000x128xf32, #tpu.memory_space<hbm>> -> memref<10000x128xf32, #tpu.memory_space<hbm>>
      tpu.enqueue_indirect_dma source(%dma_start3A_322 : memref<10000x128xf32, #tpu.memory_space<hbm>>) target(%arg16 : memref<128x128xf32, #tpu.memory_space<vmem>>) offsets(%arg8 : memref<128xi32, #tpu.memory_space<vmem>>) semaphore(%arg21 : memref<!tpu.dma_semaphore, #tpu.memory_space<semaphore_mem>>)
      %dma_wait3A_323 = arith.constant 0 : i32
      %dma_wait3A_324 = arith.constant 0 : i32
      %dma_wait3A_325 = tpu.memref_slice %arg2[%dma_wait3A_323, %dma_wait3A_324] : memref<10000x128xf32, #tpu.memory_space<hbm>> -> memref<10000x128xf32, #tpu.memory_space<hbm>>
      tpu.wait_indirect_dma semaphore(%arg20 : memref<!tpu.dma_semaphore, #tpu.memory_space<semaphore_mem>>) src(%dma_wait3A_325 : memref<10000x128xf32, #tpu.memory_space<hbm>>) dst(%arg15 : memref<128x128xf32, #tpu.memory_space<vmem>>)
      %dma_start3A_326 = arith.constant 0 : i32
      %dma_start3A_327 = arith.constant 0 : i32
      %dma_start3A_328 = tpu.memref_slice %arg29[%dma_start3A_326, %dma_start3A_327] : memref<10240x128xf32, #tpu.memory_space<vmem_shared>> -> memref<10240x128xf32, #tpu.memory_space<vmem_shared>>
      tpu.enqueue_indirect_dma source(%arg15 : memref<128x128xf32, #tpu.memory_space<vmem>>) target(%dma_start3A_328 : memref<10240x128xf32, #tpu.memory_space<vmem_shared>>) offsets(%arg11 : memref<128xi32, #tpu.memory_space<vmem>>) semaphore(%arg22 : memref<!tpu.dma_semaphore, #tpu.memory_space<semaphore_mem>>) {add = true}
    }
    %scan3A_70 = arith.constant 18 : i32
    %dma_wait3A_71 = arith.constant 0 : i32
    %dma_wait3A_72 = arith.constant 0 : i32
    %dma_wait3A_73 = tpu.memref_slice %arg29[%dma_wait3A_71, %dma_wait3A_72] : memref<10240x128xf32, #tpu.memory_space<vmem_shared>> -> memref<10240x128xf32, #tpu.memory_space<vmem_shared>>
    tpu.wait_indirect_dma semaphore(%arg22 : memref<!tpu.dma_semaphore, #tpu.memory_space<semaphore_mem>>) src(%arg15 : memref<128x128xf32, #tpu.memory_space<vmem>>) dst(%dma_wait3A_73 : memref<10240x128xf32, #tpu.memory_space<vmem_shared>>)
    %add3A_74 = arith.constant 9728 : i32
    %add3A_75 = arith.addi %mul3A_4, %add3A_74 : i32
    %multiple_of3A_76 = tpu.assume_multiple %add3A_75, 8 : i32
    %dma_start3A_77 = tpu.memref_slice %arg3[%multiple_of3A_76] : memref<320000xi32, #tpu.memory_space<hbm>> -> memref<128xi32, #tpu.memory_space<hbm>>
    %dma_start3A_78 = tpu.memref_slice %arg3[%multiple_of3A_76] : memref<320000xi32, #tpu.memory_space<hbm>> -> memref<128xi32, #tpu.memory_space<hbm>>
    tpu.enqueue_dma source(%dma_start3A_78 : memref<128xi32, #tpu.memory_space<hbm>>) target(%arg7 : memref<128xi32, #tpu.memory_space<vmem>>) target_semaphore(%arg24 : memref<!tpu.dma_semaphore, #tpu.memory_space<semaphore_mem>>)
    %dma_start3A_79 = tpu.memref_slice %arg4[%multiple_of3A_76] : memref<320000xi32, #tpu.memory_space<hbm>> -> memref<128xi32, #tpu.memory_space<hbm>>
    %dma_start3A_80 = tpu.memref_slice %arg4[%multiple_of3A_76] : memref<320000xi32, #tpu.memory_space<hbm>> -> memref<128xi32, #tpu.memory_space<hbm>>
    tpu.enqueue_dma source(%dma_start3A_80 : memref<128xi32, #tpu.memory_space<hbm>>) target(%arg11 : memref<128xi32, #tpu.memory_space<vmem>>) target_semaphore(%arg24 : memref<!tpu.dma_semaphore, #tpu.memory_space<semaphore_mem>>)
    %dma_wait3A_81 = arith.constant 0 : i32
    %dma_wait3A_82 = tpu.memref_slice %arg3[%dma_wait3A_81] : memref<320000xi32, #tpu.memory_space<hbm>> -> memref<128xi32, #tpu.memory_space<hbm>>
    %dma_wait3A_83 = arith.constant 0 : i32
    %dma_wait3A_84 = tpu.memref_slice %arg3[%dma_wait3A_83] : memref<320000xi32, #tpu.memory_space<hbm>> -> memref<128xi32, #tpu.memory_space<hbm>>
    tpu.wait_dma2 semaphore(%arg26 : memref<!tpu.dma_semaphore, #tpu.memory_space<semaphore_mem>>) src(%dma_wait3A_84 : memref<128xi32, #tpu.memory_space<hbm>>) dst(%arg9 : memref<128xi32, #tpu.memory_space<vmem>>)
    %dma_wait3A_85 = arith.constant 0 : i32
    %dma_wait3A_86 = tpu.memref_slice %arg4[%dma_wait3A_85] : memref<320000xi32, #tpu.memory_space<hbm>> -> memref<128xi32, #tpu.memory_space<hbm>>
    %dma_wait3A_87 = arith.constant 0 : i32
    %dma_wait3A_88 = tpu.memref_slice %arg4[%dma_wait3A_87] : memref<320000xi32, #tpu.memory_space<hbm>> -> memref<128xi32, #tpu.memory_space<hbm>>
    tpu.wait_dma2 semaphore(%arg26 : memref<!tpu.dma_semaphore, #tpu.memory_space<semaphore_mem>>) src(%dma_wait3A_88 : memref<128xi32, #tpu.memory_space<hbm>>) dst(%arg13 : memref<128xi32, #tpu.memory_space<vmem>>)
    %dma_start3A_89 = arith.constant 0 : i32
    %dma_start3A_90 = arith.constant 0 : i32
    %dma_start3A_91 = tpu.memref_slice %arg2[%dma_start3A_89, %dma_start3A_90] : memref<10000x128xf32, #tpu.memory_space<hbm>> -> memref<10000x128xf32, #tpu.memory_space<hbm>>
    tpu.enqueue_indirect_dma source(%dma_start3A_91 : memref<10000x128xf32, #tpu.memory_space<hbm>>) target(%arg15 : memref<128x128xf32, #tpu.memory_space<vmem>>) offsets(%arg9 : memref<128xi32, #tpu.memory_space<vmem>>) semaphore(%arg20 : memref<!tpu.dma_semaphore, #tpu.memory_space<semaphore_mem>>)
    %dma_wait3A_92 = arith.constant 0 : i32
    %dma_wait3A_93 = arith.constant 0 : i32
    %dma_wait3A_94 = tpu.memref_slice %arg2[%dma_wait3A_92, %dma_wait3A_93] : memref<10000x128xf32, #tpu.memory_space<hbm>> -> memref<10000x128xf32, #tpu.memory_space<hbm>>
    tpu.wait_indirect_dma semaphore(%arg21 : memref<!tpu.dma_semaphore, #tpu.memory_space<semaphore_mem>>) src(%dma_wait3A_94 : memref<10000x128xf32, #tpu.memory_space<hbm>>) dst(%arg16 : memref<128x128xf32, #tpu.memory_space<vmem>>)
    %dma_start3A_95 = arith.constant 0 : i32
    %dma_start3A_96 = arith.constant 0 : i32
    %dma_start3A_97 = tpu.memref_slice %arg29[%dma_start3A_95, %dma_start3A_96] : memref<10240x128xf32, #tpu.memory_space<vmem_shared>> -> memref<10240x128xf32, #tpu.memory_space<vmem_shared>>
    tpu.enqueue_indirect_dma source(%arg16 : memref<128x128xf32, #tpu.memory_space<vmem>>) target(%dma_start3A_97 : memref<10240x128xf32, #tpu.memory_space<vmem_shared>>) offsets(%arg12 : memref<128xi32, #tpu.memory_space<vmem>>) semaphore(%arg23 : memref<!tpu.dma_semaphore, #tpu.memory_space<semaphore_mem>>) {add = true}
    %dma_wait3A_98 = arith.constant 0 : i32
    %dma_wait3A_99 = arith.constant 0 : i32
    %dma_wait3A_100 = tpu.memref_slice %arg29[%dma_wait3A_98, %dma_wait3A_99] : memref<10240x128xf32, #tpu.memory_space<vmem_shared>> -> memref<10240x128xf32, #tpu.memory_space<vmem_shared>>
    tpu.wait_indirect_dma semaphore(%arg23 : memref<!tpu.dma_semaphore, #tpu.memory_space<semaphore_mem>>) src(%arg16 : memref<128x128xf32, #tpu.memory_space<vmem>>) dst(%dma_wait3A_100 : memref<10240x128xf32, #tpu.memory_space<vmem_shared>>)
    %add3A_101 = arith.constant 9856 : i32
    %add3A_102 = arith.addi %mul3A_4, %add3A_101 : i32
    %multiple_of3A_103 = tpu.assume_multiple %add3A_102, 8 : i32
    %dma_start3A_104 = tpu.memref_slice %arg3[%multiple_of3A_103] : memref<320000xi32, #tpu.memory_space<hbm>> -> memref<128xi32, #tpu.memory_space<hbm>>
    %dma_start3A_105 = tpu.memref_slice %arg3[%multiple_of3A_103] : memref<320000xi32, #tpu.memory_space<hbm>> -> memref<128xi32, #tpu.memory_space<hbm>>
    tpu.enqueue_dma source(%dma_start3A_105 : memref<128xi32, #tpu.memory_space<hbm>>) target(%arg8 : memref<128xi32, #tpu.memory_space<vmem>>) target_semaphore(%arg25 : memref<!tpu.dma_semaphore, #tpu.memory_space<semaphore_mem>>)
    %dma_start3A_106 = tpu.memref_slice %arg4[%multiple_of3A_103] : memref<320000xi32, #tpu.memory_space<hbm>> -> memref<128xi32, #tpu.memory_space<hbm>>
    %dma_start3A_107 = tpu.memref_slice %arg4[%multiple_of3A_103] : memref<320000xi32, #tpu.memory_space<hbm>> -> memref<128xi32, #tpu.memory_space<hbm>>
    tpu.enqueue_dma source(%dma_start3A_107 : memref<128xi32, #tpu.memory_space<hbm>>) target(%arg12 : memref<128xi32, #tpu.memory_space<vmem>>) target_semaphore(%arg25 : memref<!tpu.dma_semaphore, #tpu.memory_space<semaphore_mem>>)
    %dma_wait3A_108 = arith.constant 0 : i32
    %dma_wait3A_109 = tpu.memref_slice %arg3[%dma_wait3A_108] : memref<320000xi32, #tpu.memory_space<hbm>> -> memref<128xi32, #tpu.memory_space<hbm>>
    %dma_wait3A_110 = arith.constant 0 : i32
    %dma_wait3A_111 = tpu.memref_slice %arg3[%dma_wait3A_110] : memref<320000xi32, #tpu.memory_space<hbm>> -> memref<128xi32, #tpu.memory_space<hbm>>
    tpu.wait_dma2 semaphore(%arg27 : memref<!tpu.dma_semaphore, #tpu.memory_space<semaphore_mem>>) src(%dma_wait3A_111 : memref<128xi32, #tpu.memory_space<hbm>>) dst(%arg10 : memref<128xi32, #tpu.memory_space<vmem>>)
    %dma_wait3A_112 = arith.constant 0 : i32
    %dma_wait3A_113 = tpu.memref_slice %arg4[%dma_wait3A_112] : memref<320000xi32, #tpu.memory_space<hbm>> -> memref<128xi32, #tpu.memory_space<hbm>>
    %dma_wait3A_114 = arith.constant 0 : i32
    %dma_wait3A_115 = tpu.memref_slice %arg4[%dma_wait3A_114] : memref<320000xi32, #tpu.memory_space<hbm>> -> memref<128xi32, #tpu.memory_space<hbm>>
    tpu.wait_dma2 semaphore(%arg27 : memref<!tpu.dma_semaphore, #tpu.memory_space<semaphore_mem>>) src(%dma_wait3A_115 : memref<128xi32, #tpu.memory_space<hbm>>) dst(%arg14 : memref<128xi32, #tpu.memory_space<vmem>>)
    %dma_start3A_116 = arith.constant 0 : i32
    %dma_start3A_117 = arith.constant 0 : i32
    %dma_start3A_118 = tpu.memref_slice %arg2[%dma_start3A_116, %dma_start3A_117] : memref<10000x128xf32, #tpu.memory_space<hbm>> -> memref<10000x128xf32, #tpu.memory_space<hbm>>
    tpu.enqueue_indirect_dma source(%dma_start3A_118 : memref<10000x128xf32, #tpu.memory_space<hbm>>) target(%arg16 : memref<128x128xf32, #tpu.memory_space<vmem>>) offsets(%arg10 : memref<128xi32, #tpu.memory_space<vmem>>) semaphore(%arg21 : memref<!tpu.dma_semaphore, #tpu.memory_space<semaphore_mem>>)
    %dma_wait3A_119 = arith.constant 0 : i32
    %dma_wait3A_120 = arith.constant 0 : i32
    %dma_wait3A_121 = tpu.memref_slice %arg2[%dma_wait3A_119, %dma_wait3A_120] : memref<10000x128xf32, #tpu.memory_space<hbm>> -> memref<10000x128xf32, #tpu.memory_space<hbm>>
    tpu.wait_indirect_dma semaphore(%arg20 : memref<!tpu.dma_semaphore, #tpu.memory_space<semaphore_mem>>) src(%dma_wait3A_121 : memref<10000x128xf32, #tpu.memory_space<hbm>>) dst(%arg15 : memref<128x128xf32, #tpu.memory_space<vmem>>)
    %dma_start3A_122 = arith.constant 0 : i32
    %dma_start3A_123 = arith.constant 0 : i32
    %dma_start3A_124 = tpu.memref_slice %arg29[%dma_start3A_122, %dma_start3A_123] : memref<10240x128xf32, #tpu.memory_space<vmem_shared>> -> memref<10240x128xf32, #tpu.memory_space<vmem_shared>>
    tpu.enqueue_indirect_dma source(%arg15 : memref<128x128xf32, #tpu.memory_space<vmem>>) target(%dma_start3A_124 : memref<10240x128xf32, #tpu.memory_space<vmem_shared>>) offsets(%arg13 : memref<128xi32, #tpu.memory_space<vmem>>) semaphore(%arg22 : memref<!tpu.dma_semaphore, #tpu.memory_space<semaphore_mem>>) {add = true}
    %dma_wait3A_125 = arith.constant 0 : i32
    %dma_wait3A_126 = arith.constant 0 : i32
    %dma_wait3A_127 = tpu.memref_slice %arg29[%dma_wait3A_125, %dma_wait3A_126] : memref<10240x128xf32, #tpu.memory_space<vmem_shared>> -> memref<10240x128xf32, #tpu.memory_space<vmem_shared>>
    tpu.wait_indirect_dma semaphore(%arg22 : memref<!tpu.dma_semaphore, #tpu.memory_space<semaphore_mem>>) src(%arg15 : memref<128x128xf32, #tpu.memory_space<vmem>>) dst(%dma_wait3A_127 : memref<10240x128xf32, #tpu.memory_space<vmem_shared>>)
    %dma_wait3A_128 = arith.constant 0 : i32
    %dma_wait3A_129 = tpu.memref_slice %arg3[%dma_wait3A_128] : memref<320000xi32, #tpu.memory_space<hbm>> -> memref<128xi32, #tpu.memory_space<hbm>>
    %dma_wait3A_130 = arith.constant 0 : i32
    %dma_wait3A_131 = tpu.memref_slice %arg3[%dma_wait3A_130] : memref<320000xi32, #tpu.memory_space<hbm>> -> memref<128xi32, #tpu.memory_space<hbm>>
    tpu.wait_dma2 semaphore(%arg24 : memref<!tpu.dma_semaphore, #tpu.memory_space<semaphore_mem>>) src(%dma_wait3A_131 : memref<128xi32, #tpu.memory_space<hbm>>) dst(%arg7 : memref<128xi32, #tpu.memory_space<vmem>>)
    %dma_wait3A_132 = arith.constant 0 : i32
    %dma_wait3A_133 = tpu.memref_slice %arg4[%dma_wait3A_132] : memref<320000xi32, #tpu.memory_space<hbm>> -> memref<128xi32, #tpu.memory_space<hbm>>
    %dma_wait3A_134 = arith.constant 0 : i32
    %dma_wait3A_135 = tpu.memref_slice %arg4[%dma_wait3A_134] : memref<320000xi32, #tpu.memory_space<hbm>> -> memref<128xi32, #tpu.memory_space<hbm>>
    tpu.wait_dma2 semaphore(%arg24 : memref<!tpu.dma_semaphore, #tpu.memory_space<semaphore_mem>>) src(%dma_wait3A_135 : memref<128xi32, #tpu.memory_space<hbm>>) dst(%arg11 : memref<128xi32, #tpu.memory_space<vmem>>)
    %dma_start3A_136 = arith.constant 0 : i32
    %dma_start3A_137 = arith.constant 0 : i32
    %dma_start3A_138 = tpu.memref_slice %arg2[%dma_start3A_136, %dma_start3A_137] : memref<10000x128xf32, #tpu.memory_space<hbm>> -> memref<10000x128xf32, #tpu.memory_space<hbm>>
    tpu.enqueue_indirect_dma source(%dma_start3A_138 : memref<10000x128xf32, #tpu.memory_space<hbm>>) target(%arg15 : memref<128x128xf32, #tpu.memory_space<vmem>>) offsets(%arg7 : memref<128xi32, #tpu.memory_space<vmem>>) semaphore(%arg20 : memref<!tpu.dma_semaphore, #tpu.memory_space<semaphore_mem>>)
    %dma_wait3A_139 = arith.constant 0 : i32
    %dma_wait3A_140 = arith.constant 0 : i32
    %dma_wait3A_141 = tpu.memref_slice %arg2[%dma_wait3A_139, %dma_wait3A_140] : memref<10000x128xf32, #tpu.memory_space<hbm>> -> memref<10000x128xf32, #tpu.memory_space<hbm>>
    tpu.wait_indirect_dma semaphore(%arg21 : memref<!tpu.dma_semaphore, #tpu.memory_space<semaphore_mem>>) src(%dma_wait3A_141 : memref<10000x128xf32, #tpu.memory_space<hbm>>) dst(%arg16 : memref<128x128xf32, #tpu.memory_space<vmem>>)
    %dma_start3A_142 = arith.constant 0 : i32
    %dma_start3A_143 = arith.constant 0 : i32
    %dma_start3A_144 = tpu.memref_slice %arg29[%dma_start3A_142, %dma_start3A_143] : memref<10240x128xf32, #tpu.memory_space<vmem_shared>> -> memref<10240x128xf32, #tpu.memory_space<vmem_shared>>
    tpu.enqueue_indirect_dma source(%arg16 : memref<128x128xf32, #tpu.memory_space<vmem>>) target(%dma_start3A_144 : memref<10240x128xf32, #tpu.memory_space<vmem_shared>>) offsets(%arg14 : memref<128xi32, #tpu.memory_space<vmem>>) semaphore(%arg23 : memref<!tpu.dma_semaphore, #tpu.memory_space<semaphore_mem>>) {add = true}
    %dma_wait3A_145 = arith.constant 0 : i32
    %dma_wait3A_146 = arith.constant 0 : i32
    %dma_wait3A_147 = tpu.memref_slice %arg29[%dma_wait3A_145, %dma_wait3A_146] : memref<10240x128xf32, #tpu.memory_space<vmem_shared>> -> memref<10240x128xf32, #tpu.memory_space<vmem_shared>>
    tpu.wait_indirect_dma semaphore(%arg23 : memref<!tpu.dma_semaphore, #tpu.memory_space<semaphore_mem>>) src(%arg16 : memref<128x128xf32, #tpu.memory_space<vmem>>) dst(%dma_wait3A_147 : memref<10240x128xf32, #tpu.memory_space<vmem_shared>>)
    %dma_wait3A_148 = arith.constant 0 : i32
    %dma_wait3A_149 = tpu.memref_slice %arg3[%dma_wait3A_148] : memref<320000xi32, #tpu.memory_space<hbm>> -> memref<128xi32, #tpu.memory_space<hbm>>
    %dma_wait3A_150 = arith.constant 0 : i32
    %dma_wait3A_151 = tpu.memref_slice %arg3[%dma_wait3A_150] : memref<320000xi32, #tpu.memory_space<hbm>> -> memref<128xi32, #tpu.memory_space<hbm>>
    tpu.wait_dma2 semaphore(%arg25 : memref<!tpu.dma_semaphore, #tpu.memory_space<semaphore_mem>>) src(%dma_wait3A_151 : memref<128xi32, #tpu.memory_space<hbm>>) dst(%arg8 : memref<128xi32, #tpu.memory_space<vmem>>)
    %dma_wait3A_152 = arith.constant 0 : i32
    %dma_wait3A_153 = tpu.memref_slice %arg4[%dma_wait3A_152] : memref<320000xi32, #tpu.memory_space<hbm>> -> memref<128xi32, #tpu.memory_space<hbm>>
    %dma_wait3A_154 = arith.constant 0 : i32
    %dma_wait3A_155 = tpu.memref_slice %arg4[%dma_wait3A_154] : memref<320000xi32, #tpu.memory_space<hbm>> -> memref<128xi32, #tpu.memory_space<hbm>>
    tpu.wait_dma2 semaphore(%arg25 : memref<!tpu.dma_semaphore, #tpu.memory_space<semaphore_mem>>) src(%dma_wait3A_155 : memref<128xi32, #tpu.memory_space<hbm>>) dst(%arg12 : memref<128xi32, #tpu.memory_space<vmem>>)
    %dma_start3A_156 = arith.constant 0 : i32
    %dma_start3A_157 = arith.constant 0 : i32
    %dma_start3A_158 = tpu.memref_slice %arg2[%dma_start3A_156, %dma_start3A_157] : memref<10000x128xf32, #tpu.memory_space<hbm>> -> memref<10000x128xf32, #tpu.memory_space<hbm>>
    tpu.enqueue_indirect_dma source(%dma_start3A_158 : memref<10000x128xf32, #tpu.memory_space<hbm>>) target(%arg16 : memref<128x128xf32, #tpu.memory_space<vmem>>) offsets(%arg8 : memref<128xi32, #tpu.memory_space<vmem>>) semaphore(%arg21 : memref<!tpu.dma_semaphore, #tpu.memory_space<semaphore_mem>>)
    %dma_wait3A_159 = arith.constant 0 : i32
    %dma_wait3A_160 = arith.constant 0 : i32
    %dma_wait3A_161 = tpu.memref_slice %arg2[%dma_wait3A_159, %dma_wait3A_160] : memref<10000x128xf32, #tpu.memory_space<hbm>> -> memref<10000x128xf32, #tpu.memory_space<hbm>>
    tpu.wait_indirect_dma semaphore(%arg20 : memref<!tpu.dma_semaphore, #tpu.memory_space<semaphore_mem>>) src(%dma_wait3A_161 : memref<10000x128xf32, #tpu.memory_space<hbm>>) dst(%arg15 : memref<128x128xf32, #tpu.memory_space<vmem>>)
    %dma_start3A_162 = arith.constant 0 : i32
    %dma_start3A_163 = arith.constant 0 : i32
    %dma_start3A_164 = tpu.memref_slice %arg29[%dma_start3A_162, %dma_start3A_163] : memref<10240x128xf32, #tpu.memory_space<vmem_shared>> -> memref<10240x128xf32, #tpu.memory_space<vmem_shared>>
    tpu.enqueue_indirect_dma source(%arg15 : memref<128x128xf32, #tpu.memory_space<vmem>>) target(%dma_start3A_164 : memref<10240x128xf32, #tpu.memory_space<vmem_shared>>) offsets(%arg11 : memref<128xi32, #tpu.memory_space<vmem>>) semaphore(%arg22 : memref<!tpu.dma_semaphore, #tpu.memory_space<semaphore_mem>>) {add = true}
    %dma_wait3A_165 = arith.constant 0 : i32
    %dma_wait3A_166 = arith.constant 0 : i32
    %dma_wait3A_167 = tpu.memref_slice %arg2[%dma_wait3A_165, %dma_wait3A_166] : memref<10000x128xf32, #tpu.memory_space<hbm>> -> memref<10000x128xf32, #tpu.memory_space<hbm>>
    tpu.wait_indirect_dma semaphore(%arg21 : memref<!tpu.dma_semaphore, #tpu.memory_space<semaphore_mem>>) src(%dma_wait3A_167 : memref<10000x128xf32, #tpu.memory_space<hbm>>) dst(%arg16 : memref<128x128xf32, #tpu.memory_space<vmem>>)
    %dma_start3A_168 = arith.constant 0 : i32
    %dma_start3A_169 = arith.constant 0 : i32
    %dma_start3A_170 = tpu.memref_slice %arg29[%dma_start3A_168, %dma_start3A_169] : memref<10240x128xf32, #tpu.memory_space<vmem_shared>> -> memref<10240x128xf32, #tpu.memory_space<vmem_shared>>
    tpu.enqueue_indirect_dma source(%arg16 : memref<128x128xf32, #tpu.memory_space<vmem>>) target(%dma_start3A_170 : memref<10240x128xf32, #tpu.memory_space<vmem_shared>>) offsets(%arg12 : memref<128xi32, #tpu.memory_space<vmem>>) semaphore(%arg23 : memref<!tpu.dma_semaphore, #tpu.memory_space<semaphore_mem>>) {add = true}
    %dma_wait3A_171 = arith.constant 0 : i32
    %dma_wait3A_172 = arith.constant 0 : i32
    %dma_wait3A_173 = tpu.memref_slice %arg29[%dma_wait3A_171, %dma_wait3A_172] : memref<10240x128xf32, #tpu.memory_space<vmem_shared>> -> memref<10240x128xf32, #tpu.memory_space<vmem_shared>>
    tpu.wait_indirect_dma semaphore(%arg22 : memref<!tpu.dma_semaphore, #tpu.memory_space<semaphore_mem>>) src(%arg15 : memref<128x128xf32, #tpu.memory_space<vmem>>) dst(%dma_wait3A_173 : memref<10240x128xf32, #tpu.memory_space<vmem_shared>>)
    %dma_wait3A_174 = arith.constant 0 : i32
    %dma_wait3A_175 = arith.constant 0 : i32
    %dma_wait3A_176 = tpu.memref_slice %arg29[%dma_wait3A_174, %dma_wait3A_175] : memref<10240x128xf32, #tpu.memory_space<vmem_shared>> -> memref<10240x128xf32, #tpu.memory_space<vmem_shared>>
    tpu.wait_indirect_dma semaphore(%arg23 : memref<!tpu.dma_semaphore, #tpu.memory_space<semaphore_mem>>) src(%arg16 : memref<128x128xf32, #tpu.memory_space<vmem>>) dst(%dma_wait3A_176 : memref<10240x128xf32, #tpu.memory_space<vmem_shared>>)
    %barrier3A_177 = arith.constant 0 : index
    tpu.barrier barrier_id(%barrier3A_177)
    %mul3A_178 = arith.constant 640 : i32
    %mul3A_179 = arith.muli %arg1, %mul3A_178 : i32
    "tpu.region"() ({
      %run_scoped3A = tpu.sem_alloc : memref<!tpu.dma_semaphore, #tpu.memory_space<semaphore_mem>>
      %dma_start3A_180 = arith.constant 0 : i32
      %dma_start3A_181 = tpu.memref_slice %arg6[%arg0, %mul3A_179, %dma_start3A_180] : memref<2x10240x128xf32, #tpu.memory_space<hbm>> -> memref<1x640x128xf32, #tpu.memory_space<hbm>>
      %dma_start3A_182 = tpu.memref_squeeze %dma_start3A_181 : memref<1x640x128xf32, #tpu.memory_space<hbm>> -> memref<640x128xf32, #tpu.memory_space<hbm>>
      %dma_start3A_183 = arith.constant 0 : i32
      %dma_start3A_184 = tpu.memref_slice %arg29[%mul3A_179, %dma_start3A_183] : memref<10240x128xf32, #tpu.memory_space<vmem_shared>> -> memref<640x128xf32, #tpu.memory_space<vmem_shared>>
      tpu.enqueue_dma source(%dma_start3A_184 : memref<640x128xf32, #tpu.memory_space<vmem_shared>>) target(%dma_start3A_182 : memref<640x128xf32, #tpu.memory_space<hbm>>) target_semaphore(%run_scoped3A : memref<!tpu.dma_semaphore, #tpu.memory_space<semaphore_mem>>)
      %dma_wait3A_185 = arith.constant 0 : i32
      %dma_wait3A_186 = tpu.memref_slice %arg6[%arg0, %mul3A_179, %dma_wait3A_185] : memref<2x10240x128xf32, #tpu.memory_space<hbm>> -> memref<1x640x128xf32, #tpu.memory_space<hbm>>
      %dma_wait3A_187 = tpu.memref_squeeze %dma_wait3A_186 : memref<1x640x128xf32, #tpu.memory_space<hbm>> -> memref<640x128xf32, #tpu.memory_space<hbm>>
      %dma_wait3A_188 = arith.constant 0 : i32
      %dma_wait3A_189 = tpu.memref_slice %arg29[%mul3A_179, %dma_wait3A_188] : memref<10240x128xf32, #tpu.memory_space<vmem_shared>> -> memref<640x128xf32, #tpu.memory_space<vmem_shared>>
      tpu.wait_dma2 semaphore(%run_scoped3A : memref<!tpu.dma_semaphore, #tpu.memory_space<semaphore_mem>>) src(%dma_wait3A_189 : memref<640x128xf32, #tpu.memory_space<vmem_shared>>) dst(%dma_wait3A_187 : memref<640x128xf32, #tpu.memory_space<hbm>>)
      tpu.yield
    }) : () -> ()
    return
  }
}

module attributes {stable_mosaic.version = 14 : i64} {
  func.func @_tc_a_body(%arg0: memref<10000x128xf32, #tpu.memory_space<vmem>>, %arg1: memref<32x10000xf32, #tpu.memory_space<vmem>>, %arg2: memref<32x10000xf32, #tpu.memory_space<vmem>>, %arg3: memref<10000x128xf32, #tpu.memory_space<vmem>>, %arg4: memref<10000x8xf32, #tpu.memory_space<vmem>>) attributes {dimension_semantics = [], scalar_prefetch = 0 : i64, scratch_operands = 0 : i64, tpu.core_type = #tpu.core_type<tc>} {
    %get3A = arith.constant 0 : index
    %get3A_0 = arith.constant 0 : index
    %get3A_1 = vector.load %arg1[%get3A, %get3A_0] : memref<32x10000xf32, #tpu.memory_space<vmem>>, vector<32x10000xf32>
    %reduce_sum3A = arith.constant dense<0.000000e+00> : vector<10000xf32>
    %reduce_sum3A_2 = vector.multi_reduction <add>, %get3A_1, %reduce_sum3A [0] : vector<32x10000xf32> to vector<10000xf32>
    %broadcast_in_dim3A = vector.shape_cast %reduce_sum3A_2 : vector<10000xf32> to vector<10000x1xf32>
    %get3A_3 = arith.constant 0 : index
    %get3A_4 = arith.constant 0 : index
    %get3A_5 = vector.load %arg2[%get3A_3, %get3A_4] : memref<32x10000xf32, #tpu.memory_space<vmem>>, vector<32x10000xf32>
    %reduce_sum3A_6 = arith.constant dense<0.000000e+00> : vector<10000xf32>
    %reduce_sum3A_7 = vector.multi_reduction <add>, %get3A_5, %reduce_sum3A_6 [0] : vector<32x10000xf32> to vector<10000xf32>
    %broadcast_in_dim3A_8 = vector.shape_cast %reduce_sum3A_7 : vector<10000xf32> to vector<10000x1xf32>
    %gt3A = arith.constant 0.000000e+00 : f32
    %gt3A_9 = vector.broadcast %gt3A : f32 to vector<10000x1xf32>
    %gt3A_10 = arith.cmpf ogt, %broadcast_in_dim3A, %gt3A_9 : vector<10000x1xf32>
    %jit3A = arith.constant 1.000000e+00 : f32
    %broadcast_in_dim3A_11 = vector.broadcast %jit3A : f32 to vector<10000x1xf32>
    %select_n3A = arith.select %gt3A_10, %broadcast_in_dim3A, %broadcast_in_dim3A_11 : vector<10000x1xi1>, vector<10000x1xf32>
    %pow3A = arith.constant -5.000000e-01 : f32
    %pow3A_12 = vector.broadcast %pow3A : f32 to vector<10000x1xf32>
    %pow3A_13 = math.powf %select_n3A, %pow3A_12 : vector<10000x1xf32>
    %gt3A_14 = arith.constant 0.000000e+00 : f32
    %gt3A_15 = vector.broadcast %gt3A_14 : f32 to vector<10000x1xf32>
    %gt3A_16 = arith.cmpf ogt, %broadcast_in_dim3A_8, %gt3A_15 : vector<10000x1xf32>
    %jit3A_17 = arith.constant 1.000000e+00 : f32
    %broadcast_in_dim3A_18 = vector.broadcast %jit3A_17 : f32 to vector<10000x1xf32>
    %select_n3A_19 = arith.select %gt3A_16, %broadcast_in_dim3A_8, %broadcast_in_dim3A_18 : vector<10000x1xi1>, vector<10000x1xf32>
    %pow3A_20 = arith.constant -5.000000e-01 : f32
    %pow3A_21 = vector.broadcast %pow3A_20 : f32 to vector<10000x1xf32>
    %pow3A_22 = math.powf %select_n3A_19, %pow3A_21 : vector<10000x1xf32>
    %get3A_23 = arith.constant 0 : index
    %get3A_24 = arith.constant 0 : index
    %get3A_25 = vector.load %arg0[%get3A_23, %get3A_24] : memref<10000x128xf32, #tpu.memory_space<vmem>>, vector<10000x128xf32>
    %mul3A = vector.broadcast %pow3A_13 : vector<10000x1xf32> to vector<10000x128xf32>
    %mul3A_26 = arith.mulf %get3A_25, %mul3A : vector<10000x128xf32>
    %swap3A = arith.constant 0 : index
    %swap3A_27 = arith.constant 0 : index
    %swap3A_28 = vector.load %arg3[%swap3A, %swap3A_27] : memref<10000x128xf32, #tpu.memory_space<vmem>>, vector<10000x128xf32>
    tpu.vector_store %arg3[%swap3A, %swap3A_27], %mul3A_26 {strides = array<i32>} : memref<10000x128xf32, #tpu.memory_space<vmem>>, vector<10000x128xf32>,
    %broadcast_in_dim3A_29 = arith.constant 0.000000e+00 : f32
    %broadcast_in_dim3A_30 = vector.broadcast %broadcast_in_dim3A_29 : f32 to vector<10000x6xf32>
    %concatenate3A = tpu.concatenate %pow3A_13, %pow3A_22, %broadcast_in_dim3A_30 in 1 : vector<10000x1xf32>, vector<10000x1xf32>, vector<10000x6xf32> -> vector<10000x8xf32>
    %swap3A_31 = arith.constant 0 : index
    %swap3A_32 = arith.constant 0 : index
    %swap3A_33 = vector.load %arg4[%swap3A_31, %swap3A_32] : memref<10000x8xf32, #tpu.memory_space<vmem>>, vector<10000x8xf32>
    tpu.vector_store %arg4[%swap3A_31, %swap3A_32], %concatenate3A {strides = array<i32>} : memref<10000x8xf32, #tpu.memory_space<vmem>>, vector<10000x8xf32>,
    return
  }
}

module attributes {stable_mosaic.version = 14 : i64} {
  func.func @_tc_b_body(%arg0: memref<2x10240x128xf32, #tpu.memory_space<vmem>>, %arg1: memref<10000x8xf32, #tpu.memory_space<vmem>>, %arg2: memref<10000x1xi32, #tpu.memory_space<vmem>>, %arg3: memref<128x128xf32, #tpu.memory_space<vmem>>, %arg4: memref<1x128xf32, #tpu.memory_space<vmem>>, %arg5: memref<1x128xf32, #tpu.memory_space<vmem>>, %arg6: memref<1x128xf32, #tpu.memory_space<vmem>>, %arg7: memref<1x128xf32, #tpu.memory_space<vmem>>, %arg8: memref<10000x128xf32, #tpu.memory_space<vmem>>, %arg9: memref<10000x128xf32, #tpu.memory_space<vmem>>) attributes {dimension_semantics = [], scalar_prefetch = 0 : i64, scratch_operands = 0 : i64, tpu.core_type = #tpu.core_type<tc>} {
    %get3A = arith.constant 0 : index
    %get3A_0 = arith.constant 0 : index
    %get3A_1 = vector.load %arg1[%get3A, %get3A_0] : memref<10000x8xf32, #tpu.memory_space<vmem>>, vector<10000x1xf32>
    %get3A_2 = arith.constant 0 : index
    %get3A_3 = arith.constant 1 : index
    %get3A_4 = vector.load %arg1[%get3A_2, %get3A_3] : memref<10000x8xf32, #tpu.memory_space<vmem>>, vector<10000x1xf32>
    %get3A_5 = arith.constant 0 : index
    %get3A_6 = arith.constant 0 : index
    %get3A_7 = arith.constant 0 : index
    %get3A_8 = vector.load %arg0[%get3A_5, %get3A_6, %get3A_7] : memref<2x10240x128xf32, #tpu.memory_space<vmem>>, vector<1x10000x128xf32>
    %get3A_9 = vector.shape_cast %get3A_8 : vector<1x10000x128xf32> to vector<10000x128xf32>
    %get3A_10 = arith.constant 1 : index
    %get3A_11 = arith.constant 0 : index
    %get3A_12 = arith.constant 0 : index
    %get3A_13 = vector.load %arg0[%get3A_10, %get3A_11, %get3A_12] : memref<2x10240x128xf32, #tpu.memory_space<vmem>>, vector<1x10000x128xf32>
    %get3A_14 = vector.shape_cast %get3A_13 : vector<1x10000x128xf32> to vector<10000x128xf32>
    %add3A = arith.addf %get3A_9, %get3A_14 : vector<10000x128xf32>
    %mul3A = vector.broadcast %get3A_4 : vector<10000x1xf32> to vector<10000x128xf32>
    %mul3A_15 = arith.mulf %add3A, %mul3A : vector<10000x128xf32>
    %get3A_16 = arith.constant 0 : index
    %get3A_17 = arith.constant 0 : index
    %get3A_18 = vector.load %arg3[%get3A_16, %get3A_17] : memref<128x128xf32, #tpu.memory_space<vmem>>, vector<128x128xf32>
    %dot_general3A = arith.constant dense<0.000000e+00> : vector<10000x128xf32>
    %dot_general3A_19 = tpu.matmul %mul3A_15, %get3A_18, %dot_general3A {dimension_numbers = #tpu.dot_dimension_numbers<[1], [0], [0], [1], [0, 0, 1, 1], [], []>, transpose_lhs_hint = false} : vector<10000x128xf32>, vector<128x128xf32>, vector<10000x128xf32> -> vector<10000x128xf32>
    %get3A_20 = arith.constant 0 : index
    %get3A_21 = arith.constant 0 : index
    %get3A_22 = vector.load %arg4[%get3A_20, %get3A_21] : memref<1x128xf32, #tpu.memory_space<vmem>>, vector<1x128xf32>
    %add3A_23 = vector.broadcast %get3A_22 : vector<1x128xf32> to vector<10000x128xf32>
    %add3A_24 = arith.addf %dot_general3A_19, %add3A_23 : vector<10000x128xf32>
    %get3A_25 = arith.constant 0 : index
    %get3A_26 = arith.constant 0 : index
    %get3A_27 = vector.load %arg2[%get3A_25, %get3A_26] : memref<10000x1xi32, #tpu.memory_space<vmem>>, vector<10000x1xi32>
    %iota3A = tpu.iota {dimensions = array<i32: 1>} : vector<1x64xi32>
    %eq3A = vector.broadcast %get3A_27 : vector<10000x1xi32> to vector<10000x64xi32>
    %eq3A_28 = vector.broadcast %iota3A : vector<1x64xi32> to vector<10000x64xi32>
    %eq3A_29 = arith.cmpi eq, %eq3A, %eq3A_28 : vector<10000x64xi32>
    %convert_element_type3A = arith.extui %eq3A_29 : vector<10000x64xi1> to vector<10000x64xi32>
    %convert_element_type3A_30 = arith.sitofp %convert_element_type3A : vector<10000x64xi32> to vector<10000x64xf32>
    %reduce_sum3A = arith.constant dense<0.000000e+00> : vector<64xf32>
    %reduce_sum3A_31 = vector.multi_reduction <add>, %convert_element_type3A_30, %reduce_sum3A [0] : vector<10000x64xf32> to vector<64xf32>
    %max3A = arith.constant 1.000000e+00 : f32
    %max3A_32 = vector.broadcast %max3A : f32 to vector<64xf32>
    %max3A_33 = arith.maximumf %reduce_sum3A_31, %max3A_32 : vector<64xf32>
    %div3A = arith.constant 1.000000e+00 : f32
    %div3A_34 = vector.broadcast %div3A : f32 to vector<64xf32>
    %div3A_35 = arith.divf %div3A_34, %max3A_33 : vector<64xf32>
    %broadcast_in_dim3A = vector.shape_cast %div3A_35 : vector<64xf32> to vector<64x1xf32>
    %get3A_36 = arith.constant 0 : index
    %get3A_37 = arith.constant 0 : index
    %get3A_38 = vector.load %arg5[%get3A_36, %get3A_37] : memref<1x128xf32, #tpu.memory_space<vmem>>, vector<1x128xf32>
    %get3A_39 = arith.constant 0 : index
    %get3A_40 = arith.constant 0 : index
    %get3A_41 = vector.load %arg6[%get3A_39, %get3A_40] : memref<1x128xf32, #tpu.memory_space<vmem>>, vector<1x128xf32>
    %get3A_42 = arith.constant 0 : index
    %get3A_43 = arith.constant 0 : index
    %get3A_44 = vector.load %arg7[%get3A_42, %get3A_43] : memref<1x128xf32, #tpu.memory_space<vmem>>, vector<1x128xf32>
    %dot_general3A_45 = arith.constant dense<0.000000e+00> : vector<64x128xf32>
    %dot_general3A_46 = tpu.matmul %convert_element_type3A_30, %add3A_24, %dot_general3A_45 {dimension_numbers = #tpu.dot_dimension_numbers<[0], [0], [1], [1], [0, 1, 1, 1], [], []>, transpose_lhs_hint = false} : vector<10000x64xf32>, vector<10000x128xf32>, vector<64x128xf32> -> vector<64x128xf32>
    %mul3A_47 = vector.broadcast %broadcast_in_dim3A : vector<64x1xf32> to vector<64x128xf32>
    %mul3A_48 = arith.mulf %dot_general3A_46, %mul3A_47 : vector<64x128xf32>
    %dot_general3A_49 = arith.constant dense<0.000000e+00> : vector<10000x128xf32>
    %dot_general3A_50 = tpu.matmul %convert_element_type3A_30, %mul3A_48, %dot_general3A_49 {dimension_numbers = #tpu.dot_dimension_numbers<[1], [0], [0], [1], [0, 0, 1, 1], [], []>, transpose_lhs_hint = false} : vector<10000x64xf32>, vector<64x128xf32>, vector<10000x128xf32> -> vector<10000x128xf32>
    %mul3A_51 = vector.broadcast %get3A_44 : vector<1x128xf32> to vector<10000x128xf32>
    %mul3A_52 = arith.mulf %mul3A_51, %dot_general3A_50 : vector<10000x128xf32>
    %sub3A = arith.subf %add3A_24, %mul3A_52 : vector<10000x128xf32>
    %mul3A_53 = arith.mulf %sub3A, %sub3A : vector<10000x128xf32>
    %dot_general3A_54 = arith.constant dense<0.000000e+00> : vector<64x128xf32>
    %dot_general3A_55 = tpu.matmul %convert_element_type3A_30, %mul3A_53, %dot_general3A_54 {dimension_numbers = #tpu.dot_dimension_numbers<[0], [0], [1], [1], [0, 1, 1, 1], [], []>, transpose_lhs_hint = false} : vector<10000x64xf32>, vector<10000x128xf32>, vector<64x128xf32> -> vector<64x128xf32>
    %mul3A_56 = vector.broadcast %broadcast_in_dim3A : vector<64x1xf32> to vector<64x128xf32>
    %mul3A_57 = arith.mulf %dot_general3A_55, %mul3A_56 : vector<64x128xf32>
    %dot_general3A_58 = arith.constant dense<0.000000e+00> : vector<10000x128xf32>
    %dot_general3A_59 = tpu.matmul %convert_element_type3A_30, %mul3A_57, %dot_general3A_58 {dimension_numbers = #tpu.dot_dimension_numbers<[1], [0], [0], [1], [0, 0, 1, 1], [], []>, transpose_lhs_hint = false} : vector<10000x64xf32>, vector<64x128xf32>, vector<10000x128xf32> -> vector<10000x128xf32>
    %add3A_60 = arith.constant 9.99999974E-6 : f32
    %add3A_61 = vector.broadcast %add3A_60 : f32 to vector<10000x128xf32>
    %add3A_62 = arith.addf %dot_general3A_59, %add3A_61 : vector<10000x128xf32>
    %sqrt3A = math.sqrt %add3A_62 : vector<10000x128xf32>
    %mul3A_63 = vector.broadcast %get3A_38 : vector<1x128xf32> to vector<10000x128xf32>
    %mul3A_64 = arith.mulf %mul3A_63, %sub3A : vector<10000x128xf32>
    %div3A_65 = arith.divf %mul3A_64, %sqrt3A : vector<10000x128xf32>
    %add3A_66 = vector.broadcast %get3A_41 : vector<1x128xf32> to vector<10000x128xf32>
    %add3A_67 = arith.addf %div3A_65, %add3A_66 : vector<10000x128xf32>
    %max3A_68 = arith.constant 0.000000e+00 : f32
    %max3A_69 = vector.broadcast %max3A_68 : f32 to vector<10000x128xf32>
    %max3A_70 = arith.maximumf %add3A_67, %max3A_69 : vector<10000x128xf32>
    %swap3A = arith.constant 0 : index
    %swap3A_71 = arith.constant 0 : index
    %swap3A_72 = vector.load %arg8[%swap3A, %swap3A_71] : memref<10000x128xf32, #tpu.memory_space<vmem>>, vector<10000x128xf32>
    tpu.vector_store %arg8[%swap3A, %swap3A_71], %max3A_70 {strides = array<i32>} : memref<10000x128xf32, #tpu.memory_space<vmem>>, vector<10000x128xf32>,
    %mul3A_73 = vector.broadcast %get3A_1 : vector<10000x1xf32> to vector<10000x128xf32>
    %mul3A_74 = arith.mulf %max3A_70, %mul3A_73 : vector<10000x128xf32>
    %swap3A_75 = arith.constant 0 : index
    %swap3A_76 = arith.constant 0 : index
    %swap3A_77 = vector.load %arg9[%swap3A_75, %swap3A_76] : memref<10000x128xf32, #tpu.memory_space<vmem>>, vector<10000x128xf32>
    tpu.vector_store %arg9[%swap3A_75, %swap3A_76], %mul3A_74 {strides = array<i32>} : memref<10000x128xf32, #tpu.memory_space<vmem>>, vector<10000x128xf32>,
    return
  }
}

module attributes {stable_mosaic.version = 14 : i64} {
  func.func @_tc_c_body(%arg0: memref<2x10240x128xf32, #tpu.memory_space<vmem>>, %arg1: memref<10000x8xf32, #tpu.memory_space<vmem>>, %arg2: memref<10000x1xi32, #tpu.memory_space<vmem>>, %arg3: memref<10000x128xf32, #tpu.memory_space<vmem>>, %arg4: memref<128x128xf32, #tpu.memory_space<vmem>>, %arg5: memref<1x128xf32, #tpu.memory_space<vmem>>, %arg6: memref<1x128xf32, #tpu.memory_space<vmem>>, %arg7: memref<1x128xf32, #tpu.memory_space<vmem>>, %arg8: memref<1x128xf32, #tpu.memory_space<vmem>>, %arg9: memref<128x128xf32, #tpu.memory_space<vmem>>, %arg10: memref<1x128xf32, #tpu.memory_space<vmem>>, %arg11: memref<64x128xf32, #tpu.memory_space<vmem>>) attributes {dimension_semantics = [], scalar_prefetch = 0 : i64, scratch_operands = 0 : i64, tpu.core_type = #tpu.core_type<tc>} {
    %get3A = arith.constant 0 : index
    %get3A_0 = arith.constant 1 : index
    %get3A_1 = vector.load %arg1[%get3A, %get3A_0] : memref<10000x8xf32, #tpu.memory_space<vmem>>, vector<10000x1xf32>
    %get3A_2 = arith.constant 0 : index
    %get3A_3 = arith.constant 0 : index
    %get3A_4 = arith.constant 0 : index
    %get3A_5 = vector.load %arg0[%get3A_2, %get3A_3, %get3A_4] : memref<2x10240x128xf32, #tpu.memory_space<vmem>>, vector<1x10000x128xf32>
    %get3A_6 = vector.shape_cast %get3A_5 : vector<1x10000x128xf32> to vector<10000x128xf32>
    %get3A_7 = arith.constant 1 : index
    %get3A_8 = arith.constant 0 : index
    %get3A_9 = arith.constant 0 : index
    %get3A_10 = vector.load %arg0[%get3A_7, %get3A_8, %get3A_9] : memref<2x10240x128xf32, #tpu.memory_space<vmem>>, vector<1x10000x128xf32>
    %get3A_11 = vector.shape_cast %get3A_10 : vector<1x10000x128xf32> to vector<10000x128xf32>
    %add3A = arith.addf %get3A_6, %get3A_11 : vector<10000x128xf32>
    %mul3A = vector.broadcast %get3A_1 : vector<10000x1xf32> to vector<10000x128xf32>
    %mul3A_12 = arith.mulf %add3A, %mul3A : vector<10000x128xf32>
    %get3A_13 = arith.constant 0 : index
    %get3A_14 = arith.constant 0 : index
    %get3A_15 = vector.load %arg4[%get3A_13, %get3A_14] : memref<128x128xf32, #tpu.memory_space<vmem>>, vector<128x128xf32>
    %dot_general3A = arith.constant dense<0.000000e+00> : vector<10000x128xf32>
    %dot_general3A_16 = tpu.matmul %mul3A_12, %get3A_15, %dot_general3A {dimension_numbers = #tpu.dot_dimension_numbers<[1], [0], [0], [1], [0, 0, 1, 1], [], []>, transpose_lhs_hint = false} : vector<10000x128xf32>, vector<128x128xf32>, vector<10000x128xf32> -> vector<10000x128xf32>
    %get3A_17 = arith.constant 0 : index
    %get3A_18 = arith.constant 0 : index
    %get3A_19 = vector.load %arg5[%get3A_17, %get3A_18] : memref<1x128xf32, #tpu.memory_space<vmem>>, vector<1x128xf32>
    %add3A_20 = vector.broadcast %get3A_19 : vector<1x128xf32> to vector<10000x128xf32>
    %add3A_21 = arith.addf %dot_general3A_16, %add3A_20 : vector<10000x128xf32>
    %get3A_22 = arith.constant 0 : index
    %get3A_23 = arith.constant 0 : index
    %get3A_24 = vector.load %arg2[%get3A_22, %get3A_23] : memref<10000x1xi32, #tpu.memory_space<vmem>>, vector<10000x1xi32>
    %iota3A = tpu.iota {dimensions = array<i32: 1>} : vector<1x64xi32>
    %eq3A = vector.broadcast %get3A_24 : vector<10000x1xi32> to vector<10000x64xi32>
    %eq3A_25 = vector.broadcast %iota3A : vector<1x64xi32> to vector<10000x64xi32>
    %eq3A_26 = arith.cmpi eq, %eq3A, %eq3A_25 : vector<10000x64xi32>
    %convert_element_type3A = arith.extui %eq3A_26 : vector<10000x64xi1> to vector<10000x64xi32>
    %convert_element_type3A_27 = arith.sitofp %convert_element_type3A : vector<10000x64xi32> to vector<10000x64xf32>
    %reduce_sum3A = arith.constant dense<0.000000e+00> : vector<64xf32>
    %reduce_sum3A_28 = vector.multi_reduction <add>, %convert_element_type3A_27, %reduce_sum3A [0] : vector<10000x64xf32> to vector<64xf32>
    %max3A = arith.constant 1.000000e+00 : f32
    %max3A_29 = vector.broadcast %max3A : f32 to vector<64xf32>
    %max3A_30 = arith.maximumf %reduce_sum3A_28, %max3A_29 : vector<64xf32>
    %div3A = arith.constant 1.000000e+00 : f32
    %div3A_31 = vector.broadcast %div3A : f32 to vector<64xf32>
    %div3A_32 = arith.divf %div3A_31, %max3A_30 : vector<64xf32>
    %broadcast_in_dim3A = vector.shape_cast %div3A_32 : vector<64xf32> to vector<64x1xf32>
    %get3A_33 = arith.constant 0 : index
    %get3A_34 = arith.constant 0 : index
    %get3A_35 = vector.load %arg6[%get3A_33, %get3A_34] : memref<1x128xf32, #tpu.memory_space<vmem>>, vector<1x128xf32>
    %get3A_36 = arith.constant 0 : index
    %get3A_37 = arith.constant 0 : index
    %get3A_38 = vector.load %arg7[%get3A_36, %get3A_37] : memref<1x128xf32, #tpu.memory_space<vmem>>, vector<1x128xf32>
    %get3A_39 = arith.constant 0 : index
    %get3A_40 = arith.constant 0 : index
    %get3A_41 = vector.load %arg8[%get3A_39, %get3A_40] : memref<1x128xf32, #tpu.memory_space<vmem>>, vector<1x128xf32>
    %dot_general3A_42 = arith.constant dense<0.000000e+00> : vector<64x128xf32>
    %dot_general3A_43 = tpu.matmul %convert_element_type3A_27, %add3A_21, %dot_general3A_42 {dimension_numbers = #tpu.dot_dimension_numbers<[0], [0], [1], [1], [0, 1, 1, 1], [], []>, transpose_lhs_hint = false} : vector<10000x64xf32>, vector<10000x128xf32>, vector<64x128xf32> -> vector<64x128xf32>
    %mul3A_44 = vector.broadcast %broadcast_in_dim3A : vector<64x1xf32> to vector<64x128xf32>
    %mul3A_45 = arith.mulf %dot_general3A_43, %mul3A_44 : vector<64x128xf32>
    %dot_general3A_46 = arith.constant dense<0.000000e+00> : vector<10000x128xf32>
    %dot_general3A_47 = tpu.matmul %convert_element_type3A_27, %mul3A_45, %dot_general3A_46 {dimension_numbers = #tpu.dot_dimension_numbers<[1], [0], [0], [1], [0, 0, 1, 1], [], []>, transpose_lhs_hint = false} : vector<10000x64xf32>, vector<64x128xf32>, vector<10000x128xf32> -> vector<10000x128xf32>
    %mul3A_48 = vector.broadcast %get3A_41 : vector<1x128xf32> to vector<10000x128xf32>
    %mul3A_49 = arith.mulf %mul3A_48, %dot_general3A_47 : vector<10000x128xf32>
    %sub3A = arith.subf %add3A_21, %mul3A_49 : vector<10000x128xf32>
    %mul3A_50 = arith.mulf %sub3A, %sub3A : vector<10000x128xf32>
    %dot_general3A_51 = arith.constant dense<0.000000e+00> : vector<64x128xf32>
    %dot_general3A_52 = tpu.matmul %convert_element_type3A_27, %mul3A_50, %dot_general3A_51 {dimension_numbers = #tpu.dot_dimension_numbers<[0], [0], [1], [1], [0, 1, 1, 1], [], []>, transpose_lhs_hint = false} : vector<10000x64xf32>, vector<10000x128xf32>, vector<64x128xf32> -> vector<64x128xf32>
    %mul3A_53 = vector.broadcast %broadcast_in_dim3A : vector<64x1xf32> to vector<64x128xf32>
    %mul3A_54 = arith.mulf %dot_general3A_52, %mul3A_53 : vector<64x128xf32>
    %dot_general3A_55 = arith.constant dense<0.000000e+00> : vector<10000x128xf32>
    %dot_general3A_56 = tpu.matmul %convert_element_type3A_27, %mul3A_54, %dot_general3A_55 {dimension_numbers = #tpu.dot_dimension_numbers<[1], [0], [0], [1], [0, 0, 1, 1], [], []>, transpose_lhs_hint = false} : vector<10000x64xf32>, vector<64x128xf32>, vector<10000x128xf32> -> vector<10000x128xf32>
    %add3A_57 = arith.constant 9.99999974E-6 : f32
    %add3A_58 = vector.broadcast %add3A_57 : f32 to vector<10000x128xf32>
    %add3A_59 = arith.addf %dot_general3A_56, %add3A_58 : vector<10000x128xf32>
    %sqrt3A = math.sqrt %add3A_59 : vector<10000x128xf32>
    %mul3A_60 = vector.broadcast %get3A_35 : vector<1x128xf32> to vector<10000x128xf32>
    %mul3A_61 = arith.mulf %mul3A_60, %sub3A : vector<10000x128xf32>
    %div3A_62 = arith.divf %mul3A_61, %sqrt3A : vector<10000x128xf32>
    %add3A_63 = vector.broadcast %get3A_38 : vector<1x128xf32> to vector<10000x128xf32>
    %add3A_64 = arith.addf %div3A_62, %add3A_63 : vector<10000x128xf32>
    %max3A_65 = arith.constant 0.000000e+00 : f32
    %max3A_66 = vector.broadcast %max3A_65 : f32 to vector<10000x128xf32>
    %max3A_67 = arith.maximumf %add3A_64, %max3A_66 : vector<10000x128xf32>
    %get3A_68 = arith.constant 0 : index
    %get3A_69 = arith.constant 0 : index
    %get3A_70 = vector.load %arg3[%get3A_68, %get3A_69] : memref<10000x128xf32, #tpu.memory_space<vmem>>, vector<10000x128xf32>
    %add3A_71 = arith.addf %max3A_67, %get3A_70 : vector<10000x128xf32>
    %dot_general3A_72 = arith.constant dense<0.000000e+00> : vector<64x128xf32>
    %dot_general3A_73 = tpu.matmul %convert_element_type3A_27, %add3A_71, %dot_general3A_72 {dimension_numbers = #tpu.dot_dimension_numbers<[0], [0], [1], [1], [0, 1, 1, 1], [], []>, transpose_lhs_hint = false} : vector<10000x64xf32>, vector<10000x128xf32>, vector<64x128xf32> -> vector<64x128xf32>
    %get3A_74 = arith.constant 0 : index
    %get3A_75 = arith.constant 0 : index
    %get3A_76 = vector.load %arg9[%get3A_74, %get3A_75] : memref<128x128xf32, #tpu.memory_space<vmem>>, vector<128x128xf32>
    %dot_general3A_77 = arith.constant dense<0.000000e+00> : vector<64x128xf32>
    %dot_general3A_78 = tpu.matmul %dot_general3A_73, %get3A_76, %dot_general3A_77 {dimension_numbers = #tpu.dot_dimension_numbers<[1], [0], [0], [1], [0, 0, 1, 1], [], []>, transpose_lhs_hint = false} : vector<64x128xf32>, vector<128x128xf32>, vector<64x128xf32> -> vector<64x128xf32>
    %get3A_79 = arith.constant 0 : index
    %get3A_80 = arith.constant 0 : index
    %get3A_81 = vector.load %arg10[%get3A_79, %get3A_80] : memref<1x128xf32, #tpu.memory_space<vmem>>, vector<1x128xf32>
    %add3A_82 = vector.broadcast %get3A_81 : vector<1x128xf32> to vector<64x128xf32>
    %add3A_83 = arith.addf %dot_general3A_78, %add3A_82 : vector<64x128xf32>
    %swap3A = arith.constant 0 : index
    %swap3A_84 = arith.constant 0 : index
    %swap3A_85 = vector.load %arg11[%swap3A, %swap3A_84] : memref<64x128xf32, #tpu.memory_space<vmem>>, vector<64x128xf32>
    tpu.vector_store %arg11[%swap3A, %swap3A_84], %add3A_83 {strides = array<i32>} : memref<64x128xf32, #tpu.memory_space<vmem>>, vector<64x128xf32>,
    return
  }
}

</mosaic_0001>

<sc_bundles>
// kernel: kernel.11.cloned.1.call-start
scs
__scs_entry_jumppad:
0x0: {  	(pc) =	sbr.rel $0x88, $3  }
0x1: {  	(tag) =	ssettag $0x0;
	lr =	simm.s32 $0x1  }
0x2: {  	[smem:$0x3F92] =	sst lr;
	_ =	strace $0xD0000000  }
0x3: {  	_ = 	snop  }
0x4: {  	_ = 	snop  }
0x5: {  	_ = 	snop  }
0x6: {  	_ = 	snop  }
0x7: {  	_ = 	snop  }
__scs_overlays_trampoline_lowered:
0x8: {  	[smem:$0x3FA1] =	sst s0  }
0x9: {  	[smem:$0x3FA2] =	sst s1  }
0xa: {  	[smem:$0x3FA3] =	sst s2  }
0xb: {  	[smem:$0x3FA4] =	sst s3  }
0xc: {  	[smem:$0x3FA5] =	sst s4  }
0xd: {  	[smem:$0x3FA6] =	sst s5  }
0xe: {  	[smem:$0x3FA7] =	sst s6  }
0xf: {  	[smem:$0x3FA8] =	sst s7  }
0x10: {  	[smem:$0x3FA9] =	sst s8  }
0x11: {  	[smem:$0x3FAA] =	sst s9;
	s0 =	simm.s32 @!p0 $0x0  }
0x12: {  	s1 =	sld [smem:$0x3F90];
	s0 =	simm.s32 @p0 $0x1  }
0x13: {  	[smem:$0x3FAB] =	sst s0;
	s0 =	simm.s32 @!p1 $0x0  }
0x14: {  	s2 =	sld [smem:$0x3F8F];
	s0 =	simm.s32 @p1 $0x1  }
0x15: {  	[smem:$0x3FAC] =	sst s0;
	s0 =	simm.s32 @!p2 $0x0  }
0x16: {  	s3 =	sld [smem:$0x3FDB];
	s0 =	simm.s32 @p2 $0x1  }
0x17: {  	s4 =	simm.s32 $0x1BF5;
	[smem:$0x3FAE] =	sst s0  }
0x18: {  	s0 =	sld [smem:$0x3F91];
	_ =	swait.ge [sflag:s4], $0x0  }
0x19: {  	s7 =	sld [smem:$0x3F92]  }
0x1a: {  	s8 =	sadd.s32 $0xFFFFE003, lr  }
0x1b: {  	s9 =	sadd.s32 $0xFFFFFEF7, lr;
	s5 =	simm.s32 $0xFFFFFFFF;
	p2 =	slt.u32 s8, $0xFFFFF086  }
0x1c: {  	p1 =	slt.u32 s9, $0xF7A;
	s5 =	simm.s32 @!p2 $0x0  }
0x1d: {  	s5 =	simm.s32 @p1 $0x1;
	p0 =	seq.s32 s7, s2  }
0x1e: {  	s7 =	smul.u32 @!p0 $0xF7A, s2;
	p2 =	seq.s32 @!p0 s5, $0x0  }
0x1f: {  	s9 =	smul.u32 $0xF7A, s1;
	s8 =	simm.s32 @!p0 $0x1BF5;
	p2 =	por !p2, p0  }
0x20: {  	[sflag:s8] =	ssyncset.s32 @!p0 $0xFFFFF086;
	s6 =	sadd.s32 @!p0 s3, s7;
	s7 =	simm.s32 @!p0 $0x108  }
0x21: {  	s3 =	sadd.s32 s3, s9;
	s6 =	sadd.s32 @!p0 $0x88, s6;
	s7 =	simm.s32 @p2 $0x1082  }
0x22: {  	[simem:s7], [sflag:s8] =	dma.local @!p0 [hbm:s6], $0xF7A  }
0x23: {  	s9 =	sor.u32 $0xD0000000, s2;
	s6 =	simm.s32 $0x108;
	_ =	swait.ge @!p0 [sflag:s8], $0x0  }
0x24: {  	s3 =	sadd.s32 $0x88, s3;
	s6 =	simm.s32 @!p1 $0x1082;
	[sflag:s4] =	ssyncset.s32 $0xFFFFF086  }
0x25: {  	[simem:s6], [sflag:s4] =	dma.local [hbm:s3], $0xF7A  }
0x26: {  	[smem:$0x3F92] =	sst s1;
	(tag) =	ssettag s2;
	_ =	strace s9  }
0x27: {  	s1 =	sld [smem:$0x3FA2]  }
0x28: {  	s2 =	sld [smem:$0x3FA3]  }
0x29: {  	s4 =	sld [smem:$0x3FA5]  }
0x2a: {  	p0 =	seq.s32 s5, $0x0;
	s5 =	sld [smem:$0x3FA6]  }
0x2b: {  	s6 =	sld [smem:$0x3FA7]  }
0x2c: {  	s7 =	sld [smem:$0x3FA8]  }
0x2d: {  	s3 =	simm.s32 $0x108;
	s8 =	sld [smem:$0x3FA9]  }
0x2e: {  	s3 =	simm.s32 @!p0 $0x1082;
	s9 =	sld [smem:$0x3FAA]  }
0x2f: {  	lr =	sadd.s32 s0, s3;
	s0 =	sld [smem:$0x3FA1]  }
0x30: {  	s3 =	sld [smem:$0x3FA4]  }
0x31: {  	[smem:$0x3FAD] =	sst s10  }
0x32: {  	s10 =	sld [smem:$0x3FAB];
	_ =	sdelay $0x3  }
0x33: {  	p0 =	seq.s32 s10, $0x1;
	s10 =	sld [smem:$0x3FAD];
	_ =	sdelay $0x3  }
0x34: {  	[smem:$0x3FAD] =	sst s10  }
0x35: {  	s10 =	sld [smem:$0x3FAC];
	_ =	sdelay $0x3  }
0x36: {  	p1 =	seq.s32 s10, $0x1;
	s10 =	sld [smem:$0x3FAD];
	_ =	sdelay $0x3  }
0x37: {  	[smem:$0x3FAD] =	sst s10  }
0x38: {  	s10 =	sld [smem:$0x3FAE]  }
0x39: {  	_ = 	snop;
	(pc) =	sbr.ind lr, $3  }
0x3a: {  	_ = 	snop  }
0x3b: {  	_ = 	snop  }
0x3c: {  	p2 =	seq.s32 s10, $0x1;
	s10 =	sld [smem:$0x3FAD]  }
0x3d: {  	_ =	shalt  }
0x3e: {  	_ =	shalt  }
0x3f: {  	_ =	shalt  }
0x40: {  	_ =	shalt  }
0x41: {  	_ =	shalt  }
0x42: {  	_ =	shalt  }
0x43: {  	_ =	shalt  }
0x44: {  	_ =	shalt  }
0x45: {  	_ =	shalt  }
0x46: {  	_ =	shalt  }
0x47: {  	_ =	shalt  }
0x48: {  	_ =	shalt  }
0x49: {  	_ =	shalt  }
0x4a: {  	_ =	shalt  }
0x4b: {  	_ =	shalt  }
0x4c: {  	_ =	shalt  }
0x4d: {  	_ =	shalt  }
0x4e: {  	_ =	shalt  }
0x4f: {  	_ =	shalt  }
0x50: {  	_ =	shalt  }
0x51: {  	_ =	shalt  }
0x52: {  	_ =	shalt  }
0x53: {  	_ =	shalt  }
0x54: {  	_ =	shalt  }
0x55: {  	_ =	shalt  }
0x56: {  	_ =	shalt  }
0x57: {  	_ =	shalt  }
0x58: {  	_ =	shalt  }
0x59: {  	_ =	shalt  }
0x5a: {  	_ =	shalt  }
0x5b: {  	_ =	shalt  }
0x5c: {  	_ =	shalt  }
0x5d: {  	_ =	shalt  }
0x5e: {  	_ =	shalt  }
0x5f: {  	_ =	shalt  }
0x60: {  	_ =	shalt  }
0x61: {  	_ =	shalt  }
0x62: {  	_ =	shalt  }
0x63: {  	_ =	shalt  }
0x64: {  	_ =	shalt  }
0x65: {  	_ =	shalt  }
0x66: {  	_ =	shalt  }
0x67: {  	_ =	shalt  }
0x68: {  	_ =	shalt  }
0x69: {  	_ =	shalt  }
0x6a: {  	_ =	shalt  }
0x6b: {  	_ =	shalt  }
0x6c: {  	_ =	shalt  }
0x6d: {  	_ =	shalt  }
0x6e: {  	_ =	shalt  }
0x6f: {  	_ =	shalt  }
0x70: {  	_ =	shalt  }
0x71: {  	_ =	shalt  }
0x72: {  	_ =	shalt  }
0x73: {  	_ =	shalt  }
0x74: {  	_ =	shalt  }
0x75: {  	_ =	shalt  }
0x76: {  	_ =	shalt  }
0x77: {  	_ =	shalt  }
0x78: {  	_ =	shalt  }
0x79: {  	_ =	shalt  }
0x7a: {  	_ =	shalt  }
0x7b: {  	_ =	shalt  }
0x7c: {  	_ =	shalt  }
0x7d: {  	_ =	shalt  }
0x7e: {  	_ =	shalt  }
0x7f: {  	_ =	shalt  }
0x80: {  	_ =	shalt  }
0x81: {  	_ =	shalt  }
0x82: {  	_ =	shalt  }
0x83: {  	_ =	shalt  }
0x84: {  	_ =	shalt  }
0x85: {  	_ =	shalt  }
0x86: {  	_ =	shalt  }
0x87: {  	_ =	shalt  }
.Lfunc_end0:
.L_simem_size_0:
called_computation.1_lowered:
.L_overlay_start_0:
0x88: {  	s2 =	sld [smem:$0x3FD9]  }
0x89: {  	s3 =	sld [smem:$0x3FFE];
	_ =	sdelay $0x1  }
0x8a: {  	s1 =	srdreg.scid  }
0x8b: {  	s0 =	sand.u32 $0x1, s1  }
0x8c: {  	s16 =	sshll.u32 s0, $0xA;
	s2 =	sadd.s32 s3, s2  }
0x8d: {  	s2 =	sadd.s32 s2, s16  }
0x8e: {  	[smem:$0x3FB9] =	sst s2  }
0x8f: {  	_ = 	snop  }
0x90: {  	(tm) =	ssettm $0x1  }
0x91: {  	s17 =	sld [smem:$0x3FFB];
	_ =	sdelay $0x3  }
0x92: {  	_ =	strace s17  }
0x93: {  	s2 =	sld [smem:$0x3FFC];
	_ =	sdelay $0x3  }
0x94: {  	_ =	strace s2  }
0x95: {  	s2 =	sld [smem:$0x3FFD];
	_ =	sdelay $0x3  }
0x96: {  	_ =	strace s2  }
0x97: {  	_ =	strace $0x8FFFFFFF  }
0x98: {  	s18 =	sld [smem:$0x3FDB];
	_ =	sdelay $0x1  }
0x99: {  	s19 =	simm.s32 $_scs_section_size  }
0x9a: {  	s4 =	simm.s32 $_size__tile_overlayer_lowered;
	s5 =	simm.s32 $_tile_overlayer_lowered  }
0x9b: {  	s22 =	simm.s32 $0x1BFF;
	s21 =	sshll.u32 s5, $0x1;
	s2 =	sadd.s32 s19, s18  }
0x9c: {  	s6 =	simm.s32 $0x0;
	s20 =	sshll.u32 s4, $0x1;
	s4 =	sadd.s32 s21, s2  }
0x9d: {  	[timem:s6], [sflag:s22] =	dma.local [hbm:s4], s20  }
0x9e: {  	_ =	swait.ge [sflag:s22], s20  }
0x9f: {  	s3 =	ssub.s32 $0x0, s20;
	[sflag:s22] =	ssyncset.done $0x0  }
0xa0: {  	[sflag:s22] =	ssyncadd.s32 s3;
	_ =	sdelay $0x1  }
0xa1: {  	s23 =	simm.s32 $0x1B8B  }
0xa2: {  	_ =	swait.ge [sflag:s23], $0x1  }
0xa3: {  	[sflag:s23] =	ssyncset.done $0x0  }
0xa4: {  	s25 =	simm.s32 $0x1B8E;
	s24 =	sld [smem:$0x3FFE];
	[sflag:s23] =	ssyncadd.s32 $0xFFFFFFFF  }
0xa5: {  	s26 =	simm.s32 $execute0_lowered;
	[smem:$0x3FD2] =	sst s25  }
0xa6: {  	s4 =	sshll.u32 s26, $0x1;
	_ =	strace $0x80000049;
	[dreg:$0x1] =	wrdreg $0xFFFFFFFF  }
0xa7: {  	s28 =	simm.s32 $_size_execute0_lowered;
	s2 =	sadd.s32 s2, s4;
	[dreg:$0x0] =	wrdreg $0x0  }
0xa8: {  	s4 =	sshll.u32 s28, $0x1;
	[dreg:$0x2] =	wrdreg s2  }
0xa9: {  	[dreg:$0x3] =	wrdreg s4  }
0xaa: {  	[dreg:$0x4] =	wrdreg $0xC0  }
0xab: {  	_ =	task [dreg:s6], $0x5FFFF  }
0xac: {  	[dreg:$0x1] =	wrdreg $0xFFFFFFFF  }
0xad: {  	[dreg:$0x0] =	wrdreg $0x60  }
0xae: {  	[dreg:$0x2] =	wrdreg s24  }
0xaf: {  	[dreg:$0x3] =	wrdreg $0x8D000  }
0xb0: {  	[dreg:$0x4] =	wrdreg $0x9  }
0xb1: {  	_ =	task.clear_ibuf [dreg:s6], $0x5FFFF;
	_ =	strace $0x90000049  }
0xb2: {  	s29 =	simm.s32 $0x9;
	_ =	strace $0x8000004B  }
0xb3: {  	_ =	swait.ge [sflag:s29], $0x1  }
0xb4: {  	[sflag:s29] =	ssyncadd.s32 $0xFFFFFFFF  }
0xb5: {  	_ =	strace $0x9000004B  }
0xb6: {  	_ =	sfence  }
0xb7: {  	s30 =	sld [smem:$0x0];
	_ =	sdelay $0x2  }
0xb8: {  	s31 =	sshll.u32 s1, $0xD;
	s1 =	sshrl.u32 s1, $0x2  }
0xb9: {  	s3 =	sand.u32 $0x4000, s31;
	s1 =	sadd.s32 s1, s30  }
0xba: {  	s0 =	sor.u32 s3, s0;
	s1 =	sshll.u32 s1, $0x11  }
0xbb: {  	s0 =	sor.u32 s1, s0  }
0xbc: {  	s0 =	sadd.s32 $0x8F2B, s0  }
0xbd: {  	[sflag:s0] =	ssyncadd.remote.s32 $0x1  }
0xbe: {  	_ =	sfence.sel $0xFFFF  }
0xbf: {  	[dreg:$0x0] =	wrdreg $0xFFFFFFFF;
	(pc) =	sbr.abs _section_cstart, $3  }
0xc0: {  	[dreg:$0x1] =	wrdreg $0xFFFFFFFF  }
0xc1: {  	_ =	task.clear_ibuf [dreg:s6], $0x2FFFF;
	_ =	strace $0x9FFFFFFF  }
0xc2: {  	(tm) =	ssettm $0x7FFFFFFF  }
0xc3: {  	_ =	shalt  }
tec
execute0_lowered:
.L_overlay_start_1:
0x0: {  	(tag) =	ssettag $0x1  }
0x1: {  	s0 =	rddreg [dreg:$0x0]  }
0x2: {  	s1 =	rddreg [dreg:$0x1];
	s3 =	simm.s32 $0x0  }
0x3: {  	s2 =	srdreg.scid;
	s12 =	stileid.u32;
	s28 =	simm.s32 $0xA  }
0x4: {  	s29 =	simm.s32 $0x2;
	s30 =	simm.s32 $0x8;
	[smem:$0x7FF] =	sst s3  }
0x5: {  	s2 =	sand.u32 $0x1, s2;
	s8 =	smul.u32 $0x14000, s12;
	s4 =	sadd.s32 $0x15800, s0  }
0x6: {  	s5 =	sadd.s32 $0xBA00, s0;
	s6 =	sadd.s32 $0x1C00, s0;
	s10 =	smul.u32 $0x50000, s12  }
0x7: {  	s9 =	sadd.s32 $0x63C00, s0;
	s15 =	sshll.u32 s12, $0x1;
	s18 =	smul.u32 $0x4E20, s12  }
0x8: {  	s19 =	sshll.u32 s12, $0x6;
	s7 =	smul.u32 $0x140000, s2;
	s16 =	ssub.s32 $0x2, s2  }
0x9: {  	_ =	strace $0x8000004A;
	[dreg:$0x9] =	wrdreg s9;
	s11 =	sshrl.u32 s16, $0x1  }
0xa: {  	s17 =	sshrl.u32 s10, $0x2;
	s7 =	sadd.s32 s8, s7;
	s8 =	sor.u32 s2, s15  }
0xb: {  	s9 =	sadd.s32 s17, s1;
	s2 =	smul.u32 $0x2710, s2;
	s7 =	sshrl.u32 s7, $0x3  }
0xc: {  	s8 =	smul.u32 $0x2710, s8;
	[dreg:$0xa] =	wrdreg s9;
	s9 =	sor.u32 $0x1C0A, s19  }
0xd: {  	s0 =	sadd.s32 s7, s0;
	s7 =	ssub.s32 s16, s11;
	s2 =	sadd.s32 s2, s18  }
0xe: {  	s8 =	sshrl.u32 s8, $0x3;
	s26 =	sadd.s32 $0x380, s2;
	s13 =	sadd.s32 $0x300, s2  }
0xf: {  	s19 =	sadd.s32 $0x280, s2;
	s0 =	sadd.s32 $0x66400, s0;
	s20 =	sadd.s32 $0x4E0, s8  }
0x10: {  	s22 =	sadd.s32 s5, s8;
	s23 =	sadd.s32 $0x10, s8;
	[dreg:$0x19] =	wrdreg s0  }
0x11: {  	s24 =	sadd.s32 s6, s8;
	s31 =	sadd.s32 $0x20, s8;
	[dreg:$0xd] =	wrdreg s22  }
0x12: {  	s10 =	sshrl.u32 s26, $0x3;
	s26 =	smax.u32 s7, $0x1;
	[dreg:$0xe] =	wrdreg s24  }
0x13: {  	s16 =	sshrl.u32 s13, $0x3;
	s21 =	sadd.s32 s5, s20;
	[dreg:$0x1a] =	wrdreg s26  }
0x14: {  	s18 =	sadd.s32 $0x30, s8;
	s11 =	sadd.s32 s6, s20;
	[dreg:$0xb] =	wrdreg s21  }
0x15: {  	s7 =	simm.s32 $0x200;
	s25 =	sadd.s32 s5, s23;
	[dreg:$0xc] =	wrdreg s11  }
0x16: {  	s13 =	simm.s32 $0x100;
	s14 =	sadd.s32 s5, s31;
	[dreg:$0xf] =	wrdreg s25  }
0x17: {  	s15 =	sadd.s32 s10, s6;
	s10 =	sadd.s32 s10, s5;
	[dreg:$0x11] =	wrdreg s14  }
0x18: {  	s17 =	sadd.s32 s16, s6;
	s20 =	sadd.s32 s5, s18;
	[dreg:$0x3] =	wrdreg s15  }
0x19: {  	s12 =	sadd.s32 s16, s5;
	s22 =	sadd.s32 $0x4C0, s8;
	[dreg:$0x4] =	wrdreg s10  }
0x1a: {  	s8 =	sadd.s32 $0x4D0, s8;
	s16 =	simm.s32 $0x4400;
	[dreg:$0x5] =	wrdreg s17  }
0x1b: {  	s11 =	sadd.s32 s6, s23;
	[dreg:$0x13] =	wrdreg s20;
	s10 =	sshrl.u32 s19, $0x3  }
0x1c: {  	[dreg:$0x6] =	wrdreg s12;
	s23 =	sadd.s32 s5, s22;
	s24 =	sadd.s32 s6, s22  }
0x1d: {  	s25 =	sadd.s32 s5, s8;
	s8 =	sadd.s32 s6, s8;
	[dreg:$0x10] =	wrdreg s11  }
0x1e: {  	s12 =	simm.s32 $0x400;
	s14 =	simm.s32 $0x300;
	[dreg:$0x15] =	wrdreg s23  }
0x1f: {  	s15 =	simm.s32 $0x6;
	s17 =	simm.s32 $0x180;
	[dreg:$0x16] =	wrdreg s24  }
0x20: {  	s19 =	simm.s32 $0x1;
	s20 =	simm.s32 $0x3;
	[dreg:$0x17] =	wrdreg s25  }
0x21: {  	s22 =	simm.s32 $0x4;
	s11 =	sadd.s32 s6, s31;
	[dreg:$0x18] =	wrdreg s8  }
0x22: {  	s21 =	sadd.s32 s10, s6;
	s10 =	sadd.s32 s10, s5;
	[dreg:$0x12] =	wrdreg s11  }
0x23: {  	s31 =	sadd.s32 $0x200, s2;
	s8 =	simm.s32 $0x80;
	[dreg:$0x7] =	wrdreg s21  }
0x24: {  	s23 =	simm.s32 $0x0;
	s11 =	sadd.s32 s6, s18;
	[dreg:$0x8] =	wrdreg s10  }
0x25: {  	[dreg:$0x1b] =	wrdreg s31;
	s10 =	simm.s32 $0x280;
	s18 =	simm.s32 $0x380  }
0x26: {  	s21 =	simm.s32 $0x7;
	[dreg:$0x14] =	wrdreg s11;
	s11 =	simm.s32 $0x5  }
.LBB2_1:
0x27: {  	s0 =	rddreg [dreg:$0xa]  }
0x28: {  	s2 =	rddreg [dreg:$0x9];
	s31 =	sshrl.u32 s0, $0x3  }
0x29: {  	[spmem:s31], [sflag:s9] =	dma.local [hbm:s2], $0x2800  }
0x2a: {  	_ =	swait.ge [sflag:s28], $0x2800  }
0x2b: {  	[sflag:s28] =	ssyncset.done $0x0  }
0x2c: {  	[sflag:s28] =	ssyncadd.s32 $0xFFFFD800  }
0x2d: {  	[bflag:$0x0] =	sbarrier.arrive $0xFFFF  }
0x2e: {  	s26 =	smov.u32 s9;
	s2 =	simm.s32 $0x8400;
	s9 =	rddreg [dreg:$0xb]  }
0x2f: {  	[tilespmem:s2], [sflag:$0xA] =	stream.linear.gather [hbm4b:s9+s3], $0x10, $0x38;
	[tilespmem:$0x1CD00] =	vst v63  }
0x30: {  	_ =	swait.ge [sflag:s28], $0x10  }
0x31: {  	[sflag:s28] =	ssyncset.done $0x0  }
0x32: {  	s9 =	simm.s32 $0x8480;
	s24 =	rddreg [dreg:$0xc];
	[sflag:s28] =	ssyncadd.s32 $0xFFFFFFF0  }
0x33: {  	[tilespmem:s9], [sflag:$0xA] =	stream.linear.gather [hbm4b:s24+s3], $0x10, $0x38;
	[tilespmem:$0x1CD00] =	vst v63  }
0x34: {  	_ =	swait.ge [sflag:s28], $0x10  }
0x35: {  	s25 =	simm.s32 $0x9;
	[sflag:s28] =	ssyncset.done $0x0  }
0x36: {  	s0 =	simm.s32 $0x10;
	s24 =	simm.s32 $0x8500;
	[sflag:s28] =	ssyncadd.s32 $0xFFFFFFF0  }
0x37: {  	[tilespmem:s24], [sflag:$0x9] =	stream.indirect.gather [hbm4b:s4+s0], $0x80, s2, s0, $0xb8;
	[tilespmem:$0x1CD00] =	vst v63  }
0x38: {  	_ =	swait.ge [sflag:s25], $0x800  }
0x39: {  	[sflag:s25] =	ssyncset.done $0x0  }
0x3a: {  	[sflag:s25] =	ssyncadd.s32 $0xFFFFF800  }
0x3b: {  	[spmem:s1] =	stream.indirect.scatter.add.f32 [tilespmem:s24], [sflag:$0xA], $0x80, s9, s0, $0xb8;
	[tilespmem:$0x1CD00] =	vst v63  }
0x3c: {  	_ =	swait.ge [sflag:s28], $0x800  }
0x3d: {  	[sflag:s28] =	ssyncset.done $0x0  }
0x3e: {  	s25 =	rddreg [dreg:$0xd];
	[sflag:s28] =	ssyncadd.s32 $0xFFFFF800  }
0x3f: {  	[tilespmem:s3], [sflag:$0x5] =	stream.linear.gather [hbm4b:s25+s3], $0x80, $0x38;
	[tilespmem:$0x1CD00] =	vst v63  }
0x40: {  	s2 =	rddreg [dreg:$0xe]  }
0x41: {  	[tilespmem:s7], [sflag:$0x5] =	stream.linear.gather [hbm4b:s2+s3], $0x80, $0x38;
	[tilespmem:$0x1CD00] =	vst v63  }
0x42: {  	s9 =	rddreg [dreg:$0xf]  }
0x43: {  	[tilespmem:s8], [sflag:$0x6] =	stream.linear.gather [hbm4b:s9+s3], $0x80, $0x38;
	[tilespmem:$0x1CD00] =	vst v63  }
0x44: {  	s24 =	rddreg [dreg:$0x10]  }
0x45: {  	[tilespmem:s10], [sflag:$0x6] =	stream.linear.gather [hbm4b:s24+s3], $0x80, $0x38;
	[tilespmem:$0x1CD00] =	vst v63  }
0x46: {  	_ =	swait.ge [sflag:s11], $0x80  }
0x47: {  	[sflag:s11] =	ssyncset.done $0x0  }
0x48: {  	[sflag:s11] =	ssyncadd.s32 $0xFFFFFF80  }
0x49: {  	_ =	swait.ge [sflag:s11], $0x80  }
0x4a: {  	[sflag:s11] =	ssyncset.done $0x0  }
0x4b: {  	[sflag:s11] =	ssyncadd.s32 $0xFFFFFF80  }
0x4c: {  	[tilespmem:s12], [sflag:$0x1] =	stream.indirect.gather [hbm4b:s4+s8], $0x80, s3, s8, $0xb8;
	[tilespmem:$0x1CD00] =	vst v63  }
0x4d: {  	s25 =	rddreg [dreg:$0x11]  }
0x4e: {  	[tilespmem:s13], [sflag:$0x7] =	stream.linear.gather [hbm4b:s25+s3], $0x80, $0x38;
	[tilespmem:$0x1CD00] =	vst v63  }
0x4f: {  	s2 =	rddreg [dreg:$0x12]  }
0x50: {  	[tilespmem:s14], [sflag:$0x7] =	stream.linear.gather [hbm4b:s2+s3], $0x80, $0x38;
	[tilespmem:$0x1CD00] =	vst v63  }
0x51: {  	_ =	swait.ge [sflag:s15], $0x80  }
0x52: {  	[sflag:s15] =	ssyncset.done $0x0  }
0x53: {  	[sflag:s15] =	ssyncadd.s32 $0xFFFFFF80  }
0x54: {  	_ =	swait.ge [sflag:s15], $0x80  }
0x55: {  	[sflag:s15] =	ssyncset.done $0x0  }
0x56: {  	[sflag:s15] =	ssyncadd.s32 $0xFFFFFF80  }
0x57: {  	[tilespmem:s16], [sflag:$0x2] =	stream.indirect.gather [hbm4b:s4+s8], $0x80, s8, s8, $0xb8;
	[tilespmem:$0x1CD00] =	vst v63  }
0x58: {  	s9 =	rddreg [dreg:$0x13]  }
0x59: {  	[tilespmem:s17], [sflag:$0x8] =	stream.linear.gather [hbm4b:s9+s3], $0x80, $0x38;
	[tilespmem:$0x1CD00] =	vst v63  }
0x5a: {  	s24 =	rddreg [dreg:$0x14]  }
0x5b: {  	[tilespmem:s18], [sflag:$0x8] =	stream.linear.gather [hbm4b:s24+s3], $0x80, $0x38;
	[tilespmem:$0x1CD00] =	vst v63  }
0x5c: {  	_ =	swait.ge [sflag:s19], $0x4000  }
0x5d: {  	[sflag:s19] =	ssyncset.done $0x0  }
0x5e: {  	[sflag:s19] =	ssyncadd.s32 $0xFFFFC000  }
0x5f: {  	[spmem:s1] =	stream.indirect.scatter.add.f32 [tilespmem:s12], [sflag:$0x3], $0x80, s7, s8, $0xb8;
	[tilespmem:$0x1CD00] =	vst v63  }
0x60: {  	_ =	swait.ge [sflag:s20], $0x4000  }
0x61: {  	s2 =	rddreg [dreg:$0x1b]  }
0x62: {  	[sflag:s20] =	ssyncset.done $0x0;
	s25 =	sshrl.u32 s2, $0x3  }
0x63: {  	[sflag:s20] =	ssyncadd.s32 $0xFFFFC000;
	s9 =	sadd.s32 s5, s25  }
0x64: {  	[tilespmem:s3], [sflag:$0x5] =	stream.linear.gather [hbm4b:s9+s3], $0x80, $0x38;
	[tilespmem:$0x1CD00] =	vst v63  }
0x65: {  	s0 =	sadd.s32 s6, s25  }
0x66: {  	[tilespmem:s7], [sflag:$0x5] =	stream.linear.gather [hbm4b:s0+s3], $0x80, $0x38;
	[tilespmem:$0x1CD00] =	vst v63  }
0x67: {  	_ =	swait.ge [sflag:s21], $0x80  }
0x68: {  	[sflag:s21] =	ssyncset.done $0x0  }
0x69: {  	[sflag:s21] =	ssyncadd.s32 $0xFFFFFF80  }
0x6a: {  	_ =	swait.ge [sflag:s21], $0x80  }
0x6b: {  	[sflag:s21] =	ssyncset.done $0x0  }
0x6c: {  	[sflag:s21] =	ssyncadd.s32 $0xFFFFFF80  }
0x6d: {  	[tilespmem:s12], [sflag:$0x1] =	stream.indirect.gather [hbm4b:s4+s8], $0x80, s13, s8, $0xb8;
	[tilespmem:$0x1CD00] =	vst v63  }
0x6e: {  	_ =	swait.ge [sflag:s29], $0x4000  }
0x6f: {  	[sflag:s29] =	ssyncset.done $0x0  }
0x70: {  	[sflag:s29] =	ssyncadd.s32 $0xFFFFC000  }
0x71: {  	[spmem:s1] =	stream.indirect.scatter.add.f32 [tilespmem:s16], [sflag:$0x4], $0x80, s10, s8, $0xb8;
	[tilespmem:$0x1CD00] =	vst v63  }
0x72: {  	_ =	swait.ge [sflag:s22], $0x4000  }
0x73: {  	s25 =	rddreg [dreg:$0x8];
	[sflag:s22] =	ssyncset.done $0x0  }
0x74: {  	s9 =	rddreg [dreg:$0x7];
	[sflag:s22] =	ssyncadd.s32 $0xFFFFC000;
	s0 =	sadd.s32 $0x0, s25  }
0x75: {  	[tilespmem:s8], [sflag:$0x6] =	stream.linear.gather [hbm4b:s0+s3], $0x80, $0x38;
	[tilespmem:$0x1CD00] =	vst v63  }
0x76: {  	s24 =	sadd.s32 $0x0, s9  }
0x77: {  	[tilespmem:s10], [sflag:$0x6] =	stream.linear.gather [hbm4b:s24+s3], $0x80, $0x38;
	[tilespmem:$0x1CD00] =	vst v63  }
0x78: {  	_ =	swait.ge [sflag:s30], $0x80  }
0x79: {  	[sflag:s30] =	ssyncset.done $0x0  }
0x7a: {  	[sflag:s30] =	ssyncadd.s32 $0xFFFFFF80  }
0x7b: {  	_ =	swait.ge [sflag:s30], $0x80  }
0x7c: {  	[sflag:s30] =	ssyncset.done $0x0  }
0x7d: {  	[sflag:s30] =	ssyncadd.s32 $0xFFFFFF80  }
0x7e: {  	[tilespmem:s16], [sflag:$0x2] =	stream.indirect.gather [hbm4b:s4+s8], $0x80, s17, s8, $0xb8;
	[tilespmem:$0x1CD00] =	vst v63  }
0x7f: {  	_ =	swait.ge [sflag:s19], $0x4000  }
0x80: {  	[sflag:s19] =	ssyncset.done $0x0  }
0x81: {  	[sflag:s19] =	ssyncadd.s32 $0xFFFFC000  }
0x82: {  	[spmem:s1] =	stream.indirect.scatter.add.f32 [tilespmem:s12], [sflag:$0x3], $0x80, s14, s8, $0xb8;
	[tilespmem:$0x1CD00] =	vst v63  }
0x83: {  	_ =	swait.ge [sflag:s20], $0x4000  }
0x84: {  	s25 =	rddreg [dreg:$0x6];
	[sflag:s20] =	ssyncset.done $0x0  }
0x85: {  	s9 =	rddreg [dreg:$0x5];
	[sflag:s20] =	ssyncadd.s32 $0xFFFFC000;
	s0 =	sadd.s32 $0x0, s25  }
0x86: {  	[tilespmem:s13], [sflag:$0x7] =	stream.linear.gather [hbm4b:s0+s3], $0x80, $0x38;
	[tilespmem:$0x1CD00] =	vst v63  }
0x87: {  	s24 =	sadd.s32 $0x0, s9  }
0x88: {  	[tilespmem:s14], [sflag:$0x7] =	stream.linear.gather [hbm4b:s24+s3], $0x80, $0x38;
	[tilespmem:$0x1CD00] =	vst v63  }
0x89: {  	_ =	swait.ge [sflag:s11], $0x80  }
0x8a: {  	[sflag:s11] =	ssyncset.done $0x0  }
0x8b: {  	[sflag:s11] =	ssyncadd.s32 $0xFFFFFF80  }
0x8c: {  	_ =	swait.ge [sflag:s11], $0x80  }
0x8d: {  	[sflag:s11] =	ssyncset.done $0x0  }
0x8e: {  	[sflag:s11] =	ssyncadd.s32 $0xFFFFFF80  }
0x8f: {  	[tilespmem:s12], [sflag:$0x1] =	stream.indirect.gather [hbm4b:s4+s8], $0x80, s3, s8, $0xb8;
	[tilespmem:$0x1CD00] =	vst v63  }
0x90: {  	_ =	swait.ge [sflag:s29], $0x4000  }
0x91: {  	[sflag:s29] =	ssyncset.done $0x0  }
0x92: {  	[sflag:s29] =	ssyncadd.s32 $0xFFFFC000  }
0x93: {  	[spmem:s1] =	stream.indirect.scatter.add.f32 [tilespmem:s16], [sflag:$0x4], $0x80, s18, s8, $0xb8;
	[tilespmem:$0x1CD00] =	vst v63  }
0x94: {  	_ =	swait.ge [sflag:s22], $0x4000  }
0x95: {  	s25 =	rddreg [dreg:$0x4];
	[sflag:s22] =	ssyncset.done $0x0  }
0x96: {  	s9 =	rddreg [dreg:$0x3];
	[sflag:s22] =	ssyncadd.s32 $0xFFFFC000;
	s0 =	sadd.s32 $0x0, s25  }
0x97: {  	[tilespmem:s17], [sflag:$0x8] =	stream.linear.gather [hbm4b:s0+s3], $0x80, $0x38;
	[tilespmem:$0x1CD00] =	vst v63  }
0x98: {  	s25 =	sadd.s32 $0x0, s9  }
0x99: {  	[tilespmem:s18], [sflag:$0x8] =	stream.linear.gather [hbm4b:s25+s3], $0x80, $0x38;
	[tilespmem:$0x1CD00] =	vst v63  }
0x9a: {  	_ =	swait.ge [sflag:s15], $0x80  }
0x9b: {  	[sflag:s15] =	ssyncset.done $0x0  }
0x9c: {  	[sflag:s15] =	ssyncadd.s32 $0xFFFFFF80  }
0x9d: {  	_ =	swait.ge [sflag:s15], $0x80  }
0x9e: {  	[sflag:s15] =	ssyncset.done $0x0  }
0x9f: {  	[sflag:s15] =	ssyncadd.s32 $0xFFFFFF80  }
0xa0: {  	[tilespmem:s16], [sflag:$0x2] =	stream.indirect.gather [hbm4b:s4+s8], $0x80, s8, s8, $0xb8;
	[tilespmem:$0x1CD00] =	vst v63  }
0xa1: {  	_ =	swait.ge [sflag:s19], $0x4000  }
0xa2: {  	[sflag:s19] =	ssyncset.done $0x0  }
0xa3: {  	s24 =	simm.s32 $0x40;
	s0 =	sadd.s32 $0x200, s2;
	[sflag:s19] =	ssyncadd.s32 $0xFFFFC000  }
.LBB2_2:
0xa4: {  	[spmem:s1] =	stream.indirect.scatter.add.f32 [tilespmem:s12], [sflag:$0x3], $0x80, s7, s8, $0xb8;
	[tilespmem:$0x1CD00] =	vst v63  }
0xa5: {  	_ =	swait.ge [sflag:s20], $0x4000  }
0xa6: {  	s2 =	sshrl.u32 s0, $0x3;
	[sflag:s20] =	ssyncset.done $0x0  }
0xa7: {  	s9 =	sadd.s32 s5, s2;
	[sflag:s20] =	ssyncadd.s32 $0xFFFFC000  }
0xa8: {  	[tilespmem:s3], [sflag:$0x5] =	stream.linear.gather [hbm4b:s9+s3], $0x80, $0x38;
	[tilespmem:$0x1CD00] =	vst v63  }
0xa9: {  	s2 =	sadd.s32 s6, s2  }
0xaa: {  	[tilespmem:s7], [sflag:$0x5] =	stream.linear.gather [hbm4b:s2+s3], $0x80, $0x38;
	[tilespmem:$0x1CD00] =	vst v63  }
0xab: {  	_ =	swait.ge [sflag:s21], $0x80  }
0xac: {  	[sflag:s21] =	ssyncset.done $0x0  }
0xad: {  	[sflag:s21] =	ssyncadd.s32 $0xFFFFFF80  }
0xae: {  	_ =	swait.ge [sflag:s21], $0x80  }
0xaf: {  	[sflag:s21] =	ssyncset.done $0x0  }
0xb0: {  	[sflag:s21] =	ssyncadd.s32 $0xFFFFFF80  }
0xb1: {  	[tilespmem:s12], [sflag:$0x1] =	stream.indirect.gather [hbm4b:s4+s8], $0x80, s13, s8, $0xb8;
	[tilespmem:$0x1CD00] =	vst v63  }
0xb2: {  	_ =	swait.ge [sflag:s29], $0x4000  }
0xb3: {  	[sflag:s29] =	ssyncset.done $0x0  }
0xb4: {  	[sflag:s29] =	ssyncadd.s32 $0xFFFFC000  }
0xb5: {  	[spmem:s1] =	stream.indirect.scatter.add.f32 [tilespmem:s16], [sflag:$0x4], $0x80, s10, s8, $0xb8;
	[tilespmem:$0x1CD00] =	vst v63  }
0xb6: {  	_ =	swait.ge [sflag:s22], $0x4000  }
0xb7: {  	s25 =	smov.u32 s24;
	s2 =	rddreg [dreg:$0x8];
	[sflag:s22] =	ssyncset.done $0x0  }
0xb8: {  	s9 =	rddreg [dreg:$0x7];
	[sflag:s22] =	ssyncadd.s32 $0xFFFFC000;
	s2 =	sadd.s32 s25, s2  }
0xb9: {  	[tilespmem:s8], [sflag:$0x6] =	stream.linear.gather [hbm4b:s2+s3], $0x80, $0x38;
	[tilespmem:$0x1CD00] =	vst v63  }
0xba: {  	s9 =	sadd.s32 s25, s9  }
0xbb: {  	[tilespmem:s10], [sflag:$0x6] =	stream.linear.gather [hbm4b:s9+s3], $0x80, $0x38;
	[tilespmem:$0x1CD00] =	vst v63  }
0xbc: {  	_ =	swait.ge [sflag:s30], $0x80  }
0xbd: {  	[sflag:s30] =	ssyncset.done $0x0  }
0xbe: {  	[sflag:s30] =	ssyncadd.s32 $0xFFFFFF80  }
0xbf: {  	_ =	swait.ge [sflag:s30], $0x80  }
0xc0: {  	[sflag:s30] =	ssyncset.done $0x0  }
0xc1: {  	[sflag:s30] =	ssyncadd.s32 $0xFFFFFF80  }
0xc2: {  	[tilespmem:s16], [sflag:$0x2] =	stream.indirect.gather [hbm4b:s4+s8], $0x80, s17, s8, $0xb8;
	[tilespmem:$0x1CD00] =	vst v63  }
0xc3: {  	_ =	swait.ge [sflag:s19], $0x4000  }
0xc4: {  	[sflag:s19] =	ssyncset.done $0x0  }
0xc5: {  	[sflag:s19] =	ssyncadd.s32 $0xFFFFC000  }
0xc6: {  	[spmem:s1] =	stream.indirect.scatter.add.f32 [tilespmem:s12], [sflag:$0x3], $0x80, s14, s8, $0xb8;
	[tilespmem:$0x1CD00] =	vst v63  }
0xc7: {  	_ =	swait.ge [sflag:s20], $0x4000  }
0xc8: {  	s2 =	rddreg [dreg:$0x6];
	[sflag:s20] =	ssyncset.done $0x0  }
0xc9: {  	s9 =	rddreg [dreg:$0x5];
	[sflag:s20] =	ssyncadd.s32 $0xFFFFC000;
	s2 =	sadd.s32 s25, s2  }
0xca: {  	[tilespmem:s13], [sflag:$0x7] =	stream.linear.gather [hbm4b:s2+s3], $0x80, $0x38;
	[tilespmem:$0x1CD00] =	vst v63  }
0xcb: {  	s9 =	sadd.s32 s25, s9  }
0xcc: {  	[tilespmem:s14], [sflag:$0x7] =	stream.linear.gather [hbm4b:s9+s3], $0x80, $0x38;
	[tilespmem:$0x1CD00] =	vst v63  }
0xcd: {  	_ =	swait.ge [sflag:s11], $0x80  }
0xce: {  	[sflag:s11] =	ssyncset.done $0x0  }
0xcf: {  	[sflag:s11] =	ssyncadd.s32 $0xFFFFFF80  }
0xd0: {  	_ =	swait.ge [sflag:s11], $0x80  }
0xd1: {  	[sflag:s11] =	ssyncset.done $0x0  }
0xd2: {  	[sflag:s11] =	ssyncadd.s32 $0xFFFFFF80  }
0xd3: {  	[tilespmem:s12], [sflag:$0x1] =	stream.indirect.gather [hbm4b:s4+s8], $0x80, s3, s8, $0xb8;
	[tilespmem:$0x1CD00] =	vst v63  }
0xd4: {  	_ =	swait.ge [sflag:s29], $0x4000  }
0xd5: {  	[sflag:s29] =	ssyncset.done $0x0  }
0xd6: {  	[sflag:s29] =	ssyncadd.s32 $0xFFFFC000  }
0xd7: {  	[spmem:s1] =	stream.indirect.scatter.add.f32 [tilespmem:s16], [sflag:$0x4], $0x80, s18, s8, $0xb8;
	[tilespmem:$0x1CD00] =	vst v63  }
0xd8: {  	_ =	swait.ge [sflag:s22], $0x4000  }
0xd9: {  	s2 =	rddreg [dreg:$0x4];
	[sflag:s22] =	ssyncset.done $0x0  }
0xda: {  	s9 =	rddreg [dreg:$0x3];
	[sflag:s22] =	ssyncadd.s32 $0xFFFFC000;
	s2 =	sadd.s32 s25, s2  }
0xdb: {  	[tilespmem:s17], [sflag:$0x8] =	stream.linear.gather [hbm4b:s2+s3], $0x80, $0x38;
	[tilespmem:$0x1CD00] =	vst v63  }
0xdc: {  	s25 =	sadd.s32 s25, s9  }
0xdd: {  	[tilespmem:s18], [sflag:$0x8] =	stream.linear.gather [hbm4b:s25+s3], $0x80, $0x38;
	[tilespmem:$0x1CD00] =	vst v63  }
0xde: {  	_ =	swait.ge [sflag:s15], $0x80  }
0xdf: {  	[sflag:s15] =	ssyncset.done $0x0  }
0xe0: {  	[sflag:s15] =	ssyncadd.s32 $0xFFFFFF80  }
0xe1: {  	_ =	swait.ge [sflag:s15], $0x80  }
0xe2: {  	p0 =	sne.s32 s24, $0x440;
	[sflag:s15] =	ssyncset.done $0x0  }
.Ltmp0:
0xe3: {  	[sflag:s15] =	ssyncadd.s32 $0xFFFFFF80;
	(pc) =	sbr.rel @p0 .LBB2_2-.Ltmp0, $4  }
0xe4: {  	[tilespmem:s16], [sflag:$0x2] =	stream.indirect.gather [hbm4b:s4+s8], $0x80, s8, s8, $0xb8;
	[tilespmem:$0x1CD00] =	vst v63  }
0xe5: {  	_ =	swait.ge [sflag:s19], $0x4000  }
0xe6: {  	[sflag:s19] =	ssyncset.done $0x0  }
0xe7: {  	s24 =	sadd.s32 $0x40, s24;
	s0 =	sadd.s32 $0x200, s0;
	[sflag:s19] =	ssyncadd.s32 $0xFFFFC000  }
0xe8: {  	[spmem:s1] =	stream.indirect.scatter.add.f32 [tilespmem:s12], [sflag:$0x3], $0x80, s7, s8, $0xb8;
	[tilespmem:$0x1CD00] =	vst v63  }
0xe9: {  	_ =	swait.ge [sflag:s20], $0x4000  }
0xea: {  	[sflag:s20] =	ssyncset.done $0x0  }
0xeb: {  	s0 =	rddreg [dreg:$0x15];
	[sflag:s20] =	ssyncadd.s32 $0xFFFFC000  }
0xec: {  	[tilespmem:s3], [sflag:$0x5] =	stream.linear.gather [hbm4b:s0+s3], $0x80, $0x38;
	[tilespmem:$0x1CD00] =	vst v63  }
0xed: {  	s2 =	rddreg [dreg:$0x16]  }
0xee: {  	[tilespmem:s7], [sflag:$0x5] =	stream.linear.gather [hbm4b:s2+s3], $0x80, $0x38;
	[tilespmem:$0x1CD00] =	vst v63  }
0xef: {  	_ =	swait.ge [sflag:s21], $0x80  }
0xf0: {  	[sflag:s21] =	ssyncset.done $0x0  }
0xf1: {  	[sflag:s21] =	ssyncadd.s32 $0xFFFFFF80  }
0xf2: {  	_ =	swait.ge [sflag:s21], $0x80  }
0xf3: {  	[sflag:s21] =	ssyncset.done $0x0  }
0xf4: {  	[sflag:s21] =	ssyncadd.s32 $0xFFFFFF80  }
0xf5: {  	[tilespmem:s12], [sflag:$0x1] =	stream.indirect.gather [hbm4b:s4+s8], $0x80, s13, s8, $0xb8;
	[tilespmem:$0x1CD00] =	vst v63  }
0xf6: {  	_ =	swait.ge [sflag:s29], $0x4000  }
0xf7: {  	[sflag:s29] =	ssyncset.done $0x0  }
0xf8: {  	[sflag:s29] =	ssyncadd.s32 $0xFFFFC000  }
0xf9: {  	[spmem:s1] =	stream.indirect.scatter.add.f32 [tilespmem:s16], [sflag:$0x4], $0x80, s10, s8, $0xb8;
	[tilespmem:$0x1CD00] =	vst v63  }
0xfa: {  	_ =	swait.ge [sflag:s22], $0x4000  }
0xfb: {  	[sflag:s22] =	ssyncset.done $0x0  }
0xfc: {  	s9 =	rddreg [dreg:$0x17];
	[sflag:s22] =	ssyncadd.s32 $0xFFFFC000  }
0xfd: {  	[tilespmem:s8], [sflag:$0x6] =	stream.linear.gather [hbm4b:s9+s3], $0x80, $0x38;
	[tilespmem:$0x1CD00] =	vst v63  }
0xfe: {  	s24 =	rddreg [dreg:$0x18]  }
0xff: {  	[tilespmem:s10], [sflag:$0x6] =	stream.linear.gather [hbm4b:s24+s3], $0x80, $0x38;
	[tilespmem:$0x1CD00] =	vst v63  }
0x100: {  	_ =	swait.ge [sflag:s30], $0x80  }
0x101: {  	[sflag:s30] =	ssyncset.done $0x0  }
0x102: {  	[sflag:s30] =	ssyncadd.s32 $0xFFFFFF80  }
0x103: {  	_ =	swait.ge [sflag:s30], $0x80  }
0x104: {  	[sflag:s30] =	ssyncset.done $0x0  }
0x105: {  	[sflag:s30] =	ssyncadd.s32 $0xFFFFFF80  }
0x106: {  	[tilespmem:s16], [sflag:$0x2] =	stream.indirect.gather [hbm4b:s4+s8], $0x80, s17, s8, $0xb8;
	[tilespmem:$0x1CD00] =	vst v63  }
0x107: {  	_ =	swait.ge [sflag:s19], $0x4000  }
0x108: {  	[sflag:s19] =	ssyncset.done $0x0  }
0x109: {  	[sflag:s19] =	ssyncadd.s32 $0xFFFFC000  }
0x10a: {  	[spmem:s1] =	stream.indirect.scatter.add.f32 [tilespmem:s12], [sflag:$0x3], $0x80, s14, s8, $0xb8;
	[tilespmem:$0x1CD00] =	vst v63  }
0x10b: {  	_ =	swait.ge [sflag:s20], $0x4000  }
0x10c: {  	[sflag:s20] =	ssyncset.done $0x0  }
0x10d: {  	[sflag:s20] =	ssyncadd.s32 $0xFFFFC000  }
0x10e: {  	_ =	swait.ge [sflag:s11], $0x80  }
0x10f: {  	[sflag:s11] =	ssyncset.done $0x0  }
0x110: {  	[sflag:s11] =	ssyncadd.s32 $0xFFFFFF80  }
0x111: {  	_ =	swait.ge [sflag:s11], $0x80  }
0x112: {  	[sflag:s11] =	ssyncset.done $0x0  }
0x113: {  	[sflag:s11] =	ssyncadd.s32 $0xFFFFFF80  }
0x114: {  	[tilespmem:s12], [sflag:$0x1] =	stream.indirect.gather [hbm4b:s4+s8], $0x80, s3, s8, $0xb8;
	[tilespmem:$0x1CD00] =	vst v63  }
0x115: {  	_ =	swait.ge [sflag:s29], $0x4000  }
0x116: {  	[sflag:s29] =	ssyncset.done $0x0  }
0x117: {  	[sflag:s29] =	ssyncadd.s32 $0xFFFFC000  }
0x118: {  	[spmem:s1] =	stream.indirect.scatter.add.f32 [tilespmem:s16], [sflag:$0x4], $0x80, s18, s8, $0xb8;
	[tilespmem:$0x1CD00] =	vst v63  }
0x119: {  	_ =	swait.ge [sflag:s22], $0x4000  }
0x11a: {  	[sflag:s22] =	ssyncset.done $0x0  }
0x11b: {  	[sflag:s22] =	ssyncadd.s32 $0xFFFFC000  }
0x11c: {  	_ =	swait.ge [sflag:s15], $0x80  }
0x11d: {  	[sflag:s15] =	ssyncset.done $0x0  }
0x11e: {  	[sflag:s15] =	ssyncadd.s32 $0xFFFFFF80  }
0x11f: {  	_ =	swait.ge [sflag:s15], $0x80  }
0x120: {  	[sflag:s15] =	ssyncset.done $0x0  }
0x121: {  	[sflag:s15] =	ssyncadd.s32 $0xFFFFFF80  }
0x122: {  	[tilespmem:s16], [sflag:$0x2] =	stream.indirect.gather [hbm4b:s4+s8], $0x80, s8, s8, $0xb8;
	[tilespmem:$0x1CD00] =	vst v63  }
0x123: {  	_ =	swait.ge [sflag:s19], $0x4000  }
0x124: {  	[sflag:s19] =	ssyncset.done $0x0  }
0x125: {  	[sflag:s19] =	ssyncadd.s32 $0xFFFFC000  }
0x126: {  	[spmem:s1] =	stream.indirect.scatter.add.f32 [tilespmem:s12], [sflag:$0x3], $0x80, s7, s8, $0xb8;
	[tilespmem:$0x1CD00] =	vst v63  }
0x127: {  	_ =	swait.ge [sflag:s29], $0x4000  }
0x128: {  	[sflag:s29] =	ssyncset.done $0x0  }
0x129: {  	[sflag:s29] =	ssyncadd.s32 $0xFFFFC000  }
0x12a: {  	[spmem:s1] =	stream.indirect.scatter.add.f32 [tilespmem:s16], [sflag:$0x4], $0x80, s10, s8, $0xb8;
	[tilespmem:$0x1CD00] =	vst v63  }
0x12b: {  	_ =	swait.ge [sflag:s20], $0x4000  }
0x12c: {  	[sflag:s20] =	ssyncset.done $0x0  }
0x12d: {  	[sflag:s20] =	ssyncadd.s32 $0xFFFFC000  }
0x12e: {  	_ =	swait.ge [sflag:s22], $0x4000  }
0x12f: {  	[sflag:s22] =	ssyncset.done $0x0  }
0x130: {  	[sflag:s22] =	ssyncadd.s32 $0xFFFFC000  }
0x131: {  	[bflag:$0x0] =	sbarrier.arrive $0xFFFF  }
0x132: {  	s25 =	rddreg [dreg:$0x19]  }
0x133: {  	[hbm:s25], [sflag:s26] =	dma.local [spmem:s31], $0x2800  }
0x134: {  	_ =	swait.ge [sflag:s28], $0x2800  }
0x135: {  	s23 =	sadd.s32 $0x1, s23;
	s31 =	rddreg [dreg:$0x1a]  }
0x136: {  	p0 =	sne.s32 s23, s31  }
.Ltmp1:
0x137: {  	_ = 	snop;
	(pc) =	sbr.rel @p0 .LBB2_1-.Ltmp1, $3  }
0x138: {  	_ =	sdelay $0x1  }
0x139: {  	[sflag:s28] =	ssyncset.done $0x0  }
0x13a: {  	s9 =	smov.u32 s26;
	[sflag:s28] =	ssyncadd.s32 $0xFFFFD800  }
0x13b: {  	_ =	sfence.sel $0x180000  }
0x13c: {  	[bflag:$0x0] =	sbarrier.arrive $0xFFFF  }
0x13d: {  	_ =	strace $0x9000004A  }
0x13e: {  	s0 =	stileid.u32;
	[bflag:$0x2] =	sbarrier.arrive $0xFFFF  }
0x13f: {  	p0 =	sne.s32 s0, $0x0;
	s0 =	rddreg [dreg:$0x2]  }
0x140: {  	s0 =	sadd.s32 @!p0 $0x100000, s0  }
0x141: {  	[sflag:s0] =	ssyncadd.tile.s32 @!p0 $0x1;
	_ =	shalt  }
.Lfunc_end2:
_tile_overlayer_lowered:
.L_overlay_start_2:
0x142: {  	(tag) =	ssettag $0x2  }
0x143: {  	s0 =	rddreg [dreg:$0x0];
	s2 =	stileid.u32  }
0x144: {  	s1 =	rddreg [dreg:$0x1];
	p0 =	sne.s32 s2, $0x0  }
0x145: {  	s3 =	rddreg [dreg:$0x2];
	[bflag:$0x3] =	sbarrier.arrive $0xFFFF;
	s2 =	simm.s32 @!p0 $0x1C0A  }
0x146: {  	[timem:s3], [sflag:s2] =	dma.local @!p0 [hbm:s0], s1  }
0x147: {  	s0 =	simm.s32 @!p0 $0xA  }
0x148: {  	_ =	swait.ge @!p0 [sflag:s0], s1  }
0x149: {  	s1 =	ssub.s32 @!p0 $0x0, s1;
	[sflag:s0] =	ssyncset.done @!p0 $0x0  }
0x14a: {  	[sflag:s0] =	ssyncadd.s32 @!p0 s1  }
0x14b: {  	[bflag:$0x3] =	sbarrier.arrive $0xFFFF  }
0x14c: {  	_ =	shalt  }

// kernel: kernel.14.cloned.1.call-start
scs
__scs_entry_jumppad:
0x0: {  	(pc) =	sbr.rel $0x88, $3  }
0x1: {  	(tag) =	ssettag $0x0;
	lr =	simm.s32 $0x1  }
0x2: {  	[smem:$0x3F92] =	sst lr;
	_ =	strace $0xD0000000  }
0x3: {  	_ = 	snop  }
0x4: {  	_ = 	snop  }
0x5: {  	_ = 	snop  }
0x6: {  	_ = 	snop  }
0x7: {  	_ = 	snop  }
__scs_overlays_trampoline_lowered:
0x8: {  	[smem:$0x3FA1] =	sst s0  }
0x9: {  	[smem:$0x3FA2] =	sst s1  }
0xa: {  	[smem:$0x3FA3] =	sst s2  }
0xb: {  	[smem:$0x3FA4] =	sst s3  }
0xc: {  	[smem:$0x3FA5] =	sst s4  }
0xd: {  	[smem:$0x3FA6] =	sst s5  }
0xe: {  	[smem:$0x3FA7] =	sst s6  }
0xf: {  	[smem:$0x3FA8] =	sst s7  }
0x10: {  	[smem:$0x3FA9] =	sst s8  }
0x11: {  	[smem:$0x3FAA] =	sst s9;
	s0 =	simm.s32 @!p0 $0x0  }
0x12: {  	s1 =	sld [smem:$0x3F90];
	s0 =	simm.s32 @p0 $0x1  }
0x13: {  	[smem:$0x3FAB] =	sst s0;
	s0 =	simm.s32 @!p1 $0x0  }
0x14: {  	s2 =	sld [smem:$0x3F8F];
	s0 =	simm.s32 @p1 $0x1  }
0x15: {  	[smem:$0x3FAC] =	sst s0;
	s0 =	simm.s32 @!p2 $0x0  }
0x16: {  	s3 =	sld [smem:$0x3FDB];
	s0 =	simm.s32 @p2 $0x1  }
0x17: {  	s4 =	simm.s32 $0x1BF5;
	[smem:$0x3FAE] =	sst s0  }
0x18: {  	s0 =	sld [smem:$0x3F91];
	_ =	swait.ge [sflag:s4], $0x0  }
0x19: {  	s7 =	sld [smem:$0x3F92]  }
0x1a: {  	s8 =	sadd.s32 $0xFFFFE003, lr  }
0x1b: {  	s9 =	sadd.s32 $0xFFFFFEF7, lr;
	s5 =	simm.s32 $0xFFFFFFFF;
	p2 =	slt.u32 s8, $0xFFFFF086  }
0x1c: {  	p1 =	slt.u32 s9, $0xF7A;
	s5 =	simm.s32 @!p2 $0x0  }
0x1d: {  	s5 =	simm.s32 @p1 $0x1;
	p0 =	seq.s32 s7, s2  }
0x1e: {  	s7 =	smul.u32 @!p0 $0xF7A, s2;
	p2 =	seq.s32 @!p0 s5, $0x0  }
0x1f: {  	s9 =	smul.u32 $0xF7A, s1;
	s8 =	simm.s32 @!p0 $0x1BF5;
	p2 =	por !p2, p0  }
0x20: {  	[sflag:s8] =	ssyncset.s32 @!p0 $0xFFFFF086;
	s6 =	sadd.s32 @!p0 s3, s7;
	s7 =	simm.s32 @!p0 $0x108  }
0x21: {  	s3 =	sadd.s32 s3, s9;
	s6 =	sadd.s32 @!p0 $0x88, s6;
	s7 =	simm.s32 @p2 $0x1082  }
0x22: {  	[simem:s7], [sflag:s8] =	dma.local @!p0 [hbm:s6], $0xF7A  }
0x23: {  	s9 =	sor.u32 $0xD0000000, s2;
	s6 =	simm.s32 $0x108;
	_ =	swait.ge @!p0 [sflag:s8], $0x0  }
0x24: {  	s3 =	sadd.s32 $0x88, s3;
	s6 =	simm.s32 @!p1 $0x1082;
	[sflag:s4] =	ssyncset.s32 $0xFFFFF086  }
0x25: {  	[simem:s6], [sflag:s4] =	dma.local [hbm:s3], $0xF7A  }
0x26: {  	[smem:$0x3F92] =	sst s1;
	(tag) =	ssettag s2;
	_ =	strace s9  }
0x27: {  	s1 =	sld [smem:$0x3FA2]  }
0x28: {  	s2 =	sld [smem:$0x3FA3]  }
0x29: {  	s4 =	sld [smem:$0x3FA5]  }
0x2a: {  	p0 =	seq.s32 s5, $0x0;
	s5 =	sld [smem:$0x3FA6]  }
0x2b: {  	s6 =	sld [smem:$0x3FA7]  }
0x2c: {  	s7 =	sld [smem:$0x3FA8]  }
0x2d: {  	s3 =	simm.s32 $0x108;
	s8 =	sld [smem:$0x3FA9]  }
0x2e: {  	s3 =	simm.s32 @!p0 $0x1082;
	s9 =	sld [smem:$0x3FAA]  }
0x2f: {  	lr =	sadd.s32 s0, s3;
	s0 =	sld [smem:$0x3FA1]  }
0x30: {  	s3 =	sld [smem:$0x3FA4]  }
0x31: {  	[smem:$0x3FAD] =	sst s10  }
0x32: {  	s10 =	sld [smem:$0x3FAB];
	_ =	sdelay $0x3  }
0x33: {  	p0 =	seq.s32 s10, $0x1;
	s10 =	sld [smem:$0x3FAD];
	_ =	sdelay $0x3  }
0x34: {  	[smem:$0x3FAD] =	sst s10  }
0x35: {  	s10 =	sld [smem:$0x3FAC];
	_ =	sdelay $0x3  }
0x36: {  	p1 =	seq.s32 s10, $0x1;
	s10 =	sld [smem:$0x3FAD];
	_ =	sdelay $0x3  }
0x37: {  	[smem:$0x3FAD] =	sst s10  }
0x38: {  	s10 =	sld [smem:$0x3FAE]  }
0x39: {  	_ = 	snop;
	(pc) =	sbr.ind lr, $3  }
0x3a: {  	_ = 	snop  }
0x3b: {  	_ = 	snop  }
0x3c: {  	p2 =	seq.s32 s10, $0x1;
	s10 =	sld [smem:$0x3FAD]  }
0x3d: {  	_ =	shalt  }
0x3e: {  	_ =	shalt  }
0x3f: {  	_ =	shalt  }
0x40: {  	_ =	shalt  }
0x41: {  	_ =	shalt  }
0x42: {  	_ =	shalt  }
0x43: {  	_ =	shalt  }
0x44: {  	_ =	shalt  }
0x45: {  	_ =	shalt  }
0x46: {  	_ =	shalt  }
0x47: {  	_ =	shalt  }
0x48: {  	_ =	shalt  }
0x49: {  	_ =	shalt  }
0x4a: {  	_ =	shalt  }
0x4b: {  	_ =	shalt  }
0x4c: {  	_ =	shalt  }
0x4d: {  	_ =	shalt  }
0x4e: {  	_ =	shalt  }
0x4f: {  	_ =	shalt  }
0x50: {  	_ =	shalt  }
0x51: {  	_ =	shalt  }
0x52: {  	_ =	shalt  }
0x53: {  	_ =	shalt  }
0x54: {  	_ =	shalt  }
0x55: {  	_ =	shalt  }
0x56: {  	_ =	shalt  }
0x57: {  	_ =	shalt  }
0x58: {  	_ =	shalt  }
0x59: {  	_ =	shalt  }
0x5a: {  	_ =	shalt  }
0x5b: {  	_ =	shalt  }
0x5c: {  	_ =	shalt  }
0x5d: {  	_ =	shalt  }
0x5e: {  	_ =	shalt  }
0x5f: {  	_ =	shalt  }
0x60: {  	_ =	shalt  }
0x61: {  	_ =	shalt  }
0x62: {  	_ =	shalt  }
0x63: {  	_ =	shalt  }
0x64: {  	_ =	shalt  }
0x65: {  	_ =	shalt  }
0x66: {  	_ =	shalt  }
0x67: {  	_ =	shalt  }
0x68: {  	_ =	shalt  }
0x69: {  	_ =	shalt  }
0x6a: {  	_ =	shalt  }
0x6b: {  	_ =	shalt  }
0x6c: {  	_ =	shalt  }
0x6d: {  	_ =	shalt  }
0x6e: {  	_ =	shalt  }
0x6f: {  	_ =	shalt  }
0x70: {  	_ =	shalt  }
0x71: {  	_ =	shalt  }
0x72: {  	_ =	shalt  }
0x73: {  	_ =	shalt  }
0x74: {  	_ =	shalt  }
0x75: {  	_ =	shalt  }
0x76: {  	_ =	shalt  }
0x77: {  	_ =	shalt  }
0x78: {  	_ =	shalt  }
0x79: {  	_ =	shalt  }
0x7a: {  	_ =	shalt  }
0x7b: {  	_ =	shalt  }
0x7c: {  	_ =	shalt  }
0x7d: {  	_ =	shalt  }
0x7e: {  	_ =	shalt  }
0x7f: {  	_ =	shalt  }
0x80: {  	_ =	shalt  }
0x81: {  	_ =	shalt  }
0x82: {  	_ =	shalt  }
0x83: {  	_ =	shalt  }
0x84: {  	_ =	shalt  }
0x85: {  	_ =	shalt  }
0x86: {  	_ =	shalt  }
0x87: {  	_ =	shalt  }
.Lfunc_end0:
.L_simem_size_0:
called_computation.2_lowered:
.L_overlay_start_0:
0x88: {  	s2 =	sld [smem:$0x3FD9]  }
0x89: {  	s3 =	sld [smem:$0x3FFE];
	_ =	sdelay $0x1  }
0x8a: {  	s1 =	srdreg.scid  }
0x8b: {  	s0 =	sand.u32 $0x1, s1  }
0x8c: {  	s16 =	sshll.u32 s0, $0xA;
	s2 =	sadd.s32 s3, s2  }
0x8d: {  	s2 =	sadd.s32 s2, s16  }
0x8e: {  	[smem:$0x3FB9] =	sst s2  }
0x8f: {  	_ = 	snop  }
0x90: {  	(tm) =	ssettm $0x1  }
0x91: {  	s17 =	sld [smem:$0x3FFB];
	_ =	sdelay $0x3  }
0x92: {  	_ =	strace s17  }
0x93: {  	s2 =	sld [smem:$0x3FFC];
	_ =	sdelay $0x3  }
0x94: {  	_ =	strace s2  }
0x95: {  	s2 =	sld [smem:$0x3FFD];
	_ =	sdelay $0x3  }
0x96: {  	_ =	strace s2  }
0x97: {  	_ =	strace $0x8FFFFFFF  }
0x98: {  	s18 =	sld [smem:$0x3FDB];
	_ =	sdelay $0x1  }
0x99: {  	s19 =	simm.s32 $_scs_section_size  }
0x9a: {  	s4 =	simm.s32 $_size__tile_overlayer_lowered;
	s5 =	simm.s32 $_tile_overlayer_lowered  }
0x9b: {  	s22 =	simm.s32 $0x1BFF;
	s21 =	sshll.u32 s5, $0x1;
	s2 =	sadd.s32 s19, s18  }
0x9c: {  	s6 =	simm.s32 $0x0;
	s20 =	sshll.u32 s4, $0x1;
	s4 =	sadd.s32 s21, s2  }
0x9d: {  	[timem:s6], [sflag:s22] =	dma.local [hbm:s4], s20  }
0x9e: {  	_ =	swait.ge [sflag:s22], s20  }
0x9f: {  	s3 =	ssub.s32 $0x0, s20;
	[sflag:s22] =	ssyncset.done $0x0  }
0xa0: {  	[sflag:s22] =	ssyncadd.s32 s3;
	_ =	sdelay $0x1  }
0xa1: {  	s23 =	simm.s32 $0x1B8B  }
0xa2: {  	_ =	swait.ge [sflag:s23], $0x1  }
0xa3: {  	[sflag:s23] =	ssyncset.done $0x0  }
0xa4: {  	s25 =	simm.s32 $0x1B8E;
	s24 =	sld [smem:$0x3FFE];
	[sflag:s23] =	ssyncadd.s32 $0xFFFFFFFF  }
0xa5: {  	s26 =	simm.s32 $execute0_lowered;
	[smem:$0x3FD2] =	sst s25  }
0xa6: {  	s4 =	sshll.u32 s26, $0x1;
	_ =	strace $0x8000004C;
	[dreg:$0x1] =	wrdreg $0xFFFFFFFF  }
0xa7: {  	s28 =	simm.s32 $_size_execute0_lowered;
	s2 =	sadd.s32 s2, s4;
	[dreg:$0x0] =	wrdreg $0x0  }
0xa8: {  	s4 =	sshll.u32 s28, $0x1;
	[dreg:$0x2] =	wrdreg s2  }
0xa9: {  	[dreg:$0x3] =	wrdreg s4  }
0xaa: {  	[dreg:$0x4] =	wrdreg $0xC0  }
0xab: {  	_ =	task [dreg:s6], $0x5FFFF  }
0xac: {  	[dreg:$0x1] =	wrdreg $0xFFFFFFFF  }
0xad: {  	[dreg:$0x0] =	wrdreg $0x60  }
0xae: {  	[dreg:$0x2] =	wrdreg s24  }
0xaf: {  	[dreg:$0x3] =	wrdreg $0x8D000  }
0xb0: {  	[dreg:$0x4] =	wrdreg $0x9  }
0xb1: {  	_ =	task.clear_ibuf [dreg:s6], $0x5FFFF;
	_ =	strace $0x9000004C  }
0xb2: {  	s29 =	simm.s32 $0x9;
	_ =	strace $0x8000004E  }
0xb3: {  	_ =	swait.ge [sflag:s29], $0x1  }
0xb4: {  	[sflag:s29] =	ssyncadd.s32 $0xFFFFFFFF  }
0xb5: {  	_ =	strace $0x9000004E  }
0xb6: {  	_ =	sfence  }
0xb7: {  	s30 =	sld [smem:$0x0];
	_ =	sdelay $0x2  }
0xb8: {  	s31 =	sshll.u32 s1, $0xD;
	s1 =	sshrl.u32 s1, $0x2  }
0xb9: {  	s3 =	sand.u32 $0x4000, s31;
	s1 =	sadd.s32 s1, s30  }
0xba: {  	s0 =	sor.u32 s3, s0;
	s1 =	sshll.u32 s1, $0x11  }
0xbb: {  	s0 =	sor.u32 s1, s0  }
0xbc: {  	s0 =	sadd.s32 $0x8F2B, s0  }
0xbd: {  	[sflag:s0] =	ssyncadd.remote.s32 $0x1  }
0xbe: {  	_ =	sfence.sel $0xFFFF  }
0xbf: {  	[dreg:$0x0] =	wrdreg $0xFFFFFFFF;
	(pc) =	sbr.abs _section_cstart, $3  }
0xc0: {  	[dreg:$0x1] =	wrdreg $0xFFFFFFFF  }
0xc1: {  	_ =	task.clear_ibuf [dreg:s6], $0x2FFFF;
	_ =	strace $0x9FFFFFFF  }
0xc2: {  	(tm) =	ssettm $0x7FFFFFFF  }
0xc3: {  	_ =	shalt  }
tec
execute0_lowered:
.L_overlay_start_1:
0x0: {  	(tag) =	ssettag $0x1  }
0x1: {  	s0 =	rddreg [dreg:$0x0]  }
0x2: {  	s1 =	rddreg [dreg:$0x1];
	s3 =	simm.s32 $0x0  }
0x3: {  	s2 =	srdreg.scid;
	s12 =	stileid.u32;
	s28 =	simm.s32 $0xA  }
0x4: {  	s29 =	simm.s32 $0x2;
	s30 =	simm.s32 $0x8;
	[smem:$0x7FF] =	sst s3  }
0x5: {  	s2 =	sand.u32 $0x1, s2;
	s8 =	smul.u32 $0x14000, s12;
	s4 =	sadd.s32 $0x15800, s0  }
0x6: {  	s5 =	sadd.s32 $0xBA00, s0;
	s6 =	sadd.s32 $0x1C00, s0;
	s10 =	smul.u32 $0x50000, s12  }
0x7: {  	s9 =	sadd.s32 $0x63C00, s0;
	s15 =	sshll.u32 s12, $0x1;
	s18 =	smul.u32 $0x4E20, s12  }
0x8: {  	s19 =	sshll.u32 s12, $0x6;
	s7 =	smul.u32 $0x140000, s2;
	s16 =	ssub.s32 $0x2, s2  }
0x9: {  	_ =	strace $0x8000004D;
	[dreg:$0x9] =	wrdreg s9;
	s11 =	sshrl.u32 s16, $0x1  }
0xa: {  	s17 =	sshrl.u32 s10, $0x2;
	s7 =	sadd.s32 s8, s7;
	s8 =	sor.u32 s2, s15  }
0xb: {  	s9 =	sadd.s32 s17, s1;
	s2 =	smul.u32 $0x2710, s2;
	s7 =	sshrl.u32 s7, $0x3  }
0xc: {  	s8 =	smul.u32 $0x2710, s8;
	[dreg:$0xa] =	wrdreg s9;
	s9 =	sor.u32 $0x1C0A, s19  }
0xd: {  	s0 =	sadd.s32 s7, s0;
	s7 =	ssub.s32 s16, s11;
	s2 =	sadd.s32 s2, s18  }
0xe: {  	s8 =	sshrl.u32 s8, $0x3;
	s26 =	sadd.s32 $0x380, s2;
	s13 =	sadd.s32 $0x300, s2  }
0xf: {  	s19 =	sadd.s32 $0x280, s2;
	s0 =	sadd.s32 $0x66400, s0;
	s20 =	sadd.s32 $0x4E0, s8  }
0x10: {  	s22 =	sadd.s32 s5, s8;
	s23 =	sadd.s32 $0x10, s8;
	[dreg:$0x19] =	wrdreg s0  }
0x11: {  	s24 =	sadd.s32 s6, s8;
	s31 =	sadd.s32 $0x20, s8;
	[dreg:$0xd] =	wrdreg s22  }
0x12: {  	s10 =	sshrl.u32 s26, $0x3;
	s26 =	smax.u32 s7, $0x1;
	[dreg:$0xe] =	wrdreg s24  }
0x13: {  	s16 =	sshrl.u32 s13, $0x3;
	s21 =	sadd.s32 s5, s20;
	[dreg:$0x1a] =	wrdreg s26  }
0x14: {  	s18 =	sadd.s32 $0x30, s8;
	s11 =	sadd.s32 s6, s20;
	[dreg:$0xb] =	wrdreg s21  }
0x15: {  	s7 =	simm.s32 $0x200;
	s25 =	sadd.s32 s5, s23;
	[dreg:$0xc] =	wrdreg s11  }
0x16: {  	s13 =	simm.s32 $0x100;
	s14 =	sadd.s32 s5, s31;
	[dreg:$0xf] =	wrdreg s25  }
0x17: {  	s15 =	sadd.s32 s10, s6;
	s10 =	sadd.s32 s10, s5;
	[dreg:$0x11] =	wrdreg s14  }
0x18: {  	s17 =	sadd.s32 s16, s6;
	s20 =	sadd.s32 s5, s18;
	[dreg:$0x3] =	wrdreg s15  }
0x19: {  	s12 =	sadd.s32 s16, s5;
	s22 =	sadd.s32 $0x4C0, s8;
	[dreg:$0x4] =	wrdreg s10  }
0x1a: {  	s8 =	sadd.s32 $0x4D0, s8;
	s16 =	simm.s32 $0x4400;
	[dreg:$0x5] =	wrdreg s17  }
0x1b: {  	s11 =	sadd.s32 s6, s23;
	[dreg:$0x13] =	wrdreg s20;
	s10 =	sshrl.u32 s19, $0x3  }
0x1c: {  	[dreg:$0x6] =	wrdreg s12;
	s23 =	sadd.s32 s5, s22;
	s24 =	sadd.s32 s6, s22  }
0x1d: {  	s25 =	sadd.s32 s5, s8;
	s8 =	sadd.s32 s6, s8;
	[dreg:$0x10] =	wrdreg s11  }
0x1e: {  	s12 =	simm.s32 $0x400;
	s14 =	simm.s32 $0x300;
	[dreg:$0x15] =	wrdreg s23  }
0x1f: {  	s15 =	simm.s32 $0x6;
	s17 =	simm.s32 $0x180;
	[dreg:$0x16] =	wrdreg s24  }
0x20: {  	s19 =	simm.s32 $0x1;
	s20 =	simm.s32 $0x3;
	[dreg:$0x17] =	wrdreg s25  }
0x21: {  	s22 =	simm.s32 $0x4;
	s11 =	sadd.s32 s6, s31;
	[dreg:$0x18] =	wrdreg s8  }
0x22: {  	s21 =	sadd.s32 s10, s6;
	s10 =	sadd.s32 s10, s5;
	[dreg:$0x12] =	wrdreg s11  }
0x23: {  	s31 =	sadd.s32 $0x200, s2;
	s8 =	simm.s32 $0x80;
	[dreg:$0x7] =	wrdreg s21  }
0x24: {  	s23 =	simm.s32 $0x0;
	s11 =	sadd.s32 s6, s18;
	[dreg:$0x8] =	wrdreg s10  }
0x25: {  	[dreg:$0x1b] =	wrdreg s31;
	s10 =	simm.s32 $0x280;
	s18 =	simm.s32 $0x380  }
0x26: {  	s21 =	simm.s32 $0x7;
	[dreg:$0x14] =	wrdreg s11;
	s11 =	simm.s32 $0x5  }
.LBB2_1:
0x27: {  	s0 =	rddreg [dreg:$0xa]  }
0x28: {  	s2 =	rddreg [dreg:$0x9];
	s31 =	sshrl.u32 s0, $0x3  }
0x29: {  	[spmem:s31], [sflag:s9] =	dma.local [hbm:s2], $0x2800  }
0x2a: {  	_ =	swait.ge [sflag:s28], $0x2800  }
0x2b: {  	[sflag:s28] =	ssyncset.done $0x0  }
0x2c: {  	[sflag:s28] =	ssyncadd.s32 $0xFFFFD800  }
0x2d: {  	[bflag:$0x0] =	sbarrier.arrive $0xFFFF  }
0x2e: {  	s26 =	smov.u32 s9;
	s2 =	simm.s32 $0x8400;
	s9 =	rddreg [dreg:$0xb]  }
0x2f: {  	[tilespmem:s2], [sflag:$0xA] =	stream.linear.gather [hbm4b:s9+s3], $0x10, $0x38;
	[tilespmem:$0x1CD00] =	vst v63  }
0x30: {  	_ =	swait.ge [sflag:s28], $0x10  }
0x31: {  	[sflag:s28] =	ssyncset.done $0x0  }
0x32: {  	s9 =	simm.s32 $0x8480;
	s24 =	rddreg [dreg:$0xc];
	[sflag:s28] =	ssyncadd.s32 $0xFFFFFFF0  }
0x33: {  	[tilespmem:s9], [sflag:$0xA] =	stream.linear.gather [hbm4b:s24+s3], $0x10, $0x38;
	[tilespmem:$0x1CD00] =	vst v63  }
0x34: {  	_ =	swait.ge [sflag:s28], $0x10  }
0x35: {  	s25 =	simm.s32 $0x9;
	[sflag:s28] =	ssyncset.done $0x0  }
0x36: {  	s0 =	simm.s32 $0x10;
	s24 =	simm.s32 $0x8500;
	[sflag:s28] =	ssyncadd.s32 $0xFFFFFFF0  }
0x37: {  	[tilespmem:s24], [sflag:$0x9] =	stream.indirect.gather [hbm4b:s4+s0], $0x80, s2, s0, $0xb8;
	[tilespmem:$0x1CD00] =	vst v63  }
0x38: {  	_ =	swait.ge [sflag:s25], $0x800  }
0x39: {  	[sflag:s25] =	ssyncset.done $0x0  }
0x3a: {  	[sflag:s25] =	ssyncadd.s32 $0xFFFFF800  }
0x3b: {  	[spmem:s1] =	stream.indirect.scatter.add.f32 [tilespmem:s24], [sflag:$0xA], $0x80, s9, s0, $0xb8;
	[tilespmem:$0x1CD00] =	vst v63  }
0x3c: {  	_ =	swait.ge [sflag:s28], $0x800  }
0x3d: {  	[sflag:s28] =	ssyncset.done $0x0  }
0x3e: {  	s25 =	rddreg [dreg:$0xd];
	[sflag:s28] =	ssyncadd.s32 $0xFFFFF800  }
0x3f: {  	[tilespmem:s3], [sflag:$0x5] =	stream.linear.gather [hbm4b:s25+s3], $0x80, $0x38;
	[tilespmem:$0x1CD00] =	vst v63  }
0x40: {  	s2 =	rddreg [dreg:$0xe]  }
0x41: {  	[tilespmem:s7], [sflag:$0x5] =	stream.linear.gather [hbm4b:s2+s3], $0x80, $0x38;
	[tilespmem:$0x1CD00] =	vst v63  }
0x42: {  	s9 =	rddreg [dreg:$0xf]  }
0x43: {  	[tilespmem:s8], [sflag:$0x6] =	stream.linear.gather [hbm4b:s9+s3], $0x80, $0x38;
	[tilespmem:$0x1CD00] =	vst v63  }
0x44: {  	s24 =	rddreg [dreg:$0x10]  }
0x45: {  	[tilespmem:s10], [sflag:$0x6] =	stream.linear.gather [hbm4b:s24+s3], $0x80, $0x38;
	[tilespmem:$0x1CD00] =	vst v63  }
0x46: {  	_ =	swait.ge [sflag:s11], $0x80  }
0x47: {  	[sflag:s11] =	ssyncset.done $0x0  }
0x48: {  	[sflag:s11] =	ssyncadd.s32 $0xFFFFFF80  }
0x49: {  	_ =	swait.ge [sflag:s11], $0x80  }
0x4a: {  	[sflag:s11] =	ssyncset.done $0x0  }
0x4b: {  	[sflag:s11] =	ssyncadd.s32 $0xFFFFFF80  }
0x4c: {  	[tilespmem:s12], [sflag:$0x1] =	stream.indirect.gather [hbm4b:s4+s8], $0x80, s3, s8, $0xb8;
	[tilespmem:$0x1CD00] =	vst v63  }
0x4d: {  	s25 =	rddreg [dreg:$0x11]  }
0x4e: {  	[tilespmem:s13], [sflag:$0x7] =	stream.linear.gather [hbm4b:s25+s3], $0x80, $0x38;
	[tilespmem:$0x1CD00] =	vst v63  }
0x4f: {  	s2 =	rddreg [dreg:$0x12]  }
0x50: {  	[tilespmem:s14], [sflag:$0x7] =	stream.linear.gather [hbm4b:s2+s3], $0x80, $0x38;
	[tilespmem:$0x1CD00] =	vst v63  }
0x51: {  	_ =	swait.ge [sflag:s15], $0x80  }
0x52: {  	[sflag:s15] =	ssyncset.done $0x0  }
0x53: {  	[sflag:s15] =	ssyncadd.s32 $0xFFFFFF80  }
0x54: {  	_ =	swait.ge [sflag:s15], $0x80  }
0x55: {  	[sflag:s15] =	ssyncset.done $0x0  }
0x56: {  	[sflag:s15] =	ssyncadd.s32 $0xFFFFFF80  }
0x57: {  	[tilespmem:s16], [sflag:$0x2] =	stream.indirect.gather [hbm4b:s4+s8], $0x80, s8, s8, $0xb8;
	[tilespmem:$0x1CD00] =	vst v63  }
0x58: {  	s9 =	rddreg [dreg:$0x13]  }
0x59: {  	[tilespmem:s17], [sflag:$0x8] =	stream.linear.gather [hbm4b:s9+s3], $0x80, $0x38;
	[tilespmem:$0x1CD00] =	vst v63  }
0x5a: {  	s24 =	rddreg [dreg:$0x14]  }
0x5b: {  	[tilespmem:s18], [sflag:$0x8] =	stream.linear.gather [hbm4b:s24+s3], $0x80, $0x38;
	[tilespmem:$0x1CD00] =	vst v63  }
0x5c: {  	_ =	swait.ge [sflag:s19], $0x4000  }
0x5d: {  	[sflag:s19] =	ssyncset.done $0x0  }
0x5e: {  	[sflag:s19] =	ssyncadd.s32 $0xFFFFC000  }
0x5f: {  	[spmem:s1] =	stream.indirect.scatter.add.f32 [tilespmem:s12], [sflag:$0x3], $0x80, s7, s8, $0xb8;
	[tilespmem:$0x1CD00] =	vst v63  }
0x60: {  	_ =	swait.ge [sflag:s20], $0x4000  }
0x61: {  	s2 =	rddreg [dreg:$0x1b]  }
0x62: {  	[sflag:s20] =	ssyncset.done $0x0;
	s25 =	sshrl.u32 s2, $0x3  }
0x63: {  	[sflag:s20] =	ssyncadd.s32 $0xFFFFC000;
	s9 =	sadd.s32 s5, s25  }
0x64: {  	[tilespmem:s3], [sflag:$0x5] =	stream.linear.gather [hbm4b:s9+s3], $0x80, $0x38;
	[tilespmem:$0x1CD00] =	vst v63  }
0x65: {  	s0 =	sadd.s32 s6, s25  }
0x66: {  	[tilespmem:s7], [sflag:$0x5] =	stream.linear.gather [hbm4b:s0+s3], $0x80, $0x38;
	[tilespmem:$0x1CD00] =	vst v63  }
0x67: {  	_ =	swait.ge [sflag:s21], $0x80  }
0x68: {  	[sflag:s21] =	ssyncset.done $0x0  }
0x69: {  	[sflag:s21] =	ssyncadd.s32 $0xFFFFFF80  }
0x6a: {  	_ =	swait.ge [sflag:s21], $0x80  }
0x6b: {  	[sflag:s21] =	ssyncset.done $0x0  }
0x6c: {  	[sflag:s21] =	ssyncadd.s32 $0xFFFFFF80  }
0x6d: {  	[tilespmem:s12], [sflag:$0x1] =	stream.indirect.gather [hbm4b:s4+s8], $0x80, s13, s8, $0xb8;
	[tilespmem:$0x1CD00] =	vst v63  }
0x6e: {  	_ =	swait.ge [sflag:s29], $0x4000  }
0x6f: {  	[sflag:s29] =	ssyncset.done $0x0  }
0x70: {  	[sflag:s29] =	ssyncadd.s32 $0xFFFFC000  }
0x71: {  	[spmem:s1] =	stream.indirect.scatter.add.f32 [tilespmem:s16], [sflag:$0x4], $0x80, s10, s8, $0xb8;
	[tilespmem:$0x1CD00] =	vst v63  }
0x72: {  	_ =	swait.ge [sflag:s22], $0x4000  }
0x73: {  	s25 =	rddreg [dreg:$0x8];
	[sflag:s22] =	ssyncset.done $0x0  }
0x74: {  	s9 =	rddreg [dreg:$0x7];
	[sflag:s22] =	ssyncadd.s32 $0xFFFFC000;
	s0 =	sadd.s32 $0x0, s25  }
0x75: {  	[tilespmem:s8], [sflag:$0x6] =	stream.linear.gather [hbm4b:s0+s3], $0x80, $0x38;
	[tilespmem:$0x1CD00] =	vst v63  }
0x76: {  	s24 =	sadd.s32 $0x0, s9  }
0x77: {  	[tilespmem:s10], [sflag:$0x6] =	stream.linear.gather [hbm4b:s24+s3], $0x80, $0x38;
	[tilespmem:$0x1CD00] =	vst v63  }
0x78: {  	_ =	swait.ge [sflag:s30], $0x80  }
0x79: {  	[sflag:s30] =	ssyncset.done $0x0  }
0x7a: {  	[sflag:s30] =	ssyncadd.s32 $0xFFFFFF80  }
0x7b: {  	_ =	swait.ge [sflag:s30], $0x80  }
0x7c: {  	[sflag:s30] =	ssyncset.done $0x0  }
0x7d: {  	[sflag:s30] =	ssyncadd.s32 $0xFFFFFF80  }
0x7e: {  	[tilespmem:s16], [sflag:$0x2] =	stream.indirect.gather [hbm4b:s4+s8], $0x80, s17, s8, $0xb8;
	[tilespmem:$0x1CD00] =	vst v63  }
0x7f: {  	_ =	swait.ge [sflag:s19], $0x4000  }
0x80: {  	[sflag:s19] =	ssyncset.done $0x0  }
0x81: {  	[sflag:s19] =	ssyncadd.s32 $0xFFFFC000  }
0x82: {  	[spmem:s1] =	stream.indirect.scatter.add.f32 [tilespmem:s12], [sflag:$0x3], $0x80, s14, s8, $0xb8;
	[tilespmem:$0x1CD00] =	vst v63  }
0x83: {  	_ =	swait.ge [sflag:s20], $0x4000  }
0x84: {  	s25 =	rddreg [dreg:$0x6];
	[sflag:s20] =	ssyncset.done $0x0  }
0x85: {  	s9 =	rddreg [dreg:$0x5];
	[sflag:s20] =	ssyncadd.s32 $0xFFFFC000;
	s0 =	sadd.s32 $0x0, s25  }
0x86: {  	[tilespmem:s13], [sflag:$0x7] =	stream.linear.gather [hbm4b:s0+s3], $0x80, $0x38;
	[tilespmem:$0x1CD00] =	vst v63  }
0x87: {  	s24 =	sadd.s32 $0x0, s9  }
0x88: {  	[tilespmem:s14], [sflag:$0x7] =	stream.linear.gather [hbm4b:s24+s3], $0x80, $0x38;
	[tilespmem:$0x1CD00] =	vst v63  }
0x89: {  	_ =	swait.ge [sflag:s11], $0x80  }
0x8a: {  	[sflag:s11] =	ssyncset.done $0x0  }
0x8b: {  	[sflag:s11] =	ssyncadd.s32 $0xFFFFFF80  }
0x8c: {  	_ =	swait.ge [sflag:s11], $0x80  }
0x8d: {  	[sflag:s11] =	ssyncset.done $0x0  }
0x8e: {  	[sflag:s11] =	ssyncadd.s32 $0xFFFFFF80  }
0x8f: {  	[tilespmem:s12], [sflag:$0x1] =	stream.indirect.gather [hbm4b:s4+s8], $0x80, s3, s8, $0xb8;
	[tilespmem:$0x1CD00] =	vst v63  }
0x90: {  	_ =	swait.ge [sflag:s29], $0x4000  }
0x91: {  	[sflag:s29] =	ssyncset.done $0x0  }
0x92: {  	[sflag:s29] =	ssyncadd.s32 $0xFFFFC000  }
0x93: {  	[spmem:s1] =	stream.indirect.scatter.add.f32 [tilespmem:s16], [sflag:$0x4], $0x80, s18, s8, $0xb8;
	[tilespmem:$0x1CD00] =	vst v63  }
0x94: {  	_ =	swait.ge [sflag:s22], $0x4000  }
0x95: {  	s25 =	rddreg [dreg:$0x4];
	[sflag:s22] =	ssyncset.done $0x0  }
0x96: {  	s9 =	rddreg [dreg:$0x3];
	[sflag:s22] =	ssyncadd.s32 $0xFFFFC000;
	s0 =	sadd.s32 $0x0, s25  }
0x97: {  	[tilespmem:s17], [sflag:$0x8] =	stream.linear.gather [hbm4b:s0+s3], $0x80, $0x38;
	[tilespmem:$0x1CD00] =	vst v63  }
0x98: {  	s25 =	sadd.s32 $0x0, s9  }
0x99: {  	[tilespmem:s18], [sflag:$0x8] =	stream.linear.gather [hbm4b:s25+s3], $0x80, $0x38;
	[tilespmem:$0x1CD00] =	vst v63  }
0x9a: {  	_ =	swait.ge [sflag:s15], $0x80  }
0x9b: {  	[sflag:s15] =	ssyncset.done $0x0  }
0x9c: {  	[sflag:s15] =	ssyncadd.s32 $0xFFFFFF80  }
0x9d: {  	_ =	swait.ge [sflag:s15], $0x80  }
0x9e: {  	[sflag:s15] =	ssyncset.done $0x0  }
0x9f: {  	[sflag:s15] =	ssyncadd.s32 $0xFFFFFF80  }
0xa0: {  	[tilespmem:s16], [sflag:$0x2] =	stream.indirect.gather [hbm4b:s4+s8], $0x80, s8, s8, $0xb8;
	[tilespmem:$0x1CD00] =	vst v63  }
0xa1: {  	_ =	swait.ge [sflag:s19], $0x4000  }
0xa2: {  	[sflag:s19] =	ssyncset.done $0x0  }
0xa3: {  	s24 =	simm.s32 $0x40;
	s0 =	sadd.s32 $0x200, s2;
	[sflag:s19] =	ssyncadd.s32 $0xFFFFC000  }
.LBB2_2:
0xa4: {  	[spmem:s1] =	stream.indirect.scatter.add.f32 [tilespmem:s12], [sflag:$0x3], $0x80, s7, s8, $0xb8;
	[tilespmem:$0x1CD00] =	vst v63  }
0xa5: {  	_ =	swait.ge [sflag:s20], $0x4000  }
0xa6: {  	s2 =	sshrl.u32 s0, $0x3;
	[sflag:s20] =	ssyncset.done $0x0  }
0xa7: {  	s9 =	sadd.s32 s5, s2;
	[sflag:s20] =	ssyncadd.s32 $0xFFFFC000  }
0xa8: {  	[tilespmem:s3], [sflag:$0x5] =	stream.linear.gather [hbm4b:s9+s3], $0x80, $0x38;
	[tilespmem:$0x1CD00] =	vst v63  }
0xa9: {  	s2 =	sadd.s32 s6, s2  }
0xaa: {  	[tilespmem:s7], [sflag:$0x5] =	stream.linear.gather [hbm4b:s2+s3], $0x80, $0x38;
	[tilespmem:$0x1CD00] =	vst v63  }
0xab: {  	_ =	swait.ge [sflag:s21], $0x80  }
0xac: {  	[sflag:s21] =	ssyncset.done $0x0  }
0xad: {  	[sflag:s21] =	ssyncadd.s32 $0xFFFFFF80  }
0xae: {  	_ =	swait.ge [sflag:s21], $0x80  }
0xaf: {  	[sflag:s21] =	ssyncset.done $0x0  }
0xb0: {  	[sflag:s21] =	ssyncadd.s32 $0xFFFFFF80  }
0xb1: {  	[tilespmem:s12], [sflag:$0x1] =	stream.indirect.gather [hbm4b:s4+s8], $0x80, s13, s8, $0xb8;
	[tilespmem:$0x1CD00] =	vst v63  }
0xb2: {  	_ =	swait.ge [sflag:s29], $0x4000  }
0xb3: {  	[sflag:s29] =	ssyncset.done $0x0  }
0xb4: {  	[sflag:s29] =	ssyncadd.s32 $0xFFFFC000  }
0xb5: {  	[spmem:s1] =	stream.indirect.scatter.add.f32 [tilespmem:s16], [sflag:$0x4], $0x80, s10, s8, $0xb8;
	[tilespmem:$0x1CD00] =	vst v63  }
0xb6: {  	_ =	swait.ge [sflag:s22], $0x4000  }
0xb7: {  	s25 =	smov.u32 s24;
	s2 =	rddreg [dreg:$0x8];
	[sflag:s22] =	ssyncset.done $0x0  }
0xb8: {  	s9 =	rddreg [dreg:$0x7];
	[sflag:s22] =	ssyncadd.s32 $0xFFFFC000;
	s2 =	sadd.s32 s25, s2  }
0xb9: {  	[tilespmem:s8], [sflag:$0x6] =	stream.linear.gather [hbm4b:s2+s3], $0x80, $0x38;
	[tilespmem:$0x1CD00] =	vst v63  }
0xba: {  	s9 =	sadd.s32 s25, s9  }
0xbb: {  	[tilespmem:s10], [sflag:$0x6] =	stream.linear.gather [hbm4b:s9+s3], $0x80, $0x38;
	[tilespmem:$0x1CD00] =	vst v63  }
0xbc: {  	_ =	swait.ge [sflag:s30], $0x80  }
0xbd: {  	[sflag:s30] =	ssyncset.done $0x0  }
0xbe: {  	[sflag:s30] =	ssyncadd.s32 $0xFFFFFF80  }
0xbf: {  	_ =	swait.ge [sflag:s30], $0x80  }
0xc0: {  	[sflag:s30] =	ssyncset.done $0x0  }
0xc1: {  	[sflag:s30] =	ssyncadd.s32 $0xFFFFFF80  }
0xc2: {  	[tilespmem:s16], [sflag:$0x2] =	stream.indirect.gather [hbm4b:s4+s8], $0x80, s17, s8, $0xb8;
	[tilespmem:$0x1CD00] =	vst v63  }
0xc3: {  	_ =	swait.ge [sflag:s19], $0x4000  }
0xc4: {  	[sflag:s19] =	ssyncset.done $0x0  }
0xc5: {  	[sflag:s19] =	ssyncadd.s32 $0xFFFFC000  }
0xc6: {  	[spmem:s1] =	stream.indirect.scatter.add.f32 [tilespmem:s12], [sflag:$0x3], $0x80, s14, s8, $0xb8;
	[tilespmem:$0x1CD00] =	vst v63  }
0xc7: {  	_ =	swait.ge [sflag:s20], $0x4000  }
0xc8: {  	s2 =	rddreg [dreg:$0x6];
	[sflag:s20] =	ssyncset.done $0x0  }
0xc9: {  	s9 =	rddreg [dreg:$0x5];
	[sflag:s20] =	ssyncadd.s32 $0xFFFFC000;
	s2 =	sadd.s32 s25, s2  }
0xca: {  	[tilespmem:s13], [sflag:$0x7] =	stream.linear.gather [hbm4b:s2+s3], $0x80, $0x38;
	[tilespmem:$0x1CD00] =	vst v63  }
0xcb: {  	s9 =	sadd.s32 s25, s9  }
0xcc: {  	[tilespmem:s14], [sflag:$0x7] =	stream.linear.gather [hbm4b:s9+s3], $0x80, $0x38;
	[tilespmem:$0x1CD00] =	vst v63  }
0xcd: {  	_ =	swait.ge [sflag:s11], $0x80  }
0xce: {  	[sflag:s11] =	ssyncset.done $0x0  }
0xcf: {  	[sflag:s11] =	ssyncadd.s32 $0xFFFFFF80  }
0xd0: {  	_ =	swait.ge [sflag:s11], $0x80  }
0xd1: {  	[sflag:s11] =	ssyncset.done $0x0  }
0xd2: {  	[sflag:s11] =	ssyncadd.s32 $0xFFFFFF80  }
0xd3: {  	[tilespmem:s12], [sflag:$0x1] =	stream.indirect.gather [hbm4b:s4+s8], $0x80, s3, s8, $0xb8;
	[tilespmem:$0x1CD00] =	vst v63  }
0xd4: {  	_ =	swait.ge [sflag:s29], $0x4000  }
0xd5: {  	[sflag:s29] =	ssyncset.done $0x0  }
0xd6: {  	[sflag:s29] =	ssyncadd.s32 $0xFFFFC000  }
0xd7: {  	[spmem:s1] =	stream.indirect.scatter.add.f32 [tilespmem:s16], [sflag:$0x4], $0x80, s18, s8, $0xb8;
	[tilespmem:$0x1CD00] =	vst v63  }
0xd8: {  	_ =	swait.ge [sflag:s22], $0x4000  }
0xd9: {  	s2 =	rddreg [dreg:$0x4];
	[sflag:s22] =	ssyncset.done $0x0  }
0xda: {  	s9 =	rddreg [dreg:$0x3];
	[sflag:s22] =	ssyncadd.s32 $0xFFFFC000;
	s2 =	sadd.s32 s25, s2  }
0xdb: {  	[tilespmem:s17], [sflag:$0x8] =	stream.linear.gather [hbm4b:s2+s3], $0x80, $0x38;
	[tilespmem:$0x1CD00] =	vst v63  }
0xdc: {  	s25 =	sadd.s32 s25, s9  }
0xdd: {  	[tilespmem:s18], [sflag:$0x8] =	stream.linear.gather [hbm4b:s25+s3], $0x80, $0x38;
	[tilespmem:$0x1CD00] =	vst v63  }
0xde: {  	_ =	swait.ge [sflag:s15], $0x80  }
0xdf: {  	[sflag:s15] =	ssyncset.done $0x0  }
0xe0: {  	[sflag:s15] =	ssyncadd.s32 $0xFFFFFF80  }
0xe1: {  	_ =	swait.ge [sflag:s15], $0x80  }
0xe2: {  	p0 =	sne.s32 s24, $0x440;
	[sflag:s15] =	ssyncset.done $0x0  }
.Ltmp0:
0xe3: {  	[sflag:s15] =	ssyncadd.s32 $0xFFFFFF80;
	(pc) =	sbr.rel @p0 .LBB2_2-.Ltmp0, $4  }
0xe4: {  	[tilespmem:s16], [sflag:$0x2] =	stream.indirect.gather [hbm4b:s4+s8], $0x80, s8, s8, $0xb8;
	[tilespmem:$0x1CD00] =	vst v63  }
0xe5: {  	_ =	swait.ge [sflag:s19], $0x4000  }
0xe6: {  	[sflag:s19] =	ssyncset.done $0x0  }
0xe7: {  	s24 =	sadd.s32 $0x40, s24;
	s0 =	sadd.s32 $0x200, s0;
	[sflag:s19] =	ssyncadd.s32 $0xFFFFC000  }
0xe8: {  	[spmem:s1] =	stream.indirect.scatter.add.f32 [tilespmem:s12], [sflag:$0x3], $0x80, s7, s8, $0xb8;
	[tilespmem:$0x1CD00] =	vst v63  }
0xe9: {  	_ =	swait.ge [sflag:s20], $0x4000  }
0xea: {  	[sflag:s20] =	ssyncset.done $0x0  }
0xeb: {  	s0 =	rddreg [dreg:$0x15];
	[sflag:s20] =	ssyncadd.s32 $0xFFFFC000  }
0xec: {  	[tilespmem:s3], [sflag:$0x5] =	stream.linear.gather [hbm4b:s0+s3], $0x80, $0x38;
	[tilespmem:$0x1CD00] =	vst v63  }
0xed: {  	s2 =	rddreg [dreg:$0x16]  }
0xee: {  	[tilespmem:s7], [sflag:$0x5] =	stream.linear.gather [hbm4b:s2+s3], $0x80, $0x38;
	[tilespmem:$0x1CD00] =	vst v63  }
0xef: {  	_ =	swait.ge [sflag:s21], $0x80  }
0xf0: {  	[sflag:s21] =	ssyncset.done $0x0  }
0xf1: {  	[sflag:s21] =	ssyncadd.s32 $0xFFFFFF80  }
0xf2: {  	_ =	swait.ge [sflag:s21], $0x80  }
0xf3: {  	[sflag:s21] =	ssyncset.done $0x0  }
0xf4: {  	[sflag:s21] =	ssyncadd.s32 $0xFFFFFF80  }
0xf5: {  	[tilespmem:s12], [sflag:$0x1] =	stream.indirect.gather [hbm4b:s4+s8], $0x80, s13, s8, $0xb8;
	[tilespmem:$0x1CD00] =	vst v63  }
0xf6: {  	_ =	swait.ge [sflag:s29], $0x4000  }
0xf7: {  	[sflag:s29] =	ssyncset.done $0x0  }
0xf8: {  	[sflag:s29] =	ssyncadd.s32 $0xFFFFC000  }
0xf9: {  	[spmem:s1] =	stream.indirect.scatter.add.f32 [tilespmem:s16], [sflag:$0x4], $0x80, s10, s8, $0xb8;
	[tilespmem:$0x1CD00] =	vst v63  }
0xfa: {  	_ =	swait.ge [sflag:s22], $0x4000  }
0xfb: {  	[sflag:s22] =	ssyncset.done $0x0  }
0xfc: {  	s9 =	rddreg [dreg:$0x17];
	[sflag:s22] =	ssyncadd.s32 $0xFFFFC000  }
0xfd: {  	[tilespmem:s8], [sflag:$0x6] =	stream.linear.gather [hbm4b:s9+s3], $0x80, $0x38;
	[tilespmem:$0x1CD00] =	vst v63  }
0xfe: {  	s24 =	rddreg [dreg:$0x18]  }
0xff: {  	[tilespmem:s10], [sflag:$0x6] =	stream.linear.gather [hbm4b:s24+s3], $0x80, $0x38;
	[tilespmem:$0x1CD00] =	vst v63  }
0x100: {  	_ =	swait.ge [sflag:s30], $0x80  }
0x101: {  	[sflag:s30] =	ssyncset.done $0x0  }
0x102: {  	[sflag:s30] =	ssyncadd.s32 $0xFFFFFF80  }
0x103: {  	_ =	swait.ge [sflag:s30], $0x80  }
0x104: {  	[sflag:s30] =	ssyncset.done $0x0  }
0x105: {  	[sflag:s30] =	ssyncadd.s32 $0xFFFFFF80  }
0x106: {  	[tilespmem:s16], [sflag:$0x2] =	stream.indirect.gather [hbm4b:s4+s8], $0x80, s17, s8, $0xb8;
	[tilespmem:$0x1CD00] =	vst v63  }
0x107: {  	_ =	swait.ge [sflag:s19], $0x4000  }
0x108: {  	[sflag:s19] =	ssyncset.done $0x0  }
0x109: {  	[sflag:s19] =	ssyncadd.s32 $0xFFFFC000  }
0x10a: {  	[spmem:s1] =	stream.indirect.scatter.add.f32 [tilespmem:s12], [sflag:$0x3], $0x80, s14, s8, $0xb8;
	[tilespmem:$0x1CD00] =	vst v63  }
0x10b: {  	_ =	swait.ge [sflag:s20], $0x4000  }
0x10c: {  	[sflag:s20] =	ssyncset.done $0x0  }
0x10d: {  	[sflag:s20] =	ssyncadd.s32 $0xFFFFC000  }
0x10e: {  	_ =	swait.ge [sflag:s11], $0x80  }
0x10f: {  	[sflag:s11] =	ssyncset.done $0x0  }
0x110: {  	[sflag:s11] =	ssyncadd.s32 $0xFFFFFF80  }
0x111: {  	_ =	swait.ge [sflag:s11], $0x80  }
0x112: {  	[sflag:s11] =	ssyncset.done $0x0  }
0x113: {  	[sflag:s11] =	ssyncadd.s32 $0xFFFFFF80  }
0x114: {  	[tilespmem:s12], [sflag:$0x1] =	stream.indirect.gather [hbm4b:s4+s8], $0x80, s3, s8, $0xb8;
	[tilespmem:$0x1CD00] =	vst v63  }
0x115: {  	_ =	swait.ge [sflag:s29], $0x4000  }
0x116: {  	[sflag:s29] =	ssyncset.done $0x0  }
0x117: {  	[sflag:s29] =	ssyncadd.s32 $0xFFFFC000  }
0x118: {  	[spmem:s1] =	stream.indirect.scatter.add.f32 [tilespmem:s16], [sflag:$0x4], $0x80, s18, s8, $0xb8;
	[tilespmem:$0x1CD00] =	vst v63  }
0x119: {  	_ =	swait.ge [sflag:s22], $0x4000  }
0x11a: {  	[sflag:s22] =	ssyncset.done $0x0  }
0x11b: {  	[sflag:s22] =	ssyncadd.s32 $0xFFFFC000  }
0x11c: {  	_ =	swait.ge [sflag:s15], $0x80  }
0x11d: {  	[sflag:s15] =	ssyncset.done $0x0  }
0x11e: {  	[sflag:s15] =	ssyncadd.s32 $0xFFFFFF80  }
0x11f: {  	_ =	swait.ge [sflag:s15], $0x80  }
0x120: {  	[sflag:s15] =	ssyncset.done $0x0  }
0x121: {  	[sflag:s15] =	ssyncadd.s32 $0xFFFFFF80  }
0x122: {  	[tilespmem:s16], [sflag:$0x2] =	stream.indirect.gather [hbm4b:s4+s8], $0x80, s8, s8, $0xb8;
	[tilespmem:$0x1CD00] =	vst v63  }
0x123: {  	_ =	swait.ge [sflag:s19], $0x4000  }
0x124: {  	[sflag:s19] =	ssyncset.done $0x0  }
0x125: {  	[sflag:s19] =	ssyncadd.s32 $0xFFFFC000  }
0x126: {  	[spmem:s1] =	stream.indirect.scatter.add.f32 [tilespmem:s12], [sflag:$0x3], $0x80, s7, s8, $0xb8;
	[tilespmem:$0x1CD00] =	vst v63  }
0x127: {  	_ =	swait.ge [sflag:s29], $0x4000  }
0x128: {  	[sflag:s29] =	ssyncset.done $0x0  }
0x129: {  	[sflag:s29] =	ssyncadd.s32 $0xFFFFC000  }
0x12a: {  	[spmem:s1] =	stream.indirect.scatter.add.f32 [tilespmem:s16], [sflag:$0x4], $0x80, s10, s8, $0xb8;
	[tilespmem:$0x1CD00] =	vst v63  }
0x12b: {  	_ =	swait.ge [sflag:s20], $0x4000  }
0x12c: {  	[sflag:s20] =	ssyncset.done $0x0  }
0x12d: {  	[sflag:s20] =	ssyncadd.s32 $0xFFFFC000  }
0x12e: {  	_ =	swait.ge [sflag:s22], $0x4000  }
0x12f: {  	[sflag:s22] =	ssyncset.done $0x0  }
0x130: {  	[sflag:s22] =	ssyncadd.s32 $0xFFFFC000  }
0x131: {  	[bflag:$0x0] =	sbarrier.arrive $0xFFFF  }
0x132: {  	s25 =	rddreg [dreg:$0x19]  }
0x133: {  	[hbm:s25], [sflag:s26] =	dma.local [spmem:s31], $0x2800  }
0x134: {  	_ =	swait.ge [sflag:s28], $0x2800  }
0x135: {  	s23 =	sadd.s32 $0x1, s23;
	s31 =	rddreg [dreg:$0x1a]  }
0x136: {  	p0 =	sne.s32 s23, s31  }
.Ltmp1:
0x137: {  	_ = 	snop;
	(pc) =	sbr.rel @p0 .LBB2_1-.Ltmp1, $3  }
0x138: {  	_ =	sdelay $0x1  }
0x139: {  	[sflag:s28] =	ssyncset.done $0x0  }
0x13a: {  	s9 =	smov.u32 s26;
	[sflag:s28] =	ssyncadd.s32 $0xFFFFD800  }
0x13b: {  	_ =	sfence.sel $0x180000  }
0x13c: {  	[bflag:$0x0] =	sbarrier.arrive $0xFFFF  }
0x13d: {  	_ =	strace $0x9000004D  }
0x13e: {  	s0 =	stileid.u32;
	[bflag:$0x2] =	sbarrier.arrive $0xFFFF  }
0x13f: {  	p0 =	sne.s32 s0, $0x0;
	s0 =	rddreg [dreg:$0x2]  }
0x140: {  	s0 =	sadd.s32 @!p0 $0x100000, s0  }
0x141: {  	[sflag:s0] =	ssyncadd.tile.s32 @!p0 $0x1;
	_ =	shalt  }
.Lfunc_end2:
_tile_overlayer_lowered:
.L_overlay_start_2:
0x142: {  	(tag) =	ssettag $0x2  }
0x143: {  	s0 =	rddreg [dreg:$0x0];
	s2 =	stileid.u32  }
0x144: {  	s1 =	rddreg [dreg:$0x1];
	p0 =	sne.s32 s2, $0x0  }
0x145: {  	s3 =	rddreg [dreg:$0x2];
	[bflag:$0x3] =	sbarrier.arrive $0xFFFF;
	s2 =	simm.s32 @!p0 $0x1C0A  }
0x146: {  	[timem:s3], [sflag:s2] =	dma.local @!p0 [hbm:s0], s1  }
0x147: {  	s0 =	simm.s32 @!p0 $0xA  }
0x148: {  	_ =	swait.ge @!p0 [sflag:s0], s1  }
0x149: {  	s1 =	ssub.s32 @!p0 $0x0, s1;
	[sflag:s0] =	ssyncset.done @!p0 $0x0  }
0x14a: {  	[sflag:s0] =	ssyncadd.s32 @!p0 s1  }
0x14b: {  	[bflag:$0x3] =	sbarrier.arrive $0xFFFF  }
0x14c: {  	_ =	shalt  }

// kernel: kernel.8.cloned.1.call-start
scs
__scs_entry_jumppad:
0x0: {  	(pc) =	sbr.rel $0x88, $3  }
0x1: {  	(tag) =	ssettag $0x0;
	lr =	simm.s32 $0x1  }
0x2: {  	[smem:$0x3F92] =	sst lr;
	_ =	strace $0xD0000000  }
0x3: {  	_ = 	snop  }
0x4: {  	_ = 	snop  }
0x5: {  	_ = 	snop  }
0x6: {  	_ = 	snop  }
0x7: {  	_ = 	snop  }
__scs_overlays_trampoline_lowered:
0x8: {  	[smem:$0x3FA1] =	sst s0  }
0x9: {  	[smem:$0x3FA2] =	sst s1  }
0xa: {  	[smem:$0x3FA3] =	sst s2  }
0xb: {  	[smem:$0x3FA4] =	sst s3  }
0xc: {  	[smem:$0x3FA5] =	sst s4  }
0xd: {  	[smem:$0x3FA6] =	sst s5  }
0xe: {  	[smem:$0x3FA7] =	sst s6  }
0xf: {  	[smem:$0x3FA8] =	sst s7  }
0x10: {  	[smem:$0x3FA9] =	sst s8  }
0x11: {  	[smem:$0x3FAA] =	sst s9;
	s0 =	simm.s32 @!p0 $0x0  }
0x12: {  	s1 =	sld [smem:$0x3F90];
	s0 =	simm.s32 @p0 $0x1  }
0x13: {  	[smem:$0x3FAB] =	sst s0;
	s0 =	simm.s32 @!p1 $0x0  }
0x14: {  	s2 =	sld [smem:$0x3F8F];
	s0 =	simm.s32 @p1 $0x1  }
0x15: {  	[smem:$0x3FAC] =	sst s0;
	s0 =	simm.s32 @!p2 $0x0  }
0x16: {  	s3 =	sld [smem:$0x3FDB];
	s0 =	simm.s32 @p2 $0x1  }
0x17: {  	s4 =	simm.s32 $0x1BF5;
	[smem:$0x3FAE] =	sst s0  }
0x18: {  	s0 =	sld [smem:$0x3F91];
	_ =	swait.ge [sflag:s4], $0x0  }
0x19: {  	s7 =	sld [smem:$0x3F92]  }
0x1a: {  	s8 =	sadd.s32 $0xFFFFE003, lr  }
0x1b: {  	s9 =	sadd.s32 $0xFFFFFEF7, lr;
	s5 =	simm.s32 $0xFFFFFFFF;
	p2 =	slt.u32 s8, $0xFFFFF086  }
0x1c: {  	p1 =	slt.u32 s9, $0xF7A;
	s5 =	simm.s32 @!p2 $0x0  }
0x1d: {  	s5 =	simm.s32 @p1 $0x1;
	p0 =	seq.s32 s7, s2  }
0x1e: {  	s7 =	smul.u32 @!p0 $0xF7A, s2;
	p2 =	seq.s32 @!p0 s5, $0x0  }
0x1f: {  	s9 =	smul.u32 $0xF7A, s1;
	s8 =	simm.s32 @!p0 $0x1BF5;
	p2 =	por !p2, p0  }
0x20: {  	[sflag:s8] =	ssyncset.s32 @!p0 $0xFFFFF086;
	s6 =	sadd.s32 @!p0 s3, s7;
	s7 =	simm.s32 @!p0 $0x108  }
0x21: {  	s3 =	sadd.s32 s3, s9;
	s6 =	sadd.s32 @!p0 $0x88, s6;
	s7 =	simm.s32 @p2 $0x1082  }
0x22: {  	[simem:s7], [sflag:s8] =	dma.local @!p0 [hbm:s6], $0xF7A  }
0x23: {  	s9 =	sor.u32 $0xD0000000, s2;
	s6 =	simm.s32 $0x108;
	_ =	swait.ge @!p0 [sflag:s8], $0x0  }
0x24: {  	s3 =	sadd.s32 $0x88, s3;
	s6 =	simm.s32 @!p1 $0x1082;
	[sflag:s4] =	ssyncset.s32 $0xFFFFF086  }
0x25: {  	[simem:s6], [sflag:s4] =	dma.local [hbm:s3], $0xF7A  }
0x26: {  	[smem:$0x3F92] =	sst s1;
	(tag) =	ssettag s2;
	_ =	strace s9  }
0x27: {  	s1 =	sld [smem:$0x3FA2]  }
0x28: {  	s2 =	sld [smem:$0x3FA3]  }
0x29: {  	s4 =	sld [smem:$0x3FA5]  }
0x2a: {  	p0 =	seq.s32 s5, $0x0;
	s5 =	sld [smem:$0x3FA6]  }
0x2b: {  	s6 =	sld [smem:$0x3FA7]  }
0x2c: {  	s7 =	sld [smem:$0x3FA8]  }
0x2d: {  	s3 =	simm.s32 $0x108;
	s8 =	sld [smem:$0x3FA9]  }
0x2e: {  	s3 =	simm.s32 @!p0 $0x1082;
	s9 =	sld [smem:$0x3FAA]  }
0x2f: {  	lr =	sadd.s32 s0, s3;
	s0 =	sld [smem:$0x3FA1]  }
0x30: {  	s3 =	sld [smem:$0x3FA4]  }
0x31: {  	[smem:$0x3FAD] =	sst s10  }
0x32: {  	s10 =	sld [smem:$0x3FAB];
	_ =	sdelay $0x3  }
0x33: {  	p0 =	seq.s32 s10, $0x1;
	s10 =	sld [smem:$0x3FAD];
	_ =	sdelay $0x3  }
0x34: {  	[smem:$0x3FAD] =	sst s10  }
0x35: {  	s10 =	sld [smem:$0x3FAC];
	_ =	sdelay $0x3  }
0x36: {  	p1 =	seq.s32 s10, $0x1;
	s10 =	sld [smem:$0x3FAD];
	_ =	sdelay $0x3  }
0x37: {  	[smem:$0x3FAD] =	sst s10  }
0x38: {  	s10 =	sld [smem:$0x3FAE]  }
0x39: {  	_ = 	snop;
	(pc) =	sbr.ind lr, $3  }
0x3a: {  	_ = 	snop  }
0x3b: {  	_ = 	snop  }
0x3c: {  	p2 =	seq.s32 s10, $0x1;
	s10 =	sld [smem:$0x3FAD]  }
0x3d: {  	_ =	shalt  }
0x3e: {  	_ =	shalt  }
0x3f: {  	_ =	shalt  }
0x40: {  	_ =	shalt  }
0x41: {  	_ =	shalt  }
0x42: {  	_ =	shalt  }
0x43: {  	_ =	shalt  }
0x44: {  	_ =	shalt  }
0x45: {  	_ =	shalt  }
0x46: {  	_ =	shalt  }
0x47: {  	_ =	shalt  }
0x48: {  	_ =	shalt  }
0x49: {  	_ =	shalt  }
0x4a: {  	_ =	shalt  }
0x4b: {  	_ =	shalt  }
0x4c: {  	_ =	shalt  }
0x4d: {  	_ =	shalt  }
0x4e: {  	_ =	shalt  }
0x4f: {  	_ =	shalt  }
0x50: {  	_ =	shalt  }
0x51: {  	_ =	shalt  }
0x52: {  	_ =	shalt  }
0x53: {  	_ =	shalt  }
0x54: {  	_ =	shalt  }
0x55: {  	_ =	shalt  }
0x56: {  	_ =	shalt  }
0x57: {  	_ =	shalt  }
0x58: {  	_ =	shalt  }
0x59: {  	_ =	shalt  }
0x5a: {  	_ =	shalt  }
0x5b: {  	_ =	shalt  }
0x5c: {  	_ =	shalt  }
0x5d: {  	_ =	shalt  }
0x5e: {  	_ =	shalt  }
0x5f: {  	_ =	shalt  }
0x60: {  	_ =	shalt  }
0x61: {  	_ =	shalt  }
0x62: {  	_ =	shalt  }
0x63: {  	_ =	shalt  }
0x64: {  	_ =	shalt  }
0x65: {  	_ =	shalt  }
0x66: {  	_ =	shalt  }
0x67: {  	_ =	shalt  }
0x68: {  	_ =	shalt  }
0x69: {  	_ =	shalt  }
0x6a: {  	_ =	shalt  }
0x6b: {  	_ =	shalt  }
0x6c: {  	_ =	shalt  }
0x6d: {  	_ =	shalt  }
0x6e: {  	_ =	shalt  }
0x6f: {  	_ =	shalt  }
0x70: {  	_ =	shalt  }
0x71: {  	_ =	shalt  }
0x72: {  	_ =	shalt  }
0x73: {  	_ =	shalt  }
0x74: {  	_ =	shalt  }
0x75: {  	_ =	shalt  }
0x76: {  	_ =	shalt  }
0x77: {  	_ =	shalt  }
0x78: {  	_ =	shalt  }
0x79: {  	_ =	shalt  }
0x7a: {  	_ =	shalt  }
0x7b: {  	_ =	shalt  }
0x7c: {  	_ =	shalt  }
0x7d: {  	_ =	shalt  }
0x7e: {  	_ =	shalt  }
0x7f: {  	_ =	shalt  }
0x80: {  	_ =	shalt  }
0x81: {  	_ =	shalt  }
0x82: {  	_ =	shalt  }
0x83: {  	_ =	shalt  }
0x84: {  	_ =	shalt  }
0x85: {  	_ =	shalt  }
0x86: {  	_ =	shalt  }
0x87: {  	_ =	shalt  }
.Lfunc_end0:
.L_simem_size_0:
called_computation_lowered:
.L_overlay_start_0:
0x88: {  	s2 =	sld [smem:$0x3FD9]  }
0x89: {  	s3 =	sld [smem:$0x3FFE];
	_ =	sdelay $0x1  }
0x8a: {  	s1 =	srdreg.scid  }
0x8b: {  	s0 =	sand.u32 $0x1, s1  }
0x8c: {  	s16 =	sshll.u32 s0, $0xA;
	s2 =	sadd.s32 s3, s2  }
0x8d: {  	s2 =	sadd.s32 s2, s16  }
0x8e: {  	[smem:$0x3FB9] =	sst s2  }
0x8f: {  	_ = 	snop  }
0x90: {  	(tm) =	ssettm $0x1  }
0x91: {  	s17 =	sld [smem:$0x3FFB];
	_ =	sdelay $0x3  }
0x92: {  	_ =	strace s17  }
0x93: {  	s2 =	sld [smem:$0x3FFC];
	_ =	sdelay $0x3  }
0x94: {  	_ =	strace s2  }
0x95: {  	s2 =	sld [smem:$0x3FFD];
	_ =	sdelay $0x3  }
0x96: {  	_ =	strace s2  }
0x97: {  	_ =	strace $0x8FFFFFFF  }
0x98: {  	s18 =	sld [smem:$0x3FDB];
	_ =	sdelay $0x1  }
0x99: {  	s19 =	simm.s32 $_scs_section_size  }
0x9a: {  	s4 =	simm.s32 $_size__tile_overlayer_lowered;
	s5 =	simm.s32 $_tile_overlayer_lowered  }
0x9b: {  	s22 =	simm.s32 $0x1BFF;
	s21 =	sshll.u32 s5, $0x1;
	s2 =	sadd.s32 s19, s18  }
0x9c: {  	s6 =	simm.s32 $0x0;
	s20 =	sshll.u32 s4, $0x1;
	s4 =	sadd.s32 s21, s2  }
0x9d: {  	[timem:s6], [sflag:s22] =	dma.local [hbm:s4], s20  }
0x9e: {  	_ =	swait.ge [sflag:s22], s20  }
0x9f: {  	s3 =	ssub.s32 $0x0, s20;
	[sflag:s22] =	ssyncset.done $0x0  }
0xa0: {  	[sflag:s22] =	ssyncadd.s32 s3;
	_ =	sdelay $0x1  }
0xa1: {  	s23 =	simm.s32 $0x1B8B  }
0xa2: {  	_ =	swait.ge [sflag:s23], $0x1  }
0xa3: {  	[sflag:s23] =	ssyncset.done $0x0  }
0xa4: {  	s25 =	simm.s32 $0x1B8E;
	s24 =	sld [smem:$0x3FFE];
	[sflag:s23] =	ssyncadd.s32 $0xFFFFFFFF  }
0xa5: {  	s26 =	simm.s32 $execute0_lowered;
	[smem:$0x3FD2] =	sst s25  }
0xa6: {  	s4 =	sshll.u32 s26, $0x1;
	_ =	strace $0x80000046;
	[dreg:$0x1] =	wrdreg $0xFFFFFFFF  }
0xa7: {  	s28 =	simm.s32 $_size_execute0_lowered;
	s2 =	sadd.s32 s2, s4;
	[dreg:$0x0] =	wrdreg $0x0  }
0xa8: {  	s4 =	sshll.u32 s28, $0x1;
	[dreg:$0x2] =	wrdreg s2  }
0xa9: {  	[dreg:$0x3] =	wrdreg s4  }
0xaa: {  	[dreg:$0x4] =	wrdreg $0xC0  }
0xab: {  	_ =	task [dreg:s6], $0x5FFFF  }
0xac: {  	[dreg:$0x1] =	wrdreg $0xFFFFFFFF  }
0xad: {  	[dreg:$0x0] =	wrdreg $0x60  }
0xae: {  	[dreg:$0x2] =	wrdreg s24  }
0xaf: {  	[dreg:$0x3] =	wrdreg $0x9  }
0xb0: {  	_ =	task.clear_ibuf [dreg:s6], $0x4FFFF;
	_ =	strace $0x90000046  }
0xb1: {  	s29 =	simm.s32 $0x9;
	_ =	strace $0x80000048  }
0xb2: {  	_ =	swait.ge [sflag:s29], $0x1  }
0xb3: {  	[sflag:s29] =	ssyncadd.s32 $0xFFFFFFFF  }
0xb4: {  	_ =	strace $0x90000048  }
0xb5: {  	_ =	sfence  }
0xb6: {  	s30 =	sld [smem:$0x0];
	_ =	sdelay $0x2  }
0xb7: {  	s31 =	sshll.u32 s1, $0xD;
	s1 =	sshrl.u32 s1, $0x2  }
0xb8: {  	s3 =	sand.u32 $0x4000, s31;
	s1 =	sadd.s32 s1, s30  }
0xb9: {  	s0 =	sor.u32 s3, s0;
	s1 =	sshll.u32 s1, $0x11  }
0xba: {  	s0 =	sor.u32 s1, s0  }
0xbb: {  	s0 =	sadd.s32 $0x8F2B, s0  }
0xbc: {  	[sflag:s0] =	ssyncadd.remote.s32 $0x1  }
0xbd: {  	_ =	sfence.sel $0xFFFF  }
0xbe: {  	[dreg:$0x0] =	wrdreg $0xFFFFFFFF;
	(pc) =	sbr.abs _section_cstart, $3  }
0xbf: {  	[dreg:$0x1] =	wrdreg $0xFFFFFFFF  }
0xc0: {  	_ =	task.clear_ibuf [dreg:s6], $0x2FFFF;
	_ =	strace $0x9FFFFFFF  }
0xc1: {  	(tm) =	ssettm $0x7FFFFFFF  }
tec
execute0_lowered:
.L_overlay_start_1:
0x0: {  	(tag) =	ssettag $0x1  }
0x1: {  	s1 =	srdreg.scid  }
0x2: {  	s0 =	stileid.u32;
	s6 =	rddreg [dreg:$0x0];
	s2 =	simm.s32 $0x0  }
0x3: {  	s15 =	simm.s32 $0x5;
	s16 =	simm.s32 $0x2F80;
	s17 =	simm.s32 $0x400  }
0x4: {  	s18 =	simm.s32 $0x1;
	s19 =	simm.s32 $0x3;
	s20 =	simm.s32 $0x200  }
0x5: {  	s21 =	simm.s32 $0x600;
	s22 =	simm.s32 $0x2;
	s23 =	simm.s32 $0x4  }
0x6: {  	s24 =	simm.s32 $0x0;
	s5 =	sand.u32 $0x1, s1;
	s1 =	rddreg [dreg:$0x1]  }
0x7: {  	s3 =	sshll.u32 s0, $0x1;
	[smem:$0x7FF] =	sst s2;
	s8 =	smul.u32 $0x4E20, s0  }
0x8: {  	s4 =	sadd.s32 $0x1C00, s6;
	s3 =	sor.u32 s5, s3;
	s10 =	smul.u32 $0x2710, s5  }
0x9: {  	_ =	strace $0x80000047;
	s9 =	ssub.s32 $0x2, s5;
	s7 =	smul.u32 $0x2710, s3  }
0xa: {  	s5 =	sadd.s32 $0x15800, s6;
	s3 =	sadd.s32 $0xBA00, s6;
	s11 =	sshrl.u32 s9, $0x1  }
0xb: {  	s11 =	ssub.s32 s9, s11;
	s13 =	sadd.s32 s10, s8;
	s7 =	sshrl.u32 s7, $0x3  }
0xc: {  	s10 =	sadd.s32 $0x190, s13;
	s12 =	sadd.s32 s7, s6;
	s6 =	sadd.s32 s3, s7  }
0xd: {  	s7 =	sadd.s32 s4, s7;
	s14 =	sshrl.u32 s10, $0x3;
	s10 =	smax.u32 s11, $0x1  }
0xe: {  	s11 =	sadd.s32 $0x320, s13;
	s8 =	sadd.s32 $0x15E00, s12;
	s9 =	sadd.s32 $0x1FC00, s12  }
0xf: {  	v0 =	vimm.f32 $1.000000000e+00;
	s12 =	sadd.s32 s14, s4;
	s13 =	sadd.s32 s14, s3;
	s14 =	simm.s32 $0x800  }
.LBB2_1:
0x10: {  	[tilespmem:s14], [sflag:$0x5] =	stream.linear.gather [hbm4b:s5+s2], $0x2780, $0x38;
	[tilespmem:$0x5700] =	vst v63  }
0x11: {  	_ =	swait.ge [sflag:s15], $0x2780  }
0x12: {  	[sflag:s15] =	ssyncset.done $0x0  }
0x13: {  	[sflag:s15] =	ssyncadd.s32 $0xFFFFD880  }
0x14: {  	[tilespmem:s16], [sflag:$0x5] =	stream.linear.gather [hbm4b:s5+s2], $0x2780, $0x38;
	[tilespmem:$0x5700] =	vst v63  }
0x15: {  	_ =	swait.ge [sflag:s15], $0x2780  }
0x16: {  	[sflag:s15] =	ssyncset.done $0x0  }
0x17: {  	[sflag:s15] =	ssyncadd.s32 $0xFFFFD880  }
0x18: {  	[tilespmem:s2], [sflag:$0x1] =	stream.linear.gather [hbm4b:s6+s2], $0x190, $0x38;
	[tilespmem:$0x5700] =	vst v63  }
0x19: {  	s25 =	smov.u32 s11;
	s26 =	simm.s32 $0x0  }
0x1a: {  	[tilespmem:s17], [sflag:$0x3] =	stream.linear.gather [hbm4b:s7+s2], $0x190, $0x38;
	[tilespmem:$0x5700] =	vst v63  }
.LBB2_2:
0x1b: {  	_ =	swait.ge [sflag:s18], $0x190  }
0x1c: {  	[sflag:s18] =	ssyncset.done $0x0  }
0x1d: {  	[sflag:s18] =	ssyncadd.s32 $0xFFFFFE70  }
0x1e: {  	_ =	swait.ge [sflag:s19], $0x190  }
0x1f: {  	[sflag:s19] =	ssyncset.done $0x0  }
0x20: {  	s28 =	sadd.s32 s26, s13;
	[sflag:s19] =	ssyncadd.s32 $0xFFFFFE70  }
0x21: {  	[tilespmem:s20], [sflag:$0x2] =	stream.linear.gather [hbm4b:s28+s2], $0x190, $0x38;
	[tilespmem:$0x5700] =	vst v63  }
0x22: {  	s30 =	sadd.s32 s26, s12  }
0x23: {  	[tilespmem:s21], [sflag:$0x4] =	stream.linear.gather [hbm4b:s30+s2], $0x190, $0x38;
	[tilespmem:$0x5700] =	vst v63  }
0x24: {  	v1 =	vld [tilespmem:$0x0];
	_ =	sdelay $0x7  }
0x25: {  	[tilespmem:v1+s14+$0x0] =	vst.idx.add.f32.msk $0xffff, v0  }
0x26: {  	v1 =	vld [tilespmem:$0x400];
	_ =	sdelay $0x7  }
0x27: {  	[tilespmem:v1+s16+$0x0] =	vst.idx.add.f32.msk $0xffff, v0  }
0x28: {  	v1 =	vld [tilespmem:$0x10];
	_ =	sdelay $0x7  }
0x29: {  	[tilespmem:v1+s14+$0x0] =	vst.idx.add.f32.msk $0xffff, v0  }
0x2a: {  	v1 =	vld [tilespmem:$0x410];
	_ =	sdelay $0x7  }
0x2b: {  	[tilespmem:v1+s16+$0x0] =	vst.idx.add.f32.msk $0xffff, v0  }
0x2c: {  	v1 =	vld [tilespmem:$0x20];
	_ =	sdelay $0x7  }
0x2d: {  	[tilespmem:v1+s14+$0x0] =	vst.idx.add.f32.msk $0xffff, v0  }
0x2e: {  	v1 =	vld [tilespmem:$0x420];
	_ =	sdelay $0x7  }
0x2f: {  	[tilespmem:v1+s16+$0x0] =	vst.idx.add.f32.msk $0xffff, v0  }
0x30: {  	v1 =	vld [tilespmem:$0x30];
	_ =	sdelay $0x7  }
0x31: {  	[tilespmem:v1+s14+$0x0] =	vst.idx.add.f32.msk $0xffff, v0  }
0x32: {  	v1 =	vld [tilespmem:$0x430];
	_ =	sdelay $0x7  }
0x33: {  	[tilespmem:v1+s16+$0x0] =	vst.idx.add.f32.msk $0xffff, v0  }
0x34: {  	v1 =	vld [tilespmem:$0x40];
	_ =	sdelay $0x7  }
0x35: {  	[tilespmem:v1+s14+$0x0] =	vst.idx.add.f32.msk $0xffff, v0  }
0x36: {  	v1 =	vld [tilespmem:$0x440];
	_ =	sdelay $0x7  }
0x37: {  	[tilespmem:v1+s16+$0x0] =	vst.idx.add.f32.msk $0xffff, v0  }
0x38: {  	v1 =	vld [tilespmem:$0x50];
	_ =	sdelay $0x7  }
0x39: {  	[tilespmem:v1+s14+$0x0] =	vst.idx.add.f32.msk $0xffff, v0  }
0x3a: {  	v1 =	vld [tilespmem:$0x450];
	_ =	sdelay $0x7  }
0x3b: {  	[tilespmem:v1+s16+$0x0] =	vst.idx.add.f32.msk $0xffff, v0  }
0x3c: {  	v1 =	vld [tilespmem:$0x60];
	_ =	sdelay $0x7  }
0x3d: {  	[tilespmem:v1+s14+$0x0] =	vst.idx.add.f32.msk $0xffff, v0  }
0x3e: {  	v1 =	vld [tilespmem:$0x460];
	_ =	sdelay $0x7  }
0x3f: {  	[tilespmem:v1+s16+$0x0] =	vst.idx.add.f32.msk $0xffff, v0  }
0x40: {  	v1 =	vld [tilespmem:$0x70];
	_ =	sdelay $0x7  }
0x41: {  	[tilespmem:v1+s14+$0x0] =	vst.idx.add.f32.msk $0xffff, v0  }
0x42: {  	v1 =	vld [tilespmem:$0x470];
	_ =	sdelay $0x7  }
0x43: {  	[tilespmem:v1+s16+$0x0] =	vst.idx.add.f32.msk $0xffff, v0  }
0x44: {  	v1 =	vld [tilespmem:$0x80];
	_ =	sdelay $0x7  }
0x45: {  	[tilespmem:v1+s14+$0x0] =	vst.idx.add.f32.msk $0xffff, v0  }
0x46: {  	v1 =	vld [tilespmem:$0x480];
	_ =	sdelay $0x7  }
0x47: {  	[tilespmem:v1+s16+$0x0] =	vst.idx.add.f32.msk $0xffff, v0  }
0x48: {  	v1 =	vld [tilespmem:$0x90];
	_ =	sdelay $0x7  }
0x49: {  	[tilespmem:v1+s14+$0x0] =	vst.idx.add.f32.msk $0xffff, v0  }
0x4a: {  	v1 =	vld [tilespmem:$0x490];
	_ =	sdelay $0x7  }
0x4b: {  	[tilespmem:v1+s16+$0x0] =	vst.idx.add.f32.msk $0xffff, v0  }
0x4c: {  	v1 =	vld [tilespmem:$0xA0];
	_ =	sdelay $0x7  }
0x4d: {  	[tilespmem:v1+s14+$0x0] =	vst.idx.add.f32.msk $0xffff, v0  }
0x4e: {  	v1 =	vld [tilespmem:$0x4A0];
	_ =	sdelay $0x7  }
0x4f: {  	[tilespmem:v1+s16+$0x0] =	vst.idx.add.f32.msk $0xffff, v0  }
0x50: {  	v1 =	vld [tilespmem:$0xB0];
	_ =	sdelay $0x7  }
0x51: {  	[tilespmem:v1+s14+$0x0] =	vst.idx.add.f32.msk $0xffff, v0  }
0x52: {  	v1 =	vld [tilespmem:$0x4B0];
	_ =	sdelay $0x7  }
0x53: {  	[tilespmem:v1+s16+$0x0] =	vst.idx.add.f32.msk $0xffff, v0  }
0x54: {  	v1 =	vld [tilespmem:$0xC0];
	_ =	sdelay $0x7  }
0x55: {  	[tilespmem:v1+s14+$0x0] =	vst.idx.add.f32.msk $0xffff, v0  }
0x56: {  	v1 =	vld [tilespmem:$0x4C0];
	_ =	sdelay $0x7  }
0x57: {  	[tilespmem:v1+s16+$0x0] =	vst.idx.add.f32.msk $0xffff, v0  }
0x58: {  	v1 =	vld [tilespmem:$0xD0];
	_ =	sdelay $0x7  }
0x59: {  	[tilespmem:v1+s14+$0x0] =	vst.idx.add.f32.msk $0xffff, v0  }
0x5a: {  	v1 =	vld [tilespmem:$0x4D0];
	_ =	sdelay $0x7  }
0x5b: {  	[tilespmem:v1+s16+$0x0] =	vst.idx.add.f32.msk $0xffff, v0  }
0x5c: {  	v1 =	vld [tilespmem:$0xE0];
	_ =	sdelay $0x7  }
0x5d: {  	[tilespmem:v1+s14+$0x0] =	vst.idx.add.f32.msk $0xffff, v0  }
0x5e: {  	v1 =	vld [tilespmem:$0x4E0];
	_ =	sdelay $0x7  }
0x5f: {  	[tilespmem:v1+s16+$0x0] =	vst.idx.add.f32.msk $0xffff, v0  }
0x60: {  	v1 =	vld [tilespmem:$0xF0];
	_ =	sdelay $0x7  }
0x61: {  	[tilespmem:v1+s14+$0x0] =	vst.idx.add.f32.msk $0xffff, v0  }
0x62: {  	v1 =	vld [tilespmem:$0x4F0];
	_ =	sdelay $0x7  }
0x63: {  	[tilespmem:v1+s16+$0x0] =	vst.idx.add.f32.msk $0xffff, v0  }
0x64: {  	v1 =	vld [tilespmem:$0x100];
	_ =	sdelay $0x7  }
0x65: {  	[tilespmem:v1+s14+$0x0] =	vst.idx.add.f32.msk $0xffff, v0  }
0x66: {  	v1 =	vld [tilespmem:$0x500];
	_ =	sdelay $0x7  }
0x67: {  	[tilespmem:v1+s16+$0x0] =	vst.idx.add.f32.msk $0xffff, v0  }
0x68: {  	v1 =	vld [tilespmem:$0x110];
	_ =	sdelay $0x7  }
0x69: {  	[tilespmem:v1+s14+$0x0] =	vst.idx.add.f32.msk $0xffff, v0  }
0x6a: {  	v1 =	vld [tilespmem:$0x510];
	_ =	sdelay $0x7  }
0x6b: {  	[tilespmem:v1+s16+$0x0] =	vst.idx.add.f32.msk $0xffff, v0  }
0x6c: {  	v1 =	vld [tilespmem:$0x120];
	_ =	sdelay $0x7  }
0x6d: {  	[tilespmem:v1+s14+$0x0] =	vst.idx.add.f32.msk $0xffff, v0  }
0x6e: {  	v1 =	vld [tilespmem:$0x520];
	_ =	sdelay $0x7  }
0x6f: {  	[tilespmem:v1+s16+$0x0] =	vst.idx.add.f32.msk $0xffff, v0  }
0x70: {  	v1 =	vld [tilespmem:$0x130];
	_ =	sdelay $0x7  }
0x71: {  	[tilespmem:v1+s14+$0x0] =	vst.idx.add.f32.msk $0xffff, v0  }
0x72: {  	v1 =	vld [tilespmem:$0x530];
	_ =	sdelay $0x7  }
0x73: {  	[tilespmem:v1+s16+$0x0] =	vst.idx.add.f32.msk $0xffff, v0  }
0x74: {  	v1 =	vld [tilespmem:$0x140];
	_ =	sdelay $0x7  }
0x75: {  	[tilespmem:v1+s14+$0x0] =	vst.idx.add.f32.msk $0xffff, v0  }
0x76: {  	v1 =	vld [tilespmem:$0x540];
	_ =	sdelay $0x7  }
0x77: {  	[tilespmem:v1+s16+$0x0] =	vst.idx.add.f32.msk $0xffff, v0  }
0x78: {  	v1 =	vld [tilespmem:$0x150];
	_ =	sdelay $0x7  }
0x79: {  	[tilespmem:v1+s14+$0x0] =	vst.idx.add.f32.msk $0xffff, v0  }
0x7a: {  	v1 =	vld [tilespmem:$0x550];
	_ =	sdelay $0x7  }
0x7b: {  	[tilespmem:v1+s16+$0x0] =	vst.idx.add.f32.msk $0xffff, v0  }
0x7c: {  	v1 =	vld [tilespmem:$0x160];
	_ =	sdelay $0x7  }
0x7d: {  	[tilespmem:v1+s14+$0x0] =	vst.idx.add.f32.msk $0xffff, v0  }
0x7e: {  	v1 =	vld [tilespmem:$0x560];
	_ =	sdelay $0x7  }
0x7f: {  	[tilespmem:v1+s16+$0x0] =	vst.idx.add.f32.msk $0xffff, v0  }
0x80: {  	v1 =	vld [tilespmem:$0x170];
	_ =	sdelay $0x7  }
0x81: {  	[tilespmem:v1+s14+$0x0] =	vst.idx.add.f32.msk $0xffff, v0  }
0x82: {  	v1 =	vld [tilespmem:$0x570];
	_ =	sdelay $0x7  }
0x83: {  	[tilespmem:v1+s16+$0x0] =	vst.idx.add.f32.msk $0xffff, v0  }
0x84: {  	v1 =	vld [tilespmem:$0x180];
	_ =	sdelay $0x7  }
0x85: {  	[tilespmem:v1+s14+$0x0] =	vst.idx.add.f32.msk $0xffff, v0  }
0x86: {  	v1 =	vld [tilespmem:$0x580];
	_ =	sdelay $0x7  }
0x87: {  	[tilespmem:v1+s16+$0x0] =	vst.idx.add.f32.msk $0xffff, v0  }
0x88: {  	_ =	swait.ge [sflag:s22], $0x190  }
0x89: {  	[sflag:s22] =	ssyncset.done $0x0  }
0x8a: {  	[sflag:s22] =	ssyncadd.s32 $0xFFFFFE70  }
0x8b: {  	_ =	swait.ge [sflag:s23], $0x190  }
0x8c: {  	s31 =	sshrl.u32 s25, $0x3;
	[sflag:s23] =	ssyncset.done $0x0  }
0x8d: {  	s29 =	sadd.s32 s3, s31;
	[sflag:s23] =	ssyncadd.s32 $0xFFFFFE70  }
0x8e: {  	[tilespmem:s2], [sflag:$0x1] =	stream.linear.gather [hbm4b:s29+s2], $0x190, $0x38;
	[tilespmem:$0x5700] =	vst v63  }
0x8f: {  	s28 =	sadd.s32 s4, s31  }
0x90: {  	[tilespmem:s17], [sflag:$0x3] =	stream.linear.gather [hbm4b:s28+s2], $0x190, $0x38;
	[tilespmem:$0x5700] =	vst v63  }
0x91: {  	v1 =	vld [tilespmem:$0x200];
	_ =	sdelay $0x7  }
0x92: {  	[tilespmem:v1+s14+$0x0] =	vst.idx.add.f32.msk $0xffff, v0  }
0x93: {  	v1 =	vld [tilespmem:$0x600];
	_ =	sdelay $0x7  }
0x94: {  	[tilespmem:v1+s16+$0x0] =	vst.idx.add.f32.msk $0xffff, v0  }
0x95: {  	v1 =	vld [tilespmem:$0x210];
	_ =	sdelay $0x7  }
0x96: {  	[tilespmem:v1+s14+$0x0] =	vst.idx.add.f32.msk $0xffff, v0  }
0x97: {  	v1 =	vld [tilespmem:$0x610];
	_ =	sdelay $0x7  }
0x98: {  	[tilespmem:v1+s16+$0x0] =	vst.idx.add.f32.msk $0xffff, v0  }
0x99: {  	v1 =	vld [tilespmem:$0x220];
	_ =	sdelay $0x7  }
0x9a: {  	[tilespmem:v1+s14+$0x0] =	vst.idx.add.f32.msk $0xffff, v0  }
0x9b: {  	v1 =	vld [tilespmem:$0x620];
	_ =	sdelay $0x7  }
0x9c: {  	[tilespmem:v1+s16+$0x0] =	vst.idx.add.f32.msk $0xffff, v0  }
0x9d: {  	v1 =	vld [tilespmem:$0x230];
	_ =	sdelay $0x7  }
0x9e: {  	[tilespmem:v1+s14+$0x0] =	vst.idx.add.f32.msk $0xffff, v0  }
0x9f: {  	v1 =	vld [tilespmem:$0x630];
	_ =	sdelay $0x7  }
0xa0: {  	[tilespmem:v1+s16+$0x0] =	vst.idx.add.f32.msk $0xffff, v0  }
0xa1: {  	v1 =	vld [tilespmem:$0x240];
	_ =	sdelay $0x7  }
0xa2: {  	[tilespmem:v1+s14+$0x0] =	vst.idx.add.f32.msk $0xffff, v0  }
0xa3: {  	v1 =	vld [tilespmem:$0x640];
	_ =	sdelay $0x7  }
0xa4: {  	[tilespmem:v1+s16+$0x0] =	vst.idx.add.f32.msk $0xffff, v0  }
0xa5: {  	v1 =	vld [tilespmem:$0x250];
	_ =	sdelay $0x7  }
0xa6: {  	[tilespmem:v1+s14+$0x0] =	vst.idx.add.f32.msk $0xffff, v0  }
0xa7: {  	v1 =	vld [tilespmem:$0x650];
	_ =	sdelay $0x7  }
0xa8: {  	[tilespmem:v1+s16+$0x0] =	vst.idx.add.f32.msk $0xffff, v0  }
0xa9: {  	v1 =	vld [tilespmem:$0x260];
	_ =	sdelay $0x7  }
0xaa: {  	[tilespmem:v1+s14+$0x0] =	vst.idx.add.f32.msk $0xffff, v0  }
0xab: {  	v1 =	vld [tilespmem:$0x660];
	_ =	sdelay $0x7  }
0xac: {  	[tilespmem:v1+s16+$0x0] =	vst.idx.add.f32.msk $0xffff, v0  }
0xad: {  	v1 =	vld [tilespmem:$0x270];
	_ =	sdelay $0x7  }
0xae: {  	[tilespmem:v1+s14+$0x0] =	vst.idx.add.f32.msk $0xffff, v0  }
0xaf: {  	v1 =	vld [tilespmem:$0x670];
	_ =	sdelay $0x7  }
0xb0: {  	[tilespmem:v1+s16+$0x0] =	vst.idx.add.f32.msk $0xffff, v0  }
0xb1: {  	v1 =	vld [tilespmem:$0x280];
	_ =	sdelay $0x7  }
0xb2: {  	[tilespmem:v1+s14+$0x0] =	vst.idx.add.f32.msk $0xffff, v0  }
0xb3: {  	v1 =	vld [tilespmem:$0x680];
	_ =	sdelay $0x7  }
0xb4: {  	[tilespmem:v1+s16+$0x0] =	vst.idx.add.f32.msk $0xffff, v0  }
0xb5: {  	v1 =	vld [tilespmem:$0x290];
	_ =	sdelay $0x7  }
0xb6: {  	[tilespmem:v1+s14+$0x0] =	vst.idx.add.f32.msk $0xffff, v0  }
0xb7: {  	v1 =	vld [tilespmem:$0x690];
	_ =	sdelay $0x7  }
0xb8: {  	[tilespmem:v1+s16+$0x0] =	vst.idx.add.f32.msk $0xffff, v0  }
0xb9: {  	v1 =	vld [tilespmem:$0x2A0];
	_ =	sdelay $0x7  }
0xba: {  	[tilespmem:v1+s14+$0x0] =	vst.idx.add.f32.msk $0xffff, v0  }
0xbb: {  	v1 =	vld [tilespmem:$0x6A0];
	_ =	sdelay $0x7  }
0xbc: {  	[tilespmem:v1+s16+$0x0] =	vst.idx.add.f32.msk $0xffff, v0  }
0xbd: {  	v1 =	vld [tilespmem:$0x2B0];
	_ =	sdelay $0x7  }
0xbe: {  	[tilespmem:v1+s14+$0x0] =	vst.idx.add.f32.msk $0xffff, v0  }
0xbf: {  	v1 =	vld [tilespmem:$0x6B0];
	_ =	sdelay $0x7  }
0xc0: {  	[tilespmem:v1+s16+$0x0] =	vst.idx.add.f32.msk $0xffff, v0  }
0xc1: {  	v1 =	vld [tilespmem:$0x2C0];
	_ =	sdelay $0x7  }
0xc2: {  	[tilespmem:v1+s14+$0x0] =	vst.idx.add.f32.msk $0xffff, v0  }
0xc3: {  	v1 =	vld [tilespmem:$0x6C0];
	_ =	sdelay $0x7  }
0xc4: {  	[tilespmem:v1+s16+$0x0] =	vst.idx.add.f32.msk $0xffff, v0  }
0xc5: {  	v1 =	vld [tilespmem:$0x2D0];
	_ =	sdelay $0x7  }
0xc6: {  	[tilespmem:v1+s14+$0x0] =	vst.idx.add.f32.msk $0xffff, v0  }
0xc7: {  	v1 =	vld [tilespmem:$0x6D0];
	_ =	sdelay $0x7  }
0xc8: {  	[tilespmem:v1+s16+$0x0] =	vst.idx.add.f32.msk $0xffff, v0  }
0xc9: {  	v1 =	vld [tilespmem:$0x2E0];
	_ =	sdelay $0x7  }
0xca: {  	[tilespmem:v1+s14+$0x0] =	vst.idx.add.f32.msk $0xffff, v0  }
0xcb: {  	v1 =	vld [tilespmem:$0x6E0];
	_ =	sdelay $0x7  }
0xcc: {  	[tilespmem:v1+s16+$0x0] =	vst.idx.add.f32.msk $0xffff, v0  }
0xcd: {  	v1 =	vld [tilespmem:$0x2F0];
	_ =	sdelay $0x7  }
0xce: {  	[tilespmem:v1+s14+$0x0] =	vst.idx.add.f32.msk $0xffff, v0  }
0xcf: {  	v1 =	vld [tilespmem:$0x6F0];
	_ =	sdelay $0x7  }
0xd0: {  	[tilespmem:v1+s16+$0x0] =	vst.idx.add.f32.msk $0xffff, v0  }
0xd1: {  	v1 =	vld [tilespmem:$0x300];
	_ =	sdelay $0x7  }
0xd2: {  	[tilespmem:v1+s14+$0x0] =	vst.idx.add.f32.msk $0xffff, v0  }
0xd3: {  	v1 =	vld [tilespmem:$0x700];
	_ =	sdelay $0x7  }
0xd4: {  	[tilespmem:v1+s16+$0x0] =	vst.idx.add.f32.msk $0xffff, v0  }
0xd5: {  	v1 =	vld [tilespmem:$0x310];
	_ =	sdelay $0x7  }
0xd6: {  	[tilespmem:v1+s14+$0x0] =	vst.idx.add.f32.msk $0xffff, v0  }
0xd7: {  	v1 =	vld [tilespmem:$0x710];
	_ =	sdelay $0x7  }
0xd8: {  	[tilespmem:v1+s16+$0x0] =	vst.idx.add.f32.msk $0xffff, v0  }
0xd9: {  	v1 =	vld [tilespmem:$0x320];
	_ =	sdelay $0x7  }
0xda: {  	[tilespmem:v1+s14+$0x0] =	vst.idx.add.f32.msk $0xffff, v0  }
0xdb: {  	v1 =	vld [tilespmem:$0x720];
	_ =	sdelay $0x7  }
0xdc: {  	[tilespmem:v1+s16+$0x0] =	vst.idx.add.f32.msk $0xffff, v0  }
0xdd: {  	v1 =	vld [tilespmem:$0x330];
	_ =	sdelay $0x7  }
0xde: {  	[tilespmem:v1+s14+$0x0] =	vst.idx.add.f32.msk $0xffff, v0  }
0xdf: {  	v1 =	vld [tilespmem:$0x730];
	_ =	sdelay $0x7  }
0xe0: {  	[tilespmem:v1+s16+$0x0] =	vst.idx.add.f32.msk $0xffff, v0  }
0xe1: {  	v1 =	vld [tilespmem:$0x340];
	_ =	sdelay $0x7  }
0xe2: {  	[tilespmem:v1+s14+$0x0] =	vst.idx.add.f32.msk $0xffff, v0  }
0xe3: {  	v1 =	vld [tilespmem:$0x740];
	_ =	sdelay $0x7  }
0xe4: {  	[tilespmem:v1+s16+$0x0] =	vst.idx.add.f32.msk $0xffff, v0  }
0xe5: {  	v1 =	vld [tilespmem:$0x350];
	_ =	sdelay $0x7  }
0xe6: {  	[tilespmem:v1+s14+$0x0] =	vst.idx.add.f32.msk $0xffff, v0  }
0xe7: {  	v1 =	vld [tilespmem:$0x750];
	_ =	sdelay $0x7  }
0xe8: {  	[tilespmem:v1+s16+$0x0] =	vst.idx.add.f32.msk $0xffff, v0  }
0xe9: {  	v1 =	vld [tilespmem:$0x360];
	_ =	sdelay $0x7  }
0xea: {  	[tilespmem:v1+s14+$0x0] =	vst.idx.add.f32.msk $0xffff, v0  }
0xeb: {  	v1 =	vld [tilespmem:$0x760];
	_ =	sdelay $0x7  }
0xec: {  	[tilespmem:v1+s16+$0x0] =	vst.idx.add.f32.msk $0xffff, v0  }
0xed: {  	v1 =	vld [tilespmem:$0x370];
	_ =	sdelay $0x7  }
0xee: {  	[tilespmem:v1+s14+$0x0] =	vst.idx.add.f32.msk $0xffff, v0  }
0xef: {  	v1 =	vld [tilespmem:$0x770];
	_ =	sdelay $0x7  }
0xf0: {  	[tilespmem:v1+s16+$0x0] =	vst.idx.add.f32.msk $0xffff, v0  }
0xf1: {  	v1 =	vld [tilespmem:$0x380];
	_ =	sdelay $0x7  }
0xf2: {  	[tilespmem:v1+s14+$0x0] =	vst.idx.add.f32.msk $0xffff, v0  }
0xf3: {  	v1 =	vld [tilespmem:$0x780];
	_ =	sdelay $0x2  }
0xf4: {  	p0 =	sne.s32 s26, $0x44C  }
.Ltmp0:
0xf5: {  	_ = 	snop;
	(pc) =	sbr.rel @p0 .LBB2_2-.Ltmp0, $2  }
0xf6: {  	_ =	sdelay $0x2  }
0xf7: {  	s25 =	sadd.s32 $0x320, s25;
	s26 =	sadd.s32 $0x64, s26;
	[tilespmem:v1+s16+$0x0] =	vst.idx.add.f32.msk $0xffff, v0  }
0xf8: {  	_ =	swait.ge [sflag:s18], $0x190  }
0xf9: {  	[sflag:s18] =	ssyncset.done $0x0  }
0xfa: {  	[sflag:s18] =	ssyncadd.s32 $0xFFFFFE70  }
0xfb: {  	_ =	swait.ge [sflag:s19], $0x190  }
0xfc: {  	[sflag:s19] =	ssyncset.done $0x0  }
0xfd: {  	[sflag:s19] =	ssyncadd.s32 $0xFFFFFE70  }
0xfe: {  	v1 =	vld [tilespmem:$0x0];
	_ =	sdelay $0x7  }
0xff: {  	[tilespmem:v1+s14+$0x0] =	vst.idx.add.f32.msk $0xffff, v0  }
0x100: {  	v1 =	vld [tilespmem:$0x400];
	_ =	sdelay $0x7  }
0x101: {  	[tilespmem:v1+s16+$0x0] =	vst.idx.add.f32.msk $0xffff, v0  }
0x102: {  	v1 =	vld [tilespmem:$0x10];
	_ =	sdelay $0x7  }
0x103: {  	[tilespmem:v1+s14+$0x0] =	vst.idx.add.f32.msk $0xffff, v0  }
0x104: {  	v1 =	vld [tilespmem:$0x410];
	_ =	sdelay $0x7  }
0x105: {  	[tilespmem:v1+s16+$0x0] =	vst.idx.add.f32.msk $0xffff, v0  }
0x106: {  	v1 =	vld [tilespmem:$0x20];
	_ =	sdelay $0x7  }
0x107: {  	[tilespmem:v1+s14+$0x0] =	vst.idx.add.f32.msk $0xffff, v0  }
0x108: {  	v1 =	vld [tilespmem:$0x420];
	_ =	sdelay $0x7  }
0x109: {  	[tilespmem:v1+s16+$0x0] =	vst.idx.add.f32.msk $0xffff, v0  }
0x10a: {  	v1 =	vld [tilespmem:$0x30];
	_ =	sdelay $0x7  }
0x10b: {  	[tilespmem:v1+s14+$0x0] =	vst.idx.add.f32.msk $0xffff, v0  }
0x10c: {  	v1 =	vld [tilespmem:$0x430];
	_ =	sdelay $0x7  }
0x10d: {  	[tilespmem:v1+s16+$0x0] =	vst.idx.add.f32.msk $0xffff, v0  }
0x10e: {  	v1 =	vld [tilespmem:$0x40];
	_ =	sdelay $0x7  }
0x10f: {  	[tilespmem:v1+s14+$0x0] =	vst.idx.add.f32.msk $0xffff, v0  }
0x110: {  	v1 =	vld [tilespmem:$0x440];
	_ =	sdelay $0x7  }
0x111: {  	[tilespmem:v1+s16+$0x0] =	vst.idx.add.f32.msk $0xffff, v0  }
0x112: {  	v1 =	vld [tilespmem:$0x50];
	_ =	sdelay $0x7  }
0x113: {  	[tilespmem:v1+s14+$0x0] =	vst.idx.add.f32.msk $0xffff, v0  }
0x114: {  	v1 =	vld [tilespmem:$0x450];
	_ =	sdelay $0x7  }
0x115: {  	[tilespmem:v1+s16+$0x0] =	vst.idx.add.f32.msk $0xffff, v0  }
0x116: {  	v1 =	vld [tilespmem:$0x60];
	_ =	sdelay $0x7  }
0x117: {  	[tilespmem:v1+s14+$0x0] =	vst.idx.add.f32.msk $0xffff, v0  }
0x118: {  	v1 =	vld [tilespmem:$0x460];
	_ =	sdelay $0x7  }
0x119: {  	[tilespmem:v1+s16+$0x0] =	vst.idx.add.f32.msk $0xffff, v0  }
0x11a: {  	v1 =	vld [tilespmem:$0x70];
	_ =	sdelay $0x7  }
0x11b: {  	[tilespmem:v1+s14+$0x0] =	vst.idx.add.f32.msk $0xffff, v0  }
0x11c: {  	v1 =	vld [tilespmem:$0x470];
	_ =	sdelay $0x7  }
0x11d: {  	[tilespmem:v1+s16+$0x0] =	vst.idx.add.f32.msk $0xffff, v0  }
0x11e: {  	v1 =	vld [tilespmem:$0x80];
	_ =	sdelay $0x7  }
0x11f: {  	[tilespmem:v1+s14+$0x0] =	vst.idx.add.f32.msk $0xffff, v0  }
0x120: {  	v1 =	vld [tilespmem:$0x480];
	_ =	sdelay $0x7  }
0x121: {  	[tilespmem:v1+s16+$0x0] =	vst.idx.add.f32.msk $0xffff, v0  }
0x122: {  	v1 =	vld [tilespmem:$0x90];
	_ =	sdelay $0x7  }
0x123: {  	[tilespmem:v1+s14+$0x0] =	vst.idx.add.f32.msk $0xffff, v0  }
0x124: {  	v1 =	vld [tilespmem:$0x490];
	_ =	sdelay $0x7  }
0x125: {  	[tilespmem:v1+s16+$0x0] =	vst.idx.add.f32.msk $0xffff, v0  }
0x126: {  	v1 =	vld [tilespmem:$0xA0];
	_ =	sdelay $0x7  }
0x127: {  	[tilespmem:v1+s14+$0x0] =	vst.idx.add.f32.msk $0xffff, v0  }
0x128: {  	v1 =	vld [tilespmem:$0x4A0];
	_ =	sdelay $0x7  }
0x129: {  	[tilespmem:v1+s16+$0x0] =	vst.idx.add.f32.msk $0xffff, v0  }
0x12a: {  	v1 =	vld [tilespmem:$0xB0];
	_ =	sdelay $0x7  }
0x12b: {  	[tilespmem:v1+s14+$0x0] =	vst.idx.add.f32.msk $0xffff, v0  }
0x12c: {  	v1 =	vld [tilespmem:$0x4B0];
	_ =	sdelay $0x7  }
0x12d: {  	[tilespmem:v1+s16+$0x0] =	vst.idx.add.f32.msk $0xffff, v0  }
0x12e: {  	v1 =	vld [tilespmem:$0xC0];
	_ =	sdelay $0x7  }
0x12f: {  	[tilespmem:v1+s14+$0x0] =	vst.idx.add.f32.msk $0xffff, v0  }
0x130: {  	v1 =	vld [tilespmem:$0x4C0];
	_ =	sdelay $0x7  }
0x131: {  	[tilespmem:v1+s16+$0x0] =	vst.idx.add.f32.msk $0xffff, v0  }
0x132: {  	v1 =	vld [tilespmem:$0xD0];
	_ =	sdelay $0x7  }
0x133: {  	[tilespmem:v1+s14+$0x0] =	vst.idx.add.f32.msk $0xffff, v0  }
0x134: {  	v1 =	vld [tilespmem:$0x4D0];
	_ =	sdelay $0x7  }
0x135: {  	[tilespmem:v1+s16+$0x0] =	vst.idx.add.f32.msk $0xffff, v0  }
0x136: {  	v1 =	vld [tilespmem:$0xE0];
	_ =	sdelay $0x7  }
0x137: {  	[tilespmem:v1+s14+$0x0] =	vst.idx.add.f32.msk $0xffff, v0  }
0x138: {  	v1 =	vld [tilespmem:$0x4E0];
	_ =	sdelay $0x7  }
0x139: {  	[tilespmem:v1+s16+$0x0] =	vst.idx.add.f32.msk $0xffff, v0  }
0x13a: {  	v1 =	vld [tilespmem:$0xF0];
	_ =	sdelay $0x7  }
0x13b: {  	[tilespmem:v1+s14+$0x0] =	vst.idx.add.f32.msk $0xffff, v0  }
0x13c: {  	v1 =	vld [tilespmem:$0x4F0];
	_ =	sdelay $0x7  }
0x13d: {  	[tilespmem:v1+s16+$0x0] =	vst.idx.add.f32.msk $0xffff, v0  }
0x13e: {  	v1 =	vld [tilespmem:$0x100];
	_ =	sdelay $0x7  }
0x13f: {  	[tilespmem:v1+s14+$0x0] =	vst.idx.add.f32.msk $0xffff, v0  }
0x140: {  	v1 =	vld [tilespmem:$0x500];
	_ =	sdelay $0x7  }
0x141: {  	[tilespmem:v1+s16+$0x0] =	vst.idx.add.f32.msk $0xffff, v0  }
0x142: {  	v1 =	vld [tilespmem:$0x110];
	_ =	sdelay $0x7  }
0x143: {  	[tilespmem:v1+s14+$0x0] =	vst.idx.add.f32.msk $0xffff, v0  }
0x144: {  	v1 =	vld [tilespmem:$0x510];
	_ =	sdelay $0x7  }
0x145: {  	[tilespmem:v1+s16+$0x0] =	vst.idx.add.f32.msk $0xffff, v0  }
0x146: {  	v1 =	vld [tilespmem:$0x120];
	_ =	sdelay $0x7  }
0x147: {  	[tilespmem:v1+s14+$0x0] =	vst.idx.add.f32.msk $0xffff, v0  }
0x148: {  	v1 =	vld [tilespmem:$0x520];
	_ =	sdelay $0x7  }
0x149: {  	[tilespmem:v1+s16+$0x0] =	vst.idx.add.f32.msk $0xffff, v0  }
0x14a: {  	v1 =	vld [tilespmem:$0x130];
	_ =	sdelay $0x7  }
0x14b: {  	[tilespmem:v1+s14+$0x0] =	vst.idx.add.f32.msk $0xffff, v0  }
0x14c: {  	v1 =	vld [tilespmem:$0x530];
	_ =	sdelay $0x7  }
0x14d: {  	[tilespmem:v1+s16+$0x0] =	vst.idx.add.f32.msk $0xffff, v0  }
0x14e: {  	v1 =	vld [tilespmem:$0x140];
	_ =	sdelay $0x7  }
0x14f: {  	[tilespmem:v1+s14+$0x0] =	vst.idx.add.f32.msk $0xffff, v0  }
0x150: {  	v1 =	vld [tilespmem:$0x540];
	_ =	sdelay $0x7  }
0x151: {  	[tilespmem:v1+s16+$0x0] =	vst.idx.add.f32.msk $0xffff, v0  }
0x152: {  	v1 =	vld [tilespmem:$0x150];
	_ =	sdelay $0x7  }
0x153: {  	[tilespmem:v1+s14+$0x0] =	vst.idx.add.f32.msk $0xffff, v0  }
0x154: {  	v1 =	vld [tilespmem:$0x550];
	_ =	sdelay $0x7  }
0x155: {  	[tilespmem:v1+s16+$0x0] =	vst.idx.add.f32.msk $0xffff, v0  }
0x156: {  	v1 =	vld [tilespmem:$0x160];
	_ =	sdelay $0x7  }
0x157: {  	[tilespmem:v1+s14+$0x0] =	vst.idx.add.f32.msk $0xffff, v0  }
0x158: {  	v1 =	vld [tilespmem:$0x560];
	_ =	sdelay $0x7  }
0x159: {  	[tilespmem:v1+s16+$0x0] =	vst.idx.add.f32.msk $0xffff, v0  }
0x15a: {  	v1 =	vld [tilespmem:$0x170];
	_ =	sdelay $0x7  }
0x15b: {  	[tilespmem:v1+s14+$0x0] =	vst.idx.add.f32.msk $0xffff, v0  }
0x15c: {  	v1 =	vld [tilespmem:$0x570];
	_ =	sdelay $0x7  }
0x15d: {  	[tilespmem:v1+s16+$0x0] =	vst.idx.add.f32.msk $0xffff, v0  }
0x15e: {  	v1 =	vld [tilespmem:$0x180];
	_ =	sdelay $0x7  }
0x15f: {  	[tilespmem:v1+s14+$0x0] =	vst.idx.add.f32.msk $0xffff, v0  }
0x160: {  	v1 =	vld [tilespmem:$0x580];
	_ =	sdelay $0x7  }
0x161: {  	[tilespmem:v1+s16+$0x0] =	vst.idx.add.f32.msk $0xffff, v0  }
0x162: {  	[hbm4b:s8+s2] =	stream.linear.scatter [tilespmem:s14], [sflag:$0x5], $0x2710, $0x38;
	[tilespmem:$0x5700] =	vst v63  }
0x163: {  	s24 =	sadd.s32 $0x1, s24;
	_ =	swait.ge [sflag:s15], $0x2710  }
0x164: {  	p0 =	sne.s32 s24, s10;
	[sflag:s15] =	ssyncset.done $0x0  }
.Ltmp1:
0x165: {  	[sflag:s15] =	ssyncadd.s32 $0xFFFFD8F0;
	(pc) =	sbr.rel @p0 .LBB2_1-.Ltmp1, $4  }
0x166: {  	[hbm4b:s9+s2] =	stream.linear.scatter [tilespmem:s16], [sflag:$0x5], $0x2710, $0x38;
	[tilespmem:$0x5700] =	vst v63  }
0x167: {  	_ =	swait.ge [sflag:s15], $0x2710  }
0x168: {  	[sflag:s15] =	ssyncset.done $0x0  }
0x169: {  	[sflag:s15] =	ssyncadd.s32 $0xFFFFD8F0  }
0x16a: {  	_ =	sfence.sel $0x180000  }
0x16b: {  	[bflag:$0x0] =	sbarrier.arrive $0xFFFF  }
0x16c: {  	p0 =	sne.s32 s0, $0x0;
	_ =	strace $0x90000047  }
0x16d: {  	s0 =	sadd.s32 @!p0 $0x100000, s1;
	[bflag:$0x2] =	sbarrier.arrive $0xFFFF  }
0x16e: {  	[sflag:s0] =	ssyncadd.tile.s32 @!p0 $0x1;
	_ =	shalt  }
.Lfunc_end2:
_tile_overlayer_lowered:
.L_overlay_start_2:
0x16f: {  	(tag) =	ssettag $0x2  }
0x170: {  	s0 =	rddreg [dreg:$0x0];
	s2 =	stileid.u32  }
0x171: {  	s1 =	rddreg [dreg:$0x1];
	p0 =	sne.s32 s2, $0x0  }
0x172: {  	s3 =	rddreg [dreg:$0x2];
	[bflag:$0x3] =	sbarrier.arrive $0xFFFF;
	s2 =	simm.s32 @!p0 $0x1C05  }
0x173: {  	[timem:s3], [sflag:s2] =	dma.local @!p0 [hbm:s0], s1  }
0x174: {  	s0 =	simm.s32 @!p0 $0x5  }
0x175: {  	_ =	swait.ge @!p0 [sflag:s0], s1  }
0x176: {  	s1 =	ssub.s32 @!p0 $0x0, s1;
	[sflag:s0] =	ssyncset.done @!p0 $0x0  }
0x177: {  	[sflag:s0] =	ssyncadd.s32 @!p0 s1  }
0x178: {  	[bflag:$0x3] =	sbarrier.arrive $0xFFFF  }
0x179: {  	_ =	shalt  }

</sc_bundles>
